<compile_context>
chip_gen: v7x
topology: tpu7x:2x2x1
jax: 0.10.2.dev20260603
libtpu: 0.0.44.dev20260713+nightly
codegen_flags: <defaults>
</compile_context>

<pallas_src>
import functools

import jax
import jax.numpy as jnp
from jax import lax
from jax.experimental import pallas as pl
from jax.experimental.pallas import tpu as pltpu
from jax.experimental.pallas import tpu_sc as plsc

NUM_LAYERS = 5
D = 128
N_NODES = 10000
N_EDGES = 320000
NUM_GRAPHS = 64
BN_EPS = 1e-5

NC = 2
NS = 16
NW = NC * NS
CHUNK = 128
KSLOT = 2
CPT = 80
HALF = CPT // 2
EDGES_PAD = NW * CPT * CHUNK
RPT = 632
N_ACC = NS * RPT
RPT_LAST = N_NODES - (NS - 1) * RPT


def _agg_body(h_hbm, row_hbm, col_hbm, zeros_hbm, out_hbm,
              row_v, col_v, rows_v, acc_sh, *sems):
    cid = lax.axis_index("c")
    sid = lax.axis_index("s")
    wid = cid * NS + sid
    pltpu.sync_copy(zeros_hbm.at[pl.ds(sid * RPT, RPT)],
                    acc_sh.at[pl.ds(sid * RPT, RPT)])

    for ph in range(CPT // HALF):
        pltpu.sync_copy(row_hbm.at[wid, pl.ds(ph * HALF, HALF)], row_v)
        pltpu.sync_copy(col_hbm.at[wid, pl.ds(ph * HALF, HALF)], col_v)
        for s in range(2):
            pltpu.async_copy(h_hbm.at[col_v.at[s]], rows_v.at[s], sems[s])
        if ph == 0:
            plsc.subcore_barrier()

        def blk(b, carry):
            for s in range(2):
                j = b * 2 + s
                pltpu.make_async_copy(h_hbm.at[col_v.at[j]], rows_v.at[s],
                                      sems[s]).wait()
                pltpu.sync_copy(rows_v.at[s], acc_sh.at[row_v.at[j]],
                                add=True)
                nxt = j + 2

                @pl.when(nxt < HALF)
                def _():
                    pltpu.async_copy(h_hbm.at[col_v.at[nxt]], rows_v.at[s],
                                     sems[s])
            return carry

        lax.fori_loop(0, HALF // 2, blk, 0)

    plsc.subcore_barrier()
    @pl.when(sid < NS - 1)
    def _():
        pltpu.sync_copy(acc_sh.at[pl.ds(sid * RPT, RPT)],
                        out_hbm.at[cid, pl.ds(sid * RPT, RPT)])

    @pl.when(sid == NS - 1)
    def _():
        pltpu.sync_copy(acc_sh.at[pl.ds((NS - 1) * RPT, RPT_LAST)],
                        out_hbm.at[cid, pl.ds((NS - 1) * RPT, RPT_LAST)])


@functools.cache
def _get_agg():
    return pl.kernel(
        _agg_body,
        out_type=jax.ShapeDtypeStruct((NC, N_NODES, D), jnp.float32),
        mesh=plsc.VectorSubcoreMesh(core_axis_name="c", subcore_axis_name="s"),
        scratch_types=[
            pltpu.VMEM((HALF, CHUNK), jnp.int32),
            pltpu.VMEM((HALF, CHUNK), jnp.int32),
            pltpu.VMEM((2, CHUNK, D), jnp.float32),
            pltpu.VMEM_SHARED((N_ACC, D), jnp.float32),
            pltpu.SemaphoreType.DMA,
            pltpu.SemaphoreType.DMA,
        ],
    )


def _bn_relu(t, g, be):
    mean = jnp.mean(t, axis=0, keepdims=True)
    c = t - mean
    var = jnp.mean(c * c, axis=0, keepdims=True)
    return jnp.maximum(g * (c * lax.rsqrt(var + BN_EPS)) + be, 0.0)


def _mlp_body(eps_ref, acc_ref, h_ref, w1_ref, b1_ref, w2_ref, b2_ref,
              g1_ref, be1_ref, g2_ref, be2_ref, hout_ref):
    scale = 1.0 + eps_ref[0, 0]
    pooled = acc_ref[0] + acc_ref[1] + scale * h_ref[...]
    t = lax.dot_general(pooled, w1_ref[...], (((1,), (0,)), ((), ())),
                        precision=lax.Precision.HIGHEST,
                        preferred_element_type=jnp.float32) + b1_ref[...]
    t = _bn_relu(t, g1_ref[...], be1_ref[...])
    t = lax.dot_general(t, w2_ref[...], (((1,), (0,)), ((), ())),
                        precision=lax.Precision.HIGHEST,
                        preferred_element_type=jnp.float32) + b2_ref[...]
    hout_ref[...] = _bn_relu(t, g2_ref[...], be2_ref[...])


_mlp = pl.pallas_call(
    _mlp_body,
    out_shape=jax.ShapeDtypeStruct((N_NODES, D), jnp.float32),
    in_specs=[pl.BlockSpec(memory_space=pltpu.SMEM)]
    + [pl.BlockSpec(memory_space=pltpu.VMEM)] * 10,
)


def _pool_body(batch_ref, h_ref, pool_ref):
    onehot = (batch_ref[...] == lax.broadcasted_iota(
        jnp.int32, (N_NODES, NUM_GRAPHS), 1)).astype(jnp.float32)
    pool_ref[...] = lax.dot_general(onehot, h_ref[...],
                                    (((0,), (0,)), ((), ())),
                                    precision=lax.Precision.HIGHEST,
                                    preferred_element_type=jnp.float32)


_pool = pl.pallas_call(
    _pool_body,
    out_shape=jax.ShapeDtypeStruct((NUM_GRAPHS, D), jnp.float32),
    in_specs=[pl.BlockSpec(memory_space=pltpu.VMEM)] * 2,
)


def kernel(x, edge_index, batch, W1, b1, W2, b2, g1, be1, g2, be2, eps_param):
    row = edge_index[0].astype(jnp.int32)
    col = edge_index[1].astype(jnp.int32)
    pad = EDGES_PAD - N_EDGES
    pad_rows = N_NODES + jnp.arange(pad, dtype=jnp.int32) % (N_ACC - N_NODES)
    pad_cols = jnp.arange(pad, dtype=jnp.int32) % N_NODES
    row_r = jnp.concatenate([row, pad_rows]).reshape(CPT, NW, CHUNK
                                                    ).transpose(1, 0, 2)
    col_r = jnp.concatenate([col, pad_cols]).reshape(CPT, NW, CHUNK
                                                     ).transpose(1, 0, 2)
    zeros = jnp.zeros((N_ACC, D), jnp.float32)
    batch2d = batch.astype(jnp.int32).reshape(N_NODES, 1)

    h = x
    pools = []
    for l in range(NUM_LAYERS):
        acc = _get_agg()(h, row_r, col_r, zeros)
        h = _mlp(eps_param[l].reshape(1, 1), acc, h,
                 W1[l], b1[l].reshape(1, D), W2[l], b2[l].reshape(1, D),
                 g1[l].reshape(1, D), be1[l].reshape(1, D),
                 g2[l].reshape(1, D), be2[l].reshape(1, D))
        pools.append(_pool(batch2d, h))
    return jnp.concatenate(pools, axis=-1)

# --- scband reference (transcript-rebuilt; emitter-appended) ---
"""Pipeline reference for scband-model-86964497809601 (READ-ONLY COPY).

The authoritative reference and input builder live on the scoring server;
editing this copy changes nothing except your own understanding.
"""

import jax, jax.numpy as jnp
import numpy as np

NUM_LAYERS = 5
D_IN = 128
D_HID = 128
N_NODES = 10000
N_EDGES = 320000
NUM_GRAPHS = 64
BN_EPS = 1e-5


def setup_inputs(seed: int = 0) -> dict:
    key = jax.random.key(seed)
    ks = jax.random.split(key, 16)
    x = jax.random.normal(ks[0], (N_NODES, D_IN), dtype=jnp.float32)
    edge_index = jax.random.randint(ks[1], (2, N_EDGES), 0, N_NODES, dtype=jnp.int64)
    batch = jnp.sort(jax.random.randint(ks[2], (N_NODES,), 0, NUM_GRAPHS, dtype=jnp.int64))
    # Stacked GIN parameters (all layers have in_dim == hidden_dim == 128)
    s1 = 1.0 / np.sqrt(D_IN)
    s2 = 1.0 / np.sqrt(D_HID)
    W1 = jax.random.uniform(ks[3], (NUM_LAYERS, D_IN, D_HID), minval=-s1, maxval=s1, dtype=jnp.float32)
    b1 = jax.random.uniform(ks[4], (NUM_LAYERS, D_HID), minval=-s1, maxval=s1, dtype=jnp.float32)
    W2 = jax.random.uniform(ks[5], (NUM_LAYERS, D_HID, D_HID), minval=-s2, maxval=s2, dtype=jnp.float32)
    b2 = jax.random.uniform(ks[6], (NUM_LAYERS, D_HID), minval=-s2, maxval=s2, dtype=jnp.float32)
    g1 = jnp.ones((NUM_LAYERS, D_HID), dtype=jnp.float32)
    be1 = jnp.zeros((NUM_LAYERS, D_HID), dtype=jnp.float32)
    g2 = jnp.ones((NUM_LAYERS, D_HID), dtype=jnp.float32)
    be2 = jnp.zeros((NUM_LAYERS, D_HID), dtype=jnp.float32)
    eps_param = jnp.zeros((NUM_LAYERS,), dtype=jnp.float32)
    return {"x": x, "edge_index": edge_index, "batch": batch,
            "W1": W1, "b1": b1, "W2": W2, "b2": b2,
            "g1": g1, "be1": be1, "g2": g2, "be2": be2,
            "eps_param": eps_param}


def _batch_norm(x, gamma, beta):
    # BatchNorm1d in training mode: batch statistics (biased variance)
    mean = jnp.mean(x, axis=0)
    var = jnp.var(x, axis=0)
    return gamma * (x - mean) / jnp.sqrt(var + BN_EPS) + beta


def reference(x, edge_index, batch, W1, b1, W2, b2, g1, be1, g2, be2, eps_param):
    N = x.shape[0]
    row = edge_index[0]
    col = edge_index[1]
    h = x
    pooled_layers = []
    for l in range(NUM_LAYERS):
        # neighbor sum aggregation: scatter_add(h[col], row)
        pooled = jax.ops.segment_sum(h[col], row, num_segments=N)
        pooled = pooled + (1.0 + eps_param[l]) * h
        # MLP (num_mlp_layers=2): Linear -> BN -> ReLU -> Linear
        t = pooled @ W1[l] + b1[l]
        t = jax.nn.relu(_batch_norm(t, g1[l], be1[l]))
        t = t @ W2[l] + b2[l]
        # outer BatchNorm + ReLU
        h = jax.nn.relu(_batch_norm(t, g2[l], be2[l]))
        # graph_pooling_type='sum': global_add_pool over batch ids
        pooled_layers.append(jax.ops.segment_sum(h, batch, num_segments=NUM_GRAPHS))
    # Model.encode_graphs: concat pooled_h_layers[1:]
    embs = jnp.concatenate(pooled_layers, axis=-1)
    return embs

if __name__ == "__main__":
    import jax
    _d = setup_inputs()
    print(jax.jit(kernel)(*tuple(_d.values())))

</pallas_src>

<mosaic_0001>
#map = affine_map<(d0, d1) -> (0, 0)>
#map1 = affine_map<(d0, d1) -> (0, 0, 0)>
module attributes {stable_mosaic.version = 14 : i64} {
  func.func @_agg_body(%arg0: i32, %arg1: i32, %arg2: memref<10000x128xf32, #tpu.memory_space<hbm>>, %arg3: memref<32x80x128xi32, #tpu.memory_space<hbm>>, %arg4: memref<32x80x128xi32, #tpu.memory_space<hbm>>, %arg5: memref<10112x128xf32, #tpu.memory_space<hbm>>, %arg6: memref<2x10000x128xf32, #tpu.memory_space<hbm>>, %arg7: memref<40x128xi32, #tpu.memory_space<vmem>>, %arg8: memref<40x128xi32, #tpu.memory_space<vmem>>, %arg9: memref<2x128x128xf32, #tpu.memory_space<vmem>>, %arg10: memref<10112x128xf32, #tpu.memory_space<vmem_shared>>, %arg11: memref<!tpu.dma_semaphore, #tpu.memory_space<semaphore_mem>>, %arg12: memref<!tpu.dma_semaphore, #tpu.memory_space<semaphore_mem>>) attributes {dimension_semantics = [#tpu.dimension_semantics<core_parallel>, #tpu.dimension_semantics<subcore_parallel>], iteration_bounds = array<i64: 2, 16>, scalar_prefetch = 0 : i64, scratch_operands = 6 : i64, tpu.core_type = #tpu.core_type<sc_vector_subcore>, window_params = [{transform_indices = #map}, {transform_indices = #map1}, {transform_indices = #map1}, {transform_indices = #map}, {transform_indices = #map1}]} {
    %mul3A = arith.constant 16 : i32
    %mul3A_0 = arith.muli %arg0, %mul3A : i32
    %add3A = arith.addi %mul3A_0, %arg1 : i32
    %mul3A_1 = arith.constant 632 : i32
    %mul3A_2 = arith.muli %arg1, %mul3A_1 : i32
    %mul3A_3 = arith.constant 632 : i32
    %mul3A_4 = arith.muli %arg1, %mul3A_3 : i32
    "tpu.region"() ({
      %run_scoped3A = tpu.sem_alloc : memref<!tpu.dma_semaphore, #tpu.memory_space<semaphore_mem>>
      %dma_start3A_70 = arith.constant 0 : i32
      %dma_start3A_71 = tpu.memref_slice %arg10[%mul3A_4, %dma_start3A_70] : memref<10112x128xf32, #tpu.memory_space<vmem_shared>> -> memref<632x128xf32, #tpu.memory_space<vmem_shared>>
      %dma_start3A_72 = arith.constant 0 : i32
      %dma_start3A_73 = tpu.memref_slice %arg5[%mul3A_2, %dma_start3A_72] : memref<10112x128xf32, #tpu.memory_space<hbm>> -> memref<632x128xf32, #tpu.memory_space<hbm>>
      tpu.enqueue_dma source(%dma_start3A_73 : memref<632x128xf32, #tpu.memory_space<hbm>>) target(%dma_start3A_71 : memref<632x128xf32, #tpu.memory_space<vmem_shared>>) target_semaphore(%run_scoped3A : memref<!tpu.dma_semaphore, #tpu.memory_space<semaphore_mem>>)
      %dma_wait3A = arith.constant 0 : i32
      %dma_wait3A_74 = tpu.memref_slice %arg10[%mul3A_4, %dma_wait3A] : memref<10112x128xf32, #tpu.memory_space<vmem_shared>> -> memref<632x128xf32, #tpu.memory_space<vmem_shared>>
      %dma_wait3A_75 = arith.constant 0 : i32
      %dma_wait3A_76 = tpu.memref_slice %arg5[%mul3A_2, %dma_wait3A_75] : memref<10112x128xf32, #tpu.memory_space<hbm>> -> memref<632x128xf32, #tpu.memory_space<hbm>>
      tpu.wait_dma2 semaphore(%run_scoped3A : memref<!tpu.dma_semaphore, #tpu.memory_space<semaphore_mem>>) src(%dma_wait3A_76 : memref<632x128xf32, #tpu.memory_space<hbm>>) dst(%dma_wait3A_74 : memref<632x128xf32, #tpu.memory_space<vmem_shared>>)
      tpu.yield
    }) : () -> ()
    "tpu.region"() ({
      %run_scoped3A = tpu.sem_alloc : memref<!tpu.dma_semaphore, #tpu.memory_space<semaphore_mem>>
      %dma_start3A_70 = arith.constant 0 : i32
      %dma_start3A_71 = arith.constant 0 : i32
      %dma_start3A_72 = tpu.memref_slice %arg3[%add3A, %dma_start3A_70, %dma_start3A_71] : memref<32x80x128xi32, #tpu.memory_space<hbm>> -> memref<1x40x128xi32, #tpu.memory_space<hbm>>
      %dma_start3A_73 = tpu.memref_squeeze %dma_start3A_72 : memref<1x40x128xi32, #tpu.memory_space<hbm>> -> memref<40x128xi32, #tpu.memory_space<hbm>>
      %dma_start3A_74 = arith.constant 0 : i32
      %dma_start3A_75 = arith.constant 0 : i32
      %dma_start3A_76 = tpu.memref_slice %arg3[%add3A, %dma_start3A_74, %dma_start3A_75] : memref<32x80x128xi32, #tpu.memory_space<hbm>> -> memref<1x40x128xi32, #tpu.memory_space<hbm>>
      %dma_start3A_77 = tpu.memref_squeeze %dma_start3A_76 : memref<1x40x128xi32, #tpu.memory_space<hbm>> -> memref<40x128xi32, #tpu.memory_space<hbm>>
      tpu.enqueue_dma source(%dma_start3A_77 : memref<40x128xi32, #tpu.memory_space<hbm>>) target(%arg7 : memref<40x128xi32, #tpu.memory_space<vmem>>) target_semaphore(%run_scoped3A : memref<!tpu.dma_semaphore, #tpu.memory_space<semaphore_mem>>)
      %dma_wait3A = arith.constant 0 : i32
      %dma_wait3A_78 = arith.constant 0 : i32
      %dma_wait3A_79 = tpu.memref_slice %arg3[%add3A, %dma_wait3A, %dma_wait3A_78] : memref<32x80x128xi32, #tpu.memory_space<hbm>> -> memref<1x40x128xi32, #tpu.memory_space<hbm>>
      %dma_wait3A_80 = tpu.memref_squeeze %dma_wait3A_79 : memref<1x40x128xi32, #tpu.memory_space<hbm>> -> memref<40x128xi32, #tpu.memory_space<hbm>>
      %dma_wait3A_81 = arith.constant 0 : i32
      %dma_wait3A_82 = arith.constant 0 : i32
      %dma_wait3A_83 = tpu.memref_slice %arg3[%add3A, %dma_wait3A_81, %dma_wait3A_82] : memref<32x80x128xi32, #tpu.memory_space<hbm>> -> memref<1x40x128xi32, #tpu.memory_space<hbm>>
      %dma_wait3A_84 = tpu.memref_squeeze %dma_wait3A_83 : memref<1x40x128xi32, #tpu.memory_space<hbm>> -> memref<40x128xi32, #tpu.memory_space<hbm>>
      tpu.wait_dma2 semaphore(%run_scoped3A : memref<!tpu.dma_semaphore, #tpu.memory_space<semaphore_mem>>) src(%dma_wait3A_84 : memref<40x128xi32, #tpu.memory_space<hbm>>) dst(%arg7 : memref<40x128xi32, #tpu.memory_space<vmem>>)
      tpu.yield
    }) : () -> ()
    "tpu.region"() ({
      %run_scoped3A = tpu.sem_alloc : memref<!tpu.dma_semaphore, #tpu.memory_space<semaphore_mem>>
      %dma_start3A_70 = arith.constant 0 : i32
      %dma_start3A_71 = arith.constant 0 : i32
      %dma_start3A_72 = tpu.memref_slice %arg4[%add3A, %dma_start3A_70, %dma_start3A_71] : memref<32x80x128xi32, #tpu.memory_space<hbm>> -> memref<1x40x128xi32, #tpu.memory_space<hbm>>
      %dma_start3A_73 = tpu.memref_squeeze %dma_start3A_72 : memref<1x40x128xi32, #tpu.memory_space<hbm>> -> memref<40x128xi32, #tpu.memory_space<hbm>>
      %dma_start3A_74 = arith.constant 0 : i32
      %dma_start3A_75 = arith.constant 0 : i32
      %dma_start3A_76 = tpu.memref_slice %arg4[%add3A, %dma_start3A_74, %dma_start3A_75] : memref<32x80x128xi32, #tpu.memory_space<hbm>> -> memref<1x40x128xi32, #tpu.memory_space<hbm>>
      %dma_start3A_77 = tpu.memref_squeeze %dma_start3A_76 : memref<1x40x128xi32, #tpu.memory_space<hbm>> -> memref<40x128xi32, #tpu.memory_space<hbm>>
      tpu.enqueue_dma source(%dma_start3A_77 : memref<40x128xi32, #tpu.memory_space<hbm>>) target(%arg8 : memref<40x128xi32, #tpu.memory_space<vmem>>) target_semaphore(%run_scoped3A : memref<!tpu.dma_semaphore, #tpu.memory_space<semaphore_mem>>)
      %dma_wait3A = arith.constant 0 : i32
      %dma_wait3A_78 = arith.constant 0 : i32
      %dma_wait3A_79 = tpu.memref_slice %arg4[%add3A, %dma_wait3A, %dma_wait3A_78] : memref<32x80x128xi32, #tpu.memory_space<hbm>> -> memref<1x40x128xi32, #tpu.memory_space<hbm>>
      %dma_wait3A_80 = tpu.memref_squeeze %dma_wait3A_79 : memref<1x40x128xi32, #tpu.memory_space<hbm>> -> memref<40x128xi32, #tpu.memory_space<hbm>>
      %dma_wait3A_81 = arith.constant 0 : i32
      %dma_wait3A_82 = arith.constant 0 : i32
      %dma_wait3A_83 = tpu.memref_slice %arg4[%add3A, %dma_wait3A_81, %dma_wait3A_82] : memref<32x80x128xi32, #tpu.memory_space<hbm>> -> memref<1x40x128xi32, #tpu.memory_space<hbm>>
      %dma_wait3A_84 = tpu.memref_squeeze %dma_wait3A_83 : memref<1x40x128xi32, #tpu.memory_space<hbm>> -> memref<40x128xi32, #tpu.memory_space<hbm>>
      tpu.wait_dma2 semaphore(%run_scoped3A : memref<!tpu.dma_semaphore, #tpu.memory_space<semaphore_mem>>) src(%dma_wait3A_84 : memref<40x128xi32, #tpu.memory_space<hbm>>) dst(%arg8 : memref<40x128xi32, #tpu.memory_space<vmem>>)
      tpu.yield
    }) : () -> ()
    %dma_start3A = arith.constant 0 : i32
    %dma_start3A_5 = arith.constant 0 : i32
    %dma_start3A_6 = arith.constant 0 : i32
    %dma_start3A_7 = arith.constant 0 : i32
    %dma_start3A_8 = tpu.memref_slice %arg9[%dma_start3A_5, %dma_start3A_6, %dma_start3A_7] : memref<2x128x128xf32, #tpu.memory_space<vmem>> -> memref<1x128x128xf32, #tpu.memory_space<vmem>>
    %dma_start3A_9 = tpu.memref_squeeze %dma_start3A_8 : memref<1x128x128xf32, #tpu.memory_space<vmem>> -> memref<128x128xf32, #tpu.memory_space<vmem>>
    %dma_start3A_10 = arith.constant 0 : i32
    %dma_start3A_11 = tpu.memref_slice %arg8[%dma_start3A, %dma_start3A_10] : memref<40x128xi32, #tpu.memory_space<vmem>> -> memref<1x128xi32, #tpu.memory_space<vmem>>
    %dma_start3A_12 = tpu.memref_squeeze %dma_start3A_11 : memref<1x128xi32, #tpu.memory_space<vmem>> -> memref<128xi32, #tpu.memory_space<vmem>>
    %dma_start3A_13 = arith.constant 0 : i32
    %dma_start3A_14 = arith.constant 0 : i32
    %dma_start3A_15 = tpu.memref_slice %arg2[%dma_start3A_13, %dma_start3A_14] : memref<10000x128xf32, #tpu.memory_space<hbm>> -> memref<10000x128xf32, #tpu.memory_space<hbm>>
    tpu.enqueue_indirect_dma source(%dma_start3A_15 : memref<10000x128xf32, #tpu.memory_space<hbm>>) target(%dma_start3A_9 : memref<128x128xf32, #tpu.memory_space<vmem>>) offsets(%dma_start3A_12 : memref<128xi32, #tpu.memory_space<vmem>>) semaphore(%arg11 : memref<!tpu.dma_semaphore, #tpu.memory_space<semaphore_mem>>)
    %dma_start3A_16 = arith.constant 1 : i32
    %dma_start3A_17 = arith.constant 1 : i32
    %dma_start3A_18 = arith.constant 0 : i32
    %dma_start3A_19 = arith.constant 0 : i32
    %dma_start3A_20 = tpu.memref_slice %arg9[%dma_start3A_17, %dma_start3A_18, %dma_start3A_19] : memref<2x128x128xf32, #tpu.memory_space<vmem>> -> memref<1x128x128xf32, #tpu.memory_space<vmem>>
    %dma_start3A_21 = tpu.memref_squeeze %dma_start3A_20 : memref<1x128x128xf32, #tpu.memory_space<vmem>> -> memref<128x128xf32, #tpu.memory_space<vmem>>
    %dma_start3A_22 = arith.constant 0 : i32
    %dma_start3A_23 = tpu.memref_slice %arg8[%dma_start3A_16, %dma_start3A_22] : memref<40x128xi32, #tpu.memory_space<vmem>> -> memref<1x128xi32, #tpu.memory_space<vmem>>
    %dma_start3A_24 = tpu.memref_squeeze %dma_start3A_23 : memref<1x128xi32, #tpu.memory_space<vmem>> -> memref<128xi32, #tpu.memory_space<vmem>>
    %dma_start3A_25 = arith.constant 0 : i32
    %dma_start3A_26 = arith.constant 0 : i32
    %dma_start3A_27 = tpu.memref_slice %arg2[%dma_start3A_25, %dma_start3A_26] : memref<10000x128xf32, #tpu.memory_space<hbm>> -> memref<10000x128xf32, #tpu.memory_space<hbm>>
    tpu.enqueue_indirect_dma source(%dma_start3A_27 : memref<10000x128xf32, #tpu.memory_space<hbm>>) target(%dma_start3A_21 : memref<128x128xf32, #tpu.memory_space<vmem>>) offsets(%dma_start3A_24 : memref<128xi32, #tpu.memory_space<vmem>>) semaphore(%arg12 : memref<!tpu.dma_semaphore, #tpu.memory_space<semaphore_mem>>)
    %barrier3A = arith.constant 0 : index
    tpu.barrier barrier_id(%barrier3A)
    %scan3A = arith.constant 0 : i32
    %scan3A_28 = arith.constant 0 : i32
    %scan3A_29 = arith.constant 20 : i32
    %scan3A_30 = arith.addi %scan3A_28, %scan3A_29 : i32
    %scan3A_31 = arith.constant 1 : i32
    scf.for %scan3A_70 = %scan3A_28 to %scan3A_30 step %scan3A_31  : i32 {
      %mul3A_71 = arith.constant 2 : i32
      %mul3A_72 = arith.muli %scan3A_70, %mul3A_71 : i32
      %add3A_73 = arith.constant 0 : i32
      %add3A_74 = arith.addi %mul3A_72, %add3A_73 : i32
      %dma_wait3A = arith.constant 0 : i32
      %dma_wait3A_75 = arith.constant 0 : i32
      %dma_wait3A_76 = arith.constant 0 : i32
      %dma_wait3A_77 = tpu.memref_slice %arg9[%dma_wait3A, %dma_wait3A_75, %dma_wait3A_76] : memref<2x128x128xf32, #tpu.memory_space<vmem>> -> memref<1x128x128xf32, #tpu.memory_space<vmem>>
      %dma_wait3A_78 = tpu.memref_squeeze %dma_wait3A_77 : memref<1x128x128xf32, #tpu.memory_space<vmem>> -> memref<128x128xf32, #tpu.memory_space<vmem>>
      %dma_wait3A_79 = arith.constant 0 : i32
      %dma_wait3A_80 = tpu.memref_slice %arg8[%add3A_74, %dma_wait3A_79] : memref<40x128xi32, #tpu.memory_space<vmem>> -> memref<1x128xi32, #tpu.memory_space<vmem>>
      %dma_wait3A_81 = tpu.memref_squeeze %dma_wait3A_80 : memref<1x128xi32, #tpu.memory_space<vmem>> -> memref<128xi32, #tpu.memory_space<vmem>>
      %dma_wait3A_82 = arith.constant 0 : i32
      %dma_wait3A_83 = arith.constant 0 : i32
      %dma_wait3A_84 = tpu.memref_slice %arg2[%dma_wait3A_82, %dma_wait3A_83] : memref<10000x128xf32, #tpu.memory_space<hbm>> -> memref<10000x128xf32, #tpu.memory_space<hbm>>
      tpu.wait_indirect_dma semaphore(%arg11 : memref<!tpu.dma_semaphore, #tpu.memory_space<semaphore_mem>>) src(%dma_wait3A_84 : memref<10000x128xf32, #tpu.memory_space<hbm>>) dst(%dma_wait3A_78 : memref<128x128xf32, #tpu.memory_space<vmem>>)
      %run_scoped3A = arith.constant 0 : i32
      "tpu.region"() ({
        %run_scoped3A_115 = tpu.sem_alloc : memref<!tpu.dma_semaphore, #tpu.memory_space<semaphore_mem>>
        %dma_start3A_116 = arith.constant 0 : i32
        %dma_start3A_117 = arith.constant 0 : i32
        %dma_start3A_118 = tpu.memref_slice %arg9[%run_scoped3A, %dma_start3A_116, %dma_start3A_117] : memref<2x128x128xf32, #tpu.memory_space<vmem>> -> memref<1x128x128xf32, #tpu.memory_space<vmem>>
        %dma_start3A_119 = tpu.memref_squeeze %dma_start3A_118 : memref<1x128x128xf32, #tpu.memory_space<vmem>> -> memref<128x128xf32, #tpu.memory_space<vmem>>
        %dma_start3A_120 = arith.constant 0 : i32
        %dma_start3A_121 = tpu.memref_slice %arg7[%add3A_74, %dma_start3A_120] : memref<40x128xi32, #tpu.memory_space<vmem>> -> memref<1x128xi32, #tpu.memory_space<vmem>>
        %dma_start3A_122 = tpu.memref_squeeze %dma_start3A_121 : memref<1x128xi32, #tpu.memory_space<vmem>> -> memref<128xi32, #tpu.memory_space<vmem>>
        %dma_start3A_123 = arith.constant 0 : i32
        %dma_start3A_124 = arith.constant 0 : i32
        %dma_start3A_125 = tpu.memref_slice %arg10[%dma_start3A_123, %dma_start3A_124] : memref<10112x128xf32, #tpu.memory_space<vmem_shared>> -> memref<10112x128xf32, #tpu.memory_space<vmem_shared>>
        tpu.enqueue_indirect_dma source(%dma_start3A_119 : memref<128x128xf32, #tpu.memory_space<vmem>>) target(%dma_start3A_125 : memref<10112x128xf32, #tpu.memory_space<vmem_shared>>) offsets(%dma_start3A_122 : memref<128xi32, #tpu.memory_space<vmem>>) semaphore(%run_scoped3A_115 : memref<!tpu.dma_semaphore, #tpu.memory_space<semaphore_mem>>) {add = true}
        %dma_wait3A_126 = arith.constant 0 : i32
        %dma_wait3A_127 = arith.constant 0 : i32
        %dma_wait3A_128 = tpu.memref_slice %arg9[%run_scoped3A, %dma_wait3A_126, %dma_wait3A_127] : memref<2x128x128xf32, #tpu.memory_space<vmem>> -> memref<1x128x128xf32, #tpu.memory_space<vmem>>
        %dma_wait3A_129 = tpu.memref_squeeze %dma_wait3A_128 : memref<1x128x128xf32, #tpu.memory_space<vmem>> -> memref<128x128xf32, #tpu.memory_space<vmem>>
        %dma_wait3A_130 = arith.constant 0 : i32
        %dma_wait3A_131 = tpu.memref_slice %arg7[%add3A_74, %dma_wait3A_130] : memref<40x128xi32, #tpu.memory_space<vmem>> -> memref<1x128xi32, #tpu.memory_space<vmem>>
        %dma_wait3A_132 = tpu.memref_squeeze %dma_wait3A_131 : memref<1x128xi32, #tpu.memory_space<vmem>> -> memref<128xi32, #tpu.memory_space<vmem>>
        %dma_wait3A_133 = arith.constant 0 : i32
        %dma_wait3A_134 = arith.constant 0 : i32
        %dma_wait3A_135 = tpu.memref_slice %arg10[%dma_wait3A_133, %dma_wait3A_134] : memref<10112x128xf32, #tpu.memory_space<vmem_shared>> -> memref<10112x128xf32, #tpu.memory_space<vmem_shared>>
        tpu.wait_indirect_dma semaphore(%run_scoped3A_115 : memref<!tpu.dma_semaphore, #tpu.memory_space<semaphore_mem>>) src(%dma_wait3A_129 : memref<128x128xf32, #tpu.memory_space<vmem>>) dst(%dma_wait3A_135 : memref<10112x128xf32, #tpu.memory_space<vmem_shared>>)
        tpu.yield
      }) : () -> ()
      %add3A_85 = arith.constant 2 : i32
      %add3A_86 = arith.addi %add3A_74, %add3A_85 : i32
      %lt3A_87 = arith.constant 40 : i32
      %lt3A_88 = arith.cmpi slt, %add3A_86, %lt3A_87 : i32
      %convert_element_type3A_89 = arith.extui %lt3A_88 : i1 to i32
      %cond3A_90 = arith.constant 0 : i32
      %cond3A_91 = arith.cmpi ne, %convert_element_type3A_89, %cond3A_90 : i32
      scf.if %cond3A_91 {
        %dma_start3A_115 = arith.constant 0 : i32
        %dma_start3A_116 = arith.constant 0 : i32
        %dma_start3A_117 = arith.constant 0 : i32
        %dma_start3A_118 = tpu.memref_slice %arg9[%dma_start3A_115, %dma_start3A_116, %dma_start3A_117] : memref<2x128x128xf32, #tpu.memory_space<vmem>> -> memref<1x128x128xf32, #tpu.memory_space<vmem>>
        %dma_start3A_119 = tpu.memref_squeeze %dma_start3A_118 : memref<1x128x128xf32, #tpu.memory_space<vmem>> -> memref<128x128xf32, #tpu.memory_space<vmem>>
        %dma_start3A_120 = arith.constant 0 : i32
        %dma_start3A_121 = tpu.memref_slice %arg8[%add3A_86, %dma_start3A_120] : memref<40x128xi32, #tpu.memory_space<vmem>> -> memref<1x128xi32, #tpu.memory_space<vmem>>
        %dma_start3A_122 = tpu.memref_squeeze %dma_start3A_121 : memref<1x128xi32, #tpu.memory_space<vmem>> -> memref<128xi32, #tpu.memory_space<vmem>>
        %dma_start3A_123 = arith.constant 0 : i32
        %dma_start3A_124 = arith.constant 0 : i32
        %dma_start3A_125 = tpu.memref_slice %arg2[%dma_start3A_123, %dma_start3A_124] : memref<10000x128xf32, #tpu.memory_space<hbm>> -> memref<10000x128xf32, #tpu.memory_space<hbm>>
        tpu.enqueue_indirect_dma source(%dma_start3A_125 : memref<10000x128xf32, #tpu.memory_space<hbm>>) target(%dma_start3A_119 : memref<128x128xf32, #tpu.memory_space<vmem>>) offsets(%dma_start3A_122 : memref<128xi32, #tpu.memory_space<vmem>>) semaphore(%arg11 : memref<!tpu.dma_semaphore, #tpu.memory_space<semaphore_mem>>)
      } else {
      }
      %mul3A_92 = arith.constant 2 : i32
      %mul3A_93 = arith.muli %scan3A_70, %mul3A_92 : i32
      %add3A_94 = arith.constant 1 : i32
      %add3A_95 = arith.addi %mul3A_93, %add3A_94 : i32
      %dma_wait3A_96 = arith.constant 1 : i32
      %dma_wait3A_97 = arith.constant 0 : i32
      %dma_wait3A_98 = arith.constant 0 : i32
      %dma_wait3A_99 = tpu.memref_slice %arg9[%dma_wait3A_96, %dma_wait3A_97, %dma_wait3A_98] : memref<2x128x128xf32, #tpu.memory_space<vmem>> -> memref<1x128x128xf32, #tpu.memory_space<vmem>>
      %dma_wait3A_100 = tpu.memref_squeeze %dma_wait3A_99 : memref<1x128x128xf32, #tpu.memory_space<vmem>> -> memref<128x128xf32, #tpu.memory_space<vmem>>
      %dma_wait3A_101 = arith.constant 0 : i32
      %dma_wait3A_102 = tpu.memref_slice %arg8[%add3A_95, %dma_wait3A_101] : memref<40x128xi32, #tpu.memory_space<vmem>> -> memref<1x128xi32, #tpu.memory_space<vmem>>
      %dma_wait3A_103 = tpu.memref_squeeze %dma_wait3A_102 : memref<1x128xi32, #tpu.memory_space<vmem>> -> memref<128xi32, #tpu.memory_space<vmem>>
      %dma_wait3A_104 = arith.constant 0 : i32
      %dma_wait3A_105 = arith.constant 0 : i32
      %dma_wait3A_106 = tpu.memref_slice %arg2[%dma_wait3A_104, %dma_wait3A_105] : memref<10000x128xf32, #tpu.memory_space<hbm>> -> memref<10000x128xf32, #tpu.memory_space<hbm>>
      tpu.wait_indirect_dma semaphore(%arg12 : memref<!tpu.dma_semaphore, #tpu.memory_space<semaphore_mem>>) src(%dma_wait3A_106 : memref<10000x128xf32, #tpu.memory_space<hbm>>) dst(%dma_wait3A_100 : memref<128x128xf32, #tpu.memory_space<vmem>>)
      %run_scoped3A_107 = arith.constant 1 : i32
      "tpu.region"() ({
        %run_scoped3A_115 = tpu.sem_alloc : memref<!tpu.dma_semaphore, #tpu.memory_space<semaphore_mem>>
        %dma_start3A_116 = arith.constant 0 : i32
        %dma_start3A_117 = arith.constant 0 : i32
        %dma_start3A_118 = tpu.memref_slice %arg9[%run_scoped3A_107, %dma_start3A_116, %dma_start3A_117] : memref<2x128x128xf32, #tpu.memory_space<vmem>> -> memref<1x128x128xf32, #tpu.memory_space<vmem>>
        %dma_start3A_119 = tpu.memref_squeeze %dma_start3A_118 : memref<1x128x128xf32, #tpu.memory_space<vmem>> -> memref<128x128xf32, #tpu.memory_space<vmem>>
        %dma_start3A_120 = arith.constant 0 : i32
        %dma_start3A_121 = tpu.memref_slice %arg7[%add3A_95, %dma_start3A_120] : memref<40x128xi32, #tpu.memory_space<vmem>> -> memref<1x128xi32, #tpu.memory_space<vmem>>
        %dma_start3A_122 = tpu.memref_squeeze %dma_start3A_121 : memref<1x128xi32, #tpu.memory_space<vmem>> -> memref<128xi32, #tpu.memory_space<vmem>>
        %dma_start3A_123 = arith.constant 0 : i32
        %dma_start3A_124 = arith.constant 0 : i32
        %dma_start3A_125 = tpu.memref_slice %arg10[%dma_start3A_123, %dma_start3A_124] : memref<10112x128xf32, #tpu.memory_space<vmem_shared>> -> memref<10112x128xf32, #tpu.memory_space<vmem_shared>>
        tpu.enqueue_indirect_dma source(%dma_start3A_119 : memref<128x128xf32, #tpu.memory_space<vmem>>) target(%dma_start3A_125 : memref<10112x128xf32, #tpu.memory_space<vmem_shared>>) offsets(%dma_start3A_122 : memref<128xi32, #tpu.memory_space<vmem>>) semaphore(%run_scoped3A_115 : memref<!tpu.dma_semaphore, #tpu.memory_space<semaphore_mem>>) {add = true}
        %dma_wait3A_126 = arith.constant 0 : i32
        %dma_wait3A_127 = arith.constant 0 : i32
        %dma_wait3A_128 = tpu.memref_slice %arg9[%run_scoped3A_107, %dma_wait3A_126, %dma_wait3A_127] : memref<2x128x128xf32, #tpu.memory_space<vmem>> -> memref<1x128x128xf32, #tpu.memory_space<vmem>>
        %dma_wait3A_129 = tpu.memref_squeeze %dma_wait3A_128 : memref<1x128x128xf32, #tpu.memory_space<vmem>> -> memref<128x128xf32, #tpu.memory_space<vmem>>
        %dma_wait3A_130 = arith.constant 0 : i32
        %dma_wait3A_131 = tpu.memref_slice %arg7[%add3A_95, %dma_wait3A_130] : memref<40x128xi32, #tpu.memory_space<vmem>> -> memref<1x128xi32, #tpu.memory_space<vmem>>
        %dma_wait3A_132 = tpu.memref_squeeze %dma_wait3A_131 : memref<1x128xi32, #tpu.memory_space<vmem>> -> memref<128xi32, #tpu.memory_space<vmem>>
        %dma_wait3A_133 = arith.constant 0 : i32
        %dma_wait3A_134 = arith.constant 0 : i32
        %dma_wait3A_135 = tpu.memref_slice %arg10[%dma_wait3A_133, %dma_wait3A_134] : memref<10112x128xf32, #tpu.memory_space<vmem_shared>> -> memref<10112x128xf32, #tpu.memory_space<vmem_shared>>
        tpu.wait_indirect_dma semaphore(%run_scoped3A_115 : memref<!tpu.dma_semaphore, #tpu.memory_space<semaphore_mem>>) src(%dma_wait3A_129 : memref<128x128xf32, #tpu.memory_space<vmem>>) dst(%dma_wait3A_135 : memref<10112x128xf32, #tpu.memory_space<vmem_shared>>)
        tpu.yield
      }) : () -> ()
      %add3A_108 = arith.constant 2 : i32
      %add3A_109 = arith.addi %add3A_95, %add3A_108 : i32
      %lt3A_110 = arith.constant 40 : i32
      %lt3A_111 = arith.cmpi slt, %add3A_109, %lt3A_110 : i32
      %convert_element_type3A_112 = arith.extui %lt3A_111 : i1 to i32
      %cond3A_113 = arith.constant 0 : i32
      %cond3A_114 = arith.cmpi ne, %convert_element_type3A_112, %cond3A_113 : i32
      scf.if %cond3A_114 {
        %dma_start3A_115 = arith.constant 1 : i32
        %dma_start3A_116 = arith.constant 0 : i32
        %dma_start3A_117 = arith.constant 0 : i32
        %dma_start3A_118 = tpu.memref_slice %arg9[%dma_start3A_115, %dma_start3A_116, %dma_start3A_117] : memref<2x128x128xf32, #tpu.memory_space<vmem>> -> memref<1x128x128xf32, #tpu.memory_space<vmem>>
        %dma_start3A_119 = tpu.memref_squeeze %dma_start3A_118 : memref<1x128x128xf32, #tpu.memory_space<vmem>> -> memref<128x128xf32, #tpu.memory_space<vmem>>
        %dma_start3A_120 = arith.constant 0 : i32
        %dma_start3A_121 = tpu.memref_slice %arg8[%add3A_109, %dma_start3A_120] : memref<40x128xi32, #tpu.memory_space<vmem>> -> memref<1x128xi32, #tpu.memory_space<vmem>>
        %dma_start3A_122 = tpu.memref_squeeze %dma_start3A_121 : memref<1x128xi32, #tpu.memory_space<vmem>> -> memref<128xi32, #tpu.memory_space<vmem>>
        %dma_start3A_123 = arith.constant 0 : i32
        %dma_start3A_124 = arith.constant 0 : i32
        %dma_start3A_125 = tpu.memref_slice %arg2[%dma_start3A_123, %dma_start3A_124] : memref<10000x128xf32, #tpu.memory_space<hbm>> -> memref<10000x128xf32, #tpu.memory_space<hbm>>
        tpu.enqueue_indirect_dma source(%dma_start3A_125 : memref<10000x128xf32, #tpu.memory_space<hbm>>) target(%dma_start3A_119 : memref<128x128xf32, #tpu.memory_space<vmem>>) offsets(%dma_start3A_122 : memref<128xi32, #tpu.memory_space<vmem>>) semaphore(%arg12 : memref<!tpu.dma_semaphore, #tpu.memory_space<semaphore_mem>>)
      } else {
      }
    }
    %scan3A_32 = arith.constant 20 : i32
    "tpu.region"() ({
      %run_scoped3A = tpu.sem_alloc : memref<!tpu.dma_semaphore, #tpu.memory_space<semaphore_mem>>
      %dma_start3A_70 = arith.constant 40 : i32
      %dma_start3A_71 = arith.constant 0 : i32
      %dma_start3A_72 = tpu.memref_slice %arg3[%add3A, %dma_start3A_70, %dma_start3A_71] : memref<32x80x128xi32, #tpu.memory_space<hbm>> -> memref<1x40x128xi32, #tpu.memory_space<hbm>>
      %dma_start3A_73 = tpu.memref_squeeze %dma_start3A_72 : memref<1x40x128xi32, #tpu.memory_space<hbm>> -> memref<40x128xi32, #tpu.memory_space<hbm>>
      %dma_start3A_74 = arith.constant 40 : i32
      %dma_start3A_75 = arith.constant 0 : i32
      %dma_start3A_76 = tpu.memref_slice %arg3[%add3A, %dma_start3A_74, %dma_start3A_75] : memref<32x80x128xi32, #tpu.memory_space<hbm>> -> memref<1x40x128xi32, #tpu.memory_space<hbm>>
      %dma_start3A_77 = tpu.memref_squeeze %dma_start3A_76 : memref<1x40x128xi32, #tpu.memory_space<hbm>> -> memref<40x128xi32, #tpu.memory_space<hbm>>
      tpu.enqueue_dma source(%dma_start3A_77 : memref<40x128xi32, #tpu.memory_space<hbm>>) target(%arg7 : memref<40x128xi32, #tpu.memory_space<vmem>>) target_semaphore(%run_scoped3A : memref<!tpu.dma_semaphore, #tpu.memory_space<semaphore_mem>>)
      %dma_wait3A = arith.constant 40 : i32
      %dma_wait3A_78 = arith.constant 0 : i32
      %dma_wait3A_79 = tpu.memref_slice %arg3[%add3A, %dma_wait3A, %dma_wait3A_78] : memref<32x80x128xi32, #tpu.memory_space<hbm>> -> memref<1x40x128xi32, #tpu.memory_space<hbm>>
      %dma_wait3A_80 = tpu.memref_squeeze %dma_wait3A_79 : memref<1x40x128xi32, #tpu.memory_space<hbm>> -> memref<40x128xi32, #tpu.memory_space<hbm>>
      %dma_wait3A_81 = arith.constant 40 : i32
      %dma_wait3A_82 = arith.constant 0 : i32
      %dma_wait3A_83 = tpu.memref_slice %arg3[%add3A, %dma_wait3A_81, %dma_wait3A_82] : memref<32x80x128xi32, #tpu.memory_space<hbm>> -> memref<1x40x128xi32, #tpu.memory_space<hbm>>
      %dma_wait3A_84 = tpu.memref_squeeze %dma_wait3A_83 : memref<1x40x128xi32, #tpu.memory_space<hbm>> -> memref<40x128xi32, #tpu.memory_space<hbm>>
      tpu.wait_dma2 semaphore(%run_scoped3A : memref<!tpu.dma_semaphore, #tpu.memory_space<semaphore_mem>>) src(%dma_wait3A_84 : memref<40x128xi32, #tpu.memory_space<hbm>>) dst(%arg7 : memref<40x128xi32, #tpu.memory_space<vmem>>)
      tpu.yield
    }) : () -> ()
    "tpu.region"() ({
      %run_scoped3A = tpu.sem_alloc : memref<!tpu.dma_semaphore, #tpu.memory_space<semaphore_mem>>
      %dma_start3A_70 = arith.constant 40 : i32
      %dma_start3A_71 = arith.constant 0 : i32
      %dma_start3A_72 = tpu.memref_slice %arg4[%add3A, %dma_start3A_70, %dma_start3A_71] : memref<32x80x128xi32, #tpu.memory_space<hbm>> -> memref<1x40x128xi32, #tpu.memory_space<hbm>>
      %dma_start3A_73 = tpu.memref_squeeze %dma_start3A_72 : memref<1x40x128xi32, #tpu.memory_space<hbm>> -> memref<40x128xi32, #tpu.memory_space<hbm>>
      %dma_start3A_74 = arith.constant 40 : i32
      %dma_start3A_75 = arith.constant 0 : i32
      %dma_start3A_76 = tpu.memref_slice %arg4[%add3A, %dma_start3A_74, %dma_start3A_75] : memref<32x80x128xi32, #tpu.memory_space<hbm>> -> memref<1x40x128xi32, #tpu.memory_space<hbm>>
      %dma_start3A_77 = tpu.memref_squeeze %dma_start3A_76 : memref<1x40x128xi32, #tpu.memory_space<hbm>> -> memref<40x128xi32, #tpu.memory_space<hbm>>
      tpu.enqueue_dma source(%dma_start3A_77 : memref<40x128xi32, #tpu.memory_space<hbm>>) target(%arg8 : memref<40x128xi32, #tpu.memory_space<vmem>>) target_semaphore(%run_scoped3A : memref<!tpu.dma_semaphore, #tpu.memory_space<semaphore_mem>>)
      %dma_wait3A = arith.constant 40 : i32
      %dma_wait3A_78 = arith.constant 0 : i32
      %dma_wait3A_79 = tpu.memref_slice %arg4[%add3A, %dma_wait3A, %dma_wait3A_78] : memref<32x80x128xi32, #tpu.memory_space<hbm>> -> memref<1x40x128xi32, #tpu.memory_space<hbm>>
      %dma_wait3A_80 = tpu.memref_squeeze %dma_wait3A_79 : memref<1x40x128xi32, #tpu.memory_space<hbm>> -> memref<40x128xi32, #tpu.memory_space<hbm>>
      %dma_wait3A_81 = arith.constant 40 : i32
      %dma_wait3A_82 = arith.constant 0 : i32
      %dma_wait3A_83 = tpu.memref_slice %arg4[%add3A, %dma_wait3A_81, %dma_wait3A_82] : memref<32x80x128xi32, #tpu.memory_space<hbm>> -> memref<1x40x128xi32, #tpu.memory_space<hbm>>
      %dma_wait3A_84 = tpu.memref_squeeze %dma_wait3A_83 : memref<1x40x128xi32, #tpu.memory_space<hbm>> -> memref<40x128xi32, #tpu.memory_space<hbm>>
      tpu.wait_dma2 semaphore(%run_scoped3A : memref<!tpu.dma_semaphore, #tpu.memory_space<semaphore_mem>>) src(%dma_wait3A_84 : memref<40x128xi32, #tpu.memory_space<hbm>>) dst(%arg8 : memref<40x128xi32, #tpu.memory_space<vmem>>)
      tpu.yield
    }) : () -> ()
    %dma_start3A_33 = arith.constant 0 : i32
    %dma_start3A_34 = arith.constant 0 : i32
    %dma_start3A_35 = arith.constant 0 : i32
    %dma_start3A_36 = arith.constant 0 : i32
    %dma_start3A_37 = tpu.memref_slice %arg9[%dma_start3A_34, %dma_start3A_35, %dma_start3A_36] : memref<2x128x128xf32, #tpu.memory_space<vmem>> -> memref<1x128x128xf32, #tpu.memory_space<vmem>>
    %dma_start3A_38 = tpu.memref_squeeze %dma_start3A_37 : memref<1x128x128xf32, #tpu.memory_space<vmem>> -> memref<128x128xf32, #tpu.memory_space<vmem>>
    %dma_start3A_39 = arith.constant 0 : i32
    %dma_start3A_40 = tpu.memref_slice %arg8[%dma_start3A_33, %dma_start3A_39] : memref<40x128xi32, #tpu.memory_space<vmem>> -> memref<1x128xi32, #tpu.memory_space<vmem>>
    %dma_start3A_41 = tpu.memref_squeeze %dma_start3A_40 : memref<1x128xi32, #tpu.memory_space<vmem>> -> memref<128xi32, #tpu.memory_space<vmem>>
    %dma_start3A_42 = arith.constant 0 : i32
    %dma_start3A_43 = arith.constant 0 : i32
    %dma_start3A_44 = tpu.memref_slice %arg2[%dma_start3A_42, %dma_start3A_43] : memref<10000x128xf32, #tpu.memory_space<hbm>> -> memref<10000x128xf32, #tpu.memory_space<hbm>>
    tpu.enqueue_indirect_dma source(%dma_start3A_44 : memref<10000x128xf32, #tpu.memory_space<hbm>>) target(%dma_start3A_38 : memref<128x128xf32, #tpu.memory_space<vmem>>) offsets(%dma_start3A_41 : memref<128xi32, #tpu.memory_space<vmem>>) semaphore(%arg11 : memref<!tpu.dma_semaphore, #tpu.memory_space<semaphore_mem>>)
    %dma_start3A_45 = arith.constant 1 : i32
    %dma_start3A_46 = arith.constant 1 : i32
    %dma_start3A_47 = arith.constant 0 : i32
    %dma_start3A_48 = arith.constant 0 : i32
    %dma_start3A_49 = tpu.memref_slice %arg9[%dma_start3A_46, %dma_start3A_47, %dma_start3A_48] : memref<2x128x128xf32, #tpu.memory_space<vmem>> -> memref<1x128x128xf32, #tpu.memory_space<vmem>>
    %dma_start3A_50 = tpu.memref_squeeze %dma_start3A_49 : memref<1x128x128xf32, #tpu.memory_space<vmem>> -> memref<128x128xf32, #tpu.memory_space<vmem>>
    %dma_start3A_51 = arith.constant 0 : i32
    %dma_start3A_52 = tpu.memref_slice %arg8[%dma_start3A_45, %dma_start3A_51] : memref<40x128xi32, #tpu.memory_space<vmem>> -> memref<1x128xi32, #tpu.memory_space<vmem>>
    %dma_start3A_53 = tpu.memref_squeeze %dma_start3A_52 : memref<1x128xi32, #tpu.memory_space<vmem>> -> memref<128xi32, #tpu.memory_space<vmem>>
    %dma_start3A_54 = arith.constant 0 : i32
    %dma_start3A_55 = arith.constant 0 : i32
    %dma_start3A_56 = tpu.memref_slice %arg2[%dma_start3A_54, %dma_start3A_55] : memref<10000x128xf32, #tpu.memory_space<hbm>> -> memref<10000x128xf32, #tpu.memory_space<hbm>>
    tpu.enqueue_indirect_dma source(%dma_start3A_56 : memref<10000x128xf32, #tpu.memory_space<hbm>>) target(%dma_start3A_50 : memref<128x128xf32, #tpu.memory_space<vmem>>) offsets(%dma_start3A_53 : memref<128xi32, #tpu.memory_space<vmem>>) semaphore(%arg12 : memref<!tpu.dma_semaphore, #tpu.memory_space<semaphore_mem>>)
    %scan3A_57 = arith.constant 0 : i32
    %scan3A_58 = arith.constant 0 : i32
    %scan3A_59 = arith.constant 20 : i32
    %scan3A_60 = arith.addi %scan3A_58, %scan3A_59 : i32
    %scan3A_61 = arith.constant 1 : i32
    scf.for %scan3A_70 = %scan3A_58 to %scan3A_60 step %scan3A_61  : i32 {
      %mul3A_71 = arith.constant 2 : i32
      %mul3A_72 = arith.muli %scan3A_70, %mul3A_71 : i32
      %add3A_73 = arith.constant 0 : i32
      %add3A_74 = arith.addi %mul3A_72, %add3A_73 : i32
      %dma_wait3A = arith.constant 0 : i32
      %dma_wait3A_75 = arith.constant 0 : i32
      %dma_wait3A_76 = arith.constant 0 : i32
      %dma_wait3A_77 = tpu.memref_slice %arg9[%dma_wait3A, %dma_wait3A_75, %dma_wait3A_76] : memref<2x128x128xf32, #tpu.memory_space<vmem>> -> memref<1x128x128xf32, #tpu.memory_space<vmem>>
      %dma_wait3A_78 = tpu.memref_squeeze %dma_wait3A_77 : memref<1x128x128xf32, #tpu.memory_space<vmem>> -> memref<128x128xf32, #tpu.memory_space<vmem>>
      %dma_wait3A_79 = arith.constant 0 : i32
      %dma_wait3A_80 = tpu.memref_slice %arg8[%add3A_74, %dma_wait3A_79] : memref<40x128xi32, #tpu.memory_space<vmem>> -> memref<1x128xi32, #tpu.memory_space<vmem>>
      %dma_wait3A_81 = tpu.memref_squeeze %dma_wait3A_80 : memref<1x128xi32, #tpu.memory_space<vmem>> -> memref<128xi32, #tpu.memory_space<vmem>>
      %dma_wait3A_82 = arith.constant 0 : i32
      %dma_wait3A_83 = arith.constant 0 : i32
      %dma_wait3A_84 = tpu.memref_slice %arg2[%dma_wait3A_82, %dma_wait3A_83] : memref<10000x128xf32, #tpu.memory_space<hbm>> -> memref<10000x128xf32, #tpu.memory_space<hbm>>
      tpu.wait_indirect_dma semaphore(%arg11 : memref<!tpu.dma_semaphore, #tpu.memory_space<semaphore_mem>>) src(%dma_wait3A_84 : memref<10000x128xf32, #tpu.memory_space<hbm>>) dst(%dma_wait3A_78 : memref<128x128xf32, #tpu.memory_space<vmem>>)
      %run_scoped3A = arith.constant 0 : i32
      "tpu.region"() ({
        %run_scoped3A_115 = tpu.sem_alloc : memref<!tpu.dma_semaphore, #tpu.memory_space<semaphore_mem>>
        %dma_start3A_116 = arith.constant 0 : i32
        %dma_start3A_117 = arith.constant 0 : i32
        %dma_start3A_118 = tpu.memref_slice %arg9[%run_scoped3A, %dma_start3A_116, %dma_start3A_117] : memref<2x128x128xf32, #tpu.memory_space<vmem>> -> memref<1x128x128xf32, #tpu.memory_space<vmem>>
        %dma_start3A_119 = tpu.memref_squeeze %dma_start3A_118 : memref<1x128x128xf32, #tpu.memory_space<vmem>> -> memref<128x128xf32, #tpu.memory_space<vmem>>
        %dma_start3A_120 = arith.constant 0 : i32
        %dma_start3A_121 = tpu.memref_slice %arg7[%add3A_74, %dma_start3A_120] : memref<40x128xi32, #tpu.memory_space<vmem>> -> memref<1x128xi32, #tpu.memory_space<vmem>>
        %dma_start3A_122 = tpu.memref_squeeze %dma_start3A_121 : memref<1x128xi32, #tpu.memory_space<vmem>> -> memref<128xi32, #tpu.memory_space<vmem>>
        %dma_start3A_123 = arith.constant 0 : i32
        %dma_start3A_124 = arith.constant 0 : i32
        %dma_start3A_125 = tpu.memref_slice %arg10[%dma_start3A_123, %dma_start3A_124] : memref<10112x128xf32, #tpu.memory_space<vmem_shared>> -> memref<10112x128xf32, #tpu.memory_space<vmem_shared>>
        tpu.enqueue_indirect_dma source(%dma_start3A_119 : memref<128x128xf32, #tpu.memory_space<vmem>>) target(%dma_start3A_125 : memref<10112x128xf32, #tpu.memory_space<vmem_shared>>) offsets(%dma_start3A_122 : memref<128xi32, #tpu.memory_space<vmem>>) semaphore(%run_scoped3A_115 : memref<!tpu.dma_semaphore, #tpu.memory_space<semaphore_mem>>) {add = true}
        %dma_wait3A_126 = arith.constant 0 : i32
        %dma_wait3A_127 = arith.constant 0 : i32
        %dma_wait3A_128 = tpu.memref_slice %arg9[%run_scoped3A, %dma_wait3A_126, %dma_wait3A_127] : memref<2x128x128xf32, #tpu.memory_space<vmem>> -> memref<1x128x128xf32, #tpu.memory_space<vmem>>
        %dma_wait3A_129 = tpu.memref_squeeze %dma_wait3A_128 : memref<1x128x128xf32, #tpu.memory_space<vmem>> -> memref<128x128xf32, #tpu.memory_space<vmem>>
        %dma_wait3A_130 = arith.constant 0 : i32
        %dma_wait3A_131 = tpu.memref_slice %arg7[%add3A_74, %dma_wait3A_130] : memref<40x128xi32, #tpu.memory_space<vmem>> -> memref<1x128xi32, #tpu.memory_space<vmem>>
        %dma_wait3A_132 = tpu.memref_squeeze %dma_wait3A_131 : memref<1x128xi32, #tpu.memory_space<vmem>> -> memref<128xi32, #tpu.memory_space<vmem>>
        %dma_wait3A_133 = arith.constant 0 : i32
        %dma_wait3A_134 = arith.constant 0 : i32
        %dma_wait3A_135 = tpu.memref_slice %arg10[%dma_wait3A_133, %dma_wait3A_134] : memref<10112x128xf32, #tpu.memory_space<vmem_shared>> -> memref<10112x128xf32, #tpu.memory_space<vmem_shared>>
        tpu.wait_indirect_dma semaphore(%run_scoped3A_115 : memref<!tpu.dma_semaphore, #tpu.memory_space<semaphore_mem>>) src(%dma_wait3A_129 : memref<128x128xf32, #tpu.memory_space<vmem>>) dst(%dma_wait3A_135 : memref<10112x128xf32, #tpu.memory_space<vmem_shared>>)
        tpu.yield
      }) : () -> ()
      %add3A_85 = arith.constant 2 : i32
      %add3A_86 = arith.addi %add3A_74, %add3A_85 : i32
      %lt3A_87 = arith.constant 40 : i32
      %lt3A_88 = arith.cmpi slt, %add3A_86, %lt3A_87 : i32
      %convert_element_type3A_89 = arith.extui %lt3A_88 : i1 to i32
      %cond3A_90 = arith.constant 0 : i32
      %cond3A_91 = arith.cmpi ne, %convert_element_type3A_89, %cond3A_90 : i32
      scf.if %cond3A_91 {
        %dma_start3A_115 = arith.constant 0 : i32
        %dma_start3A_116 = arith.constant 0 : i32
        %dma_start3A_117 = arith.constant 0 : i32
        %dma_start3A_118 = tpu.memref_slice %arg9[%dma_start3A_115, %dma_start3A_116, %dma_start3A_117] : memref<2x128x128xf32, #tpu.memory_space<vmem>> -> memref<1x128x128xf32, #tpu.memory_space<vmem>>
        %dma_start3A_119 = tpu.memref_squeeze %dma_start3A_118 : memref<1x128x128xf32, #tpu.memory_space<vmem>> -> memref<128x128xf32, #tpu.memory_space<vmem>>
        %dma_start3A_120 = arith.constant 0 : i32
        %dma_start3A_121 = tpu.memref_slice %arg8[%add3A_86, %dma_start3A_120] : memref<40x128xi32, #tpu.memory_space<vmem>> -> memref<1x128xi32, #tpu.memory_space<vmem>>
        %dma_start3A_122 = tpu.memref_squeeze %dma_start3A_121 : memref<1x128xi32, #tpu.memory_space<vmem>> -> memref<128xi32, #tpu.memory_space<vmem>>
        %dma_start3A_123 = arith.constant 0 : i32
        %dma_start3A_124 = arith.constant 0 : i32
        %dma_start3A_125 = tpu.memref_slice %arg2[%dma_start3A_123, %dma_start3A_124] : memref<10000x128xf32, #tpu.memory_space<hbm>> -> memref<10000x128xf32, #tpu.memory_space<hbm>>
        tpu.enqueue_indirect_dma source(%dma_start3A_125 : memref<10000x128xf32, #tpu.memory_space<hbm>>) target(%dma_start3A_119 : memref<128x128xf32, #tpu.memory_space<vmem>>) offsets(%dma_start3A_122 : memref<128xi32, #tpu.memory_space<vmem>>) semaphore(%arg11 : memref<!tpu.dma_semaphore, #tpu.memory_space<semaphore_mem>>)
      } else {
      }
      %mul3A_92 = arith.constant 2 : i32
      %mul3A_93 = arith.muli %scan3A_70, %mul3A_92 : i32
      %add3A_94 = arith.constant 1 : i32
      %add3A_95 = arith.addi %mul3A_93, %add3A_94 : i32
      %dma_wait3A_96 = arith.constant 1 : i32
      %dma_wait3A_97 = arith.constant 0 : i32
      %dma_wait3A_98 = arith.constant 0 : i32
      %dma_wait3A_99 = tpu.memref_slice %arg9[%dma_wait3A_96, %dma_wait3A_97, %dma_wait3A_98] : memref<2x128x128xf32, #tpu.memory_space<vmem>> -> memref<1x128x128xf32, #tpu.memory_space<vmem>>
      %dma_wait3A_100 = tpu.memref_squeeze %dma_wait3A_99 : memref<1x128x128xf32, #tpu.memory_space<vmem>> -> memref<128x128xf32, #tpu.memory_space<vmem>>
      %dma_wait3A_101 = arith.constant 0 : i32
      %dma_wait3A_102 = tpu.memref_slice %arg8[%add3A_95, %dma_wait3A_101] : memref<40x128xi32, #tpu.memory_space<vmem>> -> memref<1x128xi32, #tpu.memory_space<vmem>>
      %dma_wait3A_103 = tpu.memref_squeeze %dma_wait3A_102 : memref<1x128xi32, #tpu.memory_space<vmem>> -> memref<128xi32, #tpu.memory_space<vmem>>
      %dma_wait3A_104 = arith.constant 0 : i32
      %dma_wait3A_105 = arith.constant 0 : i32
      %dma_wait3A_106 = tpu.memref_slice %arg2[%dma_wait3A_104, %dma_wait3A_105] : memref<10000x128xf32, #tpu.memory_space<hbm>> -> memref<10000x128xf32, #tpu.memory_space<hbm>>
      tpu.wait_indirect_dma semaphore(%arg12 : memref<!tpu.dma_semaphore, #tpu.memory_space<semaphore_mem>>) src(%dma_wait3A_106 : memref<10000x128xf32, #tpu.memory_space<hbm>>) dst(%dma_wait3A_100 : memref<128x128xf32, #tpu.memory_space<vmem>>)
      %run_scoped3A_107 = arith.constant 1 : i32
      "tpu.region"() ({
        %run_scoped3A_115 = tpu.sem_alloc : memref<!tpu.dma_semaphore, #tpu.memory_space<semaphore_mem>>
        %dma_start3A_116 = arith.constant 0 : i32
        %dma_start3A_117 = arith.constant 0 : i32
        %dma_start3A_118 = tpu.memref_slice %arg9[%run_scoped3A_107, %dma_start3A_116, %dma_start3A_117] : memref<2x128x128xf32, #tpu.memory_space<vmem>> -> memref<1x128x128xf32, #tpu.memory_space<vmem>>
        %dma_start3A_119 = tpu.memref_squeeze %dma_start3A_118 : memref<1x128x128xf32, #tpu.memory_space<vmem>> -> memref<128x128xf32, #tpu.memory_space<vmem>>
        %dma_start3A_120 = arith.constant 0 : i32
        %dma_start3A_121 = tpu.memref_slice %arg7[%add3A_95, %dma_start3A_120] : memref<40x128xi32, #tpu.memory_space<vmem>> -> memref<1x128xi32, #tpu.memory_space<vmem>>
        %dma_start3A_122 = tpu.memref_squeeze %dma_start3A_121 : memref<1x128xi32, #tpu.memory_space<vmem>> -> memref<128xi32, #tpu.memory_space<vmem>>
        %dma_start3A_123 = arith.constant 0 : i32
        %dma_start3A_124 = arith.constant 0 : i32
        %dma_start3A_125 = tpu.memref_slice %arg10[%dma_start3A_123, %dma_start3A_124] : memref<10112x128xf32, #tpu.memory_space<vmem_shared>> -> memref<10112x128xf32, #tpu.memory_space<vmem_shared>>
        tpu.enqueue_indirect_dma source(%dma_start3A_119 : memref<128x128xf32, #tpu.memory_space<vmem>>) target(%dma_start3A_125 : memref<10112x128xf32, #tpu.memory_space<vmem_shared>>) offsets(%dma_start3A_122 : memref<128xi32, #tpu.memory_space<vmem>>) semaphore(%run_scoped3A_115 : memref<!tpu.dma_semaphore, #tpu.memory_space<semaphore_mem>>) {add = true}
        %dma_wait3A_126 = arith.constant 0 : i32
        %dma_wait3A_127 = arith.constant 0 : i32
        %dma_wait3A_128 = tpu.memref_slice %arg9[%run_scoped3A_107, %dma_wait3A_126, %dma_wait3A_127] : memref<2x128x128xf32, #tpu.memory_space<vmem>> -> memref<1x128x128xf32, #tpu.memory_space<vmem>>
        %dma_wait3A_129 = tpu.memref_squeeze %dma_wait3A_128 : memref<1x128x128xf32, #tpu.memory_space<vmem>> -> memref<128x128xf32, #tpu.memory_space<vmem>>
        %dma_wait3A_130 = arith.constant 0 : i32
        %dma_wait3A_131 = tpu.memref_slice %arg7[%add3A_95, %dma_wait3A_130] : memref<40x128xi32, #tpu.memory_space<vmem>> -> memref<1x128xi32, #tpu.memory_space<vmem>>
        %dma_wait3A_132 = tpu.memref_squeeze %dma_wait3A_131 : memref<1x128xi32, #tpu.memory_space<vmem>> -> memref<128xi32, #tpu.memory_space<vmem>>
        %dma_wait3A_133 = arith.constant 0 : i32
        %dma_wait3A_134 = arith.constant 0 : i32
        %dma_wait3A_135 = tpu.memref_slice %arg10[%dma_wait3A_133, %dma_wait3A_134] : memref<10112x128xf32, #tpu.memory_space<vmem_shared>> -> memref<10112x128xf32, #tpu.memory_space<vmem_shared>>
        tpu.wait_indirect_dma semaphore(%run_scoped3A_115 : memref<!tpu.dma_semaphore, #tpu.memory_space<semaphore_mem>>) src(%dma_wait3A_129 : memref<128x128xf32, #tpu.memory_space<vmem>>) dst(%dma_wait3A_135 : memref<10112x128xf32, #tpu.memory_space<vmem_shared>>)
        tpu.yield
      }) : () -> ()
      %add3A_108 = arith.constant 2 : i32
      %add3A_109 = arith.addi %add3A_95, %add3A_108 : i32
      %lt3A_110 = arith.constant 40 : i32
      %lt3A_111 = arith.cmpi slt, %add3A_109, %lt3A_110 : i32
      %convert_element_type3A_112 = arith.extui %lt3A_111 : i1 to i32
      %cond3A_113 = arith.constant 0 : i32
      %cond3A_114 = arith.cmpi ne, %convert_element_type3A_112, %cond3A_113 : i32
      scf.if %cond3A_114 {
        %dma_start3A_115 = arith.constant 1 : i32
        %dma_start3A_116 = arith.constant 0 : i32
        %dma_start3A_117 = arith.constant 0 : i32
        %dma_start3A_118 = tpu.memref_slice %arg9[%dma_start3A_115, %dma_start3A_116, %dma_start3A_117] : memref<2x128x128xf32, #tpu.memory_space<vmem>> -> memref<1x128x128xf32, #tpu.memory_space<vmem>>
        %dma_start3A_119 = tpu.memref_squeeze %dma_start3A_118 : memref<1x128x128xf32, #tpu.memory_space<vmem>> -> memref<128x128xf32, #tpu.memory_space<vmem>>
        %dma_start3A_120 = arith.constant 0 : i32
        %dma_start3A_121 = tpu.memref_slice %arg8[%add3A_109, %dma_start3A_120] : memref<40x128xi32, #tpu.memory_space<vmem>> -> memref<1x128xi32, #tpu.memory_space<vmem>>
        %dma_start3A_122 = tpu.memref_squeeze %dma_start3A_121 : memref<1x128xi32, #tpu.memory_space<vmem>> -> memref<128xi32, #tpu.memory_space<vmem>>
        %dma_start3A_123 = arith.constant 0 : i32
        %dma_start3A_124 = arith.constant 0 : i32
        %dma_start3A_125 = tpu.memref_slice %arg2[%dma_start3A_123, %dma_start3A_124] : memref<10000x128xf32, #tpu.memory_space<hbm>> -> memref<10000x128xf32, #tpu.memory_space<hbm>>
        tpu.enqueue_indirect_dma source(%dma_start3A_125 : memref<10000x128xf32, #tpu.memory_space<hbm>>) target(%dma_start3A_119 : memref<128x128xf32, #tpu.memory_space<vmem>>) offsets(%dma_start3A_122 : memref<128xi32, #tpu.memory_space<vmem>>) semaphore(%arg12 : memref<!tpu.dma_semaphore, #tpu.memory_space<semaphore_mem>>)
      } else {
      }
    }
    %scan3A_62 = arith.constant 20 : i32
    %barrier3A_63 = arith.constant 0 : index
    tpu.barrier barrier_id(%barrier3A_63)
    %lt3A = arith.constant 15 : i32
    %lt3A_64 = arith.cmpi slt, %arg1, %lt3A : i32
    %convert_element_type3A = arith.extui %lt3A_64 : i1 to i32
    %cond3A = arith.constant 0 : i32
    %cond3A_65 = arith.cmpi ne, %convert_element_type3A, %cond3A : i32
    scf.if %cond3A_65 {
      %mul3A_70 = arith.constant 632 : i32
      %mul3A_71 = arith.muli %arg1, %mul3A_70 : i32
      %mul3A_72 = arith.constant 632 : i32
      %mul3A_73 = arith.muli %arg1, %mul3A_72 : i32
      "tpu.region"() ({
        %run_scoped3A = tpu.sem_alloc : memref<!tpu.dma_semaphore, #tpu.memory_space<semaphore_mem>>
        %dma_start3A_74 = arith.constant 0 : i32
        %dma_start3A_75 = tpu.memref_slice %arg6[%arg0, %mul3A_73, %dma_start3A_74] : memref<2x10000x128xf32, #tpu.memory_space<hbm>> -> memref<1x632x128xf32, #tpu.memory_space<hbm>>
        %dma_start3A_76 = tpu.memref_squeeze %dma_start3A_75 : memref<1x632x128xf32, #tpu.memory_space<hbm>> -> memref<632x128xf32, #tpu.memory_space<hbm>>
        %dma_start3A_77 = arith.constant 0 : i32
        %dma_start3A_78 = tpu.memref_slice %arg10[%mul3A_71, %dma_start3A_77] : memref<10112x128xf32, #tpu.memory_space<vmem_shared>> -> memref<632x128xf32, #tpu.memory_space<vmem_shared>>
        tpu.enqueue_dma source(%dma_start3A_78 : memref<632x128xf32, #tpu.memory_space<vmem_shared>>) target(%dma_start3A_76 : memref<632x128xf32, #tpu.memory_space<hbm>>) target_semaphore(%run_scoped3A : memref<!tpu.dma_semaphore, #tpu.memory_space<semaphore_mem>>)
        %dma_wait3A = arith.constant 0 : i32
        %dma_wait3A_79 = tpu.memref_slice %arg6[%arg0, %mul3A_73, %dma_wait3A] : memref<2x10000x128xf32, #tpu.memory_space<hbm>> -> memref<1x632x128xf32, #tpu.memory_space<hbm>>
        %dma_wait3A_80 = tpu.memref_squeeze %dma_wait3A_79 : memref<1x632x128xf32, #tpu.memory_space<hbm>> -> memref<632x128xf32, #tpu.memory_space<hbm>>
        %dma_wait3A_81 = arith.constant 0 : i32
        %dma_wait3A_82 = tpu.memref_slice %arg10[%mul3A_71, %dma_wait3A_81] : memref<10112x128xf32, #tpu.memory_space<vmem_shared>> -> memref<632x128xf32, #tpu.memory_space<vmem_shared>>
        tpu.wait_dma2 semaphore(%run_scoped3A : memref<!tpu.dma_semaphore, #tpu.memory_space<semaphore_mem>>) src(%dma_wait3A_82 : memref<632x128xf32, #tpu.memory_space<vmem_shared>>) dst(%dma_wait3A_80 : memref<632x128xf32, #tpu.memory_space<hbm>>)
        tpu.yield
      }) : () -> ()
    } else {
    }
    %eq3A = arith.constant 15 : i32
    %eq3A_66 = arith.cmpi eq, %arg1, %eq3A : i32
    %convert_element_type3A_67 = arith.extui %eq3A_66 : i1 to i32
    %cond3A_68 = arith.constant 0 : i32
    %cond3A_69 = arith.cmpi ne, %convert_element_type3A_67, %cond3A_68 : i32
    scf.if %cond3A_69 {
      "tpu.region"() ({
        %run_scoped3A = tpu.sem_alloc : memref<!tpu.dma_semaphore, #tpu.memory_space<semaphore_mem>>
        %dma_start3A_70 = arith.constant 9480 : i32
        %dma_start3A_71 = arith.constant 0 : i32
        %dma_start3A_72 = tpu.memref_slice %arg6[%arg0, %dma_start3A_70, %dma_start3A_71] : memref<2x10000x128xf32, #tpu.memory_space<hbm>> -> memref<1x520x128xf32, #tpu.memory_space<hbm>>
        %dma_start3A_73 = tpu.memref_squeeze %dma_start3A_72 : memref<1x520x128xf32, #tpu.memory_space<hbm>> -> memref<520x128xf32, #tpu.memory_space<hbm>>
        %dma_start3A_74 = arith.constant 9480 : i32
        %dma_start3A_75 = arith.constant 0 : i32
        %dma_start3A_76 = tpu.memref_slice %arg10[%dma_start3A_74, %dma_start3A_75] : memref<10112x128xf32, #tpu.memory_space<vmem_shared>> -> memref<520x128xf32, #tpu.memory_space<vmem_shared>>
        tpu.enqueue_dma source(%dma_start3A_76 : memref<520x128xf32, #tpu.memory_space<vmem_shared>>) target(%dma_start3A_73 : memref<520x128xf32, #tpu.memory_space<hbm>>) target_semaphore(%run_scoped3A : memref<!tpu.dma_semaphore, #tpu.memory_space<semaphore_mem>>)
        %dma_wait3A = arith.constant 9480 : i32
        %dma_wait3A_77 = arith.constant 0 : i32
        %dma_wait3A_78 = tpu.memref_slice %arg6[%arg0, %dma_wait3A, %dma_wait3A_77] : memref<2x10000x128xf32, #tpu.memory_space<hbm>> -> memref<1x520x128xf32, #tpu.memory_space<hbm>>
        %dma_wait3A_79 = tpu.memref_squeeze %dma_wait3A_78 : memref<1x520x128xf32, #tpu.memory_space<hbm>> -> memref<520x128xf32, #tpu.memory_space<hbm>>
        %dma_wait3A_80 = arith.constant 9480 : i32
        %dma_wait3A_81 = arith.constant 0 : i32
        %dma_wait3A_82 = tpu.memref_slice %arg10[%dma_wait3A_80, %dma_wait3A_81] : memref<10112x128xf32, #tpu.memory_space<vmem_shared>> -> memref<520x128xf32, #tpu.memory_space<vmem_shared>>
        tpu.wait_dma2 semaphore(%run_scoped3A : memref<!tpu.dma_semaphore, #tpu.memory_space<semaphore_mem>>) src(%dma_wait3A_82 : memref<520x128xf32, #tpu.memory_space<vmem_shared>>) dst(%dma_wait3A_79 : memref<520x128xf32, #tpu.memory_space<hbm>>)
        tpu.yield
      }) : () -> ()
    } else {
    }
    return
  }
}

#map = affine_map<(d0, d1) -> (0, 0)>
#map1 = affine_map<(d0, d1) -> (0, 0, 0)>
module attributes {stable_mosaic.version = 14 : i64} {
  func.func @_agg_body(%arg0: i32, %arg1: i32, %arg2: memref<10000x128xf32, #tpu.memory_space<hbm>>, %arg3: memref<32x80x128xi32, #tpu.memory_space<hbm>>, %arg4: memref<32x80x128xi32, #tpu.memory_space<hbm>>, %arg5: memref<10112x128xf32, #tpu.memory_space<hbm>>, %arg6: memref<2x10000x128xf32, #tpu.memory_space<hbm>>, %arg7: memref<40x128xi32, #tpu.memory_space<vmem>>, %arg8: memref<40x128xi32, #tpu.memory_space<vmem>>, %arg9: memref<2x128x128xf32, #tpu.memory_space<vmem>>, %arg10: memref<10112x128xf32, #tpu.memory_space<vmem_shared>>, %arg11: memref<!tpu.dma_semaphore, #tpu.memory_space<semaphore_mem>>, %arg12: memref<!tpu.dma_semaphore, #tpu.memory_space<semaphore_mem>>) attributes {dimension_semantics = [#tpu.dimension_semantics<core_parallel>, #tpu.dimension_semantics<subcore_parallel>], iteration_bounds = array<i64: 2, 16>, scalar_prefetch = 0 : i64, scratch_operands = 6 : i64, tpu.core_type = #tpu.core_type<sc_vector_subcore>, window_params = [{transform_indices = #map}, {transform_indices = #map1}, {transform_indices = #map1}, {transform_indices = #map}, {transform_indices = #map1}]} {
    %mul3A = arith.constant 16 : i32
    %mul3A_0 = arith.muli %arg0, %mul3A : i32
    %add3A = arith.addi %mul3A_0, %arg1 : i32
    %mul3A_1 = arith.constant 632 : i32
    %mul3A_2 = arith.muli %arg1, %mul3A_1 : i32
    %mul3A_3 = arith.constant 632 : i32
    %mul3A_4 = arith.muli %arg1, %mul3A_3 : i32
    "tpu.region"() ({
      %run_scoped3A = tpu.sem_alloc : memref<!tpu.dma_semaphore, #tpu.memory_space<semaphore_mem>>
      %dma_start3A_70 = arith.constant 0 : i32
      %dma_start3A_71 = tpu.memref_slice %arg10[%mul3A_4, %dma_start3A_70] : memref<10112x128xf32, #tpu.memory_space<vmem_shared>> -> memref<632x128xf32, #tpu.memory_space<vmem_shared>>
      %dma_start3A_72 = arith.constant 0 : i32
      %dma_start3A_73 = tpu.memref_slice %arg5[%mul3A_2, %dma_start3A_72] : memref<10112x128xf32, #tpu.memory_space<hbm>> -> memref<632x128xf32, #tpu.memory_space<hbm>>
      tpu.enqueue_dma source(%dma_start3A_73 : memref<632x128xf32, #tpu.memory_space<hbm>>) target(%dma_start3A_71 : memref<632x128xf32, #tpu.memory_space<vmem_shared>>) target_semaphore(%run_scoped3A : memref<!tpu.dma_semaphore, #tpu.memory_space<semaphore_mem>>)
      %dma_wait3A = arith.constant 0 : i32
      %dma_wait3A_74 = tpu.memref_slice %arg10[%mul3A_4, %dma_wait3A] : memref<10112x128xf32, #tpu.memory_space<vmem_shared>> -> memref<632x128xf32, #tpu.memory_space<vmem_shared>>
      %dma_wait3A_75 = arith.constant 0 : i32
      %dma_wait3A_76 = tpu.memref_slice %arg5[%mul3A_2, %dma_wait3A_75] : memref<10112x128xf32, #tpu.memory_space<hbm>> -> memref<632x128xf32, #tpu.memory_space<hbm>>
      tpu.wait_dma2 semaphore(%run_scoped3A : memref<!tpu.dma_semaphore, #tpu.memory_space<semaphore_mem>>) src(%dma_wait3A_76 : memref<632x128xf32, #tpu.memory_space<hbm>>) dst(%dma_wait3A_74 : memref<632x128xf32, #tpu.memory_space<vmem_shared>>)
      tpu.yield
    }) : () -> ()
    "tpu.region"() ({
      %run_scoped3A = tpu.sem_alloc : memref<!tpu.dma_semaphore, #tpu.memory_space<semaphore_mem>>
      %dma_start3A_70 = arith.constant 0 : i32
      %dma_start3A_71 = arith.constant 0 : i32
      %dma_start3A_72 = tpu.memref_slice %arg3[%add3A, %dma_start3A_70, %dma_start3A_71] : memref<32x80x128xi32, #tpu.memory_space<hbm>> -> memref<1x40x128xi32, #tpu.memory_space<hbm>>
      %dma_start3A_73 = tpu.memref_squeeze %dma_start3A_72 : memref<1x40x128xi32, #tpu.memory_space<hbm>> -> memref<40x128xi32, #tpu.memory_space<hbm>>
      %dma_start3A_74 = arith.constant 0 : i32
      %dma_start3A_75 = arith.constant 0 : i32
      %dma_start3A_76 = tpu.memref_slice %arg3[%add3A, %dma_start3A_74, %dma_start3A_75] : memref<32x80x128xi32, #tpu.memory_space<hbm>> -> memref<1x40x128xi32, #tpu.memory_space<hbm>>
      %dma_start3A_77 = tpu.memref_squeeze %dma_start3A_76 : memref<1x40x128xi32, #tpu.memory_space<hbm>> -> memref<40x128xi32, #tpu.memory_space<hbm>>
      tpu.enqueue_dma source(%dma_start3A_77 : memref<40x128xi32, #tpu.memory_space<hbm>>) target(%arg7 : memref<40x128xi32, #tpu.memory_space<vmem>>) target_semaphore(%run_scoped3A : memref<!tpu.dma_semaphore, #tpu.memory_space<semaphore_mem>>)
      %dma_wait3A = arith.constant 0 : i32
      %dma_wait3A_78 = arith.constant 0 : i32
      %dma_wait3A_79 = tpu.memref_slice %arg3[%add3A, %dma_wait3A, %dma_wait3A_78] : memref<32x80x128xi32, #tpu.memory_space<hbm>> -> memref<1x40x128xi32, #tpu.memory_space<hbm>>
      %dma_wait3A_80 = tpu.memref_squeeze %dma_wait3A_79 : memref<1x40x128xi32, #tpu.memory_space<hbm>> -> memref<40x128xi32, #tpu.memory_space<hbm>>
      %dma_wait3A_81 = arith.constant 0 : i32
      %dma_wait3A_82 = arith.constant 0 : i32
      %dma_wait3A_83 = tpu.memref_slice %arg3[%add3A, %dma_wait3A_81, %dma_wait3A_82] : memref<32x80x128xi32, #tpu.memory_space<hbm>> -> memref<1x40x128xi32, #tpu.memory_space<hbm>>
      %dma_wait3A_84 = tpu.memref_squeeze %dma_wait3A_83 : memref<1x40x128xi32, #tpu.memory_space<hbm>> -> memref<40x128xi32, #tpu.memory_space<hbm>>
      tpu.wait_dma2 semaphore(%run_scoped3A : memref<!tpu.dma_semaphore, #tpu.memory_space<semaphore_mem>>) src(%dma_wait3A_84 : memref<40x128xi32, #tpu.memory_space<hbm>>) dst(%arg7 : memref<40x128xi32, #tpu.memory_space<vmem>>)
      tpu.yield
    }) : () -> ()
    "tpu.region"() ({
      %run_scoped3A = tpu.sem_alloc : memref<!tpu.dma_semaphore, #tpu.memory_space<semaphore_mem>>
      %dma_start3A_70 = arith.constant 0 : i32
      %dma_start3A_71 = arith.constant 0 : i32
      %dma_start3A_72 = tpu.memref_slice %arg4[%add3A, %dma_start3A_70, %dma_start3A_71] : memref<32x80x128xi32, #tpu.memory_space<hbm>> -> memref<1x40x128xi32, #tpu.memory_space<hbm>>
      %dma_start3A_73 = tpu.memref_squeeze %dma_start3A_72 : memref<1x40x128xi32, #tpu.memory_space<hbm>> -> memref<40x128xi32, #tpu.memory_space<hbm>>
      %dma_start3A_74 = arith.constant 0 : i32
      %dma_start3A_75 = arith.constant 0 : i32
      %dma_start3A_76 = tpu.memref_slice %arg4[%add3A, %dma_start3A_74, %dma_start3A_75] : memref<32x80x128xi32, #tpu.memory_space<hbm>> -> memref<1x40x128xi32, #tpu.memory_space<hbm>>
      %dma_start3A_77 = tpu.memref_squeeze %dma_start3A_76 : memref<1x40x128xi32, #tpu.memory_space<hbm>> -> memref<40x128xi32, #tpu.memory_space<hbm>>
      tpu.enqueue_dma source(%dma_start3A_77 : memref<40x128xi32, #tpu.memory_space<hbm>>) target(%arg8 : memref<40x128xi32, #tpu.memory_space<vmem>>) target_semaphore(%run_scoped3A : memref<!tpu.dma_semaphore, #tpu.memory_space<semaphore_mem>>)
      %dma_wait3A = arith.constant 0 : i32
      %dma_wait3A_78 = arith.constant 0 : i32
      %dma_wait3A_79 = tpu.memref_slice %arg4[%add3A, %dma_wait3A, %dma_wait3A_78] : memref<32x80x128xi32, #tpu.memory_space<hbm>> -> memref<1x40x128xi32, #tpu.memory_space<hbm>>
      %dma_wait3A_80 = tpu.memref_squeeze %dma_wait3A_79 : memref<1x40x128xi32, #tpu.memory_space<hbm>> -> memref<40x128xi32, #tpu.memory_space<hbm>>
      %dma_wait3A_81 = arith.constant 0 : i32
      %dma_wait3A_82 = arith.constant 0 : i32
      %dma_wait3A_83 = tpu.memref_slice %arg4[%add3A, %dma_wait3A_81, %dma_wait3A_82] : memref<32x80x128xi32, #tpu.memory_space<hbm>> -> memref<1x40x128xi32, #tpu.memory_space<hbm>>
      %dma_wait3A_84 = tpu.memref_squeeze %dma_wait3A_83 : memref<1x40x128xi32, #tpu.memory_space<hbm>> -> memref<40x128xi32, #tpu.memory_space<hbm>>
      tpu.wait_dma2 semaphore(%run_scoped3A : memref<!tpu.dma_semaphore, #tpu.memory_space<semaphore_mem>>) src(%dma_wait3A_84 : memref<40x128xi32, #tpu.memory_space<hbm>>) dst(%arg8 : memref<40x128xi32, #tpu.memory_space<vmem>>)
      tpu.yield
    }) : () -> ()
    %dma_start3A = arith.constant 0 : i32
    %dma_start3A_5 = arith.constant 0 : i32
    %dma_start3A_6 = arith.constant 0 : i32
    %dma_start3A_7 = arith.constant 0 : i32
    %dma_start3A_8 = tpu.memref_slice %arg9[%dma_start3A_5, %dma_start3A_6, %dma_start3A_7] : memref<2x128x128xf32, #tpu.memory_space<vmem>> -> memref<1x128x128xf32, #tpu.memory_space<vmem>>
    %dma_start3A_9 = tpu.memref_squeeze %dma_start3A_8 : memref<1x128x128xf32, #tpu.memory_space<vmem>> -> memref<128x128xf32, #tpu.memory_space<vmem>>
    %dma_start3A_10 = arith.constant 0 : i32
    %dma_start3A_11 = tpu.memref_slice %arg8[%dma_start3A, %dma_start3A_10] : memref<40x128xi32, #tpu.memory_space<vmem>> -> memref<1x128xi32, #tpu.memory_space<vmem>>
    %dma_start3A_12 = tpu.memref_squeeze %dma_start3A_11 : memref<1x128xi32, #tpu.memory_space<vmem>> -> memref<128xi32, #tpu.memory_space<vmem>>
    %dma_start3A_13 = arith.constant 0 : i32
    %dma_start3A_14 = arith.constant 0 : i32
    %dma_start3A_15 = tpu.memref_slice %arg2[%dma_start3A_13, %dma_start3A_14] : memref<10000x128xf32, #tpu.memory_space<hbm>> -> memref<10000x128xf32, #tpu.memory_space<hbm>>
    tpu.enqueue_indirect_dma source(%dma_start3A_15 : memref<10000x128xf32, #tpu.memory_space<hbm>>) target(%dma_start3A_9 : memref<128x128xf32, #tpu.memory_space<vmem>>) offsets(%dma_start3A_12 : memref<128xi32, #tpu.memory_space<vmem>>) semaphore(%arg11 : memref<!tpu.dma_semaphore, #tpu.memory_space<semaphore_mem>>)
    %dma_start3A_16 = arith.constant 1 : i32
    %dma_start3A_17 = arith.constant 1 : i32
    %dma_start3A_18 = arith.constant 0 : i32
    %dma_start3A_19 = arith.constant 0 : i32
    %dma_start3A_20 = tpu.memref_slice %arg9[%dma_start3A_17, %dma_start3A_18, %dma_start3A_19] : memref<2x128x128xf32, #tpu.memory_space<vmem>> -> memref<1x128x128xf32, #tpu.memory_space<vmem>>
    %dma_start3A_21 = tpu.memref_squeeze %dma_start3A_20 : memref<1x128x128xf32, #tpu.memory_space<vmem>> -> memref<128x128xf32, #tpu.memory_space<vmem>>
    %dma_start3A_22 = arith.constant 0 : i32
    %dma_start3A_23 = tpu.memref_slice %arg8[%dma_start3A_16, %dma_start3A_22] : memref<40x128xi32, #tpu.memory_space<vmem>> -> memref<1x128xi32, #tpu.memory_space<vmem>>
    %dma_start3A_24 = tpu.memref_squeeze %dma_start3A_23 : memref<1x128xi32, #tpu.memory_space<vmem>> -> memref<128xi32, #tpu.memory_space<vmem>>
    %dma_start3A_25 = arith.constant 0 : i32
    %dma_start3A_26 = arith.constant 0 : i32
    %dma_start3A_27 = tpu.memref_slice %arg2[%dma_start3A_25, %dma_start3A_26] : memref<10000x128xf32, #tpu.memory_space<hbm>> -> memref<10000x128xf32, #tpu.memory_space<hbm>>
    tpu.enqueue_indirect_dma source(%dma_start3A_27 : memref<10000x128xf32, #tpu.memory_space<hbm>>) target(%dma_start3A_21 : memref<128x128xf32, #tpu.memory_space<vmem>>) offsets(%dma_start3A_24 : memref<128xi32, #tpu.memory_space<vmem>>) semaphore(%arg12 : memref<!tpu.dma_semaphore, #tpu.memory_space<semaphore_mem>>)
    %barrier3A = arith.constant 0 : index
    tpu.barrier barrier_id(%barrier3A)
    %scan3A = arith.constant 0 : i32
    %scan3A_28 = arith.constant 0 : i32
    %scan3A_29 = arith.constant 20 : i32
    %scan3A_30 = arith.addi %scan3A_28, %scan3A_29 : i32
    %scan3A_31 = arith.constant 1 : i32
    scf.for %scan3A_70 = %scan3A_28 to %scan3A_30 step %scan3A_31  : i32 {
      %mul3A_71 = arith.constant 2 : i32
      %mul3A_72 = arith.muli %scan3A_70, %mul3A_71 : i32
      %add3A_73 = arith.constant 0 : i32
      %add3A_74 = arith.addi %mul3A_72, %add3A_73 : i32
      %dma_wait3A = arith.constant 0 : i32
      %dma_wait3A_75 = arith.constant 0 : i32
      %dma_wait3A_76 = arith.constant 0 : i32
      %dma_wait3A_77 = tpu.memref_slice %arg9[%dma_wait3A, %dma_wait3A_75, %dma_wait3A_76] : memref<2x128x128xf32, #tpu.memory_space<vmem>> -> memref<1x128x128xf32, #tpu.memory_space<vmem>>
      %dma_wait3A_78 = tpu.memref_squeeze %dma_wait3A_77 : memref<1x128x128xf32, #tpu.memory_space<vmem>> -> memref<128x128xf32, #tpu.memory_space<vmem>>
      %dma_wait3A_79 = arith.constant 0 : i32
      %dma_wait3A_80 = tpu.memref_slice %arg8[%add3A_74, %dma_wait3A_79] : memref<40x128xi32, #tpu.memory_space<vmem>> -> memref<1x128xi32, #tpu.memory_space<vmem>>
      %dma_wait3A_81 = tpu.memref_squeeze %dma_wait3A_80 : memref<1x128xi32, #tpu.memory_space<vmem>> -> memref<128xi32, #tpu.memory_space<vmem>>
      %dma_wait3A_82 = arith.constant 0 : i32
      %dma_wait3A_83 = arith.constant 0 : i32
      %dma_wait3A_84 = tpu.memref_slice %arg2[%dma_wait3A_82, %dma_wait3A_83] : memref<10000x128xf32, #tpu.memory_space<hbm>> -> memref<10000x128xf32, #tpu.memory_space<hbm>>
      tpu.wait_indirect_dma semaphore(%arg11 : memref<!tpu.dma_semaphore, #tpu.memory_space<semaphore_mem>>) src(%dma_wait3A_84 : memref<10000x128xf32, #tpu.memory_space<hbm>>) dst(%dma_wait3A_78 : memref<128x128xf32, #tpu.memory_space<vmem>>)
      %run_scoped3A = arith.constant 0 : i32
      "tpu.region"() ({
        %run_scoped3A_115 = tpu.sem_alloc : memref<!tpu.dma_semaphore, #tpu.memory_space<semaphore_mem>>
        %dma_start3A_116 = arith.constant 0 : i32
        %dma_start3A_117 = arith.constant 0 : i32
        %dma_start3A_118 = tpu.memref_slice %arg9[%run_scoped3A, %dma_start3A_116, %dma_start3A_117] : memref<2x128x128xf32, #tpu.memory_space<vmem>> -> memref<1x128x128xf32, #tpu.memory_space<vmem>>
        %dma_start3A_119 = tpu.memref_squeeze %dma_start3A_118 : memref<1x128x128xf32, #tpu.memory_space<vmem>> -> memref<128x128xf32, #tpu.memory_space<vmem>>
        %dma_start3A_120 = arith.constant 0 : i32
        %dma_start3A_121 = tpu.memref_slice %arg7[%add3A_74, %dma_start3A_120] : memref<40x128xi32, #tpu.memory_space<vmem>> -> memref<1x128xi32, #tpu.memory_space<vmem>>
        %dma_start3A_122 = tpu.memref_squeeze %dma_start3A_121 : memref<1x128xi32, #tpu.memory_space<vmem>> -> memref<128xi32, #tpu.memory_space<vmem>>
        %dma_start3A_123 = arith.constant 0 : i32
        %dma_start3A_124 = arith.constant 0 : i32
        %dma_start3A_125 = tpu.memref_slice %arg10[%dma_start3A_123, %dma_start3A_124] : memref<10112x128xf32, #tpu.memory_space<vmem_shared>> -> memref<10112x128xf32, #tpu.memory_space<vmem_shared>>
        tpu.enqueue_indirect_dma source(%dma_start3A_119 : memref<128x128xf32, #tpu.memory_space<vmem>>) target(%dma_start3A_125 : memref<10112x128xf32, #tpu.memory_space<vmem_shared>>) offsets(%dma_start3A_122 : memref<128xi32, #tpu.memory_space<vmem>>) semaphore(%run_scoped3A_115 : memref<!tpu.dma_semaphore, #tpu.memory_space<semaphore_mem>>) {add = true}
        %dma_wait3A_126 = arith.constant 0 : i32
        %dma_wait3A_127 = arith.constant 0 : i32
        %dma_wait3A_128 = tpu.memref_slice %arg9[%run_scoped3A, %dma_wait3A_126, %dma_wait3A_127] : memref<2x128x128xf32, #tpu.memory_space<vmem>> -> memref<1x128x128xf32, #tpu.memory_space<vmem>>
        %dma_wait3A_129 = tpu.memref_squeeze %dma_wait3A_128 : memref<1x128x128xf32, #tpu.memory_space<vmem>> -> memref<128x128xf32, #tpu.memory_space<vmem>>
        %dma_wait3A_130 = arith.constant 0 : i32
        %dma_wait3A_131 = tpu.memref_slice %arg7[%add3A_74, %dma_wait3A_130] : memref<40x128xi32, #tpu.memory_space<vmem>> -> memref<1x128xi32, #tpu.memory_space<vmem>>
        %dma_wait3A_132 = tpu.memref_squeeze %dma_wait3A_131 : memref<1x128xi32, #tpu.memory_space<vmem>> -> memref<128xi32, #tpu.memory_space<vmem>>
        %dma_wait3A_133 = arith.constant 0 : i32
        %dma_wait3A_134 = arith.constant 0 : i32
        %dma_wait3A_135 = tpu.memref_slice %arg10[%dma_wait3A_133, %dma_wait3A_134] : memref<10112x128xf32, #tpu.memory_space<vmem_shared>> -> memref<10112x128xf32, #tpu.memory_space<vmem_shared>>
        tpu.wait_indirect_dma semaphore(%run_scoped3A_115 : memref<!tpu.dma_semaphore, #tpu.memory_space<semaphore_mem>>) src(%dma_wait3A_129 : memref<128x128xf32, #tpu.memory_space<vmem>>) dst(%dma_wait3A_135 : memref<10112x128xf32, #tpu.memory_space<vmem_shared>>)
        tpu.yield
      }) : () -> ()
      %add3A_85 = arith.constant 2 : i32
      %add3A_86 = arith.addi %add3A_74, %add3A_85 : i32
      %lt3A_87 = arith.constant 40 : i32
      %lt3A_88 = arith.cmpi slt, %add3A_86, %lt3A_87 : i32
      %convert_element_type3A_89 = arith.extui %lt3A_88 : i1 to i32
      %cond3A_90 = arith.constant 0 : i32
      %cond3A_91 = arith.cmpi ne, %convert_element_type3A_89, %cond3A_90 : i32
      scf.if %cond3A_91 {
        %dma_start3A_115 = arith.constant 0 : i32
        %dma_start3A_116 = arith.constant 0 : i32
        %dma_start3A_117 = arith.constant 0 : i32
        %dma_start3A_118 = tpu.memref_slice %arg9[%dma_start3A_115, %dma_start3A_116, %dma_start3A_117] : memref<2x128x128xf32, #tpu.memory_space<vmem>> -> memref<1x128x128xf32, #tpu.memory_space<vmem>>
        %dma_start3A_119 = tpu.memref_squeeze %dma_start3A_118 : memref<1x128x128xf32, #tpu.memory_space<vmem>> -> memref<128x128xf32, #tpu.memory_space<vmem>>
        %dma_start3A_120 = arith.constant 0 : i32
        %dma_start3A_121 = tpu.memref_slice %arg8[%add3A_86, %dma_start3A_120] : memref<40x128xi32, #tpu.memory_space<vmem>> -> memref<1x128xi32, #tpu.memory_space<vmem>>
        %dma_start3A_122 = tpu.memref_squeeze %dma_start3A_121 : memref<1x128xi32, #tpu.memory_space<vmem>> -> memref<128xi32, #tpu.memory_space<vmem>>
        %dma_start3A_123 = arith.constant 0 : i32
        %dma_start3A_124 = arith.constant 0 : i32
        %dma_start3A_125 = tpu.memref_slice %arg2[%dma_start3A_123, %dma_start3A_124] : memref<10000x128xf32, #tpu.memory_space<hbm>> -> memref<10000x128xf32, #tpu.memory_space<hbm>>
        tpu.enqueue_indirect_dma source(%dma_start3A_125 : memref<10000x128xf32, #tpu.memory_space<hbm>>) target(%dma_start3A_119 : memref<128x128xf32, #tpu.memory_space<vmem>>) offsets(%dma_start3A_122 : memref<128xi32, #tpu.memory_space<vmem>>) semaphore(%arg11 : memref<!tpu.dma_semaphore, #tpu.memory_space<semaphore_mem>>)
      } else {
      }
      %mul3A_92 = arith.constant 2 : i32
      %mul3A_93 = arith.muli %scan3A_70, %mul3A_92 : i32
      %add3A_94 = arith.constant 1 : i32
      %add3A_95 = arith.addi %mul3A_93, %add3A_94 : i32
      %dma_wait3A_96 = arith.constant 1 : i32
      %dma_wait3A_97 = arith.constant 0 : i32
      %dma_wait3A_98 = arith.constant 0 : i32
      %dma_wait3A_99 = tpu.memref_slice %arg9[%dma_wait3A_96, %dma_wait3A_97, %dma_wait3A_98] : memref<2x128x128xf32, #tpu.memory_space<vmem>> -> memref<1x128x128xf32, #tpu.memory_space<vmem>>
      %dma_wait3A_100 = tpu.memref_squeeze %dma_wait3A_99 : memref<1x128x128xf32, #tpu.memory_space<vmem>> -> memref<128x128xf32, #tpu.memory_space<vmem>>
      %dma_wait3A_101 = arith.constant 0 : i32
      %dma_wait3A_102 = tpu.memref_slice %arg8[%add3A_95, %dma_wait3A_101] : memref<40x128xi32, #tpu.memory_space<vmem>> -> memref<1x128xi32, #tpu.memory_space<vmem>>
      %dma_wait3A_103 = tpu.memref_squeeze %dma_wait3A_102 : memref<1x128xi32, #tpu.memory_space<vmem>> -> memref<128xi32, #tpu.memory_space<vmem>>
      %dma_wait3A_104 = arith.constant 0 : i32
      %dma_wait3A_105 = arith.constant 0 : i32
      %dma_wait3A_106 = tpu.memref_slice %arg2[%dma_wait3A_104, %dma_wait3A_105] : memref<10000x128xf32, #tpu.memory_space<hbm>> -> memref<10000x128xf32, #tpu.memory_space<hbm>>
      tpu.wait_indirect_dma semaphore(%arg12 : memref<!tpu.dma_semaphore, #tpu.memory_space<semaphore_mem>>) src(%dma_wait3A_106 : memref<10000x128xf32, #tpu.memory_space<hbm>>) dst(%dma_wait3A_100 : memref<128x128xf32, #tpu.memory_space<vmem>>)
      %run_scoped3A_107 = arith.constant 1 : i32
      "tpu.region"() ({
        %run_scoped3A_115 = tpu.sem_alloc : memref<!tpu.dma_semaphore, #tpu.memory_space<semaphore_mem>>
        %dma_start3A_116 = arith.constant 0 : i32
        %dma_start3A_117 = arith.constant 0 : i32
        %dma_start3A_118 = tpu.memref_slice %arg9[%run_scoped3A_107, %dma_start3A_116, %dma_start3A_117] : memref<2x128x128xf32, #tpu.memory_space<vmem>> -> memref<1x128x128xf32, #tpu.memory_space<vmem>>
        %dma_start3A_119 = tpu.memref_squeeze %dma_start3A_118 : memref<1x128x128xf32, #tpu.memory_space<vmem>> -> memref<128x128xf32, #tpu.memory_space<vmem>>
        %dma_start3A_120 = arith.constant 0 : i32
        %dma_start3A_121 = tpu.memref_slice %arg7[%add3A_95, %dma_start3A_120] : memref<40x128xi32, #tpu.memory_space<vmem>> -> memref<1x128xi32, #tpu.memory_space<vmem>>
        %dma_start3A_122 = tpu.memref_squeeze %dma_start3A_121 : memref<1x128xi32, #tpu.memory_space<vmem>> -> memref<128xi32, #tpu.memory_space<vmem>>
        %dma_start3A_123 = arith.constant 0 : i32
        %dma_start3A_124 = arith.constant 0 : i32
        %dma_start3A_125 = tpu.memref_slice %arg10[%dma_start3A_123, %dma_start3A_124] : memref<10112x128xf32, #tpu.memory_space<vmem_shared>> -> memref<10112x128xf32, #tpu.memory_space<vmem_shared>>
        tpu.enqueue_indirect_dma source(%dma_start3A_119 : memref<128x128xf32, #tpu.memory_space<vmem>>) target(%dma_start3A_125 : memref<10112x128xf32, #tpu.memory_space<vmem_shared>>) offsets(%dma_start3A_122 : memref<128xi32, #tpu.memory_space<vmem>>) semaphore(%run_scoped3A_115 : memref<!tpu.dma_semaphore, #tpu.memory_space<semaphore_mem>>) {add = true}
        %dma_wait3A_126 = arith.constant 0 : i32
        %dma_wait3A_127 = arith.constant 0 : i32
        %dma_wait3A_128 = tpu.memref_slice %arg9[%run_scoped3A_107, %dma_wait3A_126, %dma_wait3A_127] : memref<2x128x128xf32, #tpu.memory_space<vmem>> -> memref<1x128x128xf32, #tpu.memory_space<vmem>>
        %dma_wait3A_129 = tpu.memref_squeeze %dma_wait3A_128 : memref<1x128x128xf32, #tpu.memory_space<vmem>> -> memref<128x128xf32, #tpu.memory_space<vmem>>
        %dma_wait3A_130 = arith.constant 0 : i32
        %dma_wait3A_131 = tpu.memref_slice %arg7[%add3A_95, %dma_wait3A_130] : memref<40x128xi32, #tpu.memory_space<vmem>> -> memref<1x128xi32, #tpu.memory_space<vmem>>
        %dma_wait3A_132 = tpu.memref_squeeze %dma_wait3A_131 : memref<1x128xi32, #tpu.memory_space<vmem>> -> memref<128xi32, #tpu.memory_space<vmem>>
        %dma_wait3A_133 = arith.constant 0 : i32
        %dma_wait3A_134 = arith.constant 0 : i32
        %dma_wait3A_135 = tpu.memref_slice %arg10[%dma_wait3A_133, %dma_wait3A_134] : memref<10112x128xf32, #tpu.memory_space<vmem_shared>> -> memref<10112x128xf32, #tpu.memory_space<vmem_shared>>
        tpu.wait_indirect_dma semaphore(%run_scoped3A_115 : memref<!tpu.dma_semaphore, #tpu.memory_space<semaphore_mem>>) src(%dma_wait3A_129 : memref<128x128xf32, #tpu.memory_space<vmem>>) dst(%dma_wait3A_135 : memref<10112x128xf32, #tpu.memory_space<vmem_shared>>)
        tpu.yield
      }) : () -> ()
      %add3A_108 = arith.constant 2 : i32
      %add3A_109 = arith.addi %add3A_95, %add3A_108 : i32
      %lt3A_110 = arith.constant 40 : i32
      %lt3A_111 = arith.cmpi slt, %add3A_109, %lt3A_110 : i32
      %convert_element_type3A_112 = arith.extui %lt3A_111 : i1 to i32
      %cond3A_113 = arith.constant 0 : i32
      %cond3A_114 = arith.cmpi ne, %convert_element_type3A_112, %cond3A_113 : i32
      scf.if %cond3A_114 {
        %dma_start3A_115 = arith.constant 1 : i32
        %dma_start3A_116 = arith.constant 0 : i32
        %dma_start3A_117 = arith.constant 0 : i32
        %dma_start3A_118 = tpu.memref_slice %arg9[%dma_start3A_115, %dma_start3A_116, %dma_start3A_117] : memref<2x128x128xf32, #tpu.memory_space<vmem>> -> memref<1x128x128xf32, #tpu.memory_space<vmem>>
        %dma_start3A_119 = tpu.memref_squeeze %dma_start3A_118 : memref<1x128x128xf32, #tpu.memory_space<vmem>> -> memref<128x128xf32, #tpu.memory_space<vmem>>
        %dma_start3A_120 = arith.constant 0 : i32
        %dma_start3A_121 = tpu.memref_slice %arg8[%add3A_109, %dma_start3A_120] : memref<40x128xi32, #tpu.memory_space<vmem>> -> memref<1x128xi32, #tpu.memory_space<vmem>>
        %dma_start3A_122 = tpu.memref_squeeze %dma_start3A_121 : memref<1x128xi32, #tpu.memory_space<vmem>> -> memref<128xi32, #tpu.memory_space<vmem>>
        %dma_start3A_123 = arith.constant 0 : i32
        %dma_start3A_124 = arith.constant 0 : i32
        %dma_start3A_125 = tpu.memref_slice %arg2[%dma_start3A_123, %dma_start3A_124] : memref<10000x128xf32, #tpu.memory_space<hbm>> -> memref<10000x128xf32, #tpu.memory_space<hbm>>
        tpu.enqueue_indirect_dma source(%dma_start3A_125 : memref<10000x128xf32, #tpu.memory_space<hbm>>) target(%dma_start3A_119 : memref<128x128xf32, #tpu.memory_space<vmem>>) offsets(%dma_start3A_122 : memref<128xi32, #tpu.memory_space<vmem>>) semaphore(%arg12 : memref<!tpu.dma_semaphore, #tpu.memory_space<semaphore_mem>>)
      } else {
      }
    }
    %scan3A_32 = arith.constant 20 : i32
    "tpu.region"() ({
      %run_scoped3A = tpu.sem_alloc : memref<!tpu.dma_semaphore, #tpu.memory_space<semaphore_mem>>
      %dma_start3A_70 = arith.constant 40 : i32
      %dma_start3A_71 = arith.constant 0 : i32
      %dma_start3A_72 = tpu.memref_slice %arg3[%add3A, %dma_start3A_70, %dma_start3A_71] : memref<32x80x128xi32, #tpu.memory_space<hbm>> -> memref<1x40x128xi32, #tpu.memory_space<hbm>>
      %dma_start3A_73 = tpu.memref_squeeze %dma_start3A_72 : memref<1x40x128xi32, #tpu.memory_space<hbm>> -> memref<40x128xi32, #tpu.memory_space<hbm>>
      %dma_start3A_74 = arith.constant 40 : i32
      %dma_start3A_75 = arith.constant 0 : i32
      %dma_start3A_76 = tpu.memref_slice %arg3[%add3A, %dma_start3A_74, %dma_start3A_75] : memref<32x80x128xi32, #tpu.memory_space<hbm>> -> memref<1x40x128xi32, #tpu.memory_space<hbm>>
      %dma_start3A_77 = tpu.memref_squeeze %dma_start3A_76 : memref<1x40x128xi32, #tpu.memory_space<hbm>> -> memref<40x128xi32, #tpu.memory_space<hbm>>
      tpu.enqueue_dma source(%dma_start3A_77 : memref<40x128xi32, #tpu.memory_space<hbm>>) target(%arg7 : memref<40x128xi32, #tpu.memory_space<vmem>>) target_semaphore(%run_scoped3A : memref<!tpu.dma_semaphore, #tpu.memory_space<semaphore_mem>>)
      %dma_wait3A = arith.constant 40 : i32
      %dma_wait3A_78 = arith.constant 0 : i32
      %dma_wait3A_79 = tpu.memref_slice %arg3[%add3A, %dma_wait3A, %dma_wait3A_78] : memref<32x80x128xi32, #tpu.memory_space<hbm>> -> memref<1x40x128xi32, #tpu.memory_space<hbm>>
      %dma_wait3A_80 = tpu.memref_squeeze %dma_wait3A_79 : memref<1x40x128xi32, #tpu.memory_space<hbm>> -> memref<40x128xi32, #tpu.memory_space<hbm>>
      %dma_wait3A_81 = arith.constant 40 : i32
      %dma_wait3A_82 = arith.constant 0 : i32
      %dma_wait3A_83 = tpu.memref_slice %arg3[%add3A, %dma_wait3A_81, %dma_wait3A_82] : memref<32x80x128xi32, #tpu.memory_space<hbm>> -> memref<1x40x128xi32, #tpu.memory_space<hbm>>
      %dma_wait3A_84 = tpu.memref_squeeze %dma_wait3A_83 : memref<1x40x128xi32, #tpu.memory_space<hbm>> -> memref<40x128xi32, #tpu.memory_space<hbm>>
      tpu.wait_dma2 semaphore(%run_scoped3A : memref<!tpu.dma_semaphore, #tpu.memory_space<semaphore_mem>>) src(%dma_wait3A_84 : memref<40x128xi32, #tpu.memory_space<hbm>>) dst(%arg7 : memref<40x128xi32, #tpu.memory_space<vmem>>)
      tpu.yield
    }) : () -> ()
    "tpu.region"() ({
      %run_scoped3A = tpu.sem_alloc : memref<!tpu.dma_semaphore, #tpu.memory_space<semaphore_mem>>
      %dma_start3A_70 = arith.constant 40 : i32
      %dma_start3A_71 = arith.constant 0 : i32
      %dma_start3A_72 = tpu.memref_slice %arg4[%add3A, %dma_start3A_70, %dma_start3A_71] : memref<32x80x128xi32, #tpu.memory_space<hbm>> -> memref<1x40x128xi32, #tpu.memory_space<hbm>>
      %dma_start3A_73 = tpu.memref_squeeze %dma_start3A_72 : memref<1x40x128xi32, #tpu.memory_space<hbm>> -> memref<40x128xi32, #tpu.memory_space<hbm>>
      %dma_start3A_74 = arith.constant 40 : i32
      %dma_start3A_75 = arith.constant 0 : i32
      %dma_start3A_76 = tpu.memref_slice %arg4[%add3A, %dma_start3A_74, %dma_start3A_75] : memref<32x80x128xi32, #tpu.memory_space<hbm>> -> memref<1x40x128xi32, #tpu.memory_space<hbm>>
      %dma_start3A_77 = tpu.memref_squeeze %dma_start3A_76 : memref<1x40x128xi32, #tpu.memory_space<hbm>> -> memref<40x128xi32, #tpu.memory_space<hbm>>
      tpu.enqueue_dma source(%dma_start3A_77 : memref<40x128xi32, #tpu.memory_space<hbm>>) target(%arg8 : memref<40x128xi32, #tpu.memory_space<vmem>>) target_semaphore(%run_scoped3A : memref<!tpu.dma_semaphore, #tpu.memory_space<semaphore_mem>>)
      %dma_wait3A = arith.constant 40 : i32
      %dma_wait3A_78 = arith.constant 0 : i32
      %dma_wait3A_79 = tpu.memref_slice %arg4[%add3A, %dma_wait3A, %dma_wait3A_78] : memref<32x80x128xi32, #tpu.memory_space<hbm>> -> memref<1x40x128xi32, #tpu.memory_space<hbm>>
      %dma_wait3A_80 = tpu.memref_squeeze %dma_wait3A_79 : memref<1x40x128xi32, #tpu.memory_space<hbm>> -> memref<40x128xi32, #tpu.memory_space<hbm>>
      %dma_wait3A_81 = arith.constant 40 : i32
      %dma_wait3A_82 = arith.constant 0 : i32
      %dma_wait3A_83 = tpu.memref_slice %arg4[%add3A, %dma_wait3A_81, %dma_wait3A_82] : memref<32x80x128xi32, #tpu.memory_space<hbm>> -> memref<1x40x128xi32, #tpu.memory_space<hbm>>
      %dma_wait3A_84 = tpu.memref_squeeze %dma_wait3A_83 : memref<1x40x128xi32, #tpu.memory_space<hbm>> -> memref<40x128xi32, #tpu.memory_space<hbm>>
      tpu.wait_dma2 semaphore(%run_scoped3A : memref<!tpu.dma_semaphore, #tpu.memory_space<semaphore_mem>>) src(%dma_wait3A_84 : memref<40x128xi32, #tpu.memory_space<hbm>>) dst(%arg8 : memref<40x128xi32, #tpu.memory_space<vmem>>)
      tpu.yield
    }) : () -> ()
    %dma_start3A_33 = arith.constant 0 : i32
    %dma_start3A_34 = arith.constant 0 : i32
    %dma_start3A_35 = arith.constant 0 : i32
    %dma_start3A_36 = arith.constant 0 : i32
    %dma_start3A_37 = tpu.memref_slice %arg9[%dma_start3A_34, %dma_start3A_35, %dma_start3A_36] : memref<2x128x128xf32, #tpu.memory_space<vmem>> -> memref<1x128x128xf32, #tpu.memory_space<vmem>>
    %dma_start3A_38 = tpu.memref_squeeze %dma_start3A_37 : memref<1x128x128xf32, #tpu.memory_space<vmem>> -> memref<128x128xf32, #tpu.memory_space<vmem>>
    %dma_start3A_39 = arith.constant 0 : i32
    %dma_start3A_40 = tpu.memref_slice %arg8[%dma_start3A_33, %dma_start3A_39] : memref<40x128xi32, #tpu.memory_space<vmem>> -> memref<1x128xi32, #tpu.memory_space<vmem>>
    %dma_start3A_41 = tpu.memref_squeeze %dma_start3A_40 : memref<1x128xi32, #tpu.memory_space<vmem>> -> memref<128xi32, #tpu.memory_space<vmem>>
    %dma_start3A_42 = arith.constant 0 : i32
    %dma_start3A_43 = arith.constant 0 : i32
    %dma_start3A_44 = tpu.memref_slice %arg2[%dma_start3A_42, %dma_start3A_43] : memref<10000x128xf32, #tpu.memory_space<hbm>> -> memref<10000x128xf32, #tpu.memory_space<hbm>>
    tpu.enqueue_indirect_dma source(%dma_start3A_44 : memref<10000x128xf32, #tpu.memory_space<hbm>>) target(%dma_start3A_38 : memref<128x128xf32, #tpu.memory_space<vmem>>) offsets(%dma_start3A_41 : memref<128xi32, #tpu.memory_space<vmem>>) semaphore(%arg11 : memref<!tpu.dma_semaphore, #tpu.memory_space<semaphore_mem>>)
    %dma_start3A_45 = arith.constant 1 : i32
    %dma_start3A_46 = arith.constant 1 : i32
    %dma_start3A_47 = arith.constant 0 : i32
    %dma_start3A_48 = arith.constant 0 : i32
    %dma_start3A_49 = tpu.memref_slice %arg9[%dma_start3A_46, %dma_start3A_47, %dma_start3A_48] : memref<2x128x128xf32, #tpu.memory_space<vmem>> -> memref<1x128x128xf32, #tpu.memory_space<vmem>>
    %dma_start3A_50 = tpu.memref_squeeze %dma_start3A_49 : memref<1x128x128xf32, #tpu.memory_space<vmem>> -> memref<128x128xf32, #tpu.memory_space<vmem>>
    %dma_start3A_51 = arith.constant 0 : i32
    %dma_start3A_52 = tpu.memref_slice %arg8[%dma_start3A_45, %dma_start3A_51] : memref<40x128xi32, #tpu.memory_space<vmem>> -> memref<1x128xi32, #tpu.memory_space<vmem>>
    %dma_start3A_53 = tpu.memref_squeeze %dma_start3A_52 : memref<1x128xi32, #tpu.memory_space<vmem>> -> memref<128xi32, #tpu.memory_space<vmem>>
    %dma_start3A_54 = arith.constant 0 : i32
    %dma_start3A_55 = arith.constant 0 : i32
    %dma_start3A_56 = tpu.memref_slice %arg2[%dma_start3A_54, %dma_start3A_55] : memref<10000x128xf32, #tpu.memory_space<hbm>> -> memref<10000x128xf32, #tpu.memory_space<hbm>>
    tpu.enqueue_indirect_dma source(%dma_start3A_56 : memref<10000x128xf32, #tpu.memory_space<hbm>>) target(%dma_start3A_50 : memref<128x128xf32, #tpu.memory_space<vmem>>) offsets(%dma_start3A_53 : memref<128xi32, #tpu.memory_space<vmem>>) semaphore(%arg12 : memref<!tpu.dma_semaphore, #tpu.memory_space<semaphore_mem>>)
    %scan3A_57 = arith.constant 0 : i32
    %scan3A_58 = arith.constant 0 : i32
    %scan3A_59 = arith.constant 20 : i32
    %scan3A_60 = arith.addi %scan3A_58, %scan3A_59 : i32
    %scan3A_61 = arith.constant 1 : i32
    scf.for %scan3A_70 = %scan3A_58 to %scan3A_60 step %scan3A_61  : i32 {
      %mul3A_71 = arith.constant 2 : i32
      %mul3A_72 = arith.muli %scan3A_70, %mul3A_71 : i32
      %add3A_73 = arith.constant 0 : i32
      %add3A_74 = arith.addi %mul3A_72, %add3A_73 : i32
      %dma_wait3A = arith.constant 0 : i32
      %dma_wait3A_75 = arith.constant 0 : i32
      %dma_wait3A_76 = arith.constant 0 : i32
      %dma_wait3A_77 = tpu.memref_slice %arg9[%dma_wait3A, %dma_wait3A_75, %dma_wait3A_76] : memref<2x128x128xf32, #tpu.memory_space<vmem>> -> memref<1x128x128xf32, #tpu.memory_space<vmem>>
      %dma_wait3A_78 = tpu.memref_squeeze %dma_wait3A_77 : memref<1x128x128xf32, #tpu.memory_space<vmem>> -> memref<128x128xf32, #tpu.memory_space<vmem>>
      %dma_wait3A_79 = arith.constant 0 : i32
      %dma_wait3A_80 = tpu.memref_slice %arg8[%add3A_74, %dma_wait3A_79] : memref<40x128xi32, #tpu.memory_space<vmem>> -> memref<1x128xi32, #tpu.memory_space<vmem>>
      %dma_wait3A_81 = tpu.memref_squeeze %dma_wait3A_80 : memref<1x128xi32, #tpu.memory_space<vmem>> -> memref<128xi32, #tpu.memory_space<vmem>>
      %dma_wait3A_82 = arith.constant 0 : i32
      %dma_wait3A_83 = arith.constant 0 : i32
      %dma_wait3A_84 = tpu.memref_slice %arg2[%dma_wait3A_82, %dma_wait3A_83] : memref<10000x128xf32, #tpu.memory_space<hbm>> -> memref<10000x128xf32, #tpu.memory_space<hbm>>
      tpu.wait_indirect_dma semaphore(%arg11 : memref<!tpu.dma_semaphore, #tpu.memory_space<semaphore_mem>>) src(%dma_wait3A_84 : memref<10000x128xf32, #tpu.memory_space<hbm>>) dst(%dma_wait3A_78 : memref<128x128xf32, #tpu.memory_space<vmem>>)
      %run_scoped3A = arith.constant 0 : i32
      "tpu.region"() ({
        %run_scoped3A_115 = tpu.sem_alloc : memref<!tpu.dma_semaphore, #tpu.memory_space<semaphore_mem>>
        %dma_start3A_116 = arith.constant 0 : i32
        %dma_start3A_117 = arith.constant 0 : i32
        %dma_start3A_118 = tpu.memref_slice %arg9[%run_scoped3A, %dma_start3A_116, %dma_start3A_117] : memref<2x128x128xf32, #tpu.memory_space<vmem>> -> memref<1x128x128xf32, #tpu.memory_space<vmem>>
        %dma_start3A_119 = tpu.memref_squeeze %dma_start3A_118 : memref<1x128x128xf32, #tpu.memory_space<vmem>> -> memref<128x128xf32, #tpu.memory_space<vmem>>
        %dma_start3A_120 = arith.constant 0 : i32
        %dma_start3A_121 = tpu.memref_slice %arg7[%add3A_74, %dma_start3A_120] : memref<40x128xi32, #tpu.memory_space<vmem>> -> memref<1x128xi32, #tpu.memory_space<vmem>>
        %dma_start3A_122 = tpu.memref_squeeze %dma_start3A_121 : memref<1x128xi32, #tpu.memory_space<vmem>> -> memref<128xi32, #tpu.memory_space<vmem>>
        %dma_start3A_123 = arith.constant 0 : i32
        %dma_start3A_124 = arith.constant 0 : i32
        %dma_start3A_125 = tpu.memref_slice %arg10[%dma_start3A_123, %dma_start3A_124] : memref<10112x128xf32, #tpu.memory_space<vmem_shared>> -> memref<10112x128xf32, #tpu.memory_space<vmem_shared>>
        tpu.enqueue_indirect_dma source(%dma_start3A_119 : memref<128x128xf32, #tpu.memory_space<vmem>>) target(%dma_start3A_125 : memref<10112x128xf32, #tpu.memory_space<vmem_shared>>) offsets(%dma_start3A_122 : memref<128xi32, #tpu.memory_space<vmem>>) semaphore(%run_scoped3A_115 : memref<!tpu.dma_semaphore, #tpu.memory_space<semaphore_mem>>) {add = true}
        %dma_wait3A_126 = arith.constant 0 : i32
        %dma_wait3A_127 = arith.constant 0 : i32
        %dma_wait3A_128 = tpu.memref_slice %arg9[%run_scoped3A, %dma_wait3A_126, %dma_wait3A_127] : memref<2x128x128xf32, #tpu.memory_space<vmem>> -> memref<1x128x128xf32, #tpu.memory_space<vmem>>
        %dma_wait3A_129 = tpu.memref_squeeze %dma_wait3A_128 : memref<1x128x128xf32, #tpu.memory_space<vmem>> -> memref<128x128xf32, #tpu.memory_space<vmem>>
        %dma_wait3A_130 = arith.constant 0 : i32
        %dma_wait3A_131 = tpu.memref_slice %arg7[%add3A_74, %dma_wait3A_130] : memref<40x128xi32, #tpu.memory_space<vmem>> -> memref<1x128xi32, #tpu.memory_space<vmem>>
        %dma_wait3A_132 = tpu.memref_squeeze %dma_wait3A_131 : memref<1x128xi32, #tpu.memory_space<vmem>> -> memref<128xi32, #tpu.memory_space<vmem>>
        %dma_wait3A_133 = arith.constant 0 : i32
        %dma_wait3A_134 = arith.constant 0 : i32
        %dma_wait3A_135 = tpu.memref_slice %arg10[%dma_wait3A_133, %dma_wait3A_134] : memref<10112x128xf32, #tpu.memory_space<vmem_shared>> -> memref<10112x128xf32, #tpu.memory_space<vmem_shared>>
        tpu.wait_indirect_dma semaphore(%run_scoped3A_115 : memref<!tpu.dma_semaphore, #tpu.memory_space<semaphore_mem>>) src(%dma_wait3A_129 : memref<128x128xf32, #tpu.memory_space<vmem>>) dst(%dma_wait3A_135 : memref<10112x128xf32, #tpu.memory_space<vmem_shared>>)
        tpu.yield
      }) : () -> ()
      %add3A_85 = arith.constant 2 : i32
      %add3A_86 = arith.addi %add3A_74, %add3A_85 : i32
      %lt3A_87 = arith.constant 40 : i32
      %lt3A_88 = arith.cmpi slt, %add3A_86, %lt3A_87 : i32
      %convert_element_type3A_89 = arith.extui %lt3A_88 : i1 to i32
      %cond3A_90 = arith.constant 0 : i32
      %cond3A_91 = arith.cmpi ne, %convert_element_type3A_89, %cond3A_90 : i32
      scf.if %cond3A_91 {
        %dma_start3A_115 = arith.constant 0 : i32
        %dma_start3A_116 = arith.constant 0 : i32
        %dma_start3A_117 = arith.constant 0 : i32
        %dma_start3A_118 = tpu.memref_slice %arg9[%dma_start3A_115, %dma_start3A_116, %dma_start3A_117] : memref<2x128x128xf32, #tpu.memory_space<vmem>> -> memref<1x128x128xf32, #tpu.memory_space<vmem>>
        %dma_start3A_119 = tpu.memref_squeeze %dma_start3A_118 : memref<1x128x128xf32, #tpu.memory_space<vmem>> -> memref<128x128xf32, #tpu.memory_space<vmem>>
        %dma_start3A_120 = arith.constant 0 : i32
        %dma_start3A_121 = tpu.memref_slice %arg8[%add3A_86, %dma_start3A_120] : memref<40x128xi32, #tpu.memory_space<vmem>> -> memref<1x128xi32, #tpu.memory_space<vmem>>
        %dma_start3A_122 = tpu.memref_squeeze %dma_start3A_121 : memref<1x128xi32, #tpu.memory_space<vmem>> -> memref<128xi32, #tpu.memory_space<vmem>>
        %dma_start3A_123 = arith.constant 0 : i32
        %dma_start3A_124 = arith.constant 0 : i32
        %dma_start3A_125 = tpu.memref_slice %arg2[%dma_start3A_123, %dma_start3A_124] : memref<10000x128xf32, #tpu.memory_space<hbm>> -> memref<10000x128xf32, #tpu.memory_space<hbm>>
        tpu.enqueue_indirect_dma source(%dma_start3A_125 : memref<10000x128xf32, #tpu.memory_space<hbm>>) target(%dma_start3A_119 : memref<128x128xf32, #tpu.memory_space<vmem>>) offsets(%dma_start3A_122 : memref<128xi32, #tpu.memory_space<vmem>>) semaphore(%arg11 : memref<!tpu.dma_semaphore, #tpu.memory_space<semaphore_mem>>)
      } else {
      }
      %mul3A_92 = arith.constant 2 : i32
      %mul3A_93 = arith.muli %scan3A_70, %mul3A_92 : i32
      %add3A_94 = arith.constant 1 : i32
      %add3A_95 = arith.addi %mul3A_93, %add3A_94 : i32
      %dma_wait3A_96 = arith.constant 1 : i32
      %dma_wait3A_97 = arith.constant 0 : i32
      %dma_wait3A_98 = arith.constant 0 : i32
      %dma_wait3A_99 = tpu.memref_slice %arg9[%dma_wait3A_96, %dma_wait3A_97, %dma_wait3A_98] : memref<2x128x128xf32, #tpu.memory_space<vmem>> -> memref<1x128x128xf32, #tpu.memory_space<vmem>>
      %dma_wait3A_100 = tpu.memref_squeeze %dma_wait3A_99 : memref<1x128x128xf32, #tpu.memory_space<vmem>> -> memref<128x128xf32, #tpu.memory_space<vmem>>
      %dma_wait3A_101 = arith.constant 0 : i32
      %dma_wait3A_102 = tpu.memref_slice %arg8[%add3A_95, %dma_wait3A_101] : memref<40x128xi32, #tpu.memory_space<vmem>> -> memref<1x128xi32, #tpu.memory_space<vmem>>
      %dma_wait3A_103 = tpu.memref_squeeze %dma_wait3A_102 : memref<1x128xi32, #tpu.memory_space<vmem>> -> memref<128xi32, #tpu.memory_space<vmem>>
      %dma_wait3A_104 = arith.constant 0 : i32
      %dma_wait3A_105 = arith.constant 0 : i32
      %dma_wait3A_106 = tpu.memref_slice %arg2[%dma_wait3A_104, %dma_wait3A_105] : memref<10000x128xf32, #tpu.memory_space<hbm>> -> memref<10000x128xf32, #tpu.memory_space<hbm>>
      tpu.wait_indirect_dma semaphore(%arg12 : memref<!tpu.dma_semaphore, #tpu.memory_space<semaphore_mem>>) src(%dma_wait3A_106 : memref<10000x128xf32, #tpu.memory_space<hbm>>) dst(%dma_wait3A_100 : memref<128x128xf32, #tpu.memory_space<vmem>>)
      %run_scoped3A_107 = arith.constant 1 : i32
      "tpu.region"() ({
        %run_scoped3A_115 = tpu.sem_alloc : memref<!tpu.dma_semaphore, #tpu.memory_space<semaphore_mem>>
        %dma_start3A_116 = arith.constant 0 : i32
        %dma_start3A_117 = arith.constant 0 : i32
        %dma_start3A_118 = tpu.memref_slice %arg9[%run_scoped3A_107, %dma_start3A_116, %dma_start3A_117] : memref<2x128x128xf32, #tpu.memory_space<vmem>> -> memref<1x128x128xf32, #tpu.memory_space<vmem>>
        %dma_start3A_119 = tpu.memref_squeeze %dma_start3A_118 : memref<1x128x128xf32, #tpu.memory_space<vmem>> -> memref<128x128xf32, #tpu.memory_space<vmem>>
        %dma_start3A_120 = arith.constant 0 : i32
        %dma_start3A_121 = tpu.memref_slice %arg7[%add3A_95, %dma_start3A_120] : memref<40x128xi32, #tpu.memory_space<vmem>> -> memref<1x128xi32, #tpu.memory_space<vmem>>
        %dma_start3A_122 = tpu.memref_squeeze %dma_start3A_121 : memref<1x128xi32, #tpu.memory_space<vmem>> -> memref<128xi32, #tpu.memory_space<vmem>>
        %dma_start3A_123 = arith.constant 0 : i32
        %dma_start3A_124 = arith.constant 0 : i32
        %dma_start3A_125 = tpu.memref_slice %arg10[%dma_start3A_123, %dma_start3A_124] : memref<10112x128xf32, #tpu.memory_space<vmem_shared>> -> memref<10112x128xf32, #tpu.memory_space<vmem_shared>>
        tpu.enqueue_indirect_dma source(%dma_start3A_119 : memref<128x128xf32, #tpu.memory_space<vmem>>) target(%dma_start3A_125 : memref<10112x128xf32, #tpu.memory_space<vmem_shared>>) offsets(%dma_start3A_122 : memref<128xi32, #tpu.memory_space<vmem>>) semaphore(%run_scoped3A_115 : memref<!tpu.dma_semaphore, #tpu.memory_space<semaphore_mem>>) {add = true}
        %dma_wait3A_126 = arith.constant 0 : i32
        %dma_wait3A_127 = arith.constant 0 : i32
        %dma_wait3A_128 = tpu.memref_slice %arg9[%run_scoped3A_107, %dma_wait3A_126, %dma_wait3A_127] : memref<2x128x128xf32, #tpu.memory_space<vmem>> -> memref<1x128x128xf32, #tpu.memory_space<vmem>>
        %dma_wait3A_129 = tpu.memref_squeeze %dma_wait3A_128 : memref<1x128x128xf32, #tpu.memory_space<vmem>> -> memref<128x128xf32, #tpu.memory_space<vmem>>
        %dma_wait3A_130 = arith.constant 0 : i32
        %dma_wait3A_131 = tpu.memref_slice %arg7[%add3A_95, %dma_wait3A_130] : memref<40x128xi32, #tpu.memory_space<vmem>> -> memref<1x128xi32, #tpu.memory_space<vmem>>
        %dma_wait3A_132 = tpu.memref_squeeze %dma_wait3A_131 : memref<1x128xi32, #tpu.memory_space<vmem>> -> memref<128xi32, #tpu.memory_space<vmem>>
        %dma_wait3A_133 = arith.constant 0 : i32
        %dma_wait3A_134 = arith.constant 0 : i32
        %dma_wait3A_135 = tpu.memref_slice %arg10[%dma_wait3A_133, %dma_wait3A_134] : memref<10112x128xf32, #tpu.memory_space<vmem_shared>> -> memref<10112x128xf32, #tpu.memory_space<vmem_shared>>
        tpu.wait_indirect_dma semaphore(%run_scoped3A_115 : memref<!tpu.dma_semaphore, #tpu.memory_space<semaphore_mem>>) src(%dma_wait3A_129 : memref<128x128xf32, #tpu.memory_space<vmem>>) dst(%dma_wait3A_135 : memref<10112x128xf32, #tpu.memory_space<vmem_shared>>)
        tpu.yield
      }) : () -> ()
      %add3A_108 = arith.constant 2 : i32
      %add3A_109 = arith.addi %add3A_95, %add3A_108 : i32
      %lt3A_110 = arith.constant 40 : i32
      %lt3A_111 = arith.cmpi slt, %add3A_109, %lt3A_110 : i32
      %convert_element_type3A_112 = arith.extui %lt3A_111 : i1 to i32
      %cond3A_113 = arith.constant 0 : i32
      %cond3A_114 = arith.cmpi ne, %convert_element_type3A_112, %cond3A_113 : i32
      scf.if %cond3A_114 {
        %dma_start3A_115 = arith.constant 1 : i32
        %dma_start3A_116 = arith.constant 0 : i32
        %dma_start3A_117 = arith.constant 0 : i32
        %dma_start3A_118 = tpu.memref_slice %arg9[%dma_start3A_115, %dma_start3A_116, %dma_start3A_117] : memref<2x128x128xf32, #tpu.memory_space<vmem>> -> memref<1x128x128xf32, #tpu.memory_space<vmem>>
        %dma_start3A_119 = tpu.memref_squeeze %dma_start3A_118 : memref<1x128x128xf32, #tpu.memory_space<vmem>> -> memref<128x128xf32, #tpu.memory_space<vmem>>
        %dma_start3A_120 = arith.constant 0 : i32
        %dma_start3A_121 = tpu.memref_slice %arg8[%add3A_109, %dma_start3A_120] : memref<40x128xi32, #tpu.memory_space<vmem>> -> memref<1x128xi32, #tpu.memory_space<vmem>>
        %dma_start3A_122 = tpu.memref_squeeze %dma_start3A_121 : memref<1x128xi32, #tpu.memory_space<vmem>> -> memref<128xi32, #tpu.memory_space<vmem>>
        %dma_start3A_123 = arith.constant 0 : i32
        %dma_start3A_124 = arith.constant 0 : i32
        %dma_start3A_125 = tpu.memref_slice %arg2[%dma_start3A_123, %dma_start3A_124] : memref<10000x128xf32, #tpu.memory_space<hbm>> -> memref<10000x128xf32, #tpu.memory_space<hbm>>
        tpu.enqueue_indirect_dma source(%dma_start3A_125 : memref<10000x128xf32, #tpu.memory_space<hbm>>) target(%dma_start3A_119 : memref<128x128xf32, #tpu.memory_space<vmem>>) offsets(%dma_start3A_122 : memref<128xi32, #tpu.memory_space<vmem>>) semaphore(%arg12 : memref<!tpu.dma_semaphore, #tpu.memory_space<semaphore_mem>>)
      } else {
      }
    }
    %scan3A_62 = arith.constant 20 : i32
    %barrier3A_63 = arith.constant 0 : index
    tpu.barrier barrier_id(%barrier3A_63)
    %lt3A = arith.constant 15 : i32
    %lt3A_64 = arith.cmpi slt, %arg1, %lt3A : i32
    %convert_element_type3A = arith.extui %lt3A_64 : i1 to i32
    %cond3A = arith.constant 0 : i32
    %cond3A_65 = arith.cmpi ne, %convert_element_type3A, %cond3A : i32
    scf.if %cond3A_65 {
      %mul3A_70 = arith.constant 632 : i32
      %mul3A_71 = arith.muli %arg1, %mul3A_70 : i32
      %mul3A_72 = arith.constant 632 : i32
      %mul3A_73 = arith.muli %arg1, %mul3A_72 : i32
      "tpu.region"() ({
        %run_scoped3A = tpu.sem_alloc : memref<!tpu.dma_semaphore, #tpu.memory_space<semaphore_mem>>
        %dma_start3A_74 = arith.constant 0 : i32
        %dma_start3A_75 = tpu.memref_slice %arg6[%arg0, %mul3A_73, %dma_start3A_74] : memref<2x10000x128xf32, #tpu.memory_space<hbm>> -> memref<1x632x128xf32, #tpu.memory_space<hbm>>
        %dma_start3A_76 = tpu.memref_squeeze %dma_start3A_75 : memref<1x632x128xf32, #tpu.memory_space<hbm>> -> memref<632x128xf32, #tpu.memory_space<hbm>>
        %dma_start3A_77 = arith.constant 0 : i32
        %dma_start3A_78 = tpu.memref_slice %arg10[%mul3A_71, %dma_start3A_77] : memref<10112x128xf32, #tpu.memory_space<vmem_shared>> -> memref<632x128xf32, #tpu.memory_space<vmem_shared>>
        tpu.enqueue_dma source(%dma_start3A_78 : memref<632x128xf32, #tpu.memory_space<vmem_shared>>) target(%dma_start3A_76 : memref<632x128xf32, #tpu.memory_space<hbm>>) target_semaphore(%run_scoped3A : memref<!tpu.dma_semaphore, #tpu.memory_space<semaphore_mem>>)
        %dma_wait3A = arith.constant 0 : i32
        %dma_wait3A_79 = tpu.memref_slice %arg6[%arg0, %mul3A_73, %dma_wait3A] : memref<2x10000x128xf32, #tpu.memory_space<hbm>> -> memref<1x632x128xf32, #tpu.memory_space<hbm>>
        %dma_wait3A_80 = tpu.memref_squeeze %dma_wait3A_79 : memref<1x632x128xf32, #tpu.memory_space<hbm>> -> memref<632x128xf32, #tpu.memory_space<hbm>>
        %dma_wait3A_81 = arith.constant 0 : i32
        %dma_wait3A_82 = tpu.memref_slice %arg10[%mul3A_71, %dma_wait3A_81] : memref<10112x128xf32, #tpu.memory_space<vmem_shared>> -> memref<632x128xf32, #tpu.memory_space<vmem_shared>>
        tpu.wait_dma2 semaphore(%run_scoped3A : memref<!tpu.dma_semaphore, #tpu.memory_space<semaphore_mem>>) src(%dma_wait3A_82 : memref<632x128xf32, #tpu.memory_space<vmem_shared>>) dst(%dma_wait3A_80 : memref<632x128xf32, #tpu.memory_space<hbm>>)
        tpu.yield
      }) : () -> ()
    } else {
    }
    %eq3A = arith.constant 15 : i32
    %eq3A_66 = arith.cmpi eq, %arg1, %eq3A : i32
    %convert_element_type3A_67 = arith.extui %eq3A_66 : i1 to i32
    %cond3A_68 = arith.constant 0 : i32
    %cond3A_69 = arith.cmpi ne, %convert_element_type3A_67, %cond3A_68 : i32
    scf.if %cond3A_69 {
      "tpu.region"() ({
        %run_scoped3A = tpu.sem_alloc : memref<!tpu.dma_semaphore, #tpu.memory_space<semaphore_mem>>
        %dma_start3A_70 = arith.constant 9480 : i32
        %dma_start3A_71 = arith.constant 0 : i32
        %dma_start3A_72 = tpu.memref_slice %arg6[%arg0, %dma_start3A_70, %dma_start3A_71] : memref<2x10000x128xf32, #tpu.memory_space<hbm>> -> memref<1x520x128xf32, #tpu.memory_space<hbm>>
        %dma_start3A_73 = tpu.memref_squeeze %dma_start3A_72 : memref<1x520x128xf32, #tpu.memory_space<hbm>> -> memref<520x128xf32, #tpu.memory_space<hbm>>
        %dma_start3A_74 = arith.constant 9480 : i32
        %dma_start3A_75 = arith.constant 0 : i32
        %dma_start3A_76 = tpu.memref_slice %arg10[%dma_start3A_74, %dma_start3A_75] : memref<10112x128xf32, #tpu.memory_space<vmem_shared>> -> memref<520x128xf32, #tpu.memory_space<vmem_shared>>
        tpu.enqueue_dma source(%dma_start3A_76 : memref<520x128xf32, #tpu.memory_space<vmem_shared>>) target(%dma_start3A_73 : memref<520x128xf32, #tpu.memory_space<hbm>>) target_semaphore(%run_scoped3A : memref<!tpu.dma_semaphore, #tpu.memory_space<semaphore_mem>>)
        %dma_wait3A = arith.constant 9480 : i32
        %dma_wait3A_77 = arith.constant 0 : i32
        %dma_wait3A_78 = tpu.memref_slice %arg6[%arg0, %dma_wait3A, %dma_wait3A_77] : memref<2x10000x128xf32, #tpu.memory_space<hbm>> -> memref<1x520x128xf32, #tpu.memory_space<hbm>>
        %dma_wait3A_79 = tpu.memref_squeeze %dma_wait3A_78 : memref<1x520x128xf32, #tpu.memory_space<hbm>> -> memref<520x128xf32, #tpu.memory_space<hbm>>
        %dma_wait3A_80 = arith.constant 9480 : i32
        %dma_wait3A_81 = arith.constant 0 : i32
        %dma_wait3A_82 = tpu.memref_slice %arg10[%dma_wait3A_80, %dma_wait3A_81] : memref<10112x128xf32, #tpu.memory_space<vmem_shared>> -> memref<520x128xf32, #tpu.memory_space<vmem_shared>>
        tpu.wait_dma2 semaphore(%run_scoped3A : memref<!tpu.dma_semaphore, #tpu.memory_space<semaphore_mem>>) src(%dma_wait3A_82 : memref<520x128xf32, #tpu.memory_space<vmem_shared>>) dst(%dma_wait3A_79 : memref<520x128xf32, #tpu.memory_space<hbm>>)
        tpu.yield
      }) : () -> ()
    } else {
    }
    return
  }
}

#map = affine_map<(d0, d1) -> (0, 0)>
#map1 = affine_map<(d0, d1) -> (0, 0, 0)>
module attributes {stable_mosaic.version = 14 : i64} {
  func.func @_agg_body(%arg0: i32, %arg1: i32, %arg2: memref<10000x128xf32, #tpu.memory_space<hbm>>, %arg3: memref<32x80x128xi32, #tpu.memory_space<hbm>>, %arg4: memref<32x80x128xi32, #tpu.memory_space<hbm>>, %arg5: memref<10112x128xf32, #tpu.memory_space<hbm>>, %arg6: memref<2x10000x128xf32, #tpu.memory_space<hbm>>, %arg7: memref<40x128xi32, #tpu.memory_space<vmem>>, %arg8: memref<40x128xi32, #tpu.memory_space<vmem>>, %arg9: memref<2x128x128xf32, #tpu.memory_space<vmem>>, %arg10: memref<10112x128xf32, #tpu.memory_space<vmem_shared>>, %arg11: memref<!tpu.dma_semaphore, #tpu.memory_space<semaphore_mem>>, %arg12: memref<!tpu.dma_semaphore, #tpu.memory_space<semaphore_mem>>) attributes {dimension_semantics = [#tpu.dimension_semantics<core_parallel>, #tpu.dimension_semantics<subcore_parallel>], iteration_bounds = array<i64: 2, 16>, scalar_prefetch = 0 : i64, scratch_operands = 6 : i64, tpu.core_type = #tpu.core_type<sc_vector_subcore>, window_params = [{transform_indices = #map}, {transform_indices = #map1}, {transform_indices = #map1}, {transform_indices = #map}, {transform_indices = #map1}]} {
    %mul3A = arith.constant 16 : i32
    %mul3A_0 = arith.muli %arg0, %mul3A : i32
    %add3A = arith.addi %mul3A_0, %arg1 : i32
    %mul3A_1 = arith.constant 632 : i32
    %mul3A_2 = arith.muli %arg1, %mul3A_1 : i32
    %mul3A_3 = arith.constant 632 : i32
    %mul3A_4 = arith.muli %arg1, %mul3A_3 : i32
    "tpu.region"() ({
      %run_scoped3A = tpu.sem_alloc : memref<!tpu.dma_semaphore, #tpu.memory_space<semaphore_mem>>
      %dma_start3A_70 = arith.constant 0 : i32
      %dma_start3A_71 = tpu.memref_slice %arg10[%mul3A_4, %dma_start3A_70] : memref<10112x128xf32, #tpu.memory_space<vmem_shared>> -> memref<632x128xf32, #tpu.memory_space<vmem_shared>>
      %dma_start3A_72 = arith.constant 0 : i32
      %dma_start3A_73 = tpu.memref_slice %arg5[%mul3A_2, %dma_start3A_72] : memref<10112x128xf32, #tpu.memory_space<hbm>> -> memref<632x128xf32, #tpu.memory_space<hbm>>
      tpu.enqueue_dma source(%dma_start3A_73 : memref<632x128xf32, #tpu.memory_space<hbm>>) target(%dma_start3A_71 : memref<632x128xf32, #tpu.memory_space<vmem_shared>>) target_semaphore(%run_scoped3A : memref<!tpu.dma_semaphore, #tpu.memory_space<semaphore_mem>>)
      %dma_wait3A = arith.constant 0 : i32
      %dma_wait3A_74 = tpu.memref_slice %arg10[%mul3A_4, %dma_wait3A] : memref<10112x128xf32, #tpu.memory_space<vmem_shared>> -> memref<632x128xf32, #tpu.memory_space<vmem_shared>>
      %dma_wait3A_75 = arith.constant 0 : i32
      %dma_wait3A_76 = tpu.memref_slice %arg5[%mul3A_2, %dma_wait3A_75] : memref<10112x128xf32, #tpu.memory_space<hbm>> -> memref<632x128xf32, #tpu.memory_space<hbm>>
      tpu.wait_dma2 semaphore(%run_scoped3A : memref<!tpu.dma_semaphore, #tpu.memory_space<semaphore_mem>>) src(%dma_wait3A_76 : memref<632x128xf32, #tpu.memory_space<hbm>>) dst(%dma_wait3A_74 : memref<632x128xf32, #tpu.memory_space<vmem_shared>>)
      tpu.yield
    }) : () -> ()
    "tpu.region"() ({
      %run_scoped3A = tpu.sem_alloc : memref<!tpu.dma_semaphore, #tpu.memory_space<semaphore_mem>>
      %dma_start3A_70 = arith.constant 0 : i32
      %dma_start3A_71 = arith.constant 0 : i32
      %dma_start3A_72 = tpu.memref_slice %arg3[%add3A, %dma_start3A_70, %dma_start3A_71] : memref<32x80x128xi32, #tpu.memory_space<hbm>> -> memref<1x40x128xi32, #tpu.memory_space<hbm>>
      %dma_start3A_73 = tpu.memref_squeeze %dma_start3A_72 : memref<1x40x128xi32, #tpu.memory_space<hbm>> -> memref<40x128xi32, #tpu.memory_space<hbm>>
      %dma_start3A_74 = arith.constant 0 : i32
      %dma_start3A_75 = arith.constant 0 : i32
      %dma_start3A_76 = tpu.memref_slice %arg3[%add3A, %dma_start3A_74, %dma_start3A_75] : memref<32x80x128xi32, #tpu.memory_space<hbm>> -> memref<1x40x128xi32, #tpu.memory_space<hbm>>
      %dma_start3A_77 = tpu.memref_squeeze %dma_start3A_76 : memref<1x40x128xi32, #tpu.memory_space<hbm>> -> memref<40x128xi32, #tpu.memory_space<hbm>>
      tpu.enqueue_dma source(%dma_start3A_77 : memref<40x128xi32, #tpu.memory_space<hbm>>) target(%arg7 : memref<40x128xi32, #tpu.memory_space<vmem>>) target_semaphore(%run_scoped3A : memref<!tpu.dma_semaphore, #tpu.memory_space<semaphore_mem>>)
      %dma_wait3A = arith.constant 0 : i32
      %dma_wait3A_78 = arith.constant 0 : i32
      %dma_wait3A_79 = tpu.memref_slice %arg3[%add3A, %dma_wait3A, %dma_wait3A_78] : memref<32x80x128xi32, #tpu.memory_space<hbm>> -> memref<1x40x128xi32, #tpu.memory_space<hbm>>
      %dma_wait3A_80 = tpu.memref_squeeze %dma_wait3A_79 : memref<1x40x128xi32, #tpu.memory_space<hbm>> -> memref<40x128xi32, #tpu.memory_space<hbm>>
      %dma_wait3A_81 = arith.constant 0 : i32
      %dma_wait3A_82 = arith.constant 0 : i32
      %dma_wait3A_83 = tpu.memref_slice %arg3[%add3A, %dma_wait3A_81, %dma_wait3A_82] : memref<32x80x128xi32, #tpu.memory_space<hbm>> -> memref<1x40x128xi32, #tpu.memory_space<hbm>>
      %dma_wait3A_84 = tpu.memref_squeeze %dma_wait3A_83 : memref<1x40x128xi32, #tpu.memory_space<hbm>> -> memref<40x128xi32, #tpu.memory_space<hbm>>
      tpu.wait_dma2 semaphore(%run_scoped3A : memref<!tpu.dma_semaphore, #tpu.memory_space<semaphore_mem>>) src(%dma_wait3A_84 : memref<40x128xi32, #tpu.memory_space<hbm>>) dst(%arg7 : memref<40x128xi32, #tpu.memory_space<vmem>>)
      tpu.yield
    }) : () -> ()
    "tpu.region"() ({
      %run_scoped3A = tpu.sem_alloc : memref<!tpu.dma_semaphore, #tpu.memory_space<semaphore_mem>>
      %dma_start3A_70 = arith.constant 0 : i32
      %dma_start3A_71 = arith.constant 0 : i32
      %dma_start3A_72 = tpu.memref_slice %arg4[%add3A, %dma_start3A_70, %dma_start3A_71] : memref<32x80x128xi32, #tpu.memory_space<hbm>> -> memref<1x40x128xi32, #tpu.memory_space<hbm>>
      %dma_start3A_73 = tpu.memref_squeeze %dma_start3A_72 : memref<1x40x128xi32, #tpu.memory_space<hbm>> -> memref<40x128xi32, #tpu.memory_space<hbm>>
      %dma_start3A_74 = arith.constant 0 : i32
      %dma_start3A_75 = arith.constant 0 : i32
      %dma_start3A_76 = tpu.memref_slice %arg4[%add3A, %dma_start3A_74, %dma_start3A_75] : memref<32x80x128xi32, #tpu.memory_space<hbm>> -> memref<1x40x128xi32, #tpu.memory_space<hbm>>
      %dma_start3A_77 = tpu.memref_squeeze %dma_start3A_76 : memref<1x40x128xi32, #tpu.memory_space<hbm>> -> memref<40x128xi32, #tpu.memory_space<hbm>>
      tpu.enqueue_dma source(%dma_start3A_77 : memref<40x128xi32, #tpu.memory_space<hbm>>) target(%arg8 : memref<40x128xi32, #tpu.memory_space<vmem>>) target_semaphore(%run_scoped3A : memref<!tpu.dma_semaphore, #tpu.memory_space<semaphore_mem>>)
      %dma_wait3A = arith.constant 0 : i32
      %dma_wait3A_78 = arith.constant 0 : i32
      %dma_wait3A_79 = tpu.memref_slice %arg4[%add3A, %dma_wait3A, %dma_wait3A_78] : memref<32x80x128xi32, #tpu.memory_space<hbm>> -> memref<1x40x128xi32, #tpu.memory_space<hbm>>
      %dma_wait3A_80 = tpu.memref_squeeze %dma_wait3A_79 : memref<1x40x128xi32, #tpu.memory_space<hbm>> -> memref<40x128xi32, #tpu.memory_space<hbm>>
      %dma_wait3A_81 = arith.constant 0 : i32
      %dma_wait3A_82 = arith.constant 0 : i32
      %dma_wait3A_83 = tpu.memref_slice %arg4[%add3A, %dma_wait3A_81, %dma_wait3A_82] : memref<32x80x128xi32, #tpu.memory_space<hbm>> -> memref<1x40x128xi32, #tpu.memory_space<hbm>>
      %dma_wait3A_84 = tpu.memref_squeeze %dma_wait3A_83 : memref<1x40x128xi32, #tpu.memory_space<hbm>> -> memref<40x128xi32, #tpu.memory_space<hbm>>
      tpu.wait_dma2 semaphore(%run_scoped3A : memref<!tpu.dma_semaphore, #tpu.memory_space<semaphore_mem>>) src(%dma_wait3A_84 : memref<40x128xi32, #tpu.memory_space<hbm>>) dst(%arg8 : memref<40x128xi32, #tpu.memory_space<vmem>>)
      tpu.yield
    }) : () -> ()
    %dma_start3A = arith.constant 0 : i32
    %dma_start3A_5 = arith.constant 0 : i32
    %dma_start3A_6 = arith.constant 0 : i32
    %dma_start3A_7 = arith.constant 0 : i32
    %dma_start3A_8 = tpu.memref_slice %arg9[%dma_start3A_5, %dma_start3A_6, %dma_start3A_7] : memref<2x128x128xf32, #tpu.memory_space<vmem>> -> memref<1x128x128xf32, #tpu.memory_space<vmem>>
    %dma_start3A_9 = tpu.memref_squeeze %dma_start3A_8 : memref<1x128x128xf32, #tpu.memory_space<vmem>> -> memref<128x128xf32, #tpu.memory_space<vmem>>
    %dma_start3A_10 = arith.constant 0 : i32
    %dma_start3A_11 = tpu.memref_slice %arg8[%dma_start3A, %dma_start3A_10] : memref<40x128xi32, #tpu.memory_space<vmem>> -> memref<1x128xi32, #tpu.memory_space<vmem>>
    %dma_start3A_12 = tpu.memref_squeeze %dma_start3A_11 : memref<1x128xi32, #tpu.memory_space<vmem>> -> memref<128xi32, #tpu.memory_space<vmem>>
    %dma_start3A_13 = arith.constant 0 : i32
    %dma_start3A_14 = arith.constant 0 : i32
    %dma_start3A_15 = tpu.memref_slice %arg2[%dma_start3A_13, %dma_start3A_14] : memref<10000x128xf32, #tpu.memory_space<hbm>> -> memref<10000x128xf32, #tpu.memory_space<hbm>>
    tpu.enqueue_indirect_dma source(%dma_start3A_15 : memref<10000x128xf32, #tpu.memory_space<hbm>>) target(%dma_start3A_9 : memref<128x128xf32, #tpu.memory_space<vmem>>) offsets(%dma_start3A_12 : memref<128xi32, #tpu.memory_space<vmem>>) semaphore(%arg11 : memref<!tpu.dma_semaphore, #tpu.memory_space<semaphore_mem>>)
    %dma_start3A_16 = arith.constant 1 : i32
    %dma_start3A_17 = arith.constant 1 : i32
    %dma_start3A_18 = arith.constant 0 : i32
    %dma_start3A_19 = arith.constant 0 : i32
    %dma_start3A_20 = tpu.memref_slice %arg9[%dma_start3A_17, %dma_start3A_18, %dma_start3A_19] : memref<2x128x128xf32, #tpu.memory_space<vmem>> -> memref<1x128x128xf32, #tpu.memory_space<vmem>>
    %dma_start3A_21 = tpu.memref_squeeze %dma_start3A_20 : memref<1x128x128xf32, #tpu.memory_space<vmem>> -> memref<128x128xf32, #tpu.memory_space<vmem>>
    %dma_start3A_22 = arith.constant 0 : i32
    %dma_start3A_23 = tpu.memref_slice %arg8[%dma_start3A_16, %dma_start3A_22] : memref<40x128xi32, #tpu.memory_space<vmem>> -> memref<1x128xi32, #tpu.memory_space<vmem>>
    %dma_start3A_24 = tpu.memref_squeeze %dma_start3A_23 : memref<1x128xi32, #tpu.memory_space<vmem>> -> memref<128xi32, #tpu.memory_space<vmem>>
    %dma_start3A_25 = arith.constant 0 : i32
    %dma_start3A_26 = arith.constant 0 : i32
    %dma_start3A_27 = tpu.memref_slice %arg2[%dma_start3A_25, %dma_start3A_26] : memref<10000x128xf32, #tpu.memory_space<hbm>> -> memref<10000x128xf32, #tpu.memory_space<hbm>>
    tpu.enqueue_indirect_dma source(%dma_start3A_27 : memref<10000x128xf32, #tpu.memory_space<hbm>>) target(%dma_start3A_21 : memref<128x128xf32, #tpu.memory_space<vmem>>) offsets(%dma_start3A_24 : memref<128xi32, #tpu.memory_space<vmem>>) semaphore(%arg12 : memref<!tpu.dma_semaphore, #tpu.memory_space<semaphore_mem>>)
    %barrier3A = arith.constant 0 : index
    tpu.barrier barrier_id(%barrier3A)
    %scan3A = arith.constant 0 : i32
    %scan3A_28 = arith.constant 0 : i32
    %scan3A_29 = arith.constant 20 : i32
    %scan3A_30 = arith.addi %scan3A_28, %scan3A_29 : i32
    %scan3A_31 = arith.constant 1 : i32
    scf.for %scan3A_70 = %scan3A_28 to %scan3A_30 step %scan3A_31  : i32 {
      %mul3A_71 = arith.constant 2 : i32
      %mul3A_72 = arith.muli %scan3A_70, %mul3A_71 : i32
      %add3A_73 = arith.constant 0 : i32
      %add3A_74 = arith.addi %mul3A_72, %add3A_73 : i32
      %dma_wait3A = arith.constant 0 : i32
      %dma_wait3A_75 = arith.constant 0 : i32
      %dma_wait3A_76 = arith.constant 0 : i32
      %dma_wait3A_77 = tpu.memref_slice %arg9[%dma_wait3A, %dma_wait3A_75, %dma_wait3A_76] : memref<2x128x128xf32, #tpu.memory_space<vmem>> -> memref<1x128x128xf32, #tpu.memory_space<vmem>>
      %dma_wait3A_78 = tpu.memref_squeeze %dma_wait3A_77 : memref<1x128x128xf32, #tpu.memory_space<vmem>> -> memref<128x128xf32, #tpu.memory_space<vmem>>
      %dma_wait3A_79 = arith.constant 0 : i32
      %dma_wait3A_80 = tpu.memref_slice %arg8[%add3A_74, %dma_wait3A_79] : memref<40x128xi32, #tpu.memory_space<vmem>> -> memref<1x128xi32, #tpu.memory_space<vmem>>
      %dma_wait3A_81 = tpu.memref_squeeze %dma_wait3A_80 : memref<1x128xi32, #tpu.memory_space<vmem>> -> memref<128xi32, #tpu.memory_space<vmem>>
      %dma_wait3A_82 = arith.constant 0 : i32
      %dma_wait3A_83 = arith.constant 0 : i32
      %dma_wait3A_84 = tpu.memref_slice %arg2[%dma_wait3A_82, %dma_wait3A_83] : memref<10000x128xf32, #tpu.memory_space<hbm>> -> memref<10000x128xf32, #tpu.memory_space<hbm>>
      tpu.wait_indirect_dma semaphore(%arg11 : memref<!tpu.dma_semaphore, #tpu.memory_space<semaphore_mem>>) src(%dma_wait3A_84 : memref<10000x128xf32, #tpu.memory_space<hbm>>) dst(%dma_wait3A_78 : memref<128x128xf32, #tpu.memory_space<vmem>>)
      %run_scoped3A = arith.constant 0 : i32
      "tpu.region"() ({
        %run_scoped3A_115 = tpu.sem_alloc : memref<!tpu.dma_semaphore, #tpu.memory_space<semaphore_mem>>
        %dma_start3A_116 = arith.constant 0 : i32
        %dma_start3A_117 = arith.constant 0 : i32
        %dma_start3A_118 = tpu.memref_slice %arg9[%run_scoped3A, %dma_start3A_116, %dma_start3A_117] : memref<2x128x128xf32, #tpu.memory_space<vmem>> -> memref<1x128x128xf32, #tpu.memory_space<vmem>>
        %dma_start3A_119 = tpu.memref_squeeze %dma_start3A_118 : memref<1x128x128xf32, #tpu.memory_space<vmem>> -> memref<128x128xf32, #tpu.memory_space<vmem>>
        %dma_start3A_120 = arith.constant 0 : i32
        %dma_start3A_121 = tpu.memref_slice %arg7[%add3A_74, %dma_start3A_120] : memref<40x128xi32, #tpu.memory_space<vmem>> -> memref<1x128xi32, #tpu.memory_space<vmem>>
        %dma_start3A_122 = tpu.memref_squeeze %dma_start3A_121 : memref<1x128xi32, #tpu.memory_space<vmem>> -> memref<128xi32, #tpu.memory_space<vmem>>
        %dma_start3A_123 = arith.constant 0 : i32
        %dma_start3A_124 = arith.constant 0 : i32
        %dma_start3A_125 = tpu.memref_slice %arg10[%dma_start3A_123, %dma_start3A_124] : memref<10112x128xf32, #tpu.memory_space<vmem_shared>> -> memref<10112x128xf32, #tpu.memory_space<vmem_shared>>
        tpu.enqueue_indirect_dma source(%dma_start3A_119 : memref<128x128xf32, #tpu.memory_space<vmem>>) target(%dma_start3A_125 : memref<10112x128xf32, #tpu.memory_space<vmem_shared>>) offsets(%dma_start3A_122 : memref<128xi32, #tpu.memory_space<vmem>>) semaphore(%run_scoped3A_115 : memref<!tpu.dma_semaphore, #tpu.memory_space<semaphore_mem>>) {add = true}
        %dma_wait3A_126 = arith.constant 0 : i32
        %dma_wait3A_127 = arith.constant 0 : i32
        %dma_wait3A_128 = tpu.memref_slice %arg9[%run_scoped3A, %dma_wait3A_126, %dma_wait3A_127] : memref<2x128x128xf32, #tpu.memory_space<vmem>> -> memref<1x128x128xf32, #tpu.memory_space<vmem>>
        %dma_wait3A_129 = tpu.memref_squeeze %dma_wait3A_128 : memref<1x128x128xf32, #tpu.memory_space<vmem>> -> memref<128x128xf32, #tpu.memory_space<vmem>>
        %dma_wait3A_130 = arith.constant 0 : i32
        %dma_wait3A_131 = tpu.memref_slice %arg7[%add3A_74, %dma_wait3A_130] : memref<40x128xi32, #tpu.memory_space<vmem>> -> memref<1x128xi32, #tpu.memory_space<vmem>>
        %dma_wait3A_132 = tpu.memref_squeeze %dma_wait3A_131 : memref<1x128xi32, #tpu.memory_space<vmem>> -> memref<128xi32, #tpu.memory_space<vmem>>
        %dma_wait3A_133 = arith.constant 0 : i32
        %dma_wait3A_134 = arith.constant 0 : i32
        %dma_wait3A_135 = tpu.memref_slice %arg10[%dma_wait3A_133, %dma_wait3A_134] : memref<10112x128xf32, #tpu.memory_space<vmem_shared>> -> memref<10112x128xf32, #tpu.memory_space<vmem_shared>>
        tpu.wait_indirect_dma semaphore(%run_scoped3A_115 : memref<!tpu.dma_semaphore, #tpu.memory_space<semaphore_mem>>) src(%dma_wait3A_129 : memref<128x128xf32, #tpu.memory_space<vmem>>) dst(%dma_wait3A_135 : memref<10112x128xf32, #tpu.memory_space<vmem_shared>>)
        tpu.yield
      }) : () -> ()
      %add3A_85 = arith.constant 2 : i32
      %add3A_86 = arith.addi %add3A_74, %add3A_85 : i32
      %lt3A_87 = arith.constant 40 : i32
      %lt3A_88 = arith.cmpi slt, %add3A_86, %lt3A_87 : i32
      %convert_element_type3A_89 = arith.extui %lt3A_88 : i1 to i32
      %cond3A_90 = arith.constant 0 : i32
      %cond3A_91 = arith.cmpi ne, %convert_element_type3A_89, %cond3A_90 : i32
      scf.if %cond3A_91 {
        %dma_start3A_115 = arith.constant 0 : i32
        %dma_start3A_116 = arith.constant 0 : i32
        %dma_start3A_117 = arith.constant 0 : i32
        %dma_start3A_118 = tpu.memref_slice %arg9[%dma_start3A_115, %dma_start3A_116, %dma_start3A_117] : memref<2x128x128xf32, #tpu.memory_space<vmem>> -> memref<1x128x128xf32, #tpu.memory_space<vmem>>
        %dma_start3A_119 = tpu.memref_squeeze %dma_start3A_118 : memref<1x128x128xf32, #tpu.memory_space<vmem>> -> memref<128x128xf32, #tpu.memory_space<vmem>>
        %dma_start3A_120 = arith.constant 0 : i32
        %dma_start3A_121 = tpu.memref_slice %arg8[%add3A_86, %dma_start3A_120] : memref<40x128xi32, #tpu.memory_space<vmem>> -> memref<1x128xi32, #tpu.memory_space<vmem>>
        %dma_start3A_122 = tpu.memref_squeeze %dma_start3A_121 : memref<1x128xi32, #tpu.memory_space<vmem>> -> memref<128xi32, #tpu.memory_space<vmem>>
        %dma_start3A_123 = arith.constant 0 : i32
        %dma_start3A_124 = arith.constant 0 : i32
        %dma_start3A_125 = tpu.memref_slice %arg2[%dma_start3A_123, %dma_start3A_124] : memref<10000x128xf32, #tpu.memory_space<hbm>> -> memref<10000x128xf32, #tpu.memory_space<hbm>>
        tpu.enqueue_indirect_dma source(%dma_start3A_125 : memref<10000x128xf32, #tpu.memory_space<hbm>>) target(%dma_start3A_119 : memref<128x128xf32, #tpu.memory_space<vmem>>) offsets(%dma_start3A_122 : memref<128xi32, #tpu.memory_space<vmem>>) semaphore(%arg11 : memref<!tpu.dma_semaphore, #tpu.memory_space<semaphore_mem>>)
      } else {
      }
      %mul3A_92 = arith.constant 2 : i32
      %mul3A_93 = arith.muli %scan3A_70, %mul3A_92 : i32
      %add3A_94 = arith.constant 1 : i32
      %add3A_95 = arith.addi %mul3A_93, %add3A_94 : i32
      %dma_wait3A_96 = arith.constant 1 : i32
      %dma_wait3A_97 = arith.constant 0 : i32
      %dma_wait3A_98 = arith.constant 0 : i32
      %dma_wait3A_99 = tpu.memref_slice %arg9[%dma_wait3A_96, %dma_wait3A_97, %dma_wait3A_98] : memref<2x128x128xf32, #tpu.memory_space<vmem>> -> memref<1x128x128xf32, #tpu.memory_space<vmem>>
      %dma_wait3A_100 = tpu.memref_squeeze %dma_wait3A_99 : memref<1x128x128xf32, #tpu.memory_space<vmem>> -> memref<128x128xf32, #tpu.memory_space<vmem>>
      %dma_wait3A_101 = arith.constant 0 : i32
      %dma_wait3A_102 = tpu.memref_slice %arg8[%add3A_95, %dma_wait3A_101] : memref<40x128xi32, #tpu.memory_space<vmem>> -> memref<1x128xi32, #tpu.memory_space<vmem>>
      %dma_wait3A_103 = tpu.memref_squeeze %dma_wait3A_102 : memref<1x128xi32, #tpu.memory_space<vmem>> -> memref<128xi32, #tpu.memory_space<vmem>>
      %dma_wait3A_104 = arith.constant 0 : i32
      %dma_wait3A_105 = arith.constant 0 : i32
      %dma_wait3A_106 = tpu.memref_slice %arg2[%dma_wait3A_104, %dma_wait3A_105] : memref<10000x128xf32, #tpu.memory_space<hbm>> -> memref<10000x128xf32, #tpu.memory_space<hbm>>
      tpu.wait_indirect_dma semaphore(%arg12 : memref<!tpu.dma_semaphore, #tpu.memory_space<semaphore_mem>>) src(%dma_wait3A_106 : memref<10000x128xf32, #tpu.memory_space<hbm>>) dst(%dma_wait3A_100 : memref<128x128xf32, #tpu.memory_space<vmem>>)
      %run_scoped3A_107 = arith.constant 1 : i32
      "tpu.region"() ({
        %run_scoped3A_115 = tpu.sem_alloc : memref<!tpu.dma_semaphore, #tpu.memory_space<semaphore_mem>>
        %dma_start3A_116 = arith.constant 0 : i32
        %dma_start3A_117 = arith.constant 0 : i32
        %dma_start3A_118 = tpu.memref_slice %arg9[%run_scoped3A_107, %dma_start3A_116, %dma_start3A_117] : memref<2x128x128xf32, #tpu.memory_space<vmem>> -> memref<1x128x128xf32, #tpu.memory_space<vmem>>
        %dma_start3A_119 = tpu.memref_squeeze %dma_start3A_118 : memref<1x128x128xf32, #tpu.memory_space<vmem>> -> memref<128x128xf32, #tpu.memory_space<vmem>>
        %dma_start3A_120 = arith.constant 0 : i32
        %dma_start3A_121 = tpu.memref_slice %arg7[%add3A_95, %dma_start3A_120] : memref<40x128xi32, #tpu.memory_space<vmem>> -> memref<1x128xi32, #tpu.memory_space<vmem>>
        %dma_start3A_122 = tpu.memref_squeeze %dma_start3A_121 : memref<1x128xi32, #tpu.memory_space<vmem>> -> memref<128xi32, #tpu.memory_space<vmem>>
        %dma_start3A_123 = arith.constant 0 : i32
        %dma_start3A_124 = arith.constant 0 : i32
        %dma_start3A_125 = tpu.memref_slice %arg10[%dma_start3A_123, %dma_start3A_124] : memref<10112x128xf32, #tpu.memory_space<vmem_shared>> -> memref<10112x128xf32, #tpu.memory_space<vmem_shared>>
        tpu.enqueue_indirect_dma source(%dma_start3A_119 : memref<128x128xf32, #tpu.memory_space<vmem>>) target(%dma_start3A_125 : memref<10112x128xf32, #tpu.memory_space<vmem_shared>>) offsets(%dma_start3A_122 : memref<128xi32, #tpu.memory_space<vmem>>) semaphore(%run_scoped3A_115 : memref<!tpu.dma_semaphore, #tpu.memory_space<semaphore_mem>>) {add = true}
        %dma_wait3A_126 = arith.constant 0 : i32
        %dma_wait3A_127 = arith.constant 0 : i32
        %dma_wait3A_128 = tpu.memref_slice %arg9[%run_scoped3A_107, %dma_wait3A_126, %dma_wait3A_127] : memref<2x128x128xf32, #tpu.memory_space<vmem>> -> memref<1x128x128xf32, #tpu.memory_space<vmem>>
        %dma_wait3A_129 = tpu.memref_squeeze %dma_wait3A_128 : memref<1x128x128xf32, #tpu.memory_space<vmem>> -> memref<128x128xf32, #tpu.memory_space<vmem>>
        %dma_wait3A_130 = arith.constant 0 : i32
        %dma_wait3A_131 = tpu.memref_slice %arg7[%add3A_95, %dma_wait3A_130] : memref<40x128xi32, #tpu.memory_space<vmem>> -> memref<1x128xi32, #tpu.memory_space<vmem>>
        %dma_wait3A_132 = tpu.memref_squeeze %dma_wait3A_131 : memref<1x128xi32, #tpu.memory_space<vmem>> -> memref<128xi32, #tpu.memory_space<vmem>>
        %dma_wait3A_133 = arith.constant 0 : i32
        %dma_wait3A_134 = arith.constant 0 : i32
        %dma_wait3A_135 = tpu.memref_slice %arg10[%dma_wait3A_133, %dma_wait3A_134] : memref<10112x128xf32, #tpu.memory_space<vmem_shared>> -> memref<10112x128xf32, #tpu.memory_space<vmem_shared>>
        tpu.wait_indirect_dma semaphore(%run_scoped3A_115 : memref<!tpu.dma_semaphore, #tpu.memory_space<semaphore_mem>>) src(%dma_wait3A_129 : memref<128x128xf32, #tpu.memory_space<vmem>>) dst(%dma_wait3A_135 : memref<10112x128xf32, #tpu.memory_space<vmem_shared>>)
        tpu.yield
      }) : () -> ()
      %add3A_108 = arith.constant 2 : i32
      %add3A_109 = arith.addi %add3A_95, %add3A_108 : i32
      %lt3A_110 = arith.constant 40 : i32
      %lt3A_111 = arith.cmpi slt, %add3A_109, %lt3A_110 : i32
      %convert_element_type3A_112 = arith.extui %lt3A_111 : i1 to i32
      %cond3A_113 = arith.constant 0 : i32
      %cond3A_114 = arith.cmpi ne, %convert_element_type3A_112, %cond3A_113 : i32
      scf.if %cond3A_114 {
        %dma_start3A_115 = arith.constant 1 : i32
        %dma_start3A_116 = arith.constant 0 : i32
        %dma_start3A_117 = arith.constant 0 : i32
        %dma_start3A_118 = tpu.memref_slice %arg9[%dma_start3A_115, %dma_start3A_116, %dma_start3A_117] : memref<2x128x128xf32, #tpu.memory_space<vmem>> -> memref<1x128x128xf32, #tpu.memory_space<vmem>>
        %dma_start3A_119 = tpu.memref_squeeze %dma_start3A_118 : memref<1x128x128xf32, #tpu.memory_space<vmem>> -> memref<128x128xf32, #tpu.memory_space<vmem>>
        %dma_start3A_120 = arith.constant 0 : i32
        %dma_start3A_121 = tpu.memref_slice %arg8[%add3A_109, %dma_start3A_120] : memref<40x128xi32, #tpu.memory_space<vmem>> -> memref<1x128xi32, #tpu.memory_space<vmem>>
        %dma_start3A_122 = tpu.memref_squeeze %dma_start3A_121 : memref<1x128xi32, #tpu.memory_space<vmem>> -> memref<128xi32, #tpu.memory_space<vmem>>
        %dma_start3A_123 = arith.constant 0 : i32
        %dma_start3A_124 = arith.constant 0 : i32
        %dma_start3A_125 = tpu.memref_slice %arg2[%dma_start3A_123, %dma_start3A_124] : memref<10000x128xf32, #tpu.memory_space<hbm>> -> memref<10000x128xf32, #tpu.memory_space<hbm>>
        tpu.enqueue_indirect_dma source(%dma_start3A_125 : memref<10000x128xf32, #tpu.memory_space<hbm>>) target(%dma_start3A_119 : memref<128x128xf32, #tpu.memory_space<vmem>>) offsets(%dma_start3A_122 : memref<128xi32, #tpu.memory_space<vmem>>) semaphore(%arg12 : memref<!tpu.dma_semaphore, #tpu.memory_space<semaphore_mem>>)
      } else {
      }
    }
    %scan3A_32 = arith.constant 20 : i32
    "tpu.region"() ({
      %run_scoped3A = tpu.sem_alloc : memref<!tpu.dma_semaphore, #tpu.memory_space<semaphore_mem>>
      %dma_start3A_70 = arith.constant 40 : i32
      %dma_start3A_71 = arith.constant 0 : i32
      %dma_start3A_72 = tpu.memref_slice %arg3[%add3A, %dma_start3A_70, %dma_start3A_71] : memref<32x80x128xi32, #tpu.memory_space<hbm>> -> memref<1x40x128xi32, #tpu.memory_space<hbm>>
      %dma_start3A_73 = tpu.memref_squeeze %dma_start3A_72 : memref<1x40x128xi32, #tpu.memory_space<hbm>> -> memref<40x128xi32, #tpu.memory_space<hbm>>
      %dma_start3A_74 = arith.constant 40 : i32
      %dma_start3A_75 = arith.constant 0 : i32
      %dma_start3A_76 = tpu.memref_slice %arg3[%add3A, %dma_start3A_74, %dma_start3A_75] : memref<32x80x128xi32, #tpu.memory_space<hbm>> -> memref<1x40x128xi32, #tpu.memory_space<hbm>>
      %dma_start3A_77 = tpu.memref_squeeze %dma_start3A_76 : memref<1x40x128xi32, #tpu.memory_space<hbm>> -> memref<40x128xi32, #tpu.memory_space<hbm>>
      tpu.enqueue_dma source(%dma_start3A_77 : memref<40x128xi32, #tpu.memory_space<hbm>>) target(%arg7 : memref<40x128xi32, #tpu.memory_space<vmem>>) target_semaphore(%run_scoped3A : memref<!tpu.dma_semaphore, #tpu.memory_space<semaphore_mem>>)
      %dma_wait3A = arith.constant 40 : i32
      %dma_wait3A_78 = arith.constant 0 : i32
      %dma_wait3A_79 = tpu.memref_slice %arg3[%add3A, %dma_wait3A, %dma_wait3A_78] : memref<32x80x128xi32, #tpu.memory_space<hbm>> -> memref<1x40x128xi32, #tpu.memory_space<hbm>>
      %dma_wait3A_80 = tpu.memref_squeeze %dma_wait3A_79 : memref<1x40x128xi32, #tpu.memory_space<hbm>> -> memref<40x128xi32, #tpu.memory_space<hbm>>
      %dma_wait3A_81 = arith.constant 40 : i32
      %dma_wait3A_82 = arith.constant 0 : i32
      %dma_wait3A_83 = tpu.memref_slice %arg3[%add3A, %dma_wait3A_81, %dma_wait3A_82] : memref<32x80x128xi32, #tpu.memory_space<hbm>> -> memref<1x40x128xi32, #tpu.memory_space<hbm>>
      %dma_wait3A_84 = tpu.memref_squeeze %dma_wait3A_83 : memref<1x40x128xi32, #tpu.memory_space<hbm>> -> memref<40x128xi32, #tpu.memory_space<hbm>>
      tpu.wait_dma2 semaphore(%run_scoped3A : memref<!tpu.dma_semaphore, #tpu.memory_space<semaphore_mem>>) src(%dma_wait3A_84 : memref<40x128xi32, #tpu.memory_space<hbm>>) dst(%arg7 : memref<40x128xi32, #tpu.memory_space<vmem>>)
      tpu.yield
    }) : () -> ()
    "tpu.region"() ({
      %run_scoped3A = tpu.sem_alloc : memref<!tpu.dma_semaphore, #tpu.memory_space<semaphore_mem>>
      %dma_start3A_70 = arith.constant 40 : i32
      %dma_start3A_71 = arith.constant 0 : i32
      %dma_start3A_72 = tpu.memref_slice %arg4[%add3A, %dma_start3A_70, %dma_start3A_71] : memref<32x80x128xi32, #tpu.memory_space<hbm>> -> memref<1x40x128xi32, #tpu.memory_space<hbm>>
      %dma_start3A_73 = tpu.memref_squeeze %dma_start3A_72 : memref<1x40x128xi32, #tpu.memory_space<hbm>> -> memref<40x128xi32, #tpu.memory_space<hbm>>
      %dma_start3A_74 = arith.constant 40 : i32
      %dma_start3A_75 = arith.constant 0 : i32
      %dma_start3A_76 = tpu.memref_slice %arg4[%add3A, %dma_start3A_74, %dma_start3A_75] : memref<32x80x128xi32, #tpu.memory_space<hbm>> -> memref<1x40x128xi32, #tpu.memory_space<hbm>>
      %dma_start3A_77 = tpu.memref_squeeze %dma_start3A_76 : memref<1x40x128xi32, #tpu.memory_space<hbm>> -> memref<40x128xi32, #tpu.memory_space<hbm>>
      tpu.enqueue_dma source(%dma_start3A_77 : memref<40x128xi32, #tpu.memory_space<hbm>>) target(%arg8 : memref<40x128xi32, #tpu.memory_space<vmem>>) target_semaphore(%run_scoped3A : memref<!tpu.dma_semaphore, #tpu.memory_space<semaphore_mem>>)
      %dma_wait3A = arith.constant 40 : i32
      %dma_wait3A_78 = arith.constant 0 : i32
      %dma_wait3A_79 = tpu.memref_slice %arg4[%add3A, %dma_wait3A, %dma_wait3A_78] : memref<32x80x128xi32, #tpu.memory_space<hbm>> -> memref<1x40x128xi32, #tpu.memory_space<hbm>>
      %dma_wait3A_80 = tpu.memref_squeeze %dma_wait3A_79 : memref<1x40x128xi32, #tpu.memory_space<hbm>> -> memref<40x128xi32, #tpu.memory_space<hbm>>
      %dma_wait3A_81 = arith.constant 40 : i32
      %dma_wait3A_82 = arith.constant 0 : i32
      %dma_wait3A_83 = tpu.memref_slice %arg4[%add3A, %dma_wait3A_81, %dma_wait3A_82] : memref<32x80x128xi32, #tpu.memory_space<hbm>> -> memref<1x40x128xi32, #tpu.memory_space<hbm>>
      %dma_wait3A_84 = tpu.memref_squeeze %dma_wait3A_83 : memref<1x40x128xi32, #tpu.memory_space<hbm>> -> memref<40x128xi32, #tpu.memory_space<hbm>>
      tpu.wait_dma2 semaphore(%run_scoped3A : memref<!tpu.dma_semaphore, #tpu.memory_space<semaphore_mem>>) src(%dma_wait3A_84 : memref<40x128xi32, #tpu.memory_space<hbm>>) dst(%arg8 : memref<40x128xi32, #tpu.memory_space<vmem>>)
      tpu.yield
    }) : () -> ()
    %dma_start3A_33 = arith.constant 0 : i32
    %dma_start3A_34 = arith.constant 0 : i32
    %dma_start3A_35 = arith.constant 0 : i32
    %dma_start3A_36 = arith.constant 0 : i32
    %dma_start3A_37 = tpu.memref_slice %arg9[%dma_start3A_34, %dma_start3A_35, %dma_start3A_36] : memref<2x128x128xf32, #tpu.memory_space<vmem>> -> memref<1x128x128xf32, #tpu.memory_space<vmem>>
    %dma_start3A_38 = tpu.memref_squeeze %dma_start3A_37 : memref<1x128x128xf32, #tpu.memory_space<vmem>> -> memref<128x128xf32, #tpu.memory_space<vmem>>
    %dma_start3A_39 = arith.constant 0 : i32
    %dma_start3A_40 = tpu.memref_slice %arg8[%dma_start3A_33, %dma_start3A_39] : memref<40x128xi32, #tpu.memory_space<vmem>> -> memref<1x128xi32, #tpu.memory_space<vmem>>
    %dma_start3A_41 = tpu.memref_squeeze %dma_start3A_40 : memref<1x128xi32, #tpu.memory_space<vmem>> -> memref<128xi32, #tpu.memory_space<vmem>>
    %dma_start3A_42 = arith.constant 0 : i32
    %dma_start3A_43 = arith.constant 0 : i32
    %dma_start3A_44 = tpu.memref_slice %arg2[%dma_start3A_42, %dma_start3A_43] : memref<10000x128xf32, #tpu.memory_space<hbm>> -> memref<10000x128xf32, #tpu.memory_space<hbm>>
    tpu.enqueue_indirect_dma source(%dma_start3A_44 : memref<10000x128xf32, #tpu.memory_space<hbm>>) target(%dma_start3A_38 : memref<128x128xf32, #tpu.memory_space<vmem>>) offsets(%dma_start3A_41 : memref<128xi32, #tpu.memory_space<vmem>>) semaphore(%arg11 : memref<!tpu.dma_semaphore, #tpu.memory_space<semaphore_mem>>)
    %dma_start3A_45 = arith.constant 1 : i32
    %dma_start3A_46 = arith.constant 1 : i32
    %dma_start3A_47 = arith.constant 0 : i32
    %dma_start3A_48 = arith.constant 0 : i32
    %dma_start3A_49 = tpu.memref_slice %arg9[%dma_start3A_46, %dma_start3A_47, %dma_start3A_48] : memref<2x128x128xf32, #tpu.memory_space<vmem>> -> memref<1x128x128xf32, #tpu.memory_space<vmem>>
    %dma_start3A_50 = tpu.memref_squeeze %dma_start3A_49 : memref<1x128x128xf32, #tpu.memory_space<vmem>> -> memref<128x128xf32, #tpu.memory_space<vmem>>
    %dma_start3A_51 = arith.constant 0 : i32
    %dma_start3A_52 = tpu.memref_slice %arg8[%dma_start3A_45, %dma_start3A_51] : memref<40x128xi32, #tpu.memory_space<vmem>> -> memref<1x128xi32, #tpu.memory_space<vmem>>
    %dma_start3A_53 = tpu.memref_squeeze %dma_start3A_52 : memref<1x128xi32, #tpu.memory_space<vmem>> -> memref<128xi32, #tpu.memory_space<vmem>>
    %dma_start3A_54 = arith.constant 0 : i32
    %dma_start3A_55 = arith.constant 0 : i32
    %dma_start3A_56 = tpu.memref_slice %arg2[%dma_start3A_54, %dma_start3A_55] : memref<10000x128xf32, #tpu.memory_space<hbm>> -> memref<10000x128xf32, #tpu.memory_space<hbm>>
    tpu.enqueue_indirect_dma source(%dma_start3A_56 : memref<10000x128xf32, #tpu.memory_space<hbm>>) target(%dma_start3A_50 : memref<128x128xf32, #tpu.memory_space<vmem>>) offsets(%dma_start3A_53 : memref<128xi32, #tpu.memory_space<vmem>>) semaphore(%arg12 : memref<!tpu.dma_semaphore, #tpu.memory_space<semaphore_mem>>)
    %scan3A_57 = arith.constant 0 : i32
    %scan3A_58 = arith.constant 0 : i32
    %scan3A_59 = arith.constant 20 : i32
    %scan3A_60 = arith.addi %scan3A_58, %scan3A_59 : i32
    %scan3A_61 = arith.constant 1 : i32
    scf.for %scan3A_70 = %scan3A_58 to %scan3A_60 step %scan3A_61  : i32 {
      %mul3A_71 = arith.constant 2 : i32
      %mul3A_72 = arith.muli %scan3A_70, %mul3A_71 : i32
      %add3A_73 = arith.constant 0 : i32
      %add3A_74 = arith.addi %mul3A_72, %add3A_73 : i32
      %dma_wait3A = arith.constant 0 : i32
      %dma_wait3A_75 = arith.constant 0 : i32
      %dma_wait3A_76 = arith.constant 0 : i32
      %dma_wait3A_77 = tpu.memref_slice %arg9[%dma_wait3A, %dma_wait3A_75, %dma_wait3A_76] : memref<2x128x128xf32, #tpu.memory_space<vmem>> -> memref<1x128x128xf32, #tpu.memory_space<vmem>>
      %dma_wait3A_78 = tpu.memref_squeeze %dma_wait3A_77 : memref<1x128x128xf32, #tpu.memory_space<vmem>> -> memref<128x128xf32, #tpu.memory_space<vmem>>
      %dma_wait3A_79 = arith.constant 0 : i32
      %dma_wait3A_80 = tpu.memref_slice %arg8[%add3A_74, %dma_wait3A_79] : memref<40x128xi32, #tpu.memory_space<vmem>> -> memref<1x128xi32, #tpu.memory_space<vmem>>
      %dma_wait3A_81 = tpu.memref_squeeze %dma_wait3A_80 : memref<1x128xi32, #tpu.memory_space<vmem>> -> memref<128xi32, #tpu.memory_space<vmem>>
      %dma_wait3A_82 = arith.constant 0 : i32
      %dma_wait3A_83 = arith.constant 0 : i32
      %dma_wait3A_84 = tpu.memref_slice %arg2[%dma_wait3A_82, %dma_wait3A_83] : memref<10000x128xf32, #tpu.memory_space<hbm>> -> memref<10000x128xf32, #tpu.memory_space<hbm>>
      tpu.wait_indirect_dma semaphore(%arg11 : memref<!tpu.dma_semaphore, #tpu.memory_space<semaphore_mem>>) src(%dma_wait3A_84 : memref<10000x128xf32, #tpu.memory_space<hbm>>) dst(%dma_wait3A_78 : memref<128x128xf32, #tpu.memory_space<vmem>>)
      %run_scoped3A = arith.constant 0 : i32
      "tpu.region"() ({
        %run_scoped3A_115 = tpu.sem_alloc : memref<!tpu.dma_semaphore, #tpu.memory_space<semaphore_mem>>
        %dma_start3A_116 = arith.constant 0 : i32
        %dma_start3A_117 = arith.constant 0 : i32
        %dma_start3A_118 = tpu.memref_slice %arg9[%run_scoped3A, %dma_start3A_116, %dma_start3A_117] : memref<2x128x128xf32, #tpu.memory_space<vmem>> -> memref<1x128x128xf32, #tpu.memory_space<vmem>>
        %dma_start3A_119 = tpu.memref_squeeze %dma_start3A_118 : memref<1x128x128xf32, #tpu.memory_space<vmem>> -> memref<128x128xf32, #tpu.memory_space<vmem>>
        %dma_start3A_120 = arith.constant 0 : i32
        %dma_start3A_121 = tpu.memref_slice %arg7[%add3A_74, %dma_start3A_120] : memref<40x128xi32, #tpu.memory_space<vmem>> -> memref<1x128xi32, #tpu.memory_space<vmem>>
        %dma_start3A_122 = tpu.memref_squeeze %dma_start3A_121 : memref<1x128xi32, #tpu.memory_space<vmem>> -> memref<128xi32, #tpu.memory_space<vmem>>
        %dma_start3A_123 = arith.constant 0 : i32
        %dma_start3A_124 = arith.constant 0 : i32
        %dma_start3A_125 = tpu.memref_slice %arg10[%dma_start3A_123, %dma_start3A_124] : memref<10112x128xf32, #tpu.memory_space<vmem_shared>> -> memref<10112x128xf32, #tpu.memory_space<vmem_shared>>
        tpu.enqueue_indirect_dma source(%dma_start3A_119 : memref<128x128xf32, #tpu.memory_space<vmem>>) target(%dma_start3A_125 : memref<10112x128xf32, #tpu.memory_space<vmem_shared>>) offsets(%dma_start3A_122 : memref<128xi32, #tpu.memory_space<vmem>>) semaphore(%run_scoped3A_115 : memref<!tpu.dma_semaphore, #tpu.memory_space<semaphore_mem>>) {add = true}
        %dma_wait3A_126 = arith.constant 0 : i32
        %dma_wait3A_127 = arith.constant 0 : i32
        %dma_wait3A_128 = tpu.memref_slice %arg9[%run_scoped3A, %dma_wait3A_126, %dma_wait3A_127] : memref<2x128x128xf32, #tpu.memory_space<vmem>> -> memref<1x128x128xf32, #tpu.memory_space<vmem>>
        %dma_wait3A_129 = tpu.memref_squeeze %dma_wait3A_128 : memref<1x128x128xf32, #tpu.memory_space<vmem>> -> memref<128x128xf32, #tpu.memory_space<vmem>>
        %dma_wait3A_130 = arith.constant 0 : i32
        %dma_wait3A_131 = tpu.memref_slice %arg7[%add3A_74, %dma_wait3A_130] : memref<40x128xi32, #tpu.memory_space<vmem>> -> memref<1x128xi32, #tpu.memory_space<vmem>>
        %dma_wait3A_132 = tpu.memref_squeeze %dma_wait3A_131 : memref<1x128xi32, #tpu.memory_space<vmem>> -> memref<128xi32, #tpu.memory_space<vmem>>
        %dma_wait3A_133 = arith.constant 0 : i32
        %dma_wait3A_134 = arith.constant 0 : i32
        %dma_wait3A_135 = tpu.memref_slice %arg10[%dma_wait3A_133, %dma_wait3A_134] : memref<10112x128xf32, #tpu.memory_space<vmem_shared>> -> memref<10112x128xf32, #tpu.memory_space<vmem_shared>>
        tpu.wait_indirect_dma semaphore(%run_scoped3A_115 : memref<!tpu.dma_semaphore, #tpu.memory_space<semaphore_mem>>) src(%dma_wait3A_129 : memref<128x128xf32, #tpu.memory_space<vmem>>) dst(%dma_wait3A_135 : memref<10112x128xf32, #tpu.memory_space<vmem_shared>>)
        tpu.yield
      }) : () -> ()
      %add3A_85 = arith.constant 2 : i32
      %add3A_86 = arith.addi %add3A_74, %add3A_85 : i32
      %lt3A_87 = arith.constant 40 : i32
      %lt3A_88 = arith.cmpi slt, %add3A_86, %lt3A_87 : i32
      %convert_element_type3A_89 = arith.extui %lt3A_88 : i1 to i32
      %cond3A_90 = arith.constant 0 : i32
      %cond3A_91 = arith.cmpi ne, %convert_element_type3A_89, %cond3A_90 : i32
      scf.if %cond3A_91 {
        %dma_start3A_115 = arith.constant 0 : i32
        %dma_start3A_116 = arith.constant 0 : i32
        %dma_start3A_117 = arith.constant 0 : i32
        %dma_start3A_118 = tpu.memref_slice %arg9[%dma_start3A_115, %dma_start3A_116, %dma_start3A_117] : memref<2x128x128xf32, #tpu.memory_space<vmem>> -> memref<1x128x128xf32, #tpu.memory_space<vmem>>
        %dma_start3A_119 = tpu.memref_squeeze %dma_start3A_118 : memref<1x128x128xf32, #tpu.memory_space<vmem>> -> memref<128x128xf32, #tpu.memory_space<vmem>>
        %dma_start3A_120 = arith.constant 0 : i32
        %dma_start3A_121 = tpu.memref_slice %arg8[%add3A_86, %dma_start3A_120] : memref<40x128xi32, #tpu.memory_space<vmem>> -> memref<1x128xi32, #tpu.memory_space<vmem>>
        %dma_start3A_122 = tpu.memref_squeeze %dma_start3A_121 : memref<1x128xi32, #tpu.memory_space<vmem>> -> memref<128xi32, #tpu.memory_space<vmem>>
        %dma_start3A_123 = arith.constant 0 : i32
        %dma_start3A_124 = arith.constant 0 : i32
        %dma_start3A_125 = tpu.memref_slice %arg2[%dma_start3A_123, %dma_start3A_124] : memref<10000x128xf32, #tpu.memory_space<hbm>> -> memref<10000x128xf32, #tpu.memory_space<hbm>>
        tpu.enqueue_indirect_dma source(%dma_start3A_125 : memref<10000x128xf32, #tpu.memory_space<hbm>>) target(%dma_start3A_119 : memref<128x128xf32, #tpu.memory_space<vmem>>) offsets(%dma_start3A_122 : memref<128xi32, #tpu.memory_space<vmem>>) semaphore(%arg11 : memref<!tpu.dma_semaphore, #tpu.memory_space<semaphore_mem>>)
      } else {
      }
      %mul3A_92 = arith.constant 2 : i32
      %mul3A_93 = arith.muli %scan3A_70, %mul3A_92 : i32
      %add3A_94 = arith.constant 1 : i32
      %add3A_95 = arith.addi %mul3A_93, %add3A_94 : i32
      %dma_wait3A_96 = arith.constant 1 : i32
      %dma_wait3A_97 = arith.constant 0 : i32
      %dma_wait3A_98 = arith.constant 0 : i32
      %dma_wait3A_99 = tpu.memref_slice %arg9[%dma_wait3A_96, %dma_wait3A_97, %dma_wait3A_98] : memref<2x128x128xf32, #tpu.memory_space<vmem>> -> memref<1x128x128xf32, #tpu.memory_space<vmem>>
      %dma_wait3A_100 = tpu.memref_squeeze %dma_wait3A_99 : memref<1x128x128xf32, #tpu.memory_space<vmem>> -> memref<128x128xf32, #tpu.memory_space<vmem>>
      %dma_wait3A_101 = arith.constant 0 : i32
      %dma_wait3A_102 = tpu.memref_slice %arg8[%add3A_95, %dma_wait3A_101] : memref<40x128xi32, #tpu.memory_space<vmem>> -> memref<1x128xi32, #tpu.memory_space<vmem>>
      %dma_wait3A_103 = tpu.memref_squeeze %dma_wait3A_102 : memref<1x128xi32, #tpu.memory_space<vmem>> -> memref<128xi32, #tpu.memory_space<vmem>>
      %dma_wait3A_104 = arith.constant 0 : i32
      %dma_wait3A_105 = arith.constant 0 : i32
      %dma_wait3A_106 = tpu.memref_slice %arg2[%dma_wait3A_104, %dma_wait3A_105] : memref<10000x128xf32, #tpu.memory_space<hbm>> -> memref<10000x128xf32, #tpu.memory_space<hbm>>
      tpu.wait_indirect_dma semaphore(%arg12 : memref<!tpu.dma_semaphore, #tpu.memory_space<semaphore_mem>>) src(%dma_wait3A_106 : memref<10000x128xf32, #tpu.memory_space<hbm>>) dst(%dma_wait3A_100 : memref<128x128xf32, #tpu.memory_space<vmem>>)
      %run_scoped3A_107 = arith.constant 1 : i32
      "tpu.region"() ({
        %run_scoped3A_115 = tpu.sem_alloc : memref<!tpu.dma_semaphore, #tpu.memory_space<semaphore_mem>>
        %dma_start3A_116 = arith.constant 0 : i32
        %dma_start3A_117 = arith.constant 0 : i32
        %dma_start3A_118 = tpu.memref_slice %arg9[%run_scoped3A_107, %dma_start3A_116, %dma_start3A_117] : memref<2x128x128xf32, #tpu.memory_space<vmem>> -> memref<1x128x128xf32, #tpu.memory_space<vmem>>
        %dma_start3A_119 = tpu.memref_squeeze %dma_start3A_118 : memref<1x128x128xf32, #tpu.memory_space<vmem>> -> memref<128x128xf32, #tpu.memory_space<vmem>>
        %dma_start3A_120 = arith.constant 0 : i32
        %dma_start3A_121 = tpu.memref_slice %arg7[%add3A_95, %dma_start3A_120] : memref<40x128xi32, #tpu.memory_space<vmem>> -> memref<1x128xi32, #tpu.memory_space<vmem>>
        %dma_start3A_122 = tpu.memref_squeeze %dma_start3A_121 : memref<1x128xi32, #tpu.memory_space<vmem>> -> memref<128xi32, #tpu.memory_space<vmem>>
        %dma_start3A_123 = arith.constant 0 : i32
        %dma_start3A_124 = arith.constant 0 : i32
        %dma_start3A_125 = tpu.memref_slice %arg10[%dma_start3A_123, %dma_start3A_124] : memref<10112x128xf32, #tpu.memory_space<vmem_shared>> -> memref<10112x128xf32, #tpu.memory_space<vmem_shared>>
        tpu.enqueue_indirect_dma source(%dma_start3A_119 : memref<128x128xf32, #tpu.memory_space<vmem>>) target(%dma_start3A_125 : memref<10112x128xf32, #tpu.memory_space<vmem_shared>>) offsets(%dma_start3A_122 : memref<128xi32, #tpu.memory_space<vmem>>) semaphore(%run_scoped3A_115 : memref<!tpu.dma_semaphore, #tpu.memory_space<semaphore_mem>>) {add = true}
        %dma_wait3A_126 = arith.constant 0 : i32
        %dma_wait3A_127 = arith.constant 0 : i32
        %dma_wait3A_128 = tpu.memref_slice %arg9[%run_scoped3A_107, %dma_wait3A_126, %dma_wait3A_127] : memref<2x128x128xf32, #tpu.memory_space<vmem>> -> memref<1x128x128xf32, #tpu.memory_space<vmem>>
        %dma_wait3A_129 = tpu.memref_squeeze %dma_wait3A_128 : memref<1x128x128xf32, #tpu.memory_space<vmem>> -> memref<128x128xf32, #tpu.memory_space<vmem>>
        %dma_wait3A_130 = arith.constant 0 : i32
        %dma_wait3A_131 = tpu.memref_slice %arg7[%add3A_95, %dma_wait3A_130] : memref<40x128xi32, #tpu.memory_space<vmem>> -> memref<1x128xi32, #tpu.memory_space<vmem>>
        %dma_wait3A_132 = tpu.memref_squeeze %dma_wait3A_131 : memref<1x128xi32, #tpu.memory_space<vmem>> -> memref<128xi32, #tpu.memory_space<vmem>>
        %dma_wait3A_133 = arith.constant 0 : i32
        %dma_wait3A_134 = arith.constant 0 : i32
        %dma_wait3A_135 = tpu.memref_slice %arg10[%dma_wait3A_133, %dma_wait3A_134] : memref<10112x128xf32, #tpu.memory_space<vmem_shared>> -> memref<10112x128xf32, #tpu.memory_space<vmem_shared>>
        tpu.wait_indirect_dma semaphore(%run_scoped3A_115 : memref<!tpu.dma_semaphore, #tpu.memory_space<semaphore_mem>>) src(%dma_wait3A_129 : memref<128x128xf32, #tpu.memory_space<vmem>>) dst(%dma_wait3A_135 : memref<10112x128xf32, #tpu.memory_space<vmem_shared>>)
        tpu.yield
      }) : () -> ()
      %add3A_108 = arith.constant 2 : i32
      %add3A_109 = arith.addi %add3A_95, %add3A_108 : i32
      %lt3A_110 = arith.constant 40 : i32
      %lt3A_111 = arith.cmpi slt, %add3A_109, %lt3A_110 : i32
      %convert_element_type3A_112 = arith.extui %lt3A_111 : i1 to i32
      %cond3A_113 = arith.constant 0 : i32
      %cond3A_114 = arith.cmpi ne, %convert_element_type3A_112, %cond3A_113 : i32
      scf.if %cond3A_114 {
        %dma_start3A_115 = arith.constant 1 : i32
        %dma_start3A_116 = arith.constant 0 : i32
        %dma_start3A_117 = arith.constant 0 : i32
        %dma_start3A_118 = tpu.memref_slice %arg9[%dma_start3A_115, %dma_start3A_116, %dma_start3A_117] : memref<2x128x128xf32, #tpu.memory_space<vmem>> -> memref<1x128x128xf32, #tpu.memory_space<vmem>>
        %dma_start3A_119 = tpu.memref_squeeze %dma_start3A_118 : memref<1x128x128xf32, #tpu.memory_space<vmem>> -> memref<128x128xf32, #tpu.memory_space<vmem>>
        %dma_start3A_120 = arith.constant 0 : i32
        %dma_start3A_121 = tpu.memref_slice %arg8[%add3A_109, %dma_start3A_120] : memref<40x128xi32, #tpu.memory_space<vmem>> -> memref<1x128xi32, #tpu.memory_space<vmem>>
        %dma_start3A_122 = tpu.memref_squeeze %dma_start3A_121 : memref<1x128xi32, #tpu.memory_space<vmem>> -> memref<128xi32, #tpu.memory_space<vmem>>
        %dma_start3A_123 = arith.constant 0 : i32
        %dma_start3A_124 = arith.constant 0 : i32
        %dma_start3A_125 = tpu.memref_slice %arg2[%dma_start3A_123, %dma_start3A_124] : memref<10000x128xf32, #tpu.memory_space<hbm>> -> memref<10000x128xf32, #tpu.memory_space<hbm>>
        tpu.enqueue_indirect_dma source(%dma_start3A_125 : memref<10000x128xf32, #tpu.memory_space<hbm>>) target(%dma_start3A_119 : memref<128x128xf32, #tpu.memory_space<vmem>>) offsets(%dma_start3A_122 : memref<128xi32, #tpu.memory_space<vmem>>) semaphore(%arg12 : memref<!tpu.dma_semaphore, #tpu.memory_space<semaphore_mem>>)
      } else {
      }
    }
    %scan3A_62 = arith.constant 20 : i32
    %barrier3A_63 = arith.constant 0 : index
    tpu.barrier barrier_id(%barrier3A_63)
    %lt3A = arith.constant 15 : i32
    %lt3A_64 = arith.cmpi slt, %arg1, %lt3A : i32
    %convert_element_type3A = arith.extui %lt3A_64 : i1 to i32
    %cond3A = arith.constant 0 : i32
    %cond3A_65 = arith.cmpi ne, %convert_element_type3A, %cond3A : i32
    scf.if %cond3A_65 {
      %mul3A_70 = arith.constant 632 : i32
      %mul3A_71 = arith.muli %arg1, %mul3A_70 : i32
      %mul3A_72 = arith.constant 632 : i32
      %mul3A_73 = arith.muli %arg1, %mul3A_72 : i32
      "tpu.region"() ({
        %run_scoped3A = tpu.sem_alloc : memref<!tpu.dma_semaphore, #tpu.memory_space<semaphore_mem>>
        %dma_start3A_74 = arith.constant 0 : i32
        %dma_start3A_75 = tpu.memref_slice %arg6[%arg0, %mul3A_73, %dma_start3A_74] : memref<2x10000x128xf32, #tpu.memory_space<hbm>> -> memref<1x632x128xf32, #tpu.memory_space<hbm>>
        %dma_start3A_76 = tpu.memref_squeeze %dma_start3A_75 : memref<1x632x128xf32, #tpu.memory_space<hbm>> -> memref<632x128xf32, #tpu.memory_space<hbm>>
        %dma_start3A_77 = arith.constant 0 : i32
        %dma_start3A_78 = tpu.memref_slice %arg10[%mul3A_71, %dma_start3A_77] : memref<10112x128xf32, #tpu.memory_space<vmem_shared>> -> memref<632x128xf32, #tpu.memory_space<vmem_shared>>
        tpu.enqueue_dma source(%dma_start3A_78 : memref<632x128xf32, #tpu.memory_space<vmem_shared>>) target(%dma_start3A_76 : memref<632x128xf32, #tpu.memory_space<hbm>>) target_semaphore(%run_scoped3A : memref<!tpu.dma_semaphore, #tpu.memory_space<semaphore_mem>>)
        %dma_wait3A = arith.constant 0 : i32
        %dma_wait3A_79 = tpu.memref_slice %arg6[%arg0, %mul3A_73, %dma_wait3A] : memref<2x10000x128xf32, #tpu.memory_space<hbm>> -> memref<1x632x128xf32, #tpu.memory_space<hbm>>
        %dma_wait3A_80 = tpu.memref_squeeze %dma_wait3A_79 : memref<1x632x128xf32, #tpu.memory_space<hbm>> -> memref<632x128xf32, #tpu.memory_space<hbm>>
        %dma_wait3A_81 = arith.constant 0 : i32
        %dma_wait3A_82 = tpu.memref_slice %arg10[%mul3A_71, %dma_wait3A_81] : memref<10112x128xf32, #tpu.memory_space<vmem_shared>> -> memref<632x128xf32, #tpu.memory_space<vmem_shared>>
        tpu.wait_dma2 semaphore(%run_scoped3A : memref<!tpu.dma_semaphore, #tpu.memory_space<semaphore_mem>>) src(%dma_wait3A_82 : memref<632x128xf32, #tpu.memory_space<vmem_shared>>) dst(%dma_wait3A_80 : memref<632x128xf32, #tpu.memory_space<hbm>>)
        tpu.yield
      }) : () -> ()
    } else {
    }
    %eq3A = arith.constant 15 : i32
    %eq3A_66 = arith.cmpi eq, %arg1, %eq3A : i32
    %convert_element_type3A_67 = arith.extui %eq3A_66 : i1 to i32
    %cond3A_68 = arith.constant 0 : i32
    %cond3A_69 = arith.cmpi ne, %convert_element_type3A_67, %cond3A_68 : i32
    scf.if %cond3A_69 {
      "tpu.region"() ({
        %run_scoped3A = tpu.sem_alloc : memref<!tpu.dma_semaphore, #tpu.memory_space<semaphore_mem>>
        %dma_start3A_70 = arith.constant 9480 : i32
        %dma_start3A_71 = arith.constant 0 : i32
        %dma_start3A_72 = tpu.memref_slice %arg6[%arg0, %dma_start3A_70, %dma_start3A_71] : memref<2x10000x128xf32, #tpu.memory_space<hbm>> -> memref<1x520x128xf32, #tpu.memory_space<hbm>>
        %dma_start3A_73 = tpu.memref_squeeze %dma_start3A_72 : memref<1x520x128xf32, #tpu.memory_space<hbm>> -> memref<520x128xf32, #tpu.memory_space<hbm>>
        %dma_start3A_74 = arith.constant 9480 : i32
        %dma_start3A_75 = arith.constant 0 : i32
        %dma_start3A_76 = tpu.memref_slice %arg10[%dma_start3A_74, %dma_start3A_75] : memref<10112x128xf32, #tpu.memory_space<vmem_shared>> -> memref<520x128xf32, #tpu.memory_space<vmem_shared>>
        tpu.enqueue_dma source(%dma_start3A_76 : memref<520x128xf32, #tpu.memory_space<vmem_shared>>) target(%dma_start3A_73 : memref<520x128xf32, #tpu.memory_space<hbm>>) target_semaphore(%run_scoped3A : memref<!tpu.dma_semaphore, #tpu.memory_space<semaphore_mem>>)
        %dma_wait3A = arith.constant 9480 : i32
        %dma_wait3A_77 = arith.constant 0 : i32
        %dma_wait3A_78 = tpu.memref_slice %arg6[%arg0, %dma_wait3A, %dma_wait3A_77] : memref<2x10000x128xf32, #tpu.memory_space<hbm>> -> memref<1x520x128xf32, #tpu.memory_space<hbm>>
        %dma_wait3A_79 = tpu.memref_squeeze %dma_wait3A_78 : memref<1x520x128xf32, #tpu.memory_space<hbm>> -> memref<520x128xf32, #tpu.memory_space<hbm>>
        %dma_wait3A_80 = arith.constant 9480 : i32
        %dma_wait3A_81 = arith.constant 0 : i32
        %dma_wait3A_82 = tpu.memref_slice %arg10[%dma_wait3A_80, %dma_wait3A_81] : memref<10112x128xf32, #tpu.memory_space<vmem_shared>> -> memref<520x128xf32, #tpu.memory_space<vmem_shared>>
        tpu.wait_dma2 semaphore(%run_scoped3A : memref<!tpu.dma_semaphore, #tpu.memory_space<semaphore_mem>>) src(%dma_wait3A_82 : memref<520x128xf32, #tpu.memory_space<vmem_shared>>) dst(%dma_wait3A_79 : memref<520x128xf32, #tpu.memory_space<hbm>>)
        tpu.yield
      }) : () -> ()
    } else {
    }
    return
  }
}

#map = affine_map<(d0, d1) -> (0, 0)>
#map1 = affine_map<(d0, d1) -> (0, 0, 0)>
module attributes {stable_mosaic.version = 14 : i64} {
  func.func @_agg_body(%arg0: i32, %arg1: i32, %arg2: memref<10000x128xf32, #tpu.memory_space<hbm>>, %arg3: memref<32x80x128xi32, #tpu.memory_space<hbm>>, %arg4: memref<32x80x128xi32, #tpu.memory_space<hbm>>, %arg5: memref<10112x128xf32, #tpu.memory_space<hbm>>, %arg6: memref<2x10000x128xf32, #tpu.memory_space<hbm>>, %arg7: memref<40x128xi32, #tpu.memory_space<vmem>>, %arg8: memref<40x128xi32, #tpu.memory_space<vmem>>, %arg9: memref<2x128x128xf32, #tpu.memory_space<vmem>>, %arg10: memref<10112x128xf32, #tpu.memory_space<vmem_shared>>, %arg11: memref<!tpu.dma_semaphore, #tpu.memory_space<semaphore_mem>>, %arg12: memref<!tpu.dma_semaphore, #tpu.memory_space<semaphore_mem>>) attributes {dimension_semantics = [#tpu.dimension_semantics<core_parallel>, #tpu.dimension_semantics<subcore_parallel>], iteration_bounds = array<i64: 2, 16>, scalar_prefetch = 0 : i64, scratch_operands = 6 : i64, tpu.core_type = #tpu.core_type<sc_vector_subcore>, window_params = [{transform_indices = #map}, {transform_indices = #map1}, {transform_indices = #map1}, {transform_indices = #map}, {transform_indices = #map1}]} {
    %mul3A = arith.constant 16 : i32
    %mul3A_0 = arith.muli %arg0, %mul3A : i32
    %add3A = arith.addi %mul3A_0, %arg1 : i32
    %mul3A_1 = arith.constant 632 : i32
    %mul3A_2 = arith.muli %arg1, %mul3A_1 : i32
    %mul3A_3 = arith.constant 632 : i32
    %mul3A_4 = arith.muli %arg1, %mul3A_3 : i32
    "tpu.region"() ({
      %run_scoped3A = tpu.sem_alloc : memref<!tpu.dma_semaphore, #tpu.memory_space<semaphore_mem>>
      %dma_start3A_70 = arith.constant 0 : i32
      %dma_start3A_71 = tpu.memref_slice %arg10[%mul3A_4, %dma_start3A_70] : memref<10112x128xf32, #tpu.memory_space<vmem_shared>> -> memref<632x128xf32, #tpu.memory_space<vmem_shared>>
      %dma_start3A_72 = arith.constant 0 : i32
      %dma_start3A_73 = tpu.memref_slice %arg5[%mul3A_2, %dma_start3A_72] : memref<10112x128xf32, #tpu.memory_space<hbm>> -> memref<632x128xf32, #tpu.memory_space<hbm>>
      tpu.enqueue_dma source(%dma_start3A_73 : memref<632x128xf32, #tpu.memory_space<hbm>>) target(%dma_start3A_71 : memref<632x128xf32, #tpu.memory_space<vmem_shared>>) target_semaphore(%run_scoped3A : memref<!tpu.dma_semaphore, #tpu.memory_space<semaphore_mem>>)
      %dma_wait3A = arith.constant 0 : i32
      %dma_wait3A_74 = tpu.memref_slice %arg10[%mul3A_4, %dma_wait3A] : memref<10112x128xf32, #tpu.memory_space<vmem_shared>> -> memref<632x128xf32, #tpu.memory_space<vmem_shared>>
      %dma_wait3A_75 = arith.constant 0 : i32
      %dma_wait3A_76 = tpu.memref_slice %arg5[%mul3A_2, %dma_wait3A_75] : memref<10112x128xf32, #tpu.memory_space<hbm>> -> memref<632x128xf32, #tpu.memory_space<hbm>>
      tpu.wait_dma2 semaphore(%run_scoped3A : memref<!tpu.dma_semaphore, #tpu.memory_space<semaphore_mem>>) src(%dma_wait3A_76 : memref<632x128xf32, #tpu.memory_space<hbm>>) dst(%dma_wait3A_74 : memref<632x128xf32, #tpu.memory_space<vmem_shared>>)
      tpu.yield
    }) : () -> ()
    "tpu.region"() ({
      %run_scoped3A = tpu.sem_alloc : memref<!tpu.dma_semaphore, #tpu.memory_space<semaphore_mem>>
      %dma_start3A_70 = arith.constant 0 : i32
      %dma_start3A_71 = arith.constant 0 : i32
      %dma_start3A_72 = tpu.memref_slice %arg3[%add3A, %dma_start3A_70, %dma_start3A_71] : memref<32x80x128xi32, #tpu.memory_space<hbm>> -> memref<1x40x128xi32, #tpu.memory_space<hbm>>
      %dma_start3A_73 = tpu.memref_squeeze %dma_start3A_72 : memref<1x40x128xi32, #tpu.memory_space<hbm>> -> memref<40x128xi32, #tpu.memory_space<hbm>>
      %dma_start3A_74 = arith.constant 0 : i32
      %dma_start3A_75 = arith.constant 0 : i32
      %dma_start3A_76 = tpu.memref_slice %arg3[%add3A, %dma_start3A_74, %dma_start3A_75] : memref<32x80x128xi32, #tpu.memory_space<hbm>> -> memref<1x40x128xi32, #tpu.memory_space<hbm>>
      %dma_start3A_77 = tpu.memref_squeeze %dma_start3A_76 : memref<1x40x128xi32, #tpu.memory_space<hbm>> -> memref<40x128xi32, #tpu.memory_space<hbm>>
      tpu.enqueue_dma source(%dma_start3A_77 : memref<40x128xi32, #tpu.memory_space<hbm>>) target(%arg7 : memref<40x128xi32, #tpu.memory_space<vmem>>) target_semaphore(%run_scoped3A : memref<!tpu.dma_semaphore, #tpu.memory_space<semaphore_mem>>)
      %dma_wait3A = arith.constant 0 : i32
      %dma_wait3A_78 = arith.constant 0 : i32
      %dma_wait3A_79 = tpu.memref_slice %arg3[%add3A, %dma_wait3A, %dma_wait3A_78] : memref<32x80x128xi32, #tpu.memory_space<hbm>> -> memref<1x40x128xi32, #tpu.memory_space<hbm>>
      %dma_wait3A_80 = tpu.memref_squeeze %dma_wait3A_79 : memref<1x40x128xi32, #tpu.memory_space<hbm>> -> memref<40x128xi32, #tpu.memory_space<hbm>>
      %dma_wait3A_81 = arith.constant 0 : i32
      %dma_wait3A_82 = arith.constant 0 : i32
      %dma_wait3A_83 = tpu.memref_slice %arg3[%add3A, %dma_wait3A_81, %dma_wait3A_82] : memref<32x80x128xi32, #tpu.memory_space<hbm>> -> memref<1x40x128xi32, #tpu.memory_space<hbm>>
      %dma_wait3A_84 = tpu.memref_squeeze %dma_wait3A_83 : memref<1x40x128xi32, #tpu.memory_space<hbm>> -> memref<40x128xi32, #tpu.memory_space<hbm>>
      tpu.wait_dma2 semaphore(%run_scoped3A : memref<!tpu.dma_semaphore, #tpu.memory_space<semaphore_mem>>) src(%dma_wait3A_84 : memref<40x128xi32, #tpu.memory_space<hbm>>) dst(%arg7 : memref<40x128xi32, #tpu.memory_space<vmem>>)
      tpu.yield
    }) : () -> ()
    "tpu.region"() ({
      %run_scoped3A = tpu.sem_alloc : memref<!tpu.dma_semaphore, #tpu.memory_space<semaphore_mem>>
      %dma_start3A_70 = arith.constant 0 : i32
      %dma_start3A_71 = arith.constant 0 : i32
      %dma_start3A_72 = tpu.memref_slice %arg4[%add3A, %dma_start3A_70, %dma_start3A_71] : memref<32x80x128xi32, #tpu.memory_space<hbm>> -> memref<1x40x128xi32, #tpu.memory_space<hbm>>
      %dma_start3A_73 = tpu.memref_squeeze %dma_start3A_72 : memref<1x40x128xi32, #tpu.memory_space<hbm>> -> memref<40x128xi32, #tpu.memory_space<hbm>>
      %dma_start3A_74 = arith.constant 0 : i32
      %dma_start3A_75 = arith.constant 0 : i32
      %dma_start3A_76 = tpu.memref_slice %arg4[%add3A, %dma_start3A_74, %dma_start3A_75] : memref<32x80x128xi32, #tpu.memory_space<hbm>> -> memref<1x40x128xi32, #tpu.memory_space<hbm>>
      %dma_start3A_77 = tpu.memref_squeeze %dma_start3A_76 : memref<1x40x128xi32, #tpu.memory_space<hbm>> -> memref<40x128xi32, #tpu.memory_space<hbm>>
      tpu.enqueue_dma source(%dma_start3A_77 : memref<40x128xi32, #tpu.memory_space<hbm>>) target(%arg8 : memref<40x128xi32, #tpu.memory_space<vmem>>) target_semaphore(%run_scoped3A : memref<!tpu.dma_semaphore, #tpu.memory_space<semaphore_mem>>)
      %dma_wait3A = arith.constant 0 : i32
      %dma_wait3A_78 = arith.constant 0 : i32
      %dma_wait3A_79 = tpu.memref_slice %arg4[%add3A, %dma_wait3A, %dma_wait3A_78] : memref<32x80x128xi32, #tpu.memory_space<hbm>> -> memref<1x40x128xi32, #tpu.memory_space<hbm>>
      %dma_wait3A_80 = tpu.memref_squeeze %dma_wait3A_79 : memref<1x40x128xi32, #tpu.memory_space<hbm>> -> memref<40x128xi32, #tpu.memory_space<hbm>>
      %dma_wait3A_81 = arith.constant 0 : i32
      %dma_wait3A_82 = arith.constant 0 : i32
      %dma_wait3A_83 = tpu.memref_slice %arg4[%add3A, %dma_wait3A_81, %dma_wait3A_82] : memref<32x80x128xi32, #tpu.memory_space<hbm>> -> memref<1x40x128xi32, #tpu.memory_space<hbm>>
      %dma_wait3A_84 = tpu.memref_squeeze %dma_wait3A_83 : memref<1x40x128xi32, #tpu.memory_space<hbm>> -> memref<40x128xi32, #tpu.memory_space<hbm>>
      tpu.wait_dma2 semaphore(%run_scoped3A : memref<!tpu.dma_semaphore, #tpu.memory_space<semaphore_mem>>) src(%dma_wait3A_84 : memref<40x128xi32, #tpu.memory_space<hbm>>) dst(%arg8 : memref<40x128xi32, #tpu.memory_space<vmem>>)
      tpu.yield
    }) : () -> ()
    %dma_start3A = arith.constant 0 : i32
    %dma_start3A_5 = arith.constant 0 : i32
    %dma_start3A_6 = arith.constant 0 : i32
    %dma_start3A_7 = arith.constant 0 : i32
    %dma_start3A_8 = tpu.memref_slice %arg9[%dma_start3A_5, %dma_start3A_6, %dma_start3A_7] : memref<2x128x128xf32, #tpu.memory_space<vmem>> -> memref<1x128x128xf32, #tpu.memory_space<vmem>>
    %dma_start3A_9 = tpu.memref_squeeze %dma_start3A_8 : memref<1x128x128xf32, #tpu.memory_space<vmem>> -> memref<128x128xf32, #tpu.memory_space<vmem>>
    %dma_start3A_10 = arith.constant 0 : i32
    %dma_start3A_11 = tpu.memref_slice %arg8[%dma_start3A, %dma_start3A_10] : memref<40x128xi32, #tpu.memory_space<vmem>> -> memref<1x128xi32, #tpu.memory_space<vmem>>
    %dma_start3A_12 = tpu.memref_squeeze %dma_start3A_11 : memref<1x128xi32, #tpu.memory_space<vmem>> -> memref<128xi32, #tpu.memory_space<vmem>>
    %dma_start3A_13 = arith.constant 0 : i32
    %dma_start3A_14 = arith.constant 0 : i32
    %dma_start3A_15 = tpu.memref_slice %arg2[%dma_start3A_13, %dma_start3A_14] : memref<10000x128xf32, #tpu.memory_space<hbm>> -> memref<10000x128xf32, #tpu.memory_space<hbm>>
    tpu.enqueue_indirect_dma source(%dma_start3A_15 : memref<10000x128xf32, #tpu.memory_space<hbm>>) target(%dma_start3A_9 : memref<128x128xf32, #tpu.memory_space<vmem>>) offsets(%dma_start3A_12 : memref<128xi32, #tpu.memory_space<vmem>>) semaphore(%arg11 : memref<!tpu.dma_semaphore, #tpu.memory_space<semaphore_mem>>)
    %dma_start3A_16 = arith.constant 1 : i32
    %dma_start3A_17 = arith.constant 1 : i32
    %dma_start3A_18 = arith.constant 0 : i32
    %dma_start3A_19 = arith.constant 0 : i32
    %dma_start3A_20 = tpu.memref_slice %arg9[%dma_start3A_17, %dma_start3A_18, %dma_start3A_19] : memref<2x128x128xf32, #tpu.memory_space<vmem>> -> memref<1x128x128xf32, #tpu.memory_space<vmem>>
    %dma_start3A_21 = tpu.memref_squeeze %dma_start3A_20 : memref<1x128x128xf32, #tpu.memory_space<vmem>> -> memref<128x128xf32, #tpu.memory_space<vmem>>
    %dma_start3A_22 = arith.constant 0 : i32
    %dma_start3A_23 = tpu.memref_slice %arg8[%dma_start3A_16, %dma_start3A_22] : memref<40x128xi32, #tpu.memory_space<vmem>> -> memref<1x128xi32, #tpu.memory_space<vmem>>
    %dma_start3A_24 = tpu.memref_squeeze %dma_start3A_23 : memref<1x128xi32, #tpu.memory_space<vmem>> -> memref<128xi32, #tpu.memory_space<vmem>>
    %dma_start3A_25 = arith.constant 0 : i32
    %dma_start3A_26 = arith.constant 0 : i32
    %dma_start3A_27 = tpu.memref_slice %arg2[%dma_start3A_25, %dma_start3A_26] : memref<10000x128xf32, #tpu.memory_space<hbm>> -> memref<10000x128xf32, #tpu.memory_space<hbm>>
    tpu.enqueue_indirect_dma source(%dma_start3A_27 : memref<10000x128xf32, #tpu.memory_space<hbm>>) target(%dma_start3A_21 : memref<128x128xf32, #tpu.memory_space<vmem>>) offsets(%dma_start3A_24 : memref<128xi32, #tpu.memory_space<vmem>>) semaphore(%arg12 : memref<!tpu.dma_semaphore, #tpu.memory_space<semaphore_mem>>)
    %barrier3A = arith.constant 0 : index
    tpu.barrier barrier_id(%barrier3A)
    %scan3A = arith.constant 0 : i32
    %scan3A_28 = arith.constant 0 : i32
    %scan3A_29 = arith.constant 20 : i32
    %scan3A_30 = arith.addi %scan3A_28, %scan3A_29 : i32
    %scan3A_31 = arith.constant 1 : i32
    scf.for %scan3A_70 = %scan3A_28 to %scan3A_30 step %scan3A_31  : i32 {
      %mul3A_71 = arith.constant 2 : i32
      %mul3A_72 = arith.muli %scan3A_70, %mul3A_71 : i32
      %add3A_73 = arith.constant 0 : i32
      %add3A_74 = arith.addi %mul3A_72, %add3A_73 : i32
      %dma_wait3A = arith.constant 0 : i32
      %dma_wait3A_75 = arith.constant 0 : i32
      %dma_wait3A_76 = arith.constant 0 : i32
      %dma_wait3A_77 = tpu.memref_slice %arg9[%dma_wait3A, %dma_wait3A_75, %dma_wait3A_76] : memref<2x128x128xf32, #tpu.memory_space<vmem>> -> memref<1x128x128xf32, #tpu.memory_space<vmem>>
      %dma_wait3A_78 = tpu.memref_squeeze %dma_wait3A_77 : memref<1x128x128xf32, #tpu.memory_space<vmem>> -> memref<128x128xf32, #tpu.memory_space<vmem>>
      %dma_wait3A_79 = arith.constant 0 : i32
      %dma_wait3A_80 = tpu.memref_slice %arg8[%add3A_74, %dma_wait3A_79] : memref<40x128xi32, #tpu.memory_space<vmem>> -> memref<1x128xi32, #tpu.memory_space<vmem>>
      %dma_wait3A_81 = tpu.memref_squeeze %dma_wait3A_80 : memref<1x128xi32, #tpu.memory_space<vmem>> -> memref<128xi32, #tpu.memory_space<vmem>>
      %dma_wait3A_82 = arith.constant 0 : i32
      %dma_wait3A_83 = arith.constant 0 : i32
      %dma_wait3A_84 = tpu.memref_slice %arg2[%dma_wait3A_82, %dma_wait3A_83] : memref<10000x128xf32, #tpu.memory_space<hbm>> -> memref<10000x128xf32, #tpu.memory_space<hbm>>
      tpu.wait_indirect_dma semaphore(%arg11 : memref<!tpu.dma_semaphore, #tpu.memory_space<semaphore_mem>>) src(%dma_wait3A_84 : memref<10000x128xf32, #tpu.memory_space<hbm>>) dst(%dma_wait3A_78 : memref<128x128xf32, #tpu.memory_space<vmem>>)
      %run_scoped3A = arith.constant 0 : i32
      "tpu.region"() ({
        %run_scoped3A_115 = tpu.sem_alloc : memref<!tpu.dma_semaphore, #tpu.memory_space<semaphore_mem>>
        %dma_start3A_116 = arith.constant 0 : i32
        %dma_start3A_117 = arith.constant 0 : i32
        %dma_start3A_118 = tpu.memref_slice %arg9[%run_scoped3A, %dma_start3A_116, %dma_start3A_117] : memref<2x128x128xf32, #tpu.memory_space<vmem>> -> memref<1x128x128xf32, #tpu.memory_space<vmem>>
        %dma_start3A_119 = tpu.memref_squeeze %dma_start3A_118 : memref<1x128x128xf32, #tpu.memory_space<vmem>> -> memref<128x128xf32, #tpu.memory_space<vmem>>
        %dma_start3A_120 = arith.constant 0 : i32
        %dma_start3A_121 = tpu.memref_slice %arg7[%add3A_74, %dma_start3A_120] : memref<40x128xi32, #tpu.memory_space<vmem>> -> memref<1x128xi32, #tpu.memory_space<vmem>>
        %dma_start3A_122 = tpu.memref_squeeze %dma_start3A_121 : memref<1x128xi32, #tpu.memory_space<vmem>> -> memref<128xi32, #tpu.memory_space<vmem>>
        %dma_start3A_123 = arith.constant 0 : i32
        %dma_start3A_124 = arith.constant 0 : i32
        %dma_start3A_125 = tpu.memref_slice %arg10[%dma_start3A_123, %dma_start3A_124] : memref<10112x128xf32, #tpu.memory_space<vmem_shared>> -> memref<10112x128xf32, #tpu.memory_space<vmem_shared>>
        tpu.enqueue_indirect_dma source(%dma_start3A_119 : memref<128x128xf32, #tpu.memory_space<vmem>>) target(%dma_start3A_125 : memref<10112x128xf32, #tpu.memory_space<vmem_shared>>) offsets(%dma_start3A_122 : memref<128xi32, #tpu.memory_space<vmem>>) semaphore(%run_scoped3A_115 : memref<!tpu.dma_semaphore, #tpu.memory_space<semaphore_mem>>) {add = true}
        %dma_wait3A_126 = arith.constant 0 : i32
        %dma_wait3A_127 = arith.constant 0 : i32
        %dma_wait3A_128 = tpu.memref_slice %arg9[%run_scoped3A, %dma_wait3A_126, %dma_wait3A_127] : memref<2x128x128xf32, #tpu.memory_space<vmem>> -> memref<1x128x128xf32, #tpu.memory_space<vmem>>
        %dma_wait3A_129 = tpu.memref_squeeze %dma_wait3A_128 : memref<1x128x128xf32, #tpu.memory_space<vmem>> -> memref<128x128xf32, #tpu.memory_space<vmem>>
        %dma_wait3A_130 = arith.constant 0 : i32
        %dma_wait3A_131 = tpu.memref_slice %arg7[%add3A_74, %dma_wait3A_130] : memref<40x128xi32, #tpu.memory_space<vmem>> -> memref<1x128xi32, #tpu.memory_space<vmem>>
        %dma_wait3A_132 = tpu.memref_squeeze %dma_wait3A_131 : memref<1x128xi32, #tpu.memory_space<vmem>> -> memref<128xi32, #tpu.memory_space<vmem>>
        %dma_wait3A_133 = arith.constant 0 : i32
        %dma_wait3A_134 = arith.constant 0 : i32
        %dma_wait3A_135 = tpu.memref_slice %arg10[%dma_wait3A_133, %dma_wait3A_134] : memref<10112x128xf32, #tpu.memory_space<vmem_shared>> -> memref<10112x128xf32, #tpu.memory_space<vmem_shared>>
        tpu.wait_indirect_dma semaphore(%run_scoped3A_115 : memref<!tpu.dma_semaphore, #tpu.memory_space<semaphore_mem>>) src(%dma_wait3A_129 : memref<128x128xf32, #tpu.memory_space<vmem>>) dst(%dma_wait3A_135 : memref<10112x128xf32, #tpu.memory_space<vmem_shared>>)
        tpu.yield
      }) : () -> ()
      %add3A_85 = arith.constant 2 : i32
      %add3A_86 = arith.addi %add3A_74, %add3A_85 : i32
      %lt3A_87 = arith.constant 40 : i32
      %lt3A_88 = arith.cmpi slt, %add3A_86, %lt3A_87 : i32
      %convert_element_type3A_89 = arith.extui %lt3A_88 : i1 to i32
      %cond3A_90 = arith.constant 0 : i32
      %cond3A_91 = arith.cmpi ne, %convert_element_type3A_89, %cond3A_90 : i32
      scf.if %cond3A_91 {
        %dma_start3A_115 = arith.constant 0 : i32
        %dma_start3A_116 = arith.constant 0 : i32
        %dma_start3A_117 = arith.constant 0 : i32
        %dma_start3A_118 = tpu.memref_slice %arg9[%dma_start3A_115, %dma_start3A_116, %dma_start3A_117] : memref<2x128x128xf32, #tpu.memory_space<vmem>> -> memref<1x128x128xf32, #tpu.memory_space<vmem>>
        %dma_start3A_119 = tpu.memref_squeeze %dma_start3A_118 : memref<1x128x128xf32, #tpu.memory_space<vmem>> -> memref<128x128xf32, #tpu.memory_space<vmem>>
        %dma_start3A_120 = arith.constant 0 : i32
        %dma_start3A_121 = tpu.memref_slice %arg8[%add3A_86, %dma_start3A_120] : memref<40x128xi32, #tpu.memory_space<vmem>> -> memref<1x128xi32, #tpu.memory_space<vmem>>
        %dma_start3A_122 = tpu.memref_squeeze %dma_start3A_121 : memref<1x128xi32, #tpu.memory_space<vmem>> -> memref<128xi32, #tpu.memory_space<vmem>>
        %dma_start3A_123 = arith.constant 0 : i32
        %dma_start3A_124 = arith.constant 0 : i32
        %dma_start3A_125 = tpu.memref_slice %arg2[%dma_start3A_123, %dma_start3A_124] : memref<10000x128xf32, #tpu.memory_space<hbm>> -> memref<10000x128xf32, #tpu.memory_space<hbm>>
        tpu.enqueue_indirect_dma source(%dma_start3A_125 : memref<10000x128xf32, #tpu.memory_space<hbm>>) target(%dma_start3A_119 : memref<128x128xf32, #tpu.memory_space<vmem>>) offsets(%dma_start3A_122 : memref<128xi32, #tpu.memory_space<vmem>>) semaphore(%arg11 : memref<!tpu.dma_semaphore, #tpu.memory_space<semaphore_mem>>)
      } else {
      }
      %mul3A_92 = arith.constant 2 : i32
      %mul3A_93 = arith.muli %scan3A_70, %mul3A_92 : i32
      %add3A_94 = arith.constant 1 : i32
      %add3A_95 = arith.addi %mul3A_93, %add3A_94 : i32
      %dma_wait3A_96 = arith.constant 1 : i32
      %dma_wait3A_97 = arith.constant 0 : i32
      %dma_wait3A_98 = arith.constant 0 : i32
      %dma_wait3A_99 = tpu.memref_slice %arg9[%dma_wait3A_96, %dma_wait3A_97, %dma_wait3A_98] : memref<2x128x128xf32, #tpu.memory_space<vmem>> -> memref<1x128x128xf32, #tpu.memory_space<vmem>>
      %dma_wait3A_100 = tpu.memref_squeeze %dma_wait3A_99 : memref<1x128x128xf32, #tpu.memory_space<vmem>> -> memref<128x128xf32, #tpu.memory_space<vmem>>
      %dma_wait3A_101 = arith.constant 0 : i32
      %dma_wait3A_102 = tpu.memref_slice %arg8[%add3A_95, %dma_wait3A_101] : memref<40x128xi32, #tpu.memory_space<vmem>> -> memref<1x128xi32, #tpu.memory_space<vmem>>
      %dma_wait3A_103 = tpu.memref_squeeze %dma_wait3A_102 : memref<1x128xi32, #tpu.memory_space<vmem>> -> memref<128xi32, #tpu.memory_space<vmem>>
      %dma_wait3A_104 = arith.constant 0 : i32
      %dma_wait3A_105 = arith.constant 0 : i32
      %dma_wait3A_106 = tpu.memref_slice %arg2[%dma_wait3A_104, %dma_wait3A_105] : memref<10000x128xf32, #tpu.memory_space<hbm>> -> memref<10000x128xf32, #tpu.memory_space<hbm>>
      tpu.wait_indirect_dma semaphore(%arg12 : memref<!tpu.dma_semaphore, #tpu.memory_space<semaphore_mem>>) src(%dma_wait3A_106 : memref<10000x128xf32, #tpu.memory_space<hbm>>) dst(%dma_wait3A_100 : memref<128x128xf32, #tpu.memory_space<vmem>>)
      %run_scoped3A_107 = arith.constant 1 : i32
      "tpu.region"() ({
        %run_scoped3A_115 = tpu.sem_alloc : memref<!tpu.dma_semaphore, #tpu.memory_space<semaphore_mem>>
        %dma_start3A_116 = arith.constant 0 : i32
        %dma_start3A_117 = arith.constant 0 : i32
        %dma_start3A_118 = tpu.memref_slice %arg9[%run_scoped3A_107, %dma_start3A_116, %dma_start3A_117] : memref<2x128x128xf32, #tpu.memory_space<vmem>> -> memref<1x128x128xf32, #tpu.memory_space<vmem>>
        %dma_start3A_119 = tpu.memref_squeeze %dma_start3A_118 : memref<1x128x128xf32, #tpu.memory_space<vmem>> -> memref<128x128xf32, #tpu.memory_space<vmem>>
        %dma_start3A_120 = arith.constant 0 : i32
        %dma_start3A_121 = tpu.memref_slice %arg7[%add3A_95, %dma_start3A_120] : memref<40x128xi32, #tpu.memory_space<vmem>> -> memref<1x128xi32, #tpu.memory_space<vmem>>
        %dma_start3A_122 = tpu.memref_squeeze %dma_start3A_121 : memref<1x128xi32, #tpu.memory_space<vmem>> -> memref<128xi32, #tpu.memory_space<vmem>>
        %dma_start3A_123 = arith.constant 0 : i32
        %dma_start3A_124 = arith.constant 0 : i32
        %dma_start3A_125 = tpu.memref_slice %arg10[%dma_start3A_123, %dma_start3A_124] : memref<10112x128xf32, #tpu.memory_space<vmem_shared>> -> memref<10112x128xf32, #tpu.memory_space<vmem_shared>>
        tpu.enqueue_indirect_dma source(%dma_start3A_119 : memref<128x128xf32, #tpu.memory_space<vmem>>) target(%dma_start3A_125 : memref<10112x128xf32, #tpu.memory_space<vmem_shared>>) offsets(%dma_start3A_122 : memref<128xi32, #tpu.memory_space<vmem>>) semaphore(%run_scoped3A_115 : memref<!tpu.dma_semaphore, #tpu.memory_space<semaphore_mem>>) {add = true}
        %dma_wait3A_126 = arith.constant 0 : i32
        %dma_wait3A_127 = arith.constant 0 : i32
        %dma_wait3A_128 = tpu.memref_slice %arg9[%run_scoped3A_107, %dma_wait3A_126, %dma_wait3A_127] : memref<2x128x128xf32, #tpu.memory_space<vmem>> -> memref<1x128x128xf32, #tpu.memory_space<vmem>>
        %dma_wait3A_129 = tpu.memref_squeeze %dma_wait3A_128 : memref<1x128x128xf32, #tpu.memory_space<vmem>> -> memref<128x128xf32, #tpu.memory_space<vmem>>
        %dma_wait3A_130 = arith.constant 0 : i32
        %dma_wait3A_131 = tpu.memref_slice %arg7[%add3A_95, %dma_wait3A_130] : memref<40x128xi32, #tpu.memory_space<vmem>> -> memref<1x128xi32, #tpu.memory_space<vmem>>
        %dma_wait3A_132 = tpu.memref_squeeze %dma_wait3A_131 : memref<1x128xi32, #tpu.memory_space<vmem>> -> memref<128xi32, #tpu.memory_space<vmem>>
        %dma_wait3A_133 = arith.constant 0 : i32
        %dma_wait3A_134 = arith.constant 0 : i32
        %dma_wait3A_135 = tpu.memref_slice %arg10[%dma_wait3A_133, %dma_wait3A_134] : memref<10112x128xf32, #tpu.memory_space<vmem_shared>> -> memref<10112x128xf32, #tpu.memory_space<vmem_shared>>
        tpu.wait_indirect_dma semaphore(%run_scoped3A_115 : memref<!tpu.dma_semaphore, #tpu.memory_space<semaphore_mem>>) src(%dma_wait3A_129 : memref<128x128xf32, #tpu.memory_space<vmem>>) dst(%dma_wait3A_135 : memref<10112x128xf32, #tpu.memory_space<vmem_shared>>)
        tpu.yield
      }) : () -> ()
      %add3A_108 = arith.constant 2 : i32
      %add3A_109 = arith.addi %add3A_95, %add3A_108 : i32
      %lt3A_110 = arith.constant 40 : i32
      %lt3A_111 = arith.cmpi slt, %add3A_109, %lt3A_110 : i32
      %convert_element_type3A_112 = arith.extui %lt3A_111 : i1 to i32
      %cond3A_113 = arith.constant 0 : i32
      %cond3A_114 = arith.cmpi ne, %convert_element_type3A_112, %cond3A_113 : i32
      scf.if %cond3A_114 {
        %dma_start3A_115 = arith.constant 1 : i32
        %dma_start3A_116 = arith.constant 0 : i32
        %dma_start3A_117 = arith.constant 0 : i32
        %dma_start3A_118 = tpu.memref_slice %arg9[%dma_start3A_115, %dma_start3A_116, %dma_start3A_117] : memref<2x128x128xf32, #tpu.memory_space<vmem>> -> memref<1x128x128xf32, #tpu.memory_space<vmem>>
        %dma_start3A_119 = tpu.memref_squeeze %dma_start3A_118 : memref<1x128x128xf32, #tpu.memory_space<vmem>> -> memref<128x128xf32, #tpu.memory_space<vmem>>
        %dma_start3A_120 = arith.constant 0 : i32
        %dma_start3A_121 = tpu.memref_slice %arg8[%add3A_109, %dma_start3A_120] : memref<40x128xi32, #tpu.memory_space<vmem>> -> memref<1x128xi32, #tpu.memory_space<vmem>>
        %dma_start3A_122 = tpu.memref_squeeze %dma_start3A_121 : memref<1x128xi32, #tpu.memory_space<vmem>> -> memref<128xi32, #tpu.memory_space<vmem>>
        %dma_start3A_123 = arith.constant 0 : i32
        %dma_start3A_124 = arith.constant 0 : i32
        %dma_start3A_125 = tpu.memref_slice %arg2[%dma_start3A_123, %dma_start3A_124] : memref<10000x128xf32, #tpu.memory_space<hbm>> -> memref<10000x128xf32, #tpu.memory_space<hbm>>
        tpu.enqueue_indirect_dma source(%dma_start3A_125 : memref<10000x128xf32, #tpu.memory_space<hbm>>) target(%dma_start3A_119 : memref<128x128xf32, #tpu.memory_space<vmem>>) offsets(%dma_start3A_122 : memref<128xi32, #tpu.memory_space<vmem>>) semaphore(%arg12 : memref<!tpu.dma_semaphore, #tpu.memory_space<semaphore_mem>>)
      } else {
      }
    }
    %scan3A_32 = arith.constant 20 : i32
    "tpu.region"() ({
      %run_scoped3A = tpu.sem_alloc : memref<!tpu.dma_semaphore, #tpu.memory_space<semaphore_mem>>
      %dma_start3A_70 = arith.constant 40 : i32
      %dma_start3A_71 = arith.constant 0 : i32
      %dma_start3A_72 = tpu.memref_slice %arg3[%add3A, %dma_start3A_70, %dma_start3A_71] : memref<32x80x128xi32, #tpu.memory_space<hbm>> -> memref<1x40x128xi32, #tpu.memory_space<hbm>>
      %dma_start3A_73 = tpu.memref_squeeze %dma_start3A_72 : memref<1x40x128xi32, #tpu.memory_space<hbm>> -> memref<40x128xi32, #tpu.memory_space<hbm>>
      %dma_start3A_74 = arith.constant 40 : i32
      %dma_start3A_75 = arith.constant 0 : i32
      %dma_start3A_76 = tpu.memref_slice %arg3[%add3A, %dma_start3A_74, %dma_start3A_75] : memref<32x80x128xi32, #tpu.memory_space<hbm>> -> memref<1x40x128xi32, #tpu.memory_space<hbm>>
      %dma_start3A_77 = tpu.memref_squeeze %dma_start3A_76 : memref<1x40x128xi32, #tpu.memory_space<hbm>> -> memref<40x128xi32, #tpu.memory_space<hbm>>
      tpu.enqueue_dma source(%dma_start3A_77 : memref<40x128xi32, #tpu.memory_space<hbm>>) target(%arg7 : memref<40x128xi32, #tpu.memory_space<vmem>>) target_semaphore(%run_scoped3A : memref<!tpu.dma_semaphore, #tpu.memory_space<semaphore_mem>>)
      %dma_wait3A = arith.constant 40 : i32
      %dma_wait3A_78 = arith.constant 0 : i32
      %dma_wait3A_79 = tpu.memref_slice %arg3[%add3A, %dma_wait3A, %dma_wait3A_78] : memref<32x80x128xi32, #tpu.memory_space<hbm>> -> memref<1x40x128xi32, #tpu.memory_space<hbm>>
      %dma_wait3A_80 = tpu.memref_squeeze %dma_wait3A_79 : memref<1x40x128xi32, #tpu.memory_space<hbm>> -> memref<40x128xi32, #tpu.memory_space<hbm>>
      %dma_wait3A_81 = arith.constant 40 : i32
      %dma_wait3A_82 = arith.constant 0 : i32
      %dma_wait3A_83 = tpu.memref_slice %arg3[%add3A, %dma_wait3A_81, %dma_wait3A_82] : memref<32x80x128xi32, #tpu.memory_space<hbm>> -> memref<1x40x128xi32, #tpu.memory_space<hbm>>
      %dma_wait3A_84 = tpu.memref_squeeze %dma_wait3A_83 : memref<1x40x128xi32, #tpu.memory_space<hbm>> -> memref<40x128xi32, #tpu.memory_space<hbm>>
      tpu.wait_dma2 semaphore(%run_scoped3A : memref<!tpu.dma_semaphore, #tpu.memory_space<semaphore_mem>>) src(%dma_wait3A_84 : memref<40x128xi32, #tpu.memory_space<hbm>>) dst(%arg7 : memref<40x128xi32, #tpu.memory_space<vmem>>)
      tpu.yield
    }) : () -> ()
    "tpu.region"() ({
      %run_scoped3A = tpu.sem_alloc : memref<!tpu.dma_semaphore, #tpu.memory_space<semaphore_mem>>
      %dma_start3A_70 = arith.constant 40 : i32
      %dma_start3A_71 = arith.constant 0 : i32
      %dma_start3A_72 = tpu.memref_slice %arg4[%add3A, %dma_start3A_70, %dma_start3A_71] : memref<32x80x128xi32, #tpu.memory_space<hbm>> -> memref<1x40x128xi32, #tpu.memory_space<hbm>>
      %dma_start3A_73 = tpu.memref_squeeze %dma_start3A_72 : memref<1x40x128xi32, #tpu.memory_space<hbm>> -> memref<40x128xi32, #tpu.memory_space<hbm>>
      %dma_start3A_74 = arith.constant 40 : i32
      %dma_start3A_75 = arith.constant 0 : i32
      %dma_start3A_76 = tpu.memref_slice %arg4[%add3A, %dma_start3A_74, %dma_start3A_75] : memref<32x80x128xi32, #tpu.memory_space<hbm>> -> memref<1x40x128xi32, #tpu.memory_space<hbm>>
      %dma_start3A_77 = tpu.memref_squeeze %dma_start3A_76 : memref<1x40x128xi32, #tpu.memory_space<hbm>> -> memref<40x128xi32, #tpu.memory_space<hbm>>
      tpu.enqueue_dma source(%dma_start3A_77 : memref<40x128xi32, #tpu.memory_space<hbm>>) target(%arg8 : memref<40x128xi32, #tpu.memory_space<vmem>>) target_semaphore(%run_scoped3A : memref<!tpu.dma_semaphore, #tpu.memory_space<semaphore_mem>>)
      %dma_wait3A = arith.constant 40 : i32
      %dma_wait3A_78 = arith.constant 0 : i32
      %dma_wait3A_79 = tpu.memref_slice %arg4[%add3A, %dma_wait3A, %dma_wait3A_78] : memref<32x80x128xi32, #tpu.memory_space<hbm>> -> memref<1x40x128xi32, #tpu.memory_space<hbm>>
      %dma_wait3A_80 = tpu.memref_squeeze %dma_wait3A_79 : memref<1x40x128xi32, #tpu.memory_space<hbm>> -> memref<40x128xi32, #tpu.memory_space<hbm>>
      %dma_wait3A_81 = arith.constant 40 : i32
      %dma_wait3A_82 = arith.constant 0 : i32
      %dma_wait3A_83 = tpu.memref_slice %arg4[%add3A, %dma_wait3A_81, %dma_wait3A_82] : memref<32x80x128xi32, #tpu.memory_space<hbm>> -> memref<1x40x128xi32, #tpu.memory_space<hbm>>
      %dma_wait3A_84 = tpu.memref_squeeze %dma_wait3A_83 : memref<1x40x128xi32, #tpu.memory_space<hbm>> -> memref<40x128xi32, #tpu.memory_space<hbm>>
      tpu.wait_dma2 semaphore(%run_scoped3A : memref<!tpu.dma_semaphore, #tpu.memory_space<semaphore_mem>>) src(%dma_wait3A_84 : memref<40x128xi32, #tpu.memory_space<hbm>>) dst(%arg8 : memref<40x128xi32, #tpu.memory_space<vmem>>)
      tpu.yield
    }) : () -> ()
    %dma_start3A_33 = arith.constant 0 : i32
    %dma_start3A_34 = arith.constant 0 : i32
    %dma_start3A_35 = arith.constant 0 : i32
    %dma_start3A_36 = arith.constant 0 : i32
    %dma_start3A_37 = tpu.memref_slice %arg9[%dma_start3A_34, %dma_start3A_35, %dma_start3A_36] : memref<2x128x128xf32, #tpu.memory_space<vmem>> -> memref<1x128x128xf32, #tpu.memory_space<vmem>>
    %dma_start3A_38 = tpu.memref_squeeze %dma_start3A_37 : memref<1x128x128xf32, #tpu.memory_space<vmem>> -> memref<128x128xf32, #tpu.memory_space<vmem>>
    %dma_start3A_39 = arith.constant 0 : i32
    %dma_start3A_40 = tpu.memref_slice %arg8[%dma_start3A_33, %dma_start3A_39] : memref<40x128xi32, #tpu.memory_space<vmem>> -> memref<1x128xi32, #tpu.memory_space<vmem>>
    %dma_start3A_41 = tpu.memref_squeeze %dma_start3A_40 : memref<1x128xi32, #tpu.memory_space<vmem>> -> memref<128xi32, #tpu.memory_space<vmem>>
    %dma_start3A_42 = arith.constant 0 : i32
    %dma_start3A_43 = arith.constant 0 : i32
    %dma_start3A_44 = tpu.memref_slice %arg2[%dma_start3A_42, %dma_start3A_43] : memref<10000x128xf32, #tpu.memory_space<hbm>> -> memref<10000x128xf32, #tpu.memory_space<hbm>>
    tpu.enqueue_indirect_dma source(%dma_start3A_44 : memref<10000x128xf32, #tpu.memory_space<hbm>>) target(%dma_start3A_38 : memref<128x128xf32, #tpu.memory_space<vmem>>) offsets(%dma_start3A_41 : memref<128xi32, #tpu.memory_space<vmem>>) semaphore(%arg11 : memref<!tpu.dma_semaphore, #tpu.memory_space<semaphore_mem>>)
    %dma_start3A_45 = arith.constant 1 : i32
    %dma_start3A_46 = arith.constant 1 : i32
    %dma_start3A_47 = arith.constant 0 : i32
    %dma_start3A_48 = arith.constant 0 : i32
    %dma_start3A_49 = tpu.memref_slice %arg9[%dma_start3A_46, %dma_start3A_47, %dma_start3A_48] : memref<2x128x128xf32, #tpu.memory_space<vmem>> -> memref<1x128x128xf32, #tpu.memory_space<vmem>>
    %dma_start3A_50 = tpu.memref_squeeze %dma_start3A_49 : memref<1x128x128xf32, #tpu.memory_space<vmem>> -> memref<128x128xf32, #tpu.memory_space<vmem>>
    %dma_start3A_51 = arith.constant 0 : i32
    %dma_start3A_52 = tpu.memref_slice %arg8[%dma_start3A_45, %dma_start3A_51] : memref<40x128xi32, #tpu.memory_space<vmem>> -> memref<1x128xi32, #tpu.memory_space<vmem>>
    %dma_start3A_53 = tpu.memref_squeeze %dma_start3A_52 : memref<1x128xi32, #tpu.memory_space<vmem>> -> memref<128xi32, #tpu.memory_space<vmem>>
    %dma_start3A_54 = arith.constant 0 : i32
    %dma_start3A_55 = arith.constant 0 : i32
    %dma_start3A_56 = tpu.memref_slice %arg2[%dma_start3A_54, %dma_start3A_55] : memref<10000x128xf32, #tpu.memory_space<hbm>> -> memref<10000x128xf32, #tpu.memory_space<hbm>>
    tpu.enqueue_indirect_dma source(%dma_start3A_56 : memref<10000x128xf32, #tpu.memory_space<hbm>>) target(%dma_start3A_50 : memref<128x128xf32, #tpu.memory_space<vmem>>) offsets(%dma_start3A_53 : memref<128xi32, #tpu.memory_space<vmem>>) semaphore(%arg12 : memref<!tpu.dma_semaphore, #tpu.memory_space<semaphore_mem>>)
    %scan3A_57 = arith.constant 0 : i32
    %scan3A_58 = arith.constant 0 : i32
    %scan3A_59 = arith.constant 20 : i32
    %scan3A_60 = arith.addi %scan3A_58, %scan3A_59 : i32
    %scan3A_61 = arith.constant 1 : i32
    scf.for %scan3A_70 = %scan3A_58 to %scan3A_60 step %scan3A_61  : i32 {
      %mul3A_71 = arith.constant 2 : i32
      %mul3A_72 = arith.muli %scan3A_70, %mul3A_71 : i32
      %add3A_73 = arith.constant 0 : i32
      %add3A_74 = arith.addi %mul3A_72, %add3A_73 : i32
      %dma_wait3A = arith.constant 0 : i32
      %dma_wait3A_75 = arith.constant 0 : i32
      %dma_wait3A_76 = arith.constant 0 : i32
      %dma_wait3A_77 = tpu.memref_slice %arg9[%dma_wait3A, %dma_wait3A_75, %dma_wait3A_76] : memref<2x128x128xf32, #tpu.memory_space<vmem>> -> memref<1x128x128xf32, #tpu.memory_space<vmem>>
      %dma_wait3A_78 = tpu.memref_squeeze %dma_wait3A_77 : memref<1x128x128xf32, #tpu.memory_space<vmem>> -> memref<128x128xf32, #tpu.memory_space<vmem>>
      %dma_wait3A_79 = arith.constant 0 : i32
      %dma_wait3A_80 = tpu.memref_slice %arg8[%add3A_74, %dma_wait3A_79] : memref<40x128xi32, #tpu.memory_space<vmem>> -> memref<1x128xi32, #tpu.memory_space<vmem>>
      %dma_wait3A_81 = tpu.memref_squeeze %dma_wait3A_80 : memref<1x128xi32, #tpu.memory_space<vmem>> -> memref<128xi32, #tpu.memory_space<vmem>>
      %dma_wait3A_82 = arith.constant 0 : i32
      %dma_wait3A_83 = arith.constant 0 : i32
      %dma_wait3A_84 = tpu.memref_slice %arg2[%dma_wait3A_82, %dma_wait3A_83] : memref<10000x128xf32, #tpu.memory_space<hbm>> -> memref<10000x128xf32, #tpu.memory_space<hbm>>
      tpu.wait_indirect_dma semaphore(%arg11 : memref<!tpu.dma_semaphore, #tpu.memory_space<semaphore_mem>>) src(%dma_wait3A_84 : memref<10000x128xf32, #tpu.memory_space<hbm>>) dst(%dma_wait3A_78 : memref<128x128xf32, #tpu.memory_space<vmem>>)
      %run_scoped3A = arith.constant 0 : i32
      "tpu.region"() ({
        %run_scoped3A_115 = tpu.sem_alloc : memref<!tpu.dma_semaphore, #tpu.memory_space<semaphore_mem>>
        %dma_start3A_116 = arith.constant 0 : i32
        %dma_start3A_117 = arith.constant 0 : i32
        %dma_start3A_118 = tpu.memref_slice %arg9[%run_scoped3A, %dma_start3A_116, %dma_start3A_117] : memref<2x128x128xf32, #tpu.memory_space<vmem>> -> memref<1x128x128xf32, #tpu.memory_space<vmem>>
        %dma_start3A_119 = tpu.memref_squeeze %dma_start3A_118 : memref<1x128x128xf32, #tpu.memory_space<vmem>> -> memref<128x128xf32, #tpu.memory_space<vmem>>
        %dma_start3A_120 = arith.constant 0 : i32
        %dma_start3A_121 = tpu.memref_slice %arg7[%add3A_74, %dma_start3A_120] : memref<40x128xi32, #tpu.memory_space<vmem>> -> memref<1x128xi32, #tpu.memory_space<vmem>>
        %dma_start3A_122 = tpu.memref_squeeze %dma_start3A_121 : memref<1x128xi32, #tpu.memory_space<vmem>> -> memref<128xi32, #tpu.memory_space<vmem>>
        %dma_start3A_123 = arith.constant 0 : i32
        %dma_start3A_124 = arith.constant 0 : i32
        %dma_start3A_125 = tpu.memref_slice %arg10[%dma_start3A_123, %dma_start3A_124] : memref<10112x128xf32, #tpu.memory_space<vmem_shared>> -> memref<10112x128xf32, #tpu.memory_space<vmem_shared>>
        tpu.enqueue_indirect_dma source(%dma_start3A_119 : memref<128x128xf32, #tpu.memory_space<vmem>>) target(%dma_start3A_125 : memref<10112x128xf32, #tpu.memory_space<vmem_shared>>) offsets(%dma_start3A_122 : memref<128xi32, #tpu.memory_space<vmem>>) semaphore(%run_scoped3A_115 : memref<!tpu.dma_semaphore, #tpu.memory_space<semaphore_mem>>) {add = true}
        %dma_wait3A_126 = arith.constant 0 : i32
        %dma_wait3A_127 = arith.constant 0 : i32
        %dma_wait3A_128 = tpu.memref_slice %arg9[%run_scoped3A, %dma_wait3A_126, %dma_wait3A_127] : memref<2x128x128xf32, #tpu.memory_space<vmem>> -> memref<1x128x128xf32, #tpu.memory_space<vmem>>
        %dma_wait3A_129 = tpu.memref_squeeze %dma_wait3A_128 : memref<1x128x128xf32, #tpu.memory_space<vmem>> -> memref<128x128xf32, #tpu.memory_space<vmem>>
        %dma_wait3A_130 = arith.constant 0 : i32
        %dma_wait3A_131 = tpu.memref_slice %arg7[%add3A_74, %dma_wait3A_130] : memref<40x128xi32, #tpu.memory_space<vmem>> -> memref<1x128xi32, #tpu.memory_space<vmem>>
        %dma_wait3A_132 = tpu.memref_squeeze %dma_wait3A_131 : memref<1x128xi32, #tpu.memory_space<vmem>> -> memref<128xi32, #tpu.memory_space<vmem>>
        %dma_wait3A_133 = arith.constant 0 : i32
        %dma_wait3A_134 = arith.constant 0 : i32
        %dma_wait3A_135 = tpu.memref_slice %arg10[%dma_wait3A_133, %dma_wait3A_134] : memref<10112x128xf32, #tpu.memory_space<vmem_shared>> -> memref<10112x128xf32, #tpu.memory_space<vmem_shared>>
        tpu.wait_indirect_dma semaphore(%run_scoped3A_115 : memref<!tpu.dma_semaphore, #tpu.memory_space<semaphore_mem>>) src(%dma_wait3A_129 : memref<128x128xf32, #tpu.memory_space<vmem>>) dst(%dma_wait3A_135 : memref<10112x128xf32, #tpu.memory_space<vmem_shared>>)
        tpu.yield
      }) : () -> ()
      %add3A_85 = arith.constant 2 : i32
      %add3A_86 = arith.addi %add3A_74, %add3A_85 : i32
      %lt3A_87 = arith.constant 40 : i32
      %lt3A_88 = arith.cmpi slt, %add3A_86, %lt3A_87 : i32
      %convert_element_type3A_89 = arith.extui %lt3A_88 : i1 to i32
      %cond3A_90 = arith.constant 0 : i32
      %cond3A_91 = arith.cmpi ne, %convert_element_type3A_89, %cond3A_90 : i32
      scf.if %cond3A_91 {
        %dma_start3A_115 = arith.constant 0 : i32
        %dma_start3A_116 = arith.constant 0 : i32
        %dma_start3A_117 = arith.constant 0 : i32
        %dma_start3A_118 = tpu.memref_slice %arg9[%dma_start3A_115, %dma_start3A_116, %dma_start3A_117] : memref<2x128x128xf32, #tpu.memory_space<vmem>> -> memref<1x128x128xf32, #tpu.memory_space<vmem>>
        %dma_start3A_119 = tpu.memref_squeeze %dma_start3A_118 : memref<1x128x128xf32, #tpu.memory_space<vmem>> -> memref<128x128xf32, #tpu.memory_space<vmem>>
        %dma_start3A_120 = arith.constant 0 : i32
        %dma_start3A_121 = tpu.memref_slice %arg8[%add3A_86, %dma_start3A_120] : memref<40x128xi32, #tpu.memory_space<vmem>> -> memref<1x128xi32, #tpu.memory_space<vmem>>
        %dma_start3A_122 = tpu.memref_squeeze %dma_start3A_121 : memref<1x128xi32, #tpu.memory_space<vmem>> -> memref<128xi32, #tpu.memory_space<vmem>>
        %dma_start3A_123 = arith.constant 0 : i32
        %dma_start3A_124 = arith.constant 0 : i32
        %dma_start3A_125 = tpu.memref_slice %arg2[%dma_start3A_123, %dma_start3A_124] : memref<10000x128xf32, #tpu.memory_space<hbm>> -> memref<10000x128xf32, #tpu.memory_space<hbm>>
        tpu.enqueue_indirect_dma source(%dma_start3A_125 : memref<10000x128xf32, #tpu.memory_space<hbm>>) target(%dma_start3A_119 : memref<128x128xf32, #tpu.memory_space<vmem>>) offsets(%dma_start3A_122 : memref<128xi32, #tpu.memory_space<vmem>>) semaphore(%arg11 : memref<!tpu.dma_semaphore, #tpu.memory_space<semaphore_mem>>)
      } else {
      }
      %mul3A_92 = arith.constant 2 : i32
      %mul3A_93 = arith.muli %scan3A_70, %mul3A_92 : i32
      %add3A_94 = arith.constant 1 : i32
      %add3A_95 = arith.addi %mul3A_93, %add3A_94 : i32
      %dma_wait3A_96 = arith.constant 1 : i32
      %dma_wait3A_97 = arith.constant 0 : i32
      %dma_wait3A_98 = arith.constant 0 : i32
      %dma_wait3A_99 = tpu.memref_slice %arg9[%dma_wait3A_96, %dma_wait3A_97, %dma_wait3A_98] : memref<2x128x128xf32, #tpu.memory_space<vmem>> -> memref<1x128x128xf32, #tpu.memory_space<vmem>>
      %dma_wait3A_100 = tpu.memref_squeeze %dma_wait3A_99 : memref<1x128x128xf32, #tpu.memory_space<vmem>> -> memref<128x128xf32, #tpu.memory_space<vmem>>
      %dma_wait3A_101 = arith.constant 0 : i32
      %dma_wait3A_102 = tpu.memref_slice %arg8[%add3A_95, %dma_wait3A_101] : memref<40x128xi32, #tpu.memory_space<vmem>> -> memref<1x128xi32, #tpu.memory_space<vmem>>
      %dma_wait3A_103 = tpu.memref_squeeze %dma_wait3A_102 : memref<1x128xi32, #tpu.memory_space<vmem>> -> memref<128xi32, #tpu.memory_space<vmem>>
      %dma_wait3A_104 = arith.constant 0 : i32
      %dma_wait3A_105 = arith.constant 0 : i32
      %dma_wait3A_106 = tpu.memref_slice %arg2[%dma_wait3A_104, %dma_wait3A_105] : memref<10000x128xf32, #tpu.memory_space<hbm>> -> memref<10000x128xf32, #tpu.memory_space<hbm>>
      tpu.wait_indirect_dma semaphore(%arg12 : memref<!tpu.dma_semaphore, #tpu.memory_space<semaphore_mem>>) src(%dma_wait3A_106 : memref<10000x128xf32, #tpu.memory_space<hbm>>) dst(%dma_wait3A_100 : memref<128x128xf32, #tpu.memory_space<vmem>>)
      %run_scoped3A_107 = arith.constant 1 : i32
      "tpu.region"() ({
        %run_scoped3A_115 = tpu.sem_alloc : memref<!tpu.dma_semaphore, #tpu.memory_space<semaphore_mem>>
        %dma_start3A_116 = arith.constant 0 : i32
        %dma_start3A_117 = arith.constant 0 : i32
        %dma_start3A_118 = tpu.memref_slice %arg9[%run_scoped3A_107, %dma_start3A_116, %dma_start3A_117] : memref<2x128x128xf32, #tpu.memory_space<vmem>> -> memref<1x128x128xf32, #tpu.memory_space<vmem>>
        %dma_start3A_119 = tpu.memref_squeeze %dma_start3A_118 : memref<1x128x128xf32, #tpu.memory_space<vmem>> -> memref<128x128xf32, #tpu.memory_space<vmem>>
        %dma_start3A_120 = arith.constant 0 : i32
        %dma_start3A_121 = tpu.memref_slice %arg7[%add3A_95, %dma_start3A_120] : memref<40x128xi32, #tpu.memory_space<vmem>> -> memref<1x128xi32, #tpu.memory_space<vmem>>
        %dma_start3A_122 = tpu.memref_squeeze %dma_start3A_121 : memref<1x128xi32, #tpu.memory_space<vmem>> -> memref<128xi32, #tpu.memory_space<vmem>>
        %dma_start3A_123 = arith.constant 0 : i32
        %dma_start3A_124 = arith.constant 0 : i32
        %dma_start3A_125 = tpu.memref_slice %arg10[%dma_start3A_123, %dma_start3A_124] : memref<10112x128xf32, #tpu.memory_space<vmem_shared>> -> memref<10112x128xf32, #tpu.memory_space<vmem_shared>>
        tpu.enqueue_indirect_dma source(%dma_start3A_119 : memref<128x128xf32, #tpu.memory_space<vmem>>) target(%dma_start3A_125 : memref<10112x128xf32, #tpu.memory_space<vmem_shared>>) offsets(%dma_start3A_122 : memref<128xi32, #tpu.memory_space<vmem>>) semaphore(%run_scoped3A_115 : memref<!tpu.dma_semaphore, #tpu.memory_space<semaphore_mem>>) {add = true}
        %dma_wait3A_126 = arith.constant 0 : i32
        %dma_wait3A_127 = arith.constant 0 : i32
        %dma_wait3A_128 = tpu.memref_slice %arg9[%run_scoped3A_107, %dma_wait3A_126, %dma_wait3A_127] : memref<2x128x128xf32, #tpu.memory_space<vmem>> -> memref<1x128x128xf32, #tpu.memory_space<vmem>>
        %dma_wait3A_129 = tpu.memref_squeeze %dma_wait3A_128 : memref<1x128x128xf32, #tpu.memory_space<vmem>> -> memref<128x128xf32, #tpu.memory_space<vmem>>
        %dma_wait3A_130 = arith.constant 0 : i32
        %dma_wait3A_131 = tpu.memref_slice %arg7[%add3A_95, %dma_wait3A_130] : memref<40x128xi32, #tpu.memory_space<vmem>> -> memref<1x128xi32, #tpu.memory_space<vmem>>
        %dma_wait3A_132 = tpu.memref_squeeze %dma_wait3A_131 : memref<1x128xi32, #tpu.memory_space<vmem>> -> memref<128xi32, #tpu.memory_space<vmem>>
        %dma_wait3A_133 = arith.constant 0 : i32
        %dma_wait3A_134 = arith.constant 0 : i32
        %dma_wait3A_135 = tpu.memref_slice %arg10[%dma_wait3A_133, %dma_wait3A_134] : memref<10112x128xf32, #tpu.memory_space<vmem_shared>> -> memref<10112x128xf32, #tpu.memory_space<vmem_shared>>
        tpu.wait_indirect_dma semaphore(%run_scoped3A_115 : memref<!tpu.dma_semaphore, #tpu.memory_space<semaphore_mem>>) src(%dma_wait3A_129 : memref<128x128xf32, #tpu.memory_space<vmem>>) dst(%dma_wait3A_135 : memref<10112x128xf32, #tpu.memory_space<vmem_shared>>)
        tpu.yield
      }) : () -> ()
      %add3A_108 = arith.constant 2 : i32
      %add3A_109 = arith.addi %add3A_95, %add3A_108 : i32
      %lt3A_110 = arith.constant 40 : i32
      %lt3A_111 = arith.cmpi slt, %add3A_109, %lt3A_110 : i32
      %convert_element_type3A_112 = arith.extui %lt3A_111 : i1 to i32
      %cond3A_113 = arith.constant 0 : i32
      %cond3A_114 = arith.cmpi ne, %convert_element_type3A_112, %cond3A_113 : i32
      scf.if %cond3A_114 {
        %dma_start3A_115 = arith.constant 1 : i32
        %dma_start3A_116 = arith.constant 0 : i32
        %dma_start3A_117 = arith.constant 0 : i32
        %dma_start3A_118 = tpu.memref_slice %arg9[%dma_start3A_115, %dma_start3A_116, %dma_start3A_117] : memref<2x128x128xf32, #tpu.memory_space<vmem>> -> memref<1x128x128xf32, #tpu.memory_space<vmem>>
        %dma_start3A_119 = tpu.memref_squeeze %dma_start3A_118 : memref<1x128x128xf32, #tpu.memory_space<vmem>> -> memref<128x128xf32, #tpu.memory_space<vmem>>
        %dma_start3A_120 = arith.constant 0 : i32
        %dma_start3A_121 = tpu.memref_slice %arg8[%add3A_109, %dma_start3A_120] : memref<40x128xi32, #tpu.memory_space<vmem>> -> memref<1x128xi32, #tpu.memory_space<vmem>>
        %dma_start3A_122 = tpu.memref_squeeze %dma_start3A_121 : memref<1x128xi32, #tpu.memory_space<vmem>> -> memref<128xi32, #tpu.memory_space<vmem>>
        %dma_start3A_123 = arith.constant 0 : i32
        %dma_start3A_124 = arith.constant 0 : i32
        %dma_start3A_125 = tpu.memref_slice %arg2[%dma_start3A_123, %dma_start3A_124] : memref<10000x128xf32, #tpu.memory_space<hbm>> -> memref<10000x128xf32, #tpu.memory_space<hbm>>
        tpu.enqueue_indirect_dma source(%dma_start3A_125 : memref<10000x128xf32, #tpu.memory_space<hbm>>) target(%dma_start3A_119 : memref<128x128xf32, #tpu.memory_space<vmem>>) offsets(%dma_start3A_122 : memref<128xi32, #tpu.memory_space<vmem>>) semaphore(%arg12 : memref<!tpu.dma_semaphore, #tpu.memory_space<semaphore_mem>>)
      } else {
      }
    }
    %scan3A_62 = arith.constant 20 : i32
    %barrier3A_63 = arith.constant 0 : index
    tpu.barrier barrier_id(%barrier3A_63)
    %lt3A = arith.constant 15 : i32
    %lt3A_64 = arith.cmpi slt, %arg1, %lt3A : i32
    %convert_element_type3A = arith.extui %lt3A_64 : i1 to i32
    %cond3A = arith.constant 0 : i32
    %cond3A_65 = arith.cmpi ne, %convert_element_type3A, %cond3A : i32
    scf.if %cond3A_65 {
      %mul3A_70 = arith.constant 632 : i32
      %mul3A_71 = arith.muli %arg1, %mul3A_70 : i32
      %mul3A_72 = arith.constant 632 : i32
      %mul3A_73 = arith.muli %arg1, %mul3A_72 : i32
      "tpu.region"() ({
        %run_scoped3A = tpu.sem_alloc : memref<!tpu.dma_semaphore, #tpu.memory_space<semaphore_mem>>
        %dma_start3A_74 = arith.constant 0 : i32
        %dma_start3A_75 = tpu.memref_slice %arg6[%arg0, %mul3A_73, %dma_start3A_74] : memref<2x10000x128xf32, #tpu.memory_space<hbm>> -> memref<1x632x128xf32, #tpu.memory_space<hbm>>
        %dma_start3A_76 = tpu.memref_squeeze %dma_start3A_75 : memref<1x632x128xf32, #tpu.memory_space<hbm>> -> memref<632x128xf32, #tpu.memory_space<hbm>>
        %dma_start3A_77 = arith.constant 0 : i32
        %dma_start3A_78 = tpu.memref_slice %arg10[%mul3A_71, %dma_start3A_77] : memref<10112x128xf32, #tpu.memory_space<vmem_shared>> -> memref<632x128xf32, #tpu.memory_space<vmem_shared>>
        tpu.enqueue_dma source(%dma_start3A_78 : memref<632x128xf32, #tpu.memory_space<vmem_shared>>) target(%dma_start3A_76 : memref<632x128xf32, #tpu.memory_space<hbm>>) target_semaphore(%run_scoped3A : memref<!tpu.dma_semaphore, #tpu.memory_space<semaphore_mem>>)
        %dma_wait3A = arith.constant 0 : i32
        %dma_wait3A_79 = tpu.memref_slice %arg6[%arg0, %mul3A_73, %dma_wait3A] : memref<2x10000x128xf32, #tpu.memory_space<hbm>> -> memref<1x632x128xf32, #tpu.memory_space<hbm>>
        %dma_wait3A_80 = tpu.memref_squeeze %dma_wait3A_79 : memref<1x632x128xf32, #tpu.memory_space<hbm>> -> memref<632x128xf32, #tpu.memory_space<hbm>>
        %dma_wait3A_81 = arith.constant 0 : i32
        %dma_wait3A_82 = tpu.memref_slice %arg10[%mul3A_71, %dma_wait3A_81] : memref<10112x128xf32, #tpu.memory_space<vmem_shared>> -> memref<632x128xf32, #tpu.memory_space<vmem_shared>>
        tpu.wait_dma2 semaphore(%run_scoped3A : memref<!tpu.dma_semaphore, #tpu.memory_space<semaphore_mem>>) src(%dma_wait3A_82 : memref<632x128xf32, #tpu.memory_space<vmem_shared>>) dst(%dma_wait3A_80 : memref<632x128xf32, #tpu.memory_space<hbm>>)
        tpu.yield
      }) : () -> ()
    } else {
    }
    %eq3A = arith.constant 15 : i32
    %eq3A_66 = arith.cmpi eq, %arg1, %eq3A : i32
    %convert_element_type3A_67 = arith.extui %eq3A_66 : i1 to i32
    %cond3A_68 = arith.constant 0 : i32
    %cond3A_69 = arith.cmpi ne, %convert_element_type3A_67, %cond3A_68 : i32
    scf.if %cond3A_69 {
      "tpu.region"() ({
        %run_scoped3A = tpu.sem_alloc : memref<!tpu.dma_semaphore, #tpu.memory_space<semaphore_mem>>
        %dma_start3A_70 = arith.constant 9480 : i32
        %dma_start3A_71 = arith.constant 0 : i32
        %dma_start3A_72 = tpu.memref_slice %arg6[%arg0, %dma_start3A_70, %dma_start3A_71] : memref<2x10000x128xf32, #tpu.memory_space<hbm>> -> memref<1x520x128xf32, #tpu.memory_space<hbm>>
        %dma_start3A_73 = tpu.memref_squeeze %dma_start3A_72 : memref<1x520x128xf32, #tpu.memory_space<hbm>> -> memref<520x128xf32, #tpu.memory_space<hbm>>
        %dma_start3A_74 = arith.constant 9480 : i32
        %dma_start3A_75 = arith.constant 0 : i32
        %dma_start3A_76 = tpu.memref_slice %arg10[%dma_start3A_74, %dma_start3A_75] : memref<10112x128xf32, #tpu.memory_space<vmem_shared>> -> memref<520x128xf32, #tpu.memory_space<vmem_shared>>
        tpu.enqueue_dma source(%dma_start3A_76 : memref<520x128xf32, #tpu.memory_space<vmem_shared>>) target(%dma_start3A_73 : memref<520x128xf32, #tpu.memory_space<hbm>>) target_semaphore(%run_scoped3A : memref<!tpu.dma_semaphore, #tpu.memory_space<semaphore_mem>>)
        %dma_wait3A = arith.constant 9480 : i32
        %dma_wait3A_77 = arith.constant 0 : i32
        %dma_wait3A_78 = tpu.memref_slice %arg6[%arg0, %dma_wait3A, %dma_wait3A_77] : memref<2x10000x128xf32, #tpu.memory_space<hbm>> -> memref<1x520x128xf32, #tpu.memory_space<hbm>>
        %dma_wait3A_79 = tpu.memref_squeeze %dma_wait3A_78 : memref<1x520x128xf32, #tpu.memory_space<hbm>> -> memref<520x128xf32, #tpu.memory_space<hbm>>
        %dma_wait3A_80 = arith.constant 9480 : i32
        %dma_wait3A_81 = arith.constant 0 : i32
        %dma_wait3A_82 = tpu.memref_slice %arg10[%dma_wait3A_80, %dma_wait3A_81] : memref<10112x128xf32, #tpu.memory_space<vmem_shared>> -> memref<520x128xf32, #tpu.memory_space<vmem_shared>>
        tpu.wait_dma2 semaphore(%run_scoped3A : memref<!tpu.dma_semaphore, #tpu.memory_space<semaphore_mem>>) src(%dma_wait3A_82 : memref<520x128xf32, #tpu.memory_space<vmem_shared>>) dst(%dma_wait3A_79 : memref<520x128xf32, #tpu.memory_space<hbm>>)
        tpu.yield
      }) : () -> ()
    } else {
    }
    return
  }
}

#map = affine_map<(d0, d1) -> (0, 0)>
#map1 = affine_map<(d0, d1) -> (0, 0, 0)>
module attributes {stable_mosaic.version = 14 : i64} {
  func.func @_agg_body(%arg0: i32, %arg1: i32, %arg2: memref<10000x128xf32, #tpu.memory_space<hbm>>, %arg3: memref<32x80x128xi32, #tpu.memory_space<hbm>>, %arg4: memref<32x80x128xi32, #tpu.memory_space<hbm>>, %arg5: memref<10112x128xf32, #tpu.memory_space<hbm>>, %arg6: memref<2x10000x128xf32, #tpu.memory_space<hbm>>, %arg7: memref<40x128xi32, #tpu.memory_space<vmem>>, %arg8: memref<40x128xi32, #tpu.memory_space<vmem>>, %arg9: memref<2x128x128xf32, #tpu.memory_space<vmem>>, %arg10: memref<10112x128xf32, #tpu.memory_space<vmem_shared>>, %arg11: memref<!tpu.dma_semaphore, #tpu.memory_space<semaphore_mem>>, %arg12: memref<!tpu.dma_semaphore, #tpu.memory_space<semaphore_mem>>) attributes {dimension_semantics = [#tpu.dimension_semantics<core_parallel>, #tpu.dimension_semantics<subcore_parallel>], iteration_bounds = array<i64: 2, 16>, scalar_prefetch = 0 : i64, scratch_operands = 6 : i64, tpu.core_type = #tpu.core_type<sc_vector_subcore>, window_params = [{transform_indices = #map}, {transform_indices = #map1}, {transform_indices = #map1}, {transform_indices = #map}, {transform_indices = #map1}]} {
    %mul3A = arith.constant 16 : i32
    %mul3A_0 = arith.muli %arg0, %mul3A : i32
    %add3A = arith.addi %mul3A_0, %arg1 : i32
    %mul3A_1 = arith.constant 632 : i32
    %mul3A_2 = arith.muli %arg1, %mul3A_1 : i32
    %mul3A_3 = arith.constant 632 : i32
    %mul3A_4 = arith.muli %arg1, %mul3A_3 : i32
    "tpu.region"() ({
      %run_scoped3A = tpu.sem_alloc : memref<!tpu.dma_semaphore, #tpu.memory_space<semaphore_mem>>
      %dma_start3A_70 = arith.constant 0 : i32
      %dma_start3A_71 = tpu.memref_slice %arg10[%mul3A_4, %dma_start3A_70] : memref<10112x128xf32, #tpu.memory_space<vmem_shared>> -> memref<632x128xf32, #tpu.memory_space<vmem_shared>>
      %dma_start3A_72 = arith.constant 0 : i32
      %dma_start3A_73 = tpu.memref_slice %arg5[%mul3A_2, %dma_start3A_72] : memref<10112x128xf32, #tpu.memory_space<hbm>> -> memref<632x128xf32, #tpu.memory_space<hbm>>
      tpu.enqueue_dma source(%dma_start3A_73 : memref<632x128xf32, #tpu.memory_space<hbm>>) target(%dma_start3A_71 : memref<632x128xf32, #tpu.memory_space<vmem_shared>>) target_semaphore(%run_scoped3A : memref<!tpu.dma_semaphore, #tpu.memory_space<semaphore_mem>>)
      %dma_wait3A = arith.constant 0 : i32
      %dma_wait3A_74 = tpu.memref_slice %arg10[%mul3A_4, %dma_wait3A] : memref<10112x128xf32, #tpu.memory_space<vmem_shared>> -> memref<632x128xf32, #tpu.memory_space<vmem_shared>>
      %dma_wait3A_75 = arith.constant 0 : i32
      %dma_wait3A_76 = tpu.memref_slice %arg5[%mul3A_2, %dma_wait3A_75] : memref<10112x128xf32, #tpu.memory_space<hbm>> -> memref<632x128xf32, #tpu.memory_space<hbm>>
      tpu.wait_dma2 semaphore(%run_scoped3A : memref<!tpu.dma_semaphore, #tpu.memory_space<semaphore_mem>>) src(%dma_wait3A_76 : memref<632x128xf32, #tpu.memory_space<hbm>>) dst(%dma_wait3A_74 : memref<632x128xf32, #tpu.memory_space<vmem_shared>>)
      tpu.yield
    }) : () -> ()
    "tpu.region"() ({
      %run_scoped3A = tpu.sem_alloc : memref<!tpu.dma_semaphore, #tpu.memory_space<semaphore_mem>>
      %dma_start3A_70 = arith.constant 0 : i32
      %dma_start3A_71 = arith.constant 0 : i32
      %dma_start3A_72 = tpu.memref_slice %arg3[%add3A, %dma_start3A_70, %dma_start3A_71] : memref<32x80x128xi32, #tpu.memory_space<hbm>> -> memref<1x40x128xi32, #tpu.memory_space<hbm>>
      %dma_start3A_73 = tpu.memref_squeeze %dma_start3A_72 : memref<1x40x128xi32, #tpu.memory_space<hbm>> -> memref<40x128xi32, #tpu.memory_space<hbm>>
      %dma_start3A_74 = arith.constant 0 : i32
      %dma_start3A_75 = arith.constant 0 : i32
      %dma_start3A_76 = tpu.memref_slice %arg3[%add3A, %dma_start3A_74, %dma_start3A_75] : memref<32x80x128xi32, #tpu.memory_space<hbm>> -> memref<1x40x128xi32, #tpu.memory_space<hbm>>
      %dma_start3A_77 = tpu.memref_squeeze %dma_start3A_76 : memref<1x40x128xi32, #tpu.memory_space<hbm>> -> memref<40x128xi32, #tpu.memory_space<hbm>>
      tpu.enqueue_dma source(%dma_start3A_77 : memref<40x128xi32, #tpu.memory_space<hbm>>) target(%arg7 : memref<40x128xi32, #tpu.memory_space<vmem>>) target_semaphore(%run_scoped3A : memref<!tpu.dma_semaphore, #tpu.memory_space<semaphore_mem>>)
      %dma_wait3A = arith.constant 0 : i32
      %dma_wait3A_78 = arith.constant 0 : i32
      %dma_wait3A_79 = tpu.memref_slice %arg3[%add3A, %dma_wait3A, %dma_wait3A_78] : memref<32x80x128xi32, #tpu.memory_space<hbm>> -> memref<1x40x128xi32, #tpu.memory_space<hbm>>
      %dma_wait3A_80 = tpu.memref_squeeze %dma_wait3A_79 : memref<1x40x128xi32, #tpu.memory_space<hbm>> -> memref<40x128xi32, #tpu.memory_space<hbm>>
      %dma_wait3A_81 = arith.constant 0 : i32
      %dma_wait3A_82 = arith.constant 0 : i32
      %dma_wait3A_83 = tpu.memref_slice %arg3[%add3A, %dma_wait3A_81, %dma_wait3A_82] : memref<32x80x128xi32, #tpu.memory_space<hbm>> -> memref<1x40x128xi32, #tpu.memory_space<hbm>>
      %dma_wait3A_84 = tpu.memref_squeeze %dma_wait3A_83 : memref<1x40x128xi32, #tpu.memory_space<hbm>> -> memref<40x128xi32, #tpu.memory_space<hbm>>
      tpu.wait_dma2 semaphore(%run_scoped3A : memref<!tpu.dma_semaphore, #tpu.memory_space<semaphore_mem>>) src(%dma_wait3A_84 : memref<40x128xi32, #tpu.memory_space<hbm>>) dst(%arg7 : memref<40x128xi32, #tpu.memory_space<vmem>>)
      tpu.yield
    }) : () -> ()
    "tpu.region"() ({
      %run_scoped3A = tpu.sem_alloc : memref<!tpu.dma_semaphore, #tpu.memory_space<semaphore_mem>>
      %dma_start3A_70 = arith.constant 0 : i32
      %dma_start3A_71 = arith.constant 0 : i32
      %dma_start3A_72 = tpu.memref_slice %arg4[%add3A, %dma_start3A_70, %dma_start3A_71] : memref<32x80x128xi32, #tpu.memory_space<hbm>> -> memref<1x40x128xi32, #tpu.memory_space<hbm>>
      %dma_start3A_73 = tpu.memref_squeeze %dma_start3A_72 : memref<1x40x128xi32, #tpu.memory_space<hbm>> -> memref<40x128xi32, #tpu.memory_space<hbm>>
      %dma_start3A_74 = arith.constant 0 : i32
      %dma_start3A_75 = arith.constant 0 : i32
      %dma_start3A_76 = tpu.memref_slice %arg4[%add3A, %dma_start3A_74, %dma_start3A_75] : memref<32x80x128xi32, #tpu.memory_space<hbm>> -> memref<1x40x128xi32, #tpu.memory_space<hbm>>
      %dma_start3A_77 = tpu.memref_squeeze %dma_start3A_76 : memref<1x40x128xi32, #tpu.memory_space<hbm>> -> memref<40x128xi32, #tpu.memory_space<hbm>>
      tpu.enqueue_dma source(%dma_start3A_77 : memref<40x128xi32, #tpu.memory_space<hbm>>) target(%arg8 : memref<40x128xi32, #tpu.memory_space<vmem>>) target_semaphore(%run_scoped3A : memref<!tpu.dma_semaphore, #tpu.memory_space<semaphore_mem>>)
      %dma_wait3A = arith.constant 0 : i32
      %dma_wait3A_78 = arith.constant 0 : i32
      %dma_wait3A_79 = tpu.memref_slice %arg4[%add3A, %dma_wait3A, %dma_wait3A_78] : memref<32x80x128xi32, #tpu.memory_space<hbm>> -> memref<1x40x128xi32, #tpu.memory_space<hbm>>
      %dma_wait3A_80 = tpu.memref_squeeze %dma_wait3A_79 : memref<1x40x128xi32, #tpu.memory_space<hbm>> -> memref<40x128xi32, #tpu.memory_space<hbm>>
      %dma_wait3A_81 = arith.constant 0 : i32
      %dma_wait3A_82 = arith.constant 0 : i32
      %dma_wait3A_83 = tpu.memref_slice %arg4[%add3A, %dma_wait3A_81, %dma_wait3A_82] : memref<32x80x128xi32, #tpu.memory_space<hbm>> -> memref<1x40x128xi32, #tpu.memory_space<hbm>>
      %dma_wait3A_84 = tpu.memref_squeeze %dma_wait3A_83 : memref<1x40x128xi32, #tpu.memory_space<hbm>> -> memref<40x128xi32, #tpu.memory_space<hbm>>
      tpu.wait_dma2 semaphore(%run_scoped3A : memref<!tpu.dma_semaphore, #tpu.memory_space<semaphore_mem>>) src(%dma_wait3A_84 : memref<40x128xi32, #tpu.memory_space<hbm>>) dst(%arg8 : memref<40x128xi32, #tpu.memory_space<vmem>>)
      tpu.yield
    }) : () -> ()
    %dma_start3A = arith.constant 0 : i32
    %dma_start3A_5 = arith.constant 0 : i32
    %dma_start3A_6 = arith.constant 0 : i32
    %dma_start3A_7 = arith.constant 0 : i32
    %dma_start3A_8 = tpu.memref_slice %arg9[%dma_start3A_5, %dma_start3A_6, %dma_start3A_7] : memref<2x128x128xf32, #tpu.memory_space<vmem>> -> memref<1x128x128xf32, #tpu.memory_space<vmem>>
    %dma_start3A_9 = tpu.memref_squeeze %dma_start3A_8 : memref<1x128x128xf32, #tpu.memory_space<vmem>> -> memref<128x128xf32, #tpu.memory_space<vmem>>
    %dma_start3A_10 = arith.constant 0 : i32
    %dma_start3A_11 = tpu.memref_slice %arg8[%dma_start3A, %dma_start3A_10] : memref<40x128xi32, #tpu.memory_space<vmem>> -> memref<1x128xi32, #tpu.memory_space<vmem>>
    %dma_start3A_12 = tpu.memref_squeeze %dma_start3A_11 : memref<1x128xi32, #tpu.memory_space<vmem>> -> memref<128xi32, #tpu.memory_space<vmem>>
    %dma_start3A_13 = arith.constant 0 : i32
    %dma_start3A_14 = arith.constant 0 : i32
    %dma_start3A_15 = tpu.memref_slice %arg2[%dma_start3A_13, %dma_start3A_14] : memref<10000x128xf32, #tpu.memory_space<hbm>> -> memref<10000x128xf32, #tpu.memory_space<hbm>>
    tpu.enqueue_indirect_dma source(%dma_start3A_15 : memref<10000x128xf32, #tpu.memory_space<hbm>>) target(%dma_start3A_9 : memref<128x128xf32, #tpu.memory_space<vmem>>) offsets(%dma_start3A_12 : memref<128xi32, #tpu.memory_space<vmem>>) semaphore(%arg11 : memref<!tpu.dma_semaphore, #tpu.memory_space<semaphore_mem>>)
    %dma_start3A_16 = arith.constant 1 : i32
    %dma_start3A_17 = arith.constant 1 : i32
    %dma_start3A_18 = arith.constant 0 : i32
    %dma_start3A_19 = arith.constant 0 : i32
    %dma_start3A_20 = tpu.memref_slice %arg9[%dma_start3A_17, %dma_start3A_18, %dma_start3A_19] : memref<2x128x128xf32, #tpu.memory_space<vmem>> -> memref<1x128x128xf32, #tpu.memory_space<vmem>>
    %dma_start3A_21 = tpu.memref_squeeze %dma_start3A_20 : memref<1x128x128xf32, #tpu.memory_space<vmem>> -> memref<128x128xf32, #tpu.memory_space<vmem>>
    %dma_start3A_22 = arith.constant 0 : i32
    %dma_start3A_23 = tpu.memref_slice %arg8[%dma_start3A_16, %dma_start3A_22] : memref<40x128xi32, #tpu.memory_space<vmem>> -> memref<1x128xi32, #tpu.memory_space<vmem>>
    %dma_start3A_24 = tpu.memref_squeeze %dma_start3A_23 : memref<1x128xi32, #tpu.memory_space<vmem>> -> memref<128xi32, #tpu.memory_space<vmem>>
    %dma_start3A_25 = arith.constant 0 : i32
    %dma_start3A_26 = arith.constant 0 : i32
    %dma_start3A_27 = tpu.memref_slice %arg2[%dma_start3A_25, %dma_start3A_26] : memref<10000x128xf32, #tpu.memory_space<hbm>> -> memref<10000x128xf32, #tpu.memory_space<hbm>>
    tpu.enqueue_indirect_dma source(%dma_start3A_27 : memref<10000x128xf32, #tpu.memory_space<hbm>>) target(%dma_start3A_21 : memref<128x128xf32, #tpu.memory_space<vmem>>) offsets(%dma_start3A_24 : memref<128xi32, #tpu.memory_space<vmem>>) semaphore(%arg12 : memref<!tpu.dma_semaphore, #tpu.memory_space<semaphore_mem>>)
    %barrier3A = arith.constant 0 : index
    tpu.barrier barrier_id(%barrier3A)
    %scan3A = arith.constant 0 : i32
    %scan3A_28 = arith.constant 0 : i32
    %scan3A_29 = arith.constant 20 : i32
    %scan3A_30 = arith.addi %scan3A_28, %scan3A_29 : i32
    %scan3A_31 = arith.constant 1 : i32
    scf.for %scan3A_70 = %scan3A_28 to %scan3A_30 step %scan3A_31  : i32 {
      %mul3A_71 = arith.constant 2 : i32
      %mul3A_72 = arith.muli %scan3A_70, %mul3A_71 : i32
      %add3A_73 = arith.constant 0 : i32
      %add3A_74 = arith.addi %mul3A_72, %add3A_73 : i32
      %dma_wait3A = arith.constant 0 : i32
      %dma_wait3A_75 = arith.constant 0 : i32
      %dma_wait3A_76 = arith.constant 0 : i32
      %dma_wait3A_77 = tpu.memref_slice %arg9[%dma_wait3A, %dma_wait3A_75, %dma_wait3A_76] : memref<2x128x128xf32, #tpu.memory_space<vmem>> -> memref<1x128x128xf32, #tpu.memory_space<vmem>>
      %dma_wait3A_78 = tpu.memref_squeeze %dma_wait3A_77 : memref<1x128x128xf32, #tpu.memory_space<vmem>> -> memref<128x128xf32, #tpu.memory_space<vmem>>
      %dma_wait3A_79 = arith.constant 0 : i32
      %dma_wait3A_80 = tpu.memref_slice %arg8[%add3A_74, %dma_wait3A_79] : memref<40x128xi32, #tpu.memory_space<vmem>> -> memref<1x128xi32, #tpu.memory_space<vmem>>
      %dma_wait3A_81 = tpu.memref_squeeze %dma_wait3A_80 : memref<1x128xi32, #tpu.memory_space<vmem>> -> memref<128xi32, #tpu.memory_space<vmem>>
      %dma_wait3A_82 = arith.constant 0 : i32
      %dma_wait3A_83 = arith.constant 0 : i32
      %dma_wait3A_84 = tpu.memref_slice %arg2[%dma_wait3A_82, %dma_wait3A_83] : memref<10000x128xf32, #tpu.memory_space<hbm>> -> memref<10000x128xf32, #tpu.memory_space<hbm>>
      tpu.wait_indirect_dma semaphore(%arg11 : memref<!tpu.dma_semaphore, #tpu.memory_space<semaphore_mem>>) src(%dma_wait3A_84 : memref<10000x128xf32, #tpu.memory_space<hbm>>) dst(%dma_wait3A_78 : memref<128x128xf32, #tpu.memory_space<vmem>>)
      %run_scoped3A = arith.constant 0 : i32
      "tpu.region"() ({
        %run_scoped3A_115 = tpu.sem_alloc : memref<!tpu.dma_semaphore, #tpu.memory_space<semaphore_mem>>
        %dma_start3A_116 = arith.constant 0 : i32
        %dma_start3A_117 = arith.constant 0 : i32
        %dma_start3A_118 = tpu.memref_slice %arg9[%run_scoped3A, %dma_start3A_116, %dma_start3A_117] : memref<2x128x128xf32, #tpu.memory_space<vmem>> -> memref<1x128x128xf32, #tpu.memory_space<vmem>>
        %dma_start3A_119 = tpu.memref_squeeze %dma_start3A_118 : memref<1x128x128xf32, #tpu.memory_space<vmem>> -> memref<128x128xf32, #tpu.memory_space<vmem>>
        %dma_start3A_120 = arith.constant 0 : i32
        %dma_start3A_121 = tpu.memref_slice %arg7[%add3A_74, %dma_start3A_120] : memref<40x128xi32, #tpu.memory_space<vmem>> -> memref<1x128xi32, #tpu.memory_space<vmem>>
        %dma_start3A_122 = tpu.memref_squeeze %dma_start3A_121 : memref<1x128xi32, #tpu.memory_space<vmem>> -> memref<128xi32, #tpu.memory_space<vmem>>
        %dma_start3A_123 = arith.constant 0 : i32
        %dma_start3A_124 = arith.constant 0 : i32
        %dma_start3A_125 = tpu.memref_slice %arg10[%dma_start3A_123, %dma_start3A_124] : memref<10112x128xf32, #tpu.memory_space<vmem_shared>> -> memref<10112x128xf32, #tpu.memory_space<vmem_shared>>
        tpu.enqueue_indirect_dma source(%dma_start3A_119 : memref<128x128xf32, #tpu.memory_space<vmem>>) target(%dma_start3A_125 : memref<10112x128xf32, #tpu.memory_space<vmem_shared>>) offsets(%dma_start3A_122 : memref<128xi32, #tpu.memory_space<vmem>>) semaphore(%run_scoped3A_115 : memref<!tpu.dma_semaphore, #tpu.memory_space<semaphore_mem>>) {add = true}
        %dma_wait3A_126 = arith.constant 0 : i32
        %dma_wait3A_127 = arith.constant 0 : i32
        %dma_wait3A_128 = tpu.memref_slice %arg9[%run_scoped3A, %dma_wait3A_126, %dma_wait3A_127] : memref<2x128x128xf32, #tpu.memory_space<vmem>> -> memref<1x128x128xf32, #tpu.memory_space<vmem>>
        %dma_wait3A_129 = tpu.memref_squeeze %dma_wait3A_128 : memref<1x128x128xf32, #tpu.memory_space<vmem>> -> memref<128x128xf32, #tpu.memory_space<vmem>>
        %dma_wait3A_130 = arith.constant 0 : i32
        %dma_wait3A_131 = tpu.memref_slice %arg7[%add3A_74, %dma_wait3A_130] : memref<40x128xi32, #tpu.memory_space<vmem>> -> memref<1x128xi32, #tpu.memory_space<vmem>>
        %dma_wait3A_132 = tpu.memref_squeeze %dma_wait3A_131 : memref<1x128xi32, #tpu.memory_space<vmem>> -> memref<128xi32, #tpu.memory_space<vmem>>
        %dma_wait3A_133 = arith.constant 0 : i32
        %dma_wait3A_134 = arith.constant 0 : i32
        %dma_wait3A_135 = tpu.memref_slice %arg10[%dma_wait3A_133, %dma_wait3A_134] : memref<10112x128xf32, #tpu.memory_space<vmem_shared>> -> memref<10112x128xf32, #tpu.memory_space<vmem_shared>>
        tpu.wait_indirect_dma semaphore(%run_scoped3A_115 : memref<!tpu.dma_semaphore, #tpu.memory_space<semaphore_mem>>) src(%dma_wait3A_129 : memref<128x128xf32, #tpu.memory_space<vmem>>) dst(%dma_wait3A_135 : memref<10112x128xf32, #tpu.memory_space<vmem_shared>>)
        tpu.yield
      }) : () -> ()
      %add3A_85 = arith.constant 2 : i32
      %add3A_86 = arith.addi %add3A_74, %add3A_85 : i32
      %lt3A_87 = arith.constant 40 : i32
      %lt3A_88 = arith.cmpi slt, %add3A_86, %lt3A_87 : i32
      %convert_element_type3A_89 = arith.extui %lt3A_88 : i1 to i32
      %cond3A_90 = arith.constant 0 : i32
      %cond3A_91 = arith.cmpi ne, %convert_element_type3A_89, %cond3A_90 : i32
      scf.if %cond3A_91 {
        %dma_start3A_115 = arith.constant 0 : i32
        %dma_start3A_116 = arith.constant 0 : i32
        %dma_start3A_117 = arith.constant 0 : i32
        %dma_start3A_118 = tpu.memref_slice %arg9[%dma_start3A_115, %dma_start3A_116, %dma_start3A_117] : memref<2x128x128xf32, #tpu.memory_space<vmem>> -> memref<1x128x128xf32, #tpu.memory_space<vmem>>
        %dma_start3A_119 = tpu.memref_squeeze %dma_start3A_118 : memref<1x128x128xf32, #tpu.memory_space<vmem>> -> memref<128x128xf32, #tpu.memory_space<vmem>>
        %dma_start3A_120 = arith.constant 0 : i32
        %dma_start3A_121 = tpu.memref_slice %arg8[%add3A_86, %dma_start3A_120] : memref<40x128xi32, #tpu.memory_space<vmem>> -> memref<1x128xi32, #tpu.memory_space<vmem>>
        %dma_start3A_122 = tpu.memref_squeeze %dma_start3A_121 : memref<1x128xi32, #tpu.memory_space<vmem>> -> memref<128xi32, #tpu.memory_space<vmem>>
        %dma_start3A_123 = arith.constant 0 : i32
        %dma_start3A_124 = arith.constant 0 : i32
        %dma_start3A_125 = tpu.memref_slice %arg2[%dma_start3A_123, %dma_start3A_124] : memref<10000x128xf32, #tpu.memory_space<hbm>> -> memref<10000x128xf32, #tpu.memory_space<hbm>>
        tpu.enqueue_indirect_dma source(%dma_start3A_125 : memref<10000x128xf32, #tpu.memory_space<hbm>>) target(%dma_start3A_119 : memref<128x128xf32, #tpu.memory_space<vmem>>) offsets(%dma_start3A_122 : memref<128xi32, #tpu.memory_space<vmem>>) semaphore(%arg11 : memref<!tpu.dma_semaphore, #tpu.memory_space<semaphore_mem>>)
      } else {
      }
      %mul3A_92 = arith.constant 2 : i32
      %mul3A_93 = arith.muli %scan3A_70, %mul3A_92 : i32
      %add3A_94 = arith.constant 1 : i32
      %add3A_95 = arith.addi %mul3A_93, %add3A_94 : i32
      %dma_wait3A_96 = arith.constant 1 : i32
      %dma_wait3A_97 = arith.constant 0 : i32
      %dma_wait3A_98 = arith.constant 0 : i32
      %dma_wait3A_99 = tpu.memref_slice %arg9[%dma_wait3A_96, %dma_wait3A_97, %dma_wait3A_98] : memref<2x128x128xf32, #tpu.memory_space<vmem>> -> memref<1x128x128xf32, #tpu.memory_space<vmem>>
      %dma_wait3A_100 = tpu.memref_squeeze %dma_wait3A_99 : memref<1x128x128xf32, #tpu.memory_space<vmem>> -> memref<128x128xf32, #tpu.memory_space<vmem>>
      %dma_wait3A_101 = arith.constant 0 : i32
      %dma_wait3A_102 = tpu.memref_slice %arg8[%add3A_95, %dma_wait3A_101] : memref<40x128xi32, #tpu.memory_space<vmem>> -> memref<1x128xi32, #tpu.memory_space<vmem>>
      %dma_wait3A_103 = tpu.memref_squeeze %dma_wait3A_102 : memref<1x128xi32, #tpu.memory_space<vmem>> -> memref<128xi32, #tpu.memory_space<vmem>>
      %dma_wait3A_104 = arith.constant 0 : i32
      %dma_wait3A_105 = arith.constant 0 : i32
      %dma_wait3A_106 = tpu.memref_slice %arg2[%dma_wait3A_104, %dma_wait3A_105] : memref<10000x128xf32, #tpu.memory_space<hbm>> -> memref<10000x128xf32, #tpu.memory_space<hbm>>
      tpu.wait_indirect_dma semaphore(%arg12 : memref<!tpu.dma_semaphore, #tpu.memory_space<semaphore_mem>>) src(%dma_wait3A_106 : memref<10000x128xf32, #tpu.memory_space<hbm>>) dst(%dma_wait3A_100 : memref<128x128xf32, #tpu.memory_space<vmem>>)
      %run_scoped3A_107 = arith.constant 1 : i32
      "tpu.region"() ({
        %run_scoped3A_115 = tpu.sem_alloc : memref<!tpu.dma_semaphore, #tpu.memory_space<semaphore_mem>>
        %dma_start3A_116 = arith.constant 0 : i32
        %dma_start3A_117 = arith.constant 0 : i32
        %dma_start3A_118 = tpu.memref_slice %arg9[%run_scoped3A_107, %dma_start3A_116, %dma_start3A_117] : memref<2x128x128xf32, #tpu.memory_space<vmem>> -> memref<1x128x128xf32, #tpu.memory_space<vmem>>
        %dma_start3A_119 = tpu.memref_squeeze %dma_start3A_118 : memref<1x128x128xf32, #tpu.memory_space<vmem>> -> memref<128x128xf32, #tpu.memory_space<vmem>>
        %dma_start3A_120 = arith.constant 0 : i32
        %dma_start3A_121 = tpu.memref_slice %arg7[%add3A_95, %dma_start3A_120] : memref<40x128xi32, #tpu.memory_space<vmem>> -> memref<1x128xi32, #tpu.memory_space<vmem>>
        %dma_start3A_122 = tpu.memref_squeeze %dma_start3A_121 : memref<1x128xi32, #tpu.memory_space<vmem>> -> memref<128xi32, #tpu.memory_space<vmem>>
        %dma_start3A_123 = arith.constant 0 : i32
        %dma_start3A_124 = arith.constant 0 : i32
        %dma_start3A_125 = tpu.memref_slice %arg10[%dma_start3A_123, %dma_start3A_124] : memref<10112x128xf32, #tpu.memory_space<vmem_shared>> -> memref<10112x128xf32, #tpu.memory_space<vmem_shared>>
        tpu.enqueue_indirect_dma source(%dma_start3A_119 : memref<128x128xf32, #tpu.memory_space<vmem>>) target(%dma_start3A_125 : memref<10112x128xf32, #tpu.memory_space<vmem_shared>>) offsets(%dma_start3A_122 : memref<128xi32, #tpu.memory_space<vmem>>) semaphore(%run_scoped3A_115 : memref<!tpu.dma_semaphore, #tpu.memory_space<semaphore_mem>>) {add = true}
        %dma_wait3A_126 = arith.constant 0 : i32
        %dma_wait3A_127 = arith.constant 0 : i32
        %dma_wait3A_128 = tpu.memref_slice %arg9[%run_scoped3A_107, %dma_wait3A_126, %dma_wait3A_127] : memref<2x128x128xf32, #tpu.memory_space<vmem>> -> memref<1x128x128xf32, #tpu.memory_space<vmem>>
        %dma_wait3A_129 = tpu.memref_squeeze %dma_wait3A_128 : memref<1x128x128xf32, #tpu.memory_space<vmem>> -> memref<128x128xf32, #tpu.memory_space<vmem>>
        %dma_wait3A_130 = arith.constant 0 : i32
        %dma_wait3A_131 = tpu.memref_slice %arg7[%add3A_95, %dma_wait3A_130] : memref<40x128xi32, #tpu.memory_space<vmem>> -> memref<1x128xi32, #tpu.memory_space<vmem>>
        %dma_wait3A_132 = tpu.memref_squeeze %dma_wait3A_131 : memref<1x128xi32, #tpu.memory_space<vmem>> -> memref<128xi32, #tpu.memory_space<vmem>>
        %dma_wait3A_133 = arith.constant 0 : i32
        %dma_wait3A_134 = arith.constant 0 : i32
        %dma_wait3A_135 = tpu.memref_slice %arg10[%dma_wait3A_133, %dma_wait3A_134] : memref<10112x128xf32, #tpu.memory_space<vmem_shared>> -> memref<10112x128xf32, #tpu.memory_space<vmem_shared>>
        tpu.wait_indirect_dma semaphore(%run_scoped3A_115 : memref<!tpu.dma_semaphore, #tpu.memory_space<semaphore_mem>>) src(%dma_wait3A_129 : memref<128x128xf32, #tpu.memory_space<vmem>>) dst(%dma_wait3A_135 : memref<10112x128xf32, #tpu.memory_space<vmem_shared>>)
        tpu.yield
      }) : () -> ()
      %add3A_108 = arith.constant 2 : i32
      %add3A_109 = arith.addi %add3A_95, %add3A_108 : i32
      %lt3A_110 = arith.constant 40 : i32
      %lt3A_111 = arith.cmpi slt, %add3A_109, %lt3A_110 : i32
      %convert_element_type3A_112 = arith.extui %lt3A_111 : i1 to i32
      %cond3A_113 = arith.constant 0 : i32
      %cond3A_114 = arith.cmpi ne, %convert_element_type3A_112, %cond3A_113 : i32
      scf.if %cond3A_114 {
        %dma_start3A_115 = arith.constant 1 : i32
        %dma_start3A_116 = arith.constant 0 : i32
        %dma_start3A_117 = arith.constant 0 : i32
        %dma_start3A_118 = tpu.memref_slice %arg9[%dma_start3A_115, %dma_start3A_116, %dma_start3A_117] : memref<2x128x128xf32, #tpu.memory_space<vmem>> -> memref<1x128x128xf32, #tpu.memory_space<vmem>>
        %dma_start3A_119 = tpu.memref_squeeze %dma_start3A_118 : memref<1x128x128xf32, #tpu.memory_space<vmem>> -> memref<128x128xf32, #tpu.memory_space<vmem>>
        %dma_start3A_120 = arith.constant 0 : i32
        %dma_start3A_121 = tpu.memref_slice %arg8[%add3A_109, %dma_start3A_120] : memref<40x128xi32, #tpu.memory_space<vmem>> -> memref<1x128xi32, #tpu.memory_space<vmem>>
        %dma_start3A_122 = tpu.memref_squeeze %dma_start3A_121 : memref<1x128xi32, #tpu.memory_space<vmem>> -> memref<128xi32, #tpu.memory_space<vmem>>
        %dma_start3A_123 = arith.constant 0 : i32
        %dma_start3A_124 = arith.constant 0 : i32
        %dma_start3A_125 = tpu.memref_slice %arg2[%dma_start3A_123, %dma_start3A_124] : memref<10000x128xf32, #tpu.memory_space<hbm>> -> memref<10000x128xf32, #tpu.memory_space<hbm>>
        tpu.enqueue_indirect_dma source(%dma_start3A_125 : memref<10000x128xf32, #tpu.memory_space<hbm>>) target(%dma_start3A_119 : memref<128x128xf32, #tpu.memory_space<vmem>>) offsets(%dma_start3A_122 : memref<128xi32, #tpu.memory_space<vmem>>) semaphore(%arg12 : memref<!tpu.dma_semaphore, #tpu.memory_space<semaphore_mem>>)
      } else {
      }
    }
    %scan3A_32 = arith.constant 20 : i32
    "tpu.region"() ({
      %run_scoped3A = tpu.sem_alloc : memref<!tpu.dma_semaphore, #tpu.memory_space<semaphore_mem>>
      %dma_start3A_70 = arith.constant 40 : i32
      %dma_start3A_71 = arith.constant 0 : i32
      %dma_start3A_72 = tpu.memref_slice %arg3[%add3A, %dma_start3A_70, %dma_start3A_71] : memref<32x80x128xi32, #tpu.memory_space<hbm>> -> memref<1x40x128xi32, #tpu.memory_space<hbm>>
      %dma_start3A_73 = tpu.memref_squeeze %dma_start3A_72 : memref<1x40x128xi32, #tpu.memory_space<hbm>> -> memref<40x128xi32, #tpu.memory_space<hbm>>
      %dma_start3A_74 = arith.constant 40 : i32
      %dma_start3A_75 = arith.constant 0 : i32
      %dma_start3A_76 = tpu.memref_slice %arg3[%add3A, %dma_start3A_74, %dma_start3A_75] : memref<32x80x128xi32, #tpu.memory_space<hbm>> -> memref<1x40x128xi32, #tpu.memory_space<hbm>>
      %dma_start3A_77 = tpu.memref_squeeze %dma_start3A_76 : memref<1x40x128xi32, #tpu.memory_space<hbm>> -> memref<40x128xi32, #tpu.memory_space<hbm>>
      tpu.enqueue_dma source(%dma_start3A_77 : memref<40x128xi32, #tpu.memory_space<hbm>>) target(%arg7 : memref<40x128xi32, #tpu.memory_space<vmem>>) target_semaphore(%run_scoped3A : memref<!tpu.dma_semaphore, #tpu.memory_space<semaphore_mem>>)
      %dma_wait3A = arith.constant 40 : i32
      %dma_wait3A_78 = arith.constant 0 : i32
      %dma_wait3A_79 = tpu.memref_slice %arg3[%add3A, %dma_wait3A, %dma_wait3A_78] : memref<32x80x128xi32, #tpu.memory_space<hbm>> -> memref<1x40x128xi32, #tpu.memory_space<hbm>>
      %dma_wait3A_80 = tpu.memref_squeeze %dma_wait3A_79 : memref<1x40x128xi32, #tpu.memory_space<hbm>> -> memref<40x128xi32, #tpu.memory_space<hbm>>
      %dma_wait3A_81 = arith.constant 40 : i32
      %dma_wait3A_82 = arith.constant 0 : i32
      %dma_wait3A_83 = tpu.memref_slice %arg3[%add3A, %dma_wait3A_81, %dma_wait3A_82] : memref<32x80x128xi32, #tpu.memory_space<hbm>> -> memref<1x40x128xi32, #tpu.memory_space<hbm>>
      %dma_wait3A_84 = tpu.memref_squeeze %dma_wait3A_83 : memref<1x40x128xi32, #tpu.memory_space<hbm>> -> memref<40x128xi32, #tpu.memory_space<hbm>>
      tpu.wait_dma2 semaphore(%run_scoped3A : memref<!tpu.dma_semaphore, #tpu.memory_space<semaphore_mem>>) src(%dma_wait3A_84 : memref<40x128xi32, #tpu.memory_space<hbm>>) dst(%arg7 : memref<40x128xi32, #tpu.memory_space<vmem>>)
      tpu.yield
    }) : () -> ()
    "tpu.region"() ({
      %run_scoped3A = tpu.sem_alloc : memref<!tpu.dma_semaphore, #tpu.memory_space<semaphore_mem>>
      %dma_start3A_70 = arith.constant 40 : i32
      %dma_start3A_71 = arith.constant 0 : i32
      %dma_start3A_72 = tpu.memref_slice %arg4[%add3A, %dma_start3A_70, %dma_start3A_71] : memref<32x80x128xi32, #tpu.memory_space<hbm>> -> memref<1x40x128xi32, #tpu.memory_space<hbm>>
      %dma_start3A_73 = tpu.memref_squeeze %dma_start3A_72 : memref<1x40x128xi32, #tpu.memory_space<hbm>> -> memref<40x128xi32, #tpu.memory_space<hbm>>
      %dma_start3A_74 = arith.constant 40 : i32
      %dma_start3A_75 = arith.constant 0 : i32
      %dma_start3A_76 = tpu.memref_slice %arg4[%add3A, %dma_start3A_74, %dma_start3A_75] : memref<32x80x128xi32, #tpu.memory_space<hbm>> -> memref<1x40x128xi32, #tpu.memory_space<hbm>>
      %dma_start3A_77 = tpu.memref_squeeze %dma_start3A_76 : memref<1x40x128xi32, #tpu.memory_space<hbm>> -> memref<40x128xi32, #tpu.memory_space<hbm>>
      tpu.enqueue_dma source(%dma_start3A_77 : memref<40x128xi32, #tpu.memory_space<hbm>>) target(%arg8 : memref<40x128xi32, #tpu.memory_space<vmem>>) target_semaphore(%run_scoped3A : memref<!tpu.dma_semaphore, #tpu.memory_space<semaphore_mem>>)
      %dma_wait3A = arith.constant 40 : i32
      %dma_wait3A_78 = arith.constant 0 : i32
      %dma_wait3A_79 = tpu.memref_slice %arg4[%add3A, %dma_wait3A, %dma_wait3A_78] : memref<32x80x128xi32, #tpu.memory_space<hbm>> -> memref<1x40x128xi32, #tpu.memory_space<hbm>>
      %dma_wait3A_80 = tpu.memref_squeeze %dma_wait3A_79 : memref<1x40x128xi32, #tpu.memory_space<hbm>> -> memref<40x128xi32, #tpu.memory_space<hbm>>
      %dma_wait3A_81 = arith.constant 40 : i32
      %dma_wait3A_82 = arith.constant 0 : i32
      %dma_wait3A_83 = tpu.memref_slice %arg4[%add3A, %dma_wait3A_81, %dma_wait3A_82] : memref<32x80x128xi32, #tpu.memory_space<hbm>> -> memref<1x40x128xi32, #tpu.memory_space<hbm>>
      %dma_wait3A_84 = tpu.memref_squeeze %dma_wait3A_83 : memref<1x40x128xi32, #tpu.memory_space<hbm>> -> memref<40x128xi32, #tpu.memory_space<hbm>>
      tpu.wait_dma2 semaphore(%run_scoped3A : memref<!tpu.dma_semaphore, #tpu.memory_space<semaphore_mem>>) src(%dma_wait3A_84 : memref<40x128xi32, #tpu.memory_space<hbm>>) dst(%arg8 : memref<40x128xi32, #tpu.memory_space<vmem>>)
      tpu.yield
    }) : () -> ()
    %dma_start3A_33 = arith.constant 0 : i32
    %dma_start3A_34 = arith.constant 0 : i32
    %dma_start3A_35 = arith.constant 0 : i32
    %dma_start3A_36 = arith.constant 0 : i32
    %dma_start3A_37 = tpu.memref_slice %arg9[%dma_start3A_34, %dma_start3A_35, %dma_start3A_36] : memref<2x128x128xf32, #tpu.memory_space<vmem>> -> memref<1x128x128xf32, #tpu.memory_space<vmem>>
    %dma_start3A_38 = tpu.memref_squeeze %dma_start3A_37 : memref<1x128x128xf32, #tpu.memory_space<vmem>> -> memref<128x128xf32, #tpu.memory_space<vmem>>
    %dma_start3A_39 = arith.constant 0 : i32
    %dma_start3A_40 = tpu.memref_slice %arg8[%dma_start3A_33, %dma_start3A_39] : memref<40x128xi32, #tpu.memory_space<vmem>> -> memref<1x128xi32, #tpu.memory_space<vmem>>
    %dma_start3A_41 = tpu.memref_squeeze %dma_start3A_40 : memref<1x128xi32, #tpu.memory_space<vmem>> -> memref<128xi32, #tpu.memory_space<vmem>>
    %dma_start3A_42 = arith.constant 0 : i32
    %dma_start3A_43 = arith.constant 0 : i32
    %dma_start3A_44 = tpu.memref_slice %arg2[%dma_start3A_42, %dma_start3A_43] : memref<10000x128xf32, #tpu.memory_space<hbm>> -> memref<10000x128xf32, #tpu.memory_space<hbm>>
    tpu.enqueue_indirect_dma source(%dma_start3A_44 : memref<10000x128xf32, #tpu.memory_space<hbm>>) target(%dma_start3A_38 : memref<128x128xf32, #tpu.memory_space<vmem>>) offsets(%dma_start3A_41 : memref<128xi32, #tpu.memory_space<vmem>>) semaphore(%arg11 : memref<!tpu.dma_semaphore, #tpu.memory_space<semaphore_mem>>)
    %dma_start3A_45 = arith.constant 1 : i32
    %dma_start3A_46 = arith.constant 1 : i32
    %dma_start3A_47 = arith.constant 0 : i32
    %dma_start3A_48 = arith.constant 0 : i32
    %dma_start3A_49 = tpu.memref_slice %arg9[%dma_start3A_46, %dma_start3A_47, %dma_start3A_48] : memref<2x128x128xf32, #tpu.memory_space<vmem>> -> memref<1x128x128xf32, #tpu.memory_space<vmem>>
    %dma_start3A_50 = tpu.memref_squeeze %dma_start3A_49 : memref<1x128x128xf32, #tpu.memory_space<vmem>> -> memref<128x128xf32, #tpu.memory_space<vmem>>
    %dma_start3A_51 = arith.constant 0 : i32
    %dma_start3A_52 = tpu.memref_slice %arg8[%dma_start3A_45, %dma_start3A_51] : memref<40x128xi32, #tpu.memory_space<vmem>> -> memref<1x128xi32, #tpu.memory_space<vmem>>
    %dma_start3A_53 = tpu.memref_squeeze %dma_start3A_52 : memref<1x128xi32, #tpu.memory_space<vmem>> -> memref<128xi32, #tpu.memory_space<vmem>>
    %dma_start3A_54 = arith.constant 0 : i32
    %dma_start3A_55 = arith.constant 0 : i32
    %dma_start3A_56 = tpu.memref_slice %arg2[%dma_start3A_54, %dma_start3A_55] : memref<10000x128xf32, #tpu.memory_space<hbm>> -> memref<10000x128xf32, #tpu.memory_space<hbm>>
    tpu.enqueue_indirect_dma source(%dma_start3A_56 : memref<10000x128xf32, #tpu.memory_space<hbm>>) target(%dma_start3A_50 : memref<128x128xf32, #tpu.memory_space<vmem>>) offsets(%dma_start3A_53 : memref<128xi32, #tpu.memory_space<vmem>>) semaphore(%arg12 : memref<!tpu.dma_semaphore, #tpu.memory_space<semaphore_mem>>)
    %scan3A_57 = arith.constant 0 : i32
    %scan3A_58 = arith.constant 0 : i32
    %scan3A_59 = arith.constant 20 : i32
    %scan3A_60 = arith.addi %scan3A_58, %scan3A_59 : i32
    %scan3A_61 = arith.constant 1 : i32
    scf.for %scan3A_70 = %scan3A_58 to %scan3A_60 step %scan3A_61  : i32 {
      %mul3A_71 = arith.constant 2 : i32
      %mul3A_72 = arith.muli %scan3A_70, %mul3A_71 : i32
      %add3A_73 = arith.constant 0 : i32
      %add3A_74 = arith.addi %mul3A_72, %add3A_73 : i32
      %dma_wait3A = arith.constant 0 : i32
      %dma_wait3A_75 = arith.constant 0 : i32
      %dma_wait3A_76 = arith.constant 0 : i32
      %dma_wait3A_77 = tpu.memref_slice %arg9[%dma_wait3A, %dma_wait3A_75, %dma_wait3A_76] : memref<2x128x128xf32, #tpu.memory_space<vmem>> -> memref<1x128x128xf32, #tpu.memory_space<vmem>>
      %dma_wait3A_78 = tpu.memref_squeeze %dma_wait3A_77 : memref<1x128x128xf32, #tpu.memory_space<vmem>> -> memref<128x128xf32, #tpu.memory_space<vmem>>
      %dma_wait3A_79 = arith.constant 0 : i32
      %dma_wait3A_80 = tpu.memref_slice %arg8[%add3A_74, %dma_wait3A_79] : memref<40x128xi32, #tpu.memory_space<vmem>> -> memref<1x128xi32, #tpu.memory_space<vmem>>
      %dma_wait3A_81 = tpu.memref_squeeze %dma_wait3A_80 : memref<1x128xi32, #tpu.memory_space<vmem>> -> memref<128xi32, #tpu.memory_space<vmem>>
      %dma_wait3A_82 = arith.constant 0 : i32
      %dma_wait3A_83 = arith.constant 0 : i32
      %dma_wait3A_84 = tpu.memref_slice %arg2[%dma_wait3A_82, %dma_wait3A_83] : memref<10000x128xf32, #tpu.memory_space<hbm>> -> memref<10000x128xf32, #tpu.memory_space<hbm>>
      tpu.wait_indirect_dma semaphore(%arg11 : memref<!tpu.dma_semaphore, #tpu.memory_space<semaphore_mem>>) src(%dma_wait3A_84 : memref<10000x128xf32, #tpu.memory_space<hbm>>) dst(%dma_wait3A_78 : memref<128x128xf32, #tpu.memory_space<vmem>>)
      %run_scoped3A = arith.constant 0 : i32
      "tpu.region"() ({
        %run_scoped3A_115 = tpu.sem_alloc : memref<!tpu.dma_semaphore, #tpu.memory_space<semaphore_mem>>
        %dma_start3A_116 = arith.constant 0 : i32
        %dma_start3A_117 = arith.constant 0 : i32
        %dma_start3A_118 = tpu.memref_slice %arg9[%run_scoped3A, %dma_start3A_116, %dma_start3A_117] : memref<2x128x128xf32, #tpu.memory_space<vmem>> -> memref<1x128x128xf32, #tpu.memory_space<vmem>>
        %dma_start3A_119 = tpu.memref_squeeze %dma_start3A_118 : memref<1x128x128xf32, #tpu.memory_space<vmem>> -> memref<128x128xf32, #tpu.memory_space<vmem>>
        %dma_start3A_120 = arith.constant 0 : i32
        %dma_start3A_121 = tpu.memref_slice %arg7[%add3A_74, %dma_start3A_120] : memref<40x128xi32, #tpu.memory_space<vmem>> -> memref<1x128xi32, #tpu.memory_space<vmem>>
        %dma_start3A_122 = tpu.memref_squeeze %dma_start3A_121 : memref<1x128xi32, #tpu.memory_space<vmem>> -> memref<128xi32, #tpu.memory_space<vmem>>
        %dma_start3A_123 = arith.constant 0 : i32
        %dma_start3A_124 = arith.constant 0 : i32
        %dma_start3A_125 = tpu.memref_slice %arg10[%dma_start3A_123, %dma_start3A_124] : memref<10112x128xf32, #tpu.memory_space<vmem_shared>> -> memref<10112x128xf32, #tpu.memory_space<vmem_shared>>
        tpu.enqueue_indirect_dma source(%dma_start3A_119 : memref<128x128xf32, #tpu.memory_space<vmem>>) target(%dma_start3A_125 : memref<10112x128xf32, #tpu.memory_space<vmem_shared>>) offsets(%dma_start3A_122 : memref<128xi32, #tpu.memory_space<vmem>>) semaphore(%run_scoped3A_115 : memref<!tpu.dma_semaphore, #tpu.memory_space<semaphore_mem>>) {add = true}
        %dma_wait3A_126 = arith.constant 0 : i32
        %dma_wait3A_127 = arith.constant 0 : i32
        %dma_wait3A_128 = tpu.memref_slice %arg9[%run_scoped3A, %dma_wait3A_126, %dma_wait3A_127] : memref<2x128x128xf32, #tpu.memory_space<vmem>> -> memref<1x128x128xf32, #tpu.memory_space<vmem>>
        %dma_wait3A_129 = tpu.memref_squeeze %dma_wait3A_128 : memref<1x128x128xf32, #tpu.memory_space<vmem>> -> memref<128x128xf32, #tpu.memory_space<vmem>>
        %dma_wait3A_130 = arith.constant 0 : i32
        %dma_wait3A_131 = tpu.memref_slice %arg7[%add3A_74, %dma_wait3A_130] : memref<40x128xi32, #tpu.memory_space<vmem>> -> memref<1x128xi32, #tpu.memory_space<vmem>>
        %dma_wait3A_132 = tpu.memref_squeeze %dma_wait3A_131 : memref<1x128xi32, #tpu.memory_space<vmem>> -> memref<128xi32, #tpu.memory_space<vmem>>
        %dma_wait3A_133 = arith.constant 0 : i32
        %dma_wait3A_134 = arith.constant 0 : i32
        %dma_wait3A_135 = tpu.memref_slice %arg10[%dma_wait3A_133, %dma_wait3A_134] : memref<10112x128xf32, #tpu.memory_space<vmem_shared>> -> memref<10112x128xf32, #tpu.memory_space<vmem_shared>>
        tpu.wait_indirect_dma semaphore(%run_scoped3A_115 : memref<!tpu.dma_semaphore, #tpu.memory_space<semaphore_mem>>) src(%dma_wait3A_129 : memref<128x128xf32, #tpu.memory_space<vmem>>) dst(%dma_wait3A_135 : memref<10112x128xf32, #tpu.memory_space<vmem_shared>>)
        tpu.yield
      }) : () -> ()
      %add3A_85 = arith.constant 2 : i32
      %add3A_86 = arith.addi %add3A_74, %add3A_85 : i32
      %lt3A_87 = arith.constant 40 : i32
      %lt3A_88 = arith.cmpi slt, %add3A_86, %lt3A_87 : i32
      %convert_element_type3A_89 = arith.extui %lt3A_88 : i1 to i32
      %cond3A_90 = arith.constant 0 : i32
      %cond3A_91 = arith.cmpi ne, %convert_element_type3A_89, %cond3A_90 : i32
      scf.if %cond3A_91 {
        %dma_start3A_115 = arith.constant 0 : i32
        %dma_start3A_116 = arith.constant 0 : i32
        %dma_start3A_117 = arith.constant 0 : i32
        %dma_start3A_118 = tpu.memref_slice %arg9[%dma_start3A_115, %dma_start3A_116, %dma_start3A_117] : memref<2x128x128xf32, #tpu.memory_space<vmem>> -> memref<1x128x128xf32, #tpu.memory_space<vmem>>
        %dma_start3A_119 = tpu.memref_squeeze %dma_start3A_118 : memref<1x128x128xf32, #tpu.memory_space<vmem>> -> memref<128x128xf32, #tpu.memory_space<vmem>>
        %dma_start3A_120 = arith.constant 0 : i32
        %dma_start3A_121 = tpu.memref_slice %arg8[%add3A_86, %dma_start3A_120] : memref<40x128xi32, #tpu.memory_space<vmem>> -> memref<1x128xi32, #tpu.memory_space<vmem>>
        %dma_start3A_122 = tpu.memref_squeeze %dma_start3A_121 : memref<1x128xi32, #tpu.memory_space<vmem>> -> memref<128xi32, #tpu.memory_space<vmem>>
        %dma_start3A_123 = arith.constant 0 : i32
        %dma_start3A_124 = arith.constant 0 : i32
        %dma_start3A_125 = tpu.memref_slice %arg2[%dma_start3A_123, %dma_start3A_124] : memref<10000x128xf32, #tpu.memory_space<hbm>> -> memref<10000x128xf32, #tpu.memory_space<hbm>>
        tpu.enqueue_indirect_dma source(%dma_start3A_125 : memref<10000x128xf32, #tpu.memory_space<hbm>>) target(%dma_start3A_119 : memref<128x128xf32, #tpu.memory_space<vmem>>) offsets(%dma_start3A_122 : memref<128xi32, #tpu.memory_space<vmem>>) semaphore(%arg11 : memref<!tpu.dma_semaphore, #tpu.memory_space<semaphore_mem>>)
      } else {
      }
      %mul3A_92 = arith.constant 2 : i32
      %mul3A_93 = arith.muli %scan3A_70, %mul3A_92 : i32
      %add3A_94 = arith.constant 1 : i32
      %add3A_95 = arith.addi %mul3A_93, %add3A_94 : i32
      %dma_wait3A_96 = arith.constant 1 : i32
      %dma_wait3A_97 = arith.constant 0 : i32
      %dma_wait3A_98 = arith.constant 0 : i32
      %dma_wait3A_99 = tpu.memref_slice %arg9[%dma_wait3A_96, %dma_wait3A_97, %dma_wait3A_98] : memref<2x128x128xf32, #tpu.memory_space<vmem>> -> memref<1x128x128xf32, #tpu.memory_space<vmem>>
      %dma_wait3A_100 = tpu.memref_squeeze %dma_wait3A_99 : memref<1x128x128xf32, #tpu.memory_space<vmem>> -> memref<128x128xf32, #tpu.memory_space<vmem>>
      %dma_wait3A_101 = arith.constant 0 : i32
      %dma_wait3A_102 = tpu.memref_slice %arg8[%add3A_95, %dma_wait3A_101] : memref<40x128xi32, #tpu.memory_space<vmem>> -> memref<1x128xi32, #tpu.memory_space<vmem>>
      %dma_wait3A_103 = tpu.memref_squeeze %dma_wait3A_102 : memref<1x128xi32, #tpu.memory_space<vmem>> -> memref<128xi32, #tpu.memory_space<vmem>>
      %dma_wait3A_104 = arith.constant 0 : i32
      %dma_wait3A_105 = arith.constant 0 : i32
      %dma_wait3A_106 = tpu.memref_slice %arg2[%dma_wait3A_104, %dma_wait3A_105] : memref<10000x128xf32, #tpu.memory_space<hbm>> -> memref<10000x128xf32, #tpu.memory_space<hbm>>
      tpu.wait_indirect_dma semaphore(%arg12 : memref<!tpu.dma_semaphore, #tpu.memory_space<semaphore_mem>>) src(%dma_wait3A_106 : memref<10000x128xf32, #tpu.memory_space<hbm>>) dst(%dma_wait3A_100 : memref<128x128xf32, #tpu.memory_space<vmem>>)
      %run_scoped3A_107 = arith.constant 1 : i32
      "tpu.region"() ({
        %run_scoped3A_115 = tpu.sem_alloc : memref<!tpu.dma_semaphore, #tpu.memory_space<semaphore_mem>>
        %dma_start3A_116 = arith.constant 0 : i32
        %dma_start3A_117 = arith.constant 0 : i32
        %dma_start3A_118 = tpu.memref_slice %arg9[%run_scoped3A_107, %dma_start3A_116, %dma_start3A_117] : memref<2x128x128xf32, #tpu.memory_space<vmem>> -> memref<1x128x128xf32, #tpu.memory_space<vmem>>
        %dma_start3A_119 = tpu.memref_squeeze %dma_start3A_118 : memref<1x128x128xf32, #tpu.memory_space<vmem>> -> memref<128x128xf32, #tpu.memory_space<vmem>>
        %dma_start3A_120 = arith.constant 0 : i32
        %dma_start3A_121 = tpu.memref_slice %arg7[%add3A_95, %dma_start3A_120] : memref<40x128xi32, #tpu.memory_space<vmem>> -> memref<1x128xi32, #tpu.memory_space<vmem>>
        %dma_start3A_122 = tpu.memref_squeeze %dma_start3A_121 : memref<1x128xi32, #tpu.memory_space<vmem>> -> memref<128xi32, #tpu.memory_space<vmem>>
        %dma_start3A_123 = arith.constant 0 : i32
        %dma_start3A_124 = arith.constant 0 : i32
        %dma_start3A_125 = tpu.memref_slice %arg10[%dma_start3A_123, %dma_start3A_124] : memref<10112x128xf32, #tpu.memory_space<vmem_shared>> -> memref<10112x128xf32, #tpu.memory_space<vmem_shared>>
        tpu.enqueue_indirect_dma source(%dma_start3A_119 : memref<128x128xf32, #tpu.memory_space<vmem>>) target(%dma_start3A_125 : memref<10112x128xf32, #tpu.memory_space<vmem_shared>>) offsets(%dma_start3A_122 : memref<128xi32, #tpu.memory_space<vmem>>) semaphore(%run_scoped3A_115 : memref<!tpu.dma_semaphore, #tpu.memory_space<semaphore_mem>>) {add = true}
        %dma_wait3A_126 = arith.constant 0 : i32
        %dma_wait3A_127 = arith.constant 0 : i32
        %dma_wait3A_128 = tpu.memref_slice %arg9[%run_scoped3A_107, %dma_wait3A_126, %dma_wait3A_127] : memref<2x128x128xf32, #tpu.memory_space<vmem>> -> memref<1x128x128xf32, #tpu.memory_space<vmem>>
        %dma_wait3A_129 = tpu.memref_squeeze %dma_wait3A_128 : memref<1x128x128xf32, #tpu.memory_space<vmem>> -> memref<128x128xf32, #tpu.memory_space<vmem>>
        %dma_wait3A_130 = arith.constant 0 : i32
        %dma_wait3A_131 = tpu.memref_slice %arg7[%add3A_95, %dma_wait3A_130] : memref<40x128xi32, #tpu.memory_space<vmem>> -> memref<1x128xi32, #tpu.memory_space<vmem>>
        %dma_wait3A_132 = tpu.memref_squeeze %dma_wait3A_131 : memref<1x128xi32, #tpu.memory_space<vmem>> -> memref<128xi32, #tpu.memory_space<vmem>>
        %dma_wait3A_133 = arith.constant 0 : i32
        %dma_wait3A_134 = arith.constant 0 : i32
        %dma_wait3A_135 = tpu.memref_slice %arg10[%dma_wait3A_133, %dma_wait3A_134] : memref<10112x128xf32, #tpu.memory_space<vmem_shared>> -> memref<10112x128xf32, #tpu.memory_space<vmem_shared>>
        tpu.wait_indirect_dma semaphore(%run_scoped3A_115 : memref<!tpu.dma_semaphore, #tpu.memory_space<semaphore_mem>>) src(%dma_wait3A_129 : memref<128x128xf32, #tpu.memory_space<vmem>>) dst(%dma_wait3A_135 : memref<10112x128xf32, #tpu.memory_space<vmem_shared>>)
        tpu.yield
      }) : () -> ()
      %add3A_108 = arith.constant 2 : i32
      %add3A_109 = arith.addi %add3A_95, %add3A_108 : i32
      %lt3A_110 = arith.constant 40 : i32
      %lt3A_111 = arith.cmpi slt, %add3A_109, %lt3A_110 : i32
      %convert_element_type3A_112 = arith.extui %lt3A_111 : i1 to i32
      %cond3A_113 = arith.constant 0 : i32
      %cond3A_114 = arith.cmpi ne, %convert_element_type3A_112, %cond3A_113 : i32
      scf.if %cond3A_114 {
        %dma_start3A_115 = arith.constant 1 : i32
        %dma_start3A_116 = arith.constant 0 : i32
        %dma_start3A_117 = arith.constant 0 : i32
        %dma_start3A_118 = tpu.memref_slice %arg9[%dma_start3A_115, %dma_start3A_116, %dma_start3A_117] : memref<2x128x128xf32, #tpu.memory_space<vmem>> -> memref<1x128x128xf32, #tpu.memory_space<vmem>>
        %dma_start3A_119 = tpu.memref_squeeze %dma_start3A_118 : memref<1x128x128xf32, #tpu.memory_space<vmem>> -> memref<128x128xf32, #tpu.memory_space<vmem>>
        %dma_start3A_120 = arith.constant 0 : i32
        %dma_start3A_121 = tpu.memref_slice %arg8[%add3A_109, %dma_start3A_120] : memref<40x128xi32, #tpu.memory_space<vmem>> -> memref<1x128xi32, #tpu.memory_space<vmem>>
        %dma_start3A_122 = tpu.memref_squeeze %dma_start3A_121 : memref<1x128xi32, #tpu.memory_space<vmem>> -> memref<128xi32, #tpu.memory_space<vmem>>
        %dma_start3A_123 = arith.constant 0 : i32
        %dma_start3A_124 = arith.constant 0 : i32
        %dma_start3A_125 = tpu.memref_slice %arg2[%dma_start3A_123, %dma_start3A_124] : memref<10000x128xf32, #tpu.memory_space<hbm>> -> memref<10000x128xf32, #tpu.memory_space<hbm>>
        tpu.enqueue_indirect_dma source(%dma_start3A_125 : memref<10000x128xf32, #tpu.memory_space<hbm>>) target(%dma_start3A_119 : memref<128x128xf32, #tpu.memory_space<vmem>>) offsets(%dma_start3A_122 : memref<128xi32, #tpu.memory_space<vmem>>) semaphore(%arg12 : memref<!tpu.dma_semaphore, #tpu.memory_space<semaphore_mem>>)
      } else {
      }
    }
    %scan3A_62 = arith.constant 20 : i32
    %barrier3A_63 = arith.constant 0 : index
    tpu.barrier barrier_id(%barrier3A_63)
    %lt3A = arith.constant 15 : i32
    %lt3A_64 = arith.cmpi slt, %arg1, %lt3A : i32
    %convert_element_type3A = arith.extui %lt3A_64 : i1 to i32
    %cond3A = arith.constant 0 : i32
    %cond3A_65 = arith.cmpi ne, %convert_element_type3A, %cond3A : i32
    scf.if %cond3A_65 {
      %mul3A_70 = arith.constant 632 : i32
      %mul3A_71 = arith.muli %arg1, %mul3A_70 : i32
      %mul3A_72 = arith.constant 632 : i32
      %mul3A_73 = arith.muli %arg1, %mul3A_72 : i32
      "tpu.region"() ({
        %run_scoped3A = tpu.sem_alloc : memref<!tpu.dma_semaphore, #tpu.memory_space<semaphore_mem>>
        %dma_start3A_74 = arith.constant 0 : i32
        %dma_start3A_75 = tpu.memref_slice %arg6[%arg0, %mul3A_73, %dma_start3A_74] : memref<2x10000x128xf32, #tpu.memory_space<hbm>> -> memref<1x632x128xf32, #tpu.memory_space<hbm>>
        %dma_start3A_76 = tpu.memref_squeeze %dma_start3A_75 : memref<1x632x128xf32, #tpu.memory_space<hbm>> -> memref<632x128xf32, #tpu.memory_space<hbm>>
        %dma_start3A_77 = arith.constant 0 : i32
        %dma_start3A_78 = tpu.memref_slice %arg10[%mul3A_71, %dma_start3A_77] : memref<10112x128xf32, #tpu.memory_space<vmem_shared>> -> memref<632x128xf32, #tpu.memory_space<vmem_shared>>
        tpu.enqueue_dma source(%dma_start3A_78 : memref<632x128xf32, #tpu.memory_space<vmem_shared>>) target(%dma_start3A_76 : memref<632x128xf32, #tpu.memory_space<hbm>>) target_semaphore(%run_scoped3A : memref<!tpu.dma_semaphore, #tpu.memory_space<semaphore_mem>>)
        %dma_wait3A = arith.constant 0 : i32
        %dma_wait3A_79 = tpu.memref_slice %arg6[%arg0, %mul3A_73, %dma_wait3A] : memref<2x10000x128xf32, #tpu.memory_space<hbm>> -> memref<1x632x128xf32, #tpu.memory_space<hbm>>
        %dma_wait3A_80 = tpu.memref_squeeze %dma_wait3A_79 : memref<1x632x128xf32, #tpu.memory_space<hbm>> -> memref<632x128xf32, #tpu.memory_space<hbm>>
        %dma_wait3A_81 = arith.constant 0 : i32
        %dma_wait3A_82 = tpu.memref_slice %arg10[%mul3A_71, %dma_wait3A_81] : memref<10112x128xf32, #tpu.memory_space<vmem_shared>> -> memref<632x128xf32, #tpu.memory_space<vmem_shared>>
        tpu.wait_dma2 semaphore(%run_scoped3A : memref<!tpu.dma_semaphore, #tpu.memory_space<semaphore_mem>>) src(%dma_wait3A_82 : memref<632x128xf32, #tpu.memory_space<vmem_shared>>) dst(%dma_wait3A_80 : memref<632x128xf32, #tpu.memory_space<hbm>>)
        tpu.yield
      }) : () -> ()
    } else {
    }
    %eq3A = arith.constant 15 : i32
    %eq3A_66 = arith.cmpi eq, %arg1, %eq3A : i32
    %convert_element_type3A_67 = arith.extui %eq3A_66 : i1 to i32
    %cond3A_68 = arith.constant 0 : i32
    %cond3A_69 = arith.cmpi ne, %convert_element_type3A_67, %cond3A_68 : i32
    scf.if %cond3A_69 {
      "tpu.region"() ({
        %run_scoped3A = tpu.sem_alloc : memref<!tpu.dma_semaphore, #tpu.memory_space<semaphore_mem>>
        %dma_start3A_70 = arith.constant 9480 : i32
        %dma_start3A_71 = arith.constant 0 : i32
        %dma_start3A_72 = tpu.memref_slice %arg6[%arg0, %dma_start3A_70, %dma_start3A_71] : memref<2x10000x128xf32, #tpu.memory_space<hbm>> -> memref<1x520x128xf32, #tpu.memory_space<hbm>>
        %dma_start3A_73 = tpu.memref_squeeze %dma_start3A_72 : memref<1x520x128xf32, #tpu.memory_space<hbm>> -> memref<520x128xf32, #tpu.memory_space<hbm>>
        %dma_start3A_74 = arith.constant 9480 : i32
        %dma_start3A_75 = arith.constant 0 : i32
        %dma_start3A_76 = tpu.memref_slice %arg10[%dma_start3A_74, %dma_start3A_75] : memref<10112x128xf32, #tpu.memory_space<vmem_shared>> -> memref<520x128xf32, #tpu.memory_space<vmem_shared>>
        tpu.enqueue_dma source(%dma_start3A_76 : memref<520x128xf32, #tpu.memory_space<vmem_shared>>) target(%dma_start3A_73 : memref<520x128xf32, #tpu.memory_space<hbm>>) target_semaphore(%run_scoped3A : memref<!tpu.dma_semaphore, #tpu.memory_space<semaphore_mem>>)
        %dma_wait3A = arith.constant 9480 : i32
        %dma_wait3A_77 = arith.constant 0 : i32
        %dma_wait3A_78 = tpu.memref_slice %arg6[%arg0, %dma_wait3A, %dma_wait3A_77] : memref<2x10000x128xf32, #tpu.memory_space<hbm>> -> memref<1x520x128xf32, #tpu.memory_space<hbm>>
        %dma_wait3A_79 = tpu.memref_squeeze %dma_wait3A_78 : memref<1x520x128xf32, #tpu.memory_space<hbm>> -> memref<520x128xf32, #tpu.memory_space<hbm>>
        %dma_wait3A_80 = arith.constant 9480 : i32
        %dma_wait3A_81 = arith.constant 0 : i32
        %dma_wait3A_82 = tpu.memref_slice %arg10[%dma_wait3A_80, %dma_wait3A_81] : memref<10112x128xf32, #tpu.memory_space<vmem_shared>> -> memref<520x128xf32, #tpu.memory_space<vmem_shared>>
        tpu.wait_dma2 semaphore(%run_scoped3A : memref<!tpu.dma_semaphore, #tpu.memory_space<semaphore_mem>>) src(%dma_wait3A_82 : memref<520x128xf32, #tpu.memory_space<vmem_shared>>) dst(%dma_wait3A_79 : memref<520x128xf32, #tpu.memory_space<hbm>>)
        tpu.yield
      }) : () -> ()
    } else {
    }
    return
  }
}

module attributes {stable_mosaic.version = 14 : i64} {
  func.func @_mlp_body(%arg0: memref<1x1xf32, #tpu.memory_space<smem>>, %arg1: memref<2x10000x128xf32, #tpu.memory_space<vmem>>, %arg2: memref<10000x128xf32, #tpu.memory_space<vmem>>, %arg3: memref<128x128xf32, #tpu.memory_space<vmem>>, %arg4: memref<1x128xf32, #tpu.memory_space<vmem>>, %arg5: memref<128x128xf32, #tpu.memory_space<vmem>>, %arg6: memref<1x128xf32, #tpu.memory_space<vmem>>, %arg7: memref<1x128xf32, #tpu.memory_space<vmem>>, %arg8: memref<1x128xf32, #tpu.memory_space<vmem>>, %arg9: memref<1x128xf32, #tpu.memory_space<vmem>>, %arg10: memref<1x128xf32, #tpu.memory_space<vmem>>, %arg11: memref<10000x128xf32, #tpu.memory_space<vmem>>) attributes {dimension_semantics = [], scalar_prefetch = 0 : i64, scratch_operands = 0 : i64, tpu.core_type = #tpu.core_type<tc>} {
    %get3A = arith.constant 0 : index
    %get3A_0 = arith.constant 0 : index
    %get3A_1 = memref.load %arg0[%get3A, %get3A_0] : memref<1x1xf32, #tpu.memory_space<smem>>
    %add3A = arith.constant 1.000000e+00 : f32
    %add3A_2 = arith.addf %add3A, %get3A_1 : f32
    %get3A_3 = arith.constant 0 : index
    %get3A_4 = arith.constant 0 : index
    %get3A_5 = arith.constant 0 : index
    %get3A_6 = vector.load %arg1[%get3A_3, %get3A_4, %get3A_5] : memref<2x10000x128xf32, #tpu.memory_space<vmem>>, vector<1x10000x128xf32>
    %get3A_7 = vector.shape_cast %get3A_6 : vector<1x10000x128xf32> to vector<10000x128xf32>
    %get3A_8 = arith.constant 1 : index
    %get3A_9 = arith.constant 0 : index
    %get3A_10 = arith.constant 0 : index
    %get3A_11 = vector.load %arg1[%get3A_8, %get3A_9, %get3A_10] : memref<2x10000x128xf32, #tpu.memory_space<vmem>>, vector<1x10000x128xf32>
    %get3A_12 = vector.shape_cast %get3A_11 : vector<1x10000x128xf32> to vector<10000x128xf32>
    %add3A_13 = arith.addf %get3A_7, %get3A_12 : vector<10000x128xf32>
    %get3A_14 = arith.constant 0 : index
    %get3A_15 = arith.constant 0 : index
    %get3A_16 = vector.load %arg2[%get3A_14, %get3A_15] : memref<10000x128xf32, #tpu.memory_space<vmem>>, vector<10000x128xf32>
    %mul3A = vector.broadcast %add3A_2 : f32 to vector<10000x128xf32>
    %mul3A_17 = arith.mulf %mul3A, %get3A_16 : vector<10000x128xf32>
    %add3A_18 = arith.addf %add3A_13, %mul3A_17 : vector<10000x128xf32>
    %get3A_19 = arith.constant 0 : index
    %get3A_20 = arith.constant 0 : index
    %get3A_21 = vector.load %arg3[%get3A_19, %get3A_20] : memref<128x128xf32, #tpu.memory_space<vmem>>, vector<128x128xf32>
    %dot_general3A = arith.constant dense<0.000000e+00> : vector<10000x128xf32>
    %dot_general3A_22 = tpu.matmul %add3A_18, %get3A_21, %dot_general3A {dimension_numbers = #tpu.dot_dimension_numbers<[1], [0], [0], [1], [0, 0, 1, 1], [], []>, precision = #tpu.contract_precision<fp32>, transpose_lhs_hint = false} : vector<10000x128xf32>, vector<128x128xf32>, vector<10000x128xf32> -> vector<10000x128xf32>
    %get3A_23 = arith.constant 0 : index
    %get3A_24 = arith.constant 0 : index
    %get3A_25 = vector.load %arg4[%get3A_23, %get3A_24] : memref<1x128xf32, #tpu.memory_space<vmem>>, vector<1x128xf32>
    %add3A_26 = vector.broadcast %get3A_25 : vector<1x128xf32> to vector<10000x128xf32>
    %add3A_27 = arith.addf %dot_general3A_22, %add3A_26 : vector<10000x128xf32>
    %get3A_28 = arith.constant 0 : index
    %get3A_29 = arith.constant 0 : index
    %get3A_30 = vector.load %arg7[%get3A_28, %get3A_29] : memref<1x128xf32, #tpu.memory_space<vmem>>, vector<1x128xf32>
    %get3A_31 = arith.constant 0 : index
    %get3A_32 = arith.constant 0 : index
    %get3A_33 = vector.load %arg8[%get3A_31, %get3A_32] : memref<1x128xf32, #tpu.memory_space<vmem>>, vector<1x128xf32>
    %reduce_sum3A = arith.constant dense<0.000000e+00> : vector<128xf32>
    %reduce_sum3A_34 = vector.multi_reduction <add>, %add3A_27, %reduce_sum3A [0] : vector<10000x128xf32> to vector<128xf32>
    %broadcast_in_dim3A = vector.shape_cast %reduce_sum3A_34 : vector<128xf32> to vector<1x128xf32>
    %div3A = arith.constant 1.000000e+04 : f32
    %div3A_35 = vector.broadcast %div3A : f32 to vector<1x128xf32>
    %div3A_36 = arith.divf %broadcast_in_dim3A, %div3A_35 : vector<1x128xf32>
    %sub3A = vector.broadcast %div3A_36 : vector<1x128xf32> to vector<10000x128xf32>
    %sub3A_37 = arith.subf %add3A_27, %sub3A : vector<10000x128xf32>
    %mul3A_38 = arith.mulf %sub3A_37, %sub3A_37 : vector<10000x128xf32>
    %reduce_sum3A_39 = arith.constant dense<0.000000e+00> : vector<128xf32>
    %reduce_sum3A_40 = vector.multi_reduction <add>, %mul3A_38, %reduce_sum3A_39 [0] : vector<10000x128xf32> to vector<128xf32>
    %broadcast_in_dim3A_41 = vector.shape_cast %reduce_sum3A_40 : vector<128xf32> to vector<1x128xf32>
    %div3A_42 = arith.constant 1.000000e+04 : f32
    %div3A_43 = vector.broadcast %div3A_42 : f32 to vector<1x128xf32>
    %div3A_44 = arith.divf %broadcast_in_dim3A_41, %div3A_43 : vector<1x128xf32>
    %add3A_45 = arith.constant 9.99999974E-6 : f32
    %add3A_46 = vector.broadcast %add3A_45 : f32 to vector<1x128xf32>
    %add3A_47 = arith.addf %div3A_44, %add3A_46 : vector<1x128xf32>
    %rsqrt3A = math.rsqrt %add3A_47 : vector<1x128xf32>
    %mul3A_48 = vector.broadcast %rsqrt3A : vector<1x128xf32> to vector<10000x128xf32>
    %mul3A_49 = arith.mulf %sub3A_37, %mul3A_48 : vector<10000x128xf32>
    %mul3A_50 = vector.broadcast %get3A_30 : vector<1x128xf32> to vector<10000x128xf32>
    %mul3A_51 = arith.mulf %mul3A_50, %mul3A_49 : vector<10000x128xf32>
    %add3A_52 = vector.broadcast %get3A_33 : vector<1x128xf32> to vector<10000x128xf32>
    %add3A_53 = arith.addf %mul3A_51, %add3A_52 : vector<10000x128xf32>
    %max3A = arith.constant 0.000000e+00 : f32
    %max3A_54 = vector.broadcast %max3A : f32 to vector<10000x128xf32>
    %max3A_55 = arith.maximumf %add3A_53, %max3A_54 : vector<10000x128xf32>
    %get3A_56 = arith.constant 0 : index
    %get3A_57 = arith.constant 0 : index
    %get3A_58 = vector.load %arg5[%get3A_56, %get3A_57] : memref<128x128xf32, #tpu.memory_space<vmem>>, vector<128x128xf32>
    %dot_general3A_59 = arith.constant dense<0.000000e+00> : vector<10000x128xf32>
    %dot_general3A_60 = tpu.matmul %max3A_55, %get3A_58, %dot_general3A_59 {dimension_numbers = #tpu.dot_dimension_numbers<[1], [0], [0], [1], [0, 0, 1, 1], [], []>, precision = #tpu.contract_precision<fp32>, transpose_lhs_hint = false} : vector<10000x128xf32>, vector<128x128xf32>, vector<10000x128xf32> -> vector<10000x128xf32>
    %get3A_61 = arith.constant 0 : index
    %get3A_62 = arith.constant 0 : index
    %get3A_63 = vector.load %arg6[%get3A_61, %get3A_62] : memref<1x128xf32, #tpu.memory_space<vmem>>, vector<1x128xf32>
    %add3A_64 = vector.broadcast %get3A_63 : vector<1x128xf32> to vector<10000x128xf32>
    %add3A_65 = arith.addf %dot_general3A_60, %add3A_64 : vector<10000x128xf32>
    %get3A_66 = arith.constant 0 : index
    %get3A_67 = arith.constant 0 : index
    %get3A_68 = vector.load %arg9[%get3A_66, %get3A_67] : memref<1x128xf32, #tpu.memory_space<vmem>>, vector<1x128xf32>
    %get3A_69 = arith.constant 0 : index
    %get3A_70 = arith.constant 0 : index
    %get3A_71 = vector.load %arg10[%get3A_69, %get3A_70] : memref<1x128xf32, #tpu.memory_space<vmem>>, vector<1x128xf32>
    %reduce_sum3A_72 = arith.constant dense<0.000000e+00> : vector<128xf32>
    %reduce_sum3A_73 = vector.multi_reduction <add>, %add3A_65, %reduce_sum3A_72 [0] : vector<10000x128xf32> to vector<128xf32>
    %broadcast_in_dim3A_74 = vector.shape_cast %reduce_sum3A_73 : vector<128xf32> to vector<1x128xf32>
    %div3A_75 = arith.constant 1.000000e+04 : f32
    %div3A_76 = vector.broadcast %div3A_75 : f32 to vector<1x128xf32>
    %div3A_77 = arith.divf %broadcast_in_dim3A_74, %div3A_76 : vector<1x128xf32>
    %sub3A_78 = vector.broadcast %div3A_77 : vector<1x128xf32> to vector<10000x128xf32>
    %sub3A_79 = arith.subf %add3A_65, %sub3A_78 : vector<10000x128xf32>
    %mul3A_80 = arith.mulf %sub3A_79, %sub3A_79 : vector<10000x128xf32>
    %reduce_sum3A_81 = arith.constant dense<0.000000e+00> : vector<128xf32>
    %reduce_sum3A_82 = vector.multi_reduction <add>, %mul3A_80, %reduce_sum3A_81 [0] : vector<10000x128xf32> to vector<128xf32>
    %broadcast_in_dim3A_83 = vector.shape_cast %reduce_sum3A_82 : vector<128xf32> to vector<1x128xf32>
    %div3A_84 = arith.constant 1.000000e+04 : f32
    %div3A_85 = vector.broadcast %div3A_84 : f32 to vector<1x128xf32>
    %div3A_86 = arith.divf %broadcast_in_dim3A_83, %div3A_85 : vector<1x128xf32>
    %add3A_87 = arith.constant 9.99999974E-6 : f32
    %add3A_88 = vector.broadcast %add3A_87 : f32 to vector<1x128xf32>
    %add3A_89 = arith.addf %div3A_86, %add3A_88 : vector<1x128xf32>
    %rsqrt3A_90 = math.rsqrt %add3A_89 : vector<1x128xf32>
    %mul3A_91 = vector.broadcast %rsqrt3A_90 : vector<1x128xf32> to vector<10000x128xf32>
    %mul3A_92 = arith.mulf %sub3A_79, %mul3A_91 : vector<10000x128xf32>
    %mul3A_93 = vector.broadcast %get3A_68 : vector<1x128xf32> to vector<10000x128xf32>
    %mul3A_94 = arith.mulf %mul3A_93, %mul3A_92 : vector<10000x128xf32>
    %add3A_95 = vector.broadcast %get3A_71 : vector<1x128xf32> to vector<10000x128xf32>
    %add3A_96 = arith.addf %mul3A_94, %add3A_95 : vector<10000x128xf32>
    %max3A_97 = arith.constant 0.000000e+00 : f32
    %max3A_98 = vector.broadcast %max3A_97 : f32 to vector<10000x128xf32>
    %max3A_99 = arith.maximumf %add3A_96, %max3A_98 : vector<10000x128xf32>
    %swap3A = arith.constant 0 : index
    %swap3A_100 = arith.constant 0 : index
    %swap3A_101 = vector.load %arg11[%swap3A, %swap3A_100] : memref<10000x128xf32, #tpu.memory_space<vmem>>, vector<10000x128xf32>
    tpu.vector_store %arg11[%swap3A, %swap3A_100], %max3A_99 {strides = array<i32>} : memref<10000x128xf32, #tpu.memory_space<vmem>>, vector<10000x128xf32>,
    return
  }
}

module attributes {stable_mosaic.version = 14 : i64} {
  func.func @_pool_body(%arg0: memref<10000x1xi32, #tpu.memory_space<vmem>>, %arg1: memref<10000x128xf32, #tpu.memory_space<vmem>>, %arg2: memref<64x128xf32, #tpu.memory_space<vmem>>) attributes {dimension_semantics = [], scalar_prefetch = 0 : i64, scratch_operands = 0 : i64, tpu.core_type = #tpu.core_type<tc>} {
    %get3A = arith.constant 0 : index
    %get3A_0 = arith.constant 0 : index
    %get3A_1 = vector.load %arg0[%get3A, %get3A_0] : memref<10000x1xi32, #tpu.memory_space<vmem>>, vector<10000x1xi32>
    %iota3A = tpu.iota {dimensions = array<i32: 1>} : vector<10000x64xi32>
    %eq3A = vector.broadcast %get3A_1 : vector<10000x1xi32> to vector<10000x64xi32>
    %eq3A_2 = arith.cmpi eq, %eq3A, %iota3A : vector<10000x64xi32>
    %convert_element_type3A = arith.extui %eq3A_2 : vector<10000x64xi1> to vector<10000x64xi32>
    %convert_element_type3A_3 = arith.sitofp %convert_element_type3A : vector<10000x64xi32> to vector<10000x64xf32>
    %get3A_4 = arith.constant 0 : index
    %get3A_5 = arith.constant 0 : index
    %get3A_6 = vector.load %arg1[%get3A_4, %get3A_5] : memref<10000x128xf32, #tpu.memory_space<vmem>>, vector<10000x128xf32>
    %dot_general3A = arith.constant dense<0.000000e+00> : vector<64x128xf32>
    %dot_general3A_7 = tpu.matmul %convert_element_type3A_3, %get3A_6, %dot_general3A {dimension_numbers = #tpu.dot_dimension_numbers<[0], [0], [1], [1], [0, 1, 1, 1], [], []>, precision = #tpu.contract_precision<fp32>, transpose_lhs_hint = false} : vector<10000x64xf32>, vector<10000x128xf32>, vector<64x128xf32> -> vector<64x128xf32>
    %swap3A = arith.constant 0 : index
    %swap3A_8 = arith.constant 0 : index
    %swap3A_9 = vector.load %arg2[%swap3A, %swap3A_8] : memref<64x128xf32, #tpu.memory_space<vmem>>, vector<64x128xf32>
    tpu.vector_store %arg2[%swap3A, %swap3A_8], %dot_general3A_7 {strides = array<i32>} : memref<64x128xf32, #tpu.memory_space<vmem>>, vector<64x128xf32>,
    return
  }
}

</mosaic_0001>

<sc_bundles>
// kernel: kernel.17.cloned.1.call-start
scs
__scs_entry_jumppad:
0x0: {  	(pc) =	sbr.rel $0x88, $3  }
0x1: {  	(tag) =	ssettag $0x0;
	lr =	simm.s32 $0x1  }
0x2: {  	[smem:$0x3F95] =	sst lr;
	_ =	strace $0xD0000000  }
0x3: {  	_ = 	snop  }
0x4: {  	_ = 	snop  }
0x5: {  	_ = 	snop  }
0x6: {  	_ = 	snop  }
0x7: {  	_ = 	snop  }
__scs_overlays_trampoline_lowered:
0x8: {  	[smem:$0x3FA4] =	sst s0  }
0x9: {  	[smem:$0x3FA5] =	sst s1  }
0xa: {  	[smem:$0x3FA6] =	sst s2  }
0xb: {  	[smem:$0x3FA7] =	sst s3  }
0xc: {  	[smem:$0x3FA8] =	sst s4  }
0xd: {  	[smem:$0x3FA9] =	sst s5  }
0xe: {  	[smem:$0x3FAA] =	sst s6  }
0xf: {  	[smem:$0x3FAB] =	sst s7  }
0x10: {  	[smem:$0x3FAC] =	sst s8  }
0x11: {  	[smem:$0x3FAD] =	sst s9;
	s0 =	simm.s32 @!p0 $0x0  }
0x12: {  	s1 =	sld [smem:$0x3F93];
	s0 =	simm.s32 @p0 $0x1  }
0x13: {  	[smem:$0x3FAE] =	sst s0;
	s0 =	simm.s32 @!p1 $0x0  }
0x14: {  	s2 =	sld [smem:$0x3F92];
	s0 =	simm.s32 @p1 $0x1  }
0x15: {  	[smem:$0x3FAF] =	sst s0;
	s0 =	simm.s32 @!p2 $0x0  }
0x16: {  	s3 =	sld [smem:$0x3FDB];
	s0 =	simm.s32 @p2 $0x1  }
0x17: {  	s4 =	simm.s32 $0x1BF5;
	[smem:$0x3FB1] =	sst s0  }
0x18: {  	s0 =	sld [smem:$0x3F94];
	_ =	swait.ge [sflag:s4], $0x0  }
0x19: {  	s7 =	sld [smem:$0x3F95]  }
0x1a: {  	s8 =	sadd.s32 $0xFFFFE003, lr  }
0x1b: {  	s9 =	sadd.s32 $0xFFFFFEF7, lr;
	s5 =	simm.s32 $0xFFFFFFFF;
	p2 =	slt.u32 s8, $0xFFFFF086  }
0x1c: {  	p1 =	slt.u32 s9, $0xF7A;
	s5 =	simm.s32 @!p2 $0x0  }
0x1d: {  	s5 =	simm.s32 @p1 $0x1;
	p0 =	seq.s32 s7, s2  }
0x1e: {  	s7 =	smul.u32 @!p0 $0xF7A, s2;
	p2 =	seq.s32 @!p0 s5, $0x0  }
0x1f: {  	s9 =	smul.u32 $0xF7A, s1;
	s8 =	simm.s32 @!p0 $0x1BF5;
	p2 =	por !p2, p0  }
0x20: {  	[sflag:s8] =	ssyncset.s32 @!p0 $0xFFFFF086;
	s6 =	sadd.s32 @!p0 s3, s7;
	s7 =	simm.s32 @!p0 $0x108  }
0x21: {  	s3 =	sadd.s32 s3, s9;
	s6 =	sadd.s32 @!p0 $0x88, s6;
	s7 =	simm.s32 @p2 $0x1082  }
0x22: {  	[simem:s7], [sflag:s8] =	dma.local @!p0 [hbm:s6], $0xF7A  }
0x23: {  	s9 =	sor.u32 $0xD0000000, s2;
	s6 =	simm.s32 $0x108;
	_ =	swait.ge @!p0 [sflag:s8], $0x0  }
0x24: {  	s3 =	sadd.s32 $0x88, s3;
	s6 =	simm.s32 @!p1 $0x1082;
	[sflag:s4] =	ssyncset.s32 $0xFFFFF086  }
0x25: {  	[simem:s6], [sflag:s4] =	dma.local [hbm:s3], $0xF7A  }
0x26: {  	[smem:$0x3F95] =	sst s1;
	(tag) =	ssettag s2;
	_ =	strace s9  }
0x27: {  	s1 =	sld [smem:$0x3FA5]  }
0x28: {  	s2 =	sld [smem:$0x3FA6]  }
0x29: {  	s4 =	sld [smem:$0x3FA8]  }
0x2a: {  	p0 =	seq.s32 s5, $0x0;
	s5 =	sld [smem:$0x3FA9]  }
0x2b: {  	s6 =	sld [smem:$0x3FAA]  }
0x2c: {  	s7 =	sld [smem:$0x3FAB]  }
0x2d: {  	s3 =	simm.s32 $0x108;
	s8 =	sld [smem:$0x3FAC]  }
0x2e: {  	s3 =	simm.s32 @!p0 $0x1082;
	s9 =	sld [smem:$0x3FAD]  }
0x2f: {  	lr =	sadd.s32 s0, s3;
	s0 =	sld [smem:$0x3FA4]  }
0x30: {  	s3 =	sld [smem:$0x3FA7]  }
0x31: {  	[smem:$0x3FB0] =	sst s10  }
0x32: {  	s10 =	sld [smem:$0x3FAE];
	_ =	sdelay $0x3  }
0x33: {  	p0 =	seq.s32 s10, $0x1;
	s10 =	sld [smem:$0x3FB0];
	_ =	sdelay $0x3  }
0x34: {  	[smem:$0x3FB0] =	sst s10  }
0x35: {  	s10 =	sld [smem:$0x3FAF];
	_ =	sdelay $0x3  }
0x36: {  	p1 =	seq.s32 s10, $0x1;
	s10 =	sld [smem:$0x3FB0];
	_ =	sdelay $0x3  }
0x37: {  	[smem:$0x3FB0] =	sst s10  }
0x38: {  	s10 =	sld [smem:$0x3FB1]  }
0x39: {  	_ = 	snop;
	(pc) =	sbr.ind lr, $3  }
0x3a: {  	_ = 	snop  }
0x3b: {  	_ = 	snop  }
0x3c: {  	p2 =	seq.s32 s10, $0x1;
	s10 =	sld [smem:$0x3FB0]  }
0x3d: {  	_ =	shalt  }
0x3e: {  	_ =	shalt  }
0x3f: {  	_ =	shalt  }
0x40: {  	_ =	shalt  }
0x41: {  	_ =	shalt  }
0x42: {  	_ =	shalt  }
0x43: {  	_ =	shalt  }
0x44: {  	_ =	shalt  }
0x45: {  	_ =	shalt  }
0x46: {  	_ =	shalt  }
0x47: {  	_ =	shalt  }
0x48: {  	_ =	shalt  }
0x49: {  	_ =	shalt  }
0x4a: {  	_ =	shalt  }
0x4b: {  	_ =	shalt  }
0x4c: {  	_ =	shalt  }
0x4d: {  	_ =	shalt  }
0x4e: {  	_ =	shalt  }
0x4f: {  	_ =	shalt  }
0x50: {  	_ =	shalt  }
0x51: {  	_ =	shalt  }
0x52: {  	_ =	shalt  }
0x53: {  	_ =	shalt  }
0x54: {  	_ =	shalt  }
0x55: {  	_ =	shalt  }
0x56: {  	_ =	shalt  }
0x57: {  	_ =	shalt  }
0x58: {  	_ =	shalt  }
0x59: {  	_ =	shalt  }
0x5a: {  	_ =	shalt  }
0x5b: {  	_ =	shalt  }
0x5c: {  	_ =	shalt  }
0x5d: {  	_ =	shalt  }
0x5e: {  	_ =	shalt  }
0x5f: {  	_ =	shalt  }
0x60: {  	_ =	shalt  }
0x61: {  	_ =	shalt  }
0x62: {  	_ =	shalt  }
0x63: {  	_ =	shalt  }
0x64: {  	_ =	shalt  }
0x65: {  	_ =	shalt  }
0x66: {  	_ =	shalt  }
0x67: {  	_ =	shalt  }
0x68: {  	_ =	shalt  }
0x69: {  	_ =	shalt  }
0x6a: {  	_ =	shalt  }
0x6b: {  	_ =	shalt  }
0x6c: {  	_ =	shalt  }
0x6d: {  	_ =	shalt  }
0x6e: {  	_ =	shalt  }
0x6f: {  	_ =	shalt  }
0x70: {  	_ =	shalt  }
0x71: {  	_ =	shalt  }
0x72: {  	_ =	shalt  }
0x73: {  	_ =	shalt  }
0x74: {  	_ =	shalt  }
0x75: {  	_ =	shalt  }
0x76: {  	_ =	shalt  }
0x77: {  	_ =	shalt  }
0x78: {  	_ =	shalt  }
0x79: {  	_ =	shalt  }
0x7a: {  	_ =	shalt  }
0x7b: {  	_ =	shalt  }
0x7c: {  	_ =	shalt  }
0x7d: {  	_ =	shalt  }
0x7e: {  	_ =	shalt  }
0x7f: {  	_ =	shalt  }
0x80: {  	_ =	shalt  }
0x81: {  	_ =	shalt  }
0x82: {  	_ =	shalt  }
0x83: {  	_ =	shalt  }
0x84: {  	_ =	shalt  }
0x85: {  	_ =	shalt  }
0x86: {  	_ =	shalt  }
0x87: {  	_ =	shalt  }
.Lfunc_end0:
.L_simem_size_0:
called_computation_lowered:
.L_overlay_start_0:
0x88: {  	s2 =	sld [smem:$0x3FD9]  }
0x89: {  	s3 =	sld [smem:$0x3FFE];
	_ =	sdelay $0x1  }
0x8a: {  	s1 =	srdreg.scid  }
0x8b: {  	s0 =	sand.u32 $0x1, s1  }
0x8c: {  	s17 =	sshll.u32 s0, $0xA;
	s2 =	sadd.s32 s3, s2  }
0x8d: {  	s2 =	sadd.s32 s2, s17  }
0x8e: {  	[smem:$0x3FBC] =	sst s2  }
0x8f: {  	_ = 	snop  }
0x90: {  	s2 =	sld [smem:$0x3FC9];
	(tm) =	ssettm $0x1  }
0x91: {  	s18 =	sld [smem:$0x3FFB];
	_ =	sdelay $0x3  }
0x92: {  	_ =	strace s18  }
0x93: {  	s3 =	sld [smem:$0x3FFC];
	_ =	sdelay $0x3  }
0x94: {  	_ =	strace s3  }
0x95: {  	s3 =	sld [smem:$0x3FFD];
	_ =	sdelay $0x3  }
0x96: {  	_ =	strace s3  }
0x97: {  	_ =	strace $0x8FFFFFFF  }
0x98: {  	s19 =	sld [smem:$0x3FDB];
	_ =	sdelay $0x1  }
0x99: {  	s4 =	simm.s32 $_scs_section_size  }
0x9a: {  	s5 =	simm.s32 $_size__tile_overlayer_lowered;
	s6 =	simm.s32 $_tile_overlayer_lowered  }
0x9b: {  	s22 =	simm.s32 $0x1BFF;
	s21 =	sshll.u32 s6, $0x1;
	s3 =	sadd.s32 s4, s19  }
0x9c: {  	s7 =	simm.s32 $0x0;
	s20 =	sshll.u32 s5, $0x1;
	s5 =	sadd.s32 s21, s3  }
0x9d: {  	[timem:s7], [sflag:s22] =	dma.local [hbm:s5], s20  }
0x9e: {  	_ =	swait.ge [sflag:s22], s20  }
0x9f: {  	s4 =	ssub.s32 $0x0, s20;
	[sflag:s22] =	ssyncset.done $0x0  }
0xa0: {  	[sflag:s22] =	ssyncadd.s32 s4;
	_ =	sdelay $0x1  }
0xa1: {  	s23 =	simm.s32 $0x1B8B  }
0xa2: {  	_ =	swait.ge [sflag:s23], $0x1  }
0xa3: {  	[sflag:s23] =	ssyncset.done $0x0  }
0xa4: {  	s25 =	simm.s32 $0x1B8E;
	s24 =	sld [smem:$0x3FFE];
	[sflag:s23] =	ssyncadd.s32 $0xFFFFFFFF  }
0xa5: {  	s26 =	simm.s32 $execute0_lowered;
	[smem:$0x3FD2] =	sst s25  }
0xa6: {  	s5 =	sshll.u32 s26, $0x1;
	_ =	strace $0x80000046;
	[dreg:$0x1] =	wrdreg $0xFFFFFFFF  }
0xa7: {  	s28 =	simm.s32 $_size_execute0_lowered;
	s3 =	sadd.s32 s3, s5;
	[dreg:$0x0] =	wrdreg $0x0  }
0xa8: {  	s5 =	sshll.u32 s28, $0x1;
	[dreg:$0x2] =	wrdreg s3  }
0xa9: {  	[dreg:$0x3] =	wrdreg s5  }
0xaa: {  	[dreg:$0x4] =	wrdreg $0xC0  }
0xab: {  	_ =	task [dreg:s7], $0x5FFFF  }
0xac: {  	[dreg:$0x1] =	wrdreg $0xFFFFFFFF  }
0xad: {  	[dreg:$0x0] =	wrdreg $0x60  }
0xae: {  	[dreg:$0x2] =	wrdreg s2  }
0xaf: {  	[dreg:$0x3] =	wrdreg s24  }
0xb0: {  	[dreg:$0x4] =	wrdreg $0xA8000  }
0xb1: {  	[dreg:$0x5] =	wrdreg $0x9  }
0xb2: {  	_ =	task.clear_ibuf [dreg:s7], $0x6FFFF;
	_ =	strace $0x90000046  }
0xb3: {  	s29 =	simm.s32 $0x9;
	_ =	strace $0x80000048  }
0xb4: {  	_ =	swait.ge [sflag:s29], $0x1  }
0xb5: {  	[sflag:s29] =	ssyncadd.s32 $0xFFFFFFFF  }
0xb6: {  	_ =	strace $0x90000048  }
0xb7: {  	_ =	sfence  }
0xb8: {  	s30 =	sld [smem:$0x0];
	_ =	sdelay $0x2  }
0xb9: {  	s31 =	sshll.u32 s1, $0xD;
	s1 =	sshrl.u32 s1, $0x2  }
0xba: {  	s3 =	sand.u32 $0x4000, s31;
	s1 =	sadd.s32 s1, s30  }
0xbb: {  	s0 =	sor.u32 s3, s0;
	s1 =	sshll.u32 s1, $0x11  }
0xbc: {  	s0 =	sor.u32 s1, s0  }
0xbd: {  	s0 =	sadd.s32 $0x8F2B, s0  }
0xbe: {  	[sflag:s0] =	ssyncadd.remote.s32 $0x1  }
0xbf: {  	_ =	sfence.sel $0xFFFF  }
0xc0: {  	[dreg:$0x0] =	wrdreg $0xFFFFFFFF;
	(pc) =	sbr.abs _section_cstart, $3  }
0xc1: {  	[dreg:$0x1] =	wrdreg $0xFFFFFFFF  }
0xc2: {  	_ =	task.clear_ibuf [dreg:s7], $0x2FFFF;
	_ =	strace $0x9FFFFFFF  }
0xc3: {  	(tm) =	ssettm $0x7FFFFFFF  }
tec
execute0_lowered:
.L_overlay_start_1:
0x0: {  	(tag) =	ssettag $0x1  }
0x1: {  	s1 =	rddreg [dreg:$0x0]  }
0x2: {  	s5 =	rddreg [dreg:$0x1]  }
0x3: {  	s3 =	rddreg [dreg:$0x2]  }
0x4: {  	s0 =	rddreg [dreg:$0x3];
	s4 =	simm.s32 $0x0;
	s2 =	stileid.u32  }
0x5: {  	s7 =	srdreg.scid;
	s18 =	simm.s32 $0x80;
	s19 =	simm.s32 $0x2800  }
0x6: {  	s20 =	simm.s32 $0x1480;
	s21 =	simm.s32 $0x6800;
	s22 =	simm.s32 $0x1  }
0x7: {  	s23 =	simm.s32 $0x2;
	s28 =	simm.s32 $0x0;
	[smem:$0x7FF] =	sst s4  }
0x8: {  	s11 =	smul.u32 $0x13C00, s2;
	s10 =	sadd.s32 $0x5A00, s5;
	s12 =	sadd.s32 $0xFA00, s5  }
0x9: {  	s8 =	sand.u32 $0x1, s7;
	s9 =	smul.u32 $0x4F000, s2;
	s14 =	sadd.s32 $0x41200, s5  }
0xa: {  	s29 =	sshll.u32 s2, $0x6;
	p0 =	seq.s32 s2, $0xF;
	_ =	strace $0x80000047  }
0xb: {  	s7 =	ssub.s32 $0x2, s8;
	s13 =	sshll.u32 s8, $0x4;
	s16 =	smul.u32 $0x138800, s8  }
0xc: {  	s6 =	sshrl.u32 s11, $0x3;
	s24 =	sshrl.u32 s7, $0x1;
	s13 =	sor.u32 s2, s13  }
0xd: {  	s25 =	sshrl.u32 s9, $0x2;
	s6 =	sadd.s32 s6, s5;
	s15 =	ssub.s32 s7, s24  }
0xe: {  	s26 =	smul.u32 $0x2800, s13;
	s5 =	sadd.s32 s25, s3;
	s7 =	sor.u32 $0x1C03, s29  }
0xf: {  	s17 =	sadd.s32 s11, s16;
	s16 =	sshrl.u32 s16, $0x3;
	s25 =	sadd.s32 $0x128400, s3  }
0x10: {  	s24 =	simm.s32 $0x1300;
	s6 =	sadd.s32 $0x19A00, s6;
	s30 =	sshrl.u32 s17, $0x3  }
0x11: {  	s31 =	sadd.s32 s14, s16;
	s16 =	simm.s32 $0x3;
	s17 =	simm.s32 $0x1400  }
0x12: {  	s25 =	sshrl.u32 @p0 s25, $0x3;
	s13 =	sshrl.u32 s26, $0x3;
	s26 =	simm.s32 $0x1380  }
0x13: {  	s8 =	sadd.s32 s10, s13;
	s9 =	sadd.s32 s12, s13;
	s13 =	sadd.s32 $0x280, s13  }
0x14: {  	s10 =	sadd.s32 s10, s13;
	s11 =	sadd.s32 s12, s13;
	s12 =	sadd.s32 s14, s30  }
0x15: {  	s13 =	sadd.s32 $0x25080, s31;
	s14 =	smax.u32 s15, $0x1;
	s15 =	sshrl.u32 s5, $0x3  }
.LBB2_1:
0x16: {  	[spmem:s15], [sflag:s7] =	dma.local [hbm:s6], $0x2780  }
0x17: {  	_ =	swait.ge [sflag:s16], $0x2780  }
0x18: {  	[sflag:s16] =	ssyncset.done $0x0  }
0x19: {  	[sflag:s16] =	ssyncadd.s32 $0xFFFFD880  }
0x1a: {  	[tilespmem:s4], [sflag:$0x3] =	stream.linear.gather [hbm4b:s8+s4], $0x1400, $0x38;
	[tilespmem:$0x1E400] =	vst v63  }
0x1b: {  	_ =	swait.ge [sflag:s16], $0x1400  }
0x1c: {  	[sflag:s16] =	ssyncset.done $0x0  }
0x1d: {  	[sflag:s16] =	ssyncadd.s32 $0xFFFFEC00  }
0x1e: {  	[tilespmem:s17], [sflag:$0x3] =	stream.linear.gather [hbm4b:s9+s4], $0x1400, $0x38;
	[tilespmem:$0x1E400] =	vst v63  }
0x1f: {  	_ =	swait.ge [sflag:s16], $0x1400  }
0x20: {  	[sflag:s16] =	ssyncset.done $0x0  }
0x21: {  	[sflag:s16] =	ssyncadd.s32 $0xFFFFEC00  }
0x22: {  	[tilespmem:s19], [sflag:$0x1] =	stream.indirect.gather [hbm4b:s1+s18], $0x80, s17, s18, $0xb8;
	[tilespmem:$0x1E400] =	vst v63  }
0x23: {  	_ = 	snop  }
0x24: {  	[tilespmem:s21], [sflag:$0x2] =	stream.indirect.gather [hbm4b:s1+s18], $0x80, s20, s18, $0xb8;
	[tilespmem:$0x1E400] =	vst v63  }
0x25: {  	[bflag:$0x0] =	sbarrier.arrive $0xFFFF  }
0x26: {  	_ =	swait.ge [sflag:s22], $0x4000  }
0x27: {  	[sflag:s22] =	ssyncset.done $0x0  }
0x28: {  	s29 =	simm.s32 $0x0;
	[sflag:s22] =	ssyncadd.s32 $0xFFFFC000  }
0x29: {  	[spmem:s3] =	stream.indirect.scatter.add.f32 [tilespmem:s19], [sflag:$0x3], $0x80, s29, s18, $0xb8;
	[tilespmem:$0x1E400] =	vst v63  }
0x2a: {  	_ =	swait.ge [sflag:s16], $0x4000  }
0x2b: {  	[sflag:s16] =	ssyncset.done $0x0  }
0x2c: {  	s29 =	simm.s32 $0x1500;
	[sflag:s16] =	ssyncadd.s32 $0xFFFFC000  }
0x2d: {  	[tilespmem:s19], [sflag:$0x1] =	stream.indirect.gather [hbm4b:s1+s18], $0x80, s29, s18, $0xb8;
	[tilespmem:$0x1E400] =	vst v63  }
0x2e: {  	_ =	swait.ge [sflag:s23], $0x4000  }
0x2f: {  	[sflag:s23] =	ssyncset.done $0x0  }
0x30: {  	s29 =	simm.s32 $0x80;
	[sflag:s23] =	ssyncadd.s32 $0xFFFFC000  }
0x31: {  	[spmem:s3] =	stream.indirect.scatter.add.f32 [tilespmem:s21], [sflag:$0x3], $0x80, s29, s18, $0xb8;
	[tilespmem:$0x1E400] =	vst v63  }
0x32: {  	_ =	swait.ge [sflag:s16], $0x4000  }
0x33: {  	[sflag:s16] =	ssyncset.done $0x0  }
0x34: {  	s30 =	simm.s32 $0x1580;
	s29 =	simm.s32 $0x400;
	[sflag:s16] =	ssyncadd.s32 $0xFFFFC000  }
.LBB2_2:
0x35: {  	[tilespmem:s21], [sflag:$0x2] =	stream.indirect.gather [hbm4b:s1+s18], $0x80, s30, s18, $0xb8;
	[tilespmem:$0x1E400] =	vst v63  }
0x36: {  	s30 =	smov.u32 s29  }
0x37: {  	p1 =	sne.s32 s29, $0x4800;
	s29 =	sadd.s32 $0x400, s29;
	_ =	swait.ge [sflag:s22], $0x4000  }
0x38: {  	[sflag:s22] =	ssyncset.done $0x0  }
0x39: {  	s30 =	sshra.s32 s30, $0x2;
	[sflag:s22] =	ssyncadd.s32 $0xFFFFC000  }
0x3a: {  	[spmem:s3] =	stream.indirect.scatter.add.f32 [tilespmem:s19], [sflag:$0x3], $0x80, s30, s18, $0xb8;
	[tilespmem:$0x1E400] =	vst v63  }
0x3b: {  	_ =	swait.ge [sflag:s16], $0x4000  }
0x3c: {  	[sflag:s16] =	ssyncset.done $0x0  }
0x3d: {  	s31 =	sadd.s32 $0x1500, s30;
	[sflag:s16] =	ssyncadd.s32 $0xFFFFC000  }
0x3e: {  	[tilespmem:s19], [sflag:$0x1] =	stream.indirect.gather [hbm4b:s1+s18], $0x80, s31, s18, $0xb8;
	[tilespmem:$0x1E400] =	vst v63  }
0x3f: {  	_ =	swait.ge [sflag:s23], $0x4000  }
0x40: {  	[sflag:s23] =	ssyncset.done $0x0  }
.Ltmp0:
0x41: {  	s31 =	sadd.s32 $0x80, s30;
	[sflag:s23] =	ssyncadd.s32 $0xFFFFC000;
	(pc) =	sbr.rel @p1 .LBB2_2-.Ltmp0, $4  }
0x42: {  	[spmem:s3] =	stream.indirect.scatter.add.f32 [tilespmem:s21], [sflag:$0x3], $0x80, s31, s18, $0xb8;
	[tilespmem:$0x1E400] =	vst v63  }
0x43: {  	_ =	swait.ge [sflag:s16], $0x4000  }
0x44: {  	[sflag:s16] =	ssyncset.done $0x0  }
0x45: {  	s30 =	sadd.s32 $0x1580, s30;
	[sflag:s16] =	ssyncadd.s32 $0xFFFFC000  }
0x46: {  	[tilespmem:s21], [sflag:$0x2] =	stream.indirect.gather [hbm4b:s1+s18], $0x80, s30, s18, $0xb8;
	[tilespmem:$0x1E400] =	vst v63  }
0x47: {  	_ =	swait.ge [sflag:s22], $0x4000  }
0x48: {  	[sflag:s22] =	ssyncset.done $0x0  }
0x49: {  	[sflag:s22] =	ssyncadd.s32 $0xFFFFC000  }
0x4a: {  	[spmem:s3] =	stream.indirect.scatter.add.f32 [tilespmem:s19], [sflag:$0x3], $0x80, s24, s18, $0xb8;
	[tilespmem:$0x1E400] =	vst v63  }
0x4b: {  	_ =	swait.ge [sflag:s16], $0x4000  }
0x4c: {  	[sflag:s16] =	ssyncset.done $0x0  }
0x4d: {  	[sflag:s16] =	ssyncadd.s32 $0xFFFFC000  }
0x4e: {  	_ =	swait.ge [sflag:s23], $0x4000  }
0x4f: {  	[sflag:s23] =	ssyncset.done $0x0  }
0x50: {  	[sflag:s23] =	ssyncadd.s32 $0xFFFFC000  }
0x51: {  	[spmem:s3] =	stream.indirect.scatter.add.f32 [tilespmem:s21], [sflag:$0x3], $0x80, s26, s18, $0xb8;
	[tilespmem:$0x1E400] =	vst v63  }
0x52: {  	_ =	swait.ge [sflag:s16], $0x4000  }
0x53: {  	[sflag:s16] =	ssyncset.done $0x0  }
0x54: {  	s29 =	simm.s32 $0x0;
	[sflag:s16] =	ssyncadd.s32 $0xFFFFC000  }
0x55: {  	[tilespmem:s29], [sflag:$0x3] =	stream.linear.gather [hbm4b:s10+s29], $0x1400, $0x38;
	[tilespmem:$0x1E400] =	vst v63  }
0x56: {  	_ =	swait.ge [sflag:s16], $0x1400  }
0x57: {  	[sflag:s16] =	ssyncset.done $0x0  }
0x58: {  	[sflag:s16] =	ssyncadd.s32 $0xFFFFEC00  }
0x59: {  	[tilespmem:s17], [sflag:$0x3] =	stream.linear.gather [hbm4b:s11+s29], $0x1400, $0x38;
	[tilespmem:$0x1E400] =	vst v63  }
0x5a: {  	_ =	swait.ge [sflag:s16], $0x1400  }
0x5b: {  	[sflag:s16] =	ssyncset.done $0x0  }
0x5c: {  	[sflag:s16] =	ssyncadd.s32 $0xFFFFEC00  }
0x5d: {  	[tilespmem:s19], [sflag:$0x1] =	stream.indirect.gather [hbm4b:s1+s18], $0x80, s17, s18, $0xb8;
	[tilespmem:$0x1E400] =	vst v63  }
0x5e: {  	_ = 	snop  }
0x5f: {  	[tilespmem:s21], [sflag:$0x2] =	stream.indirect.gather [hbm4b:s1+s18], $0x80, s20, s18, $0xb8;
	[tilespmem:$0x1E400] =	vst v63  }
0x60: {  	_ =	swait.ge [sflag:s22], $0x4000  }
0x61: {  	[sflag:s22] =	ssyncset.done $0x0  }
0x62: {  	s29 =	simm.s32 $0x0;
	[sflag:s22] =	ssyncadd.s32 $0xFFFFC000  }
0x63: {  	[spmem:s3] =	stream.indirect.scatter.add.f32 [tilespmem:s19], [sflag:$0x3], $0x80, s29, s18, $0xb8;
	[tilespmem:$0x1E400] =	vst v63  }
0x64: {  	_ =	swait.ge [sflag:s16], $0x4000  }
0x65: {  	[sflag:s16] =	ssyncset.done $0x0  }
0x66: {  	s29 =	simm.s32 $0x1500;
	[sflag:s16] =	ssyncadd.s32 $0xFFFFC000  }
0x67: {  	[tilespmem:s19], [sflag:$0x1] =	stream.indirect.gather [hbm4b:s1+s18], $0x80, s29, s18, $0xb8;
	[tilespmem:$0x1E400] =	vst v63  }
0x68: {  	_ =	swait.ge [sflag:s23], $0x4000  }
0x69: {  	[sflag:s23] =	ssyncset.done $0x0  }
0x6a: {  	s29 =	simm.s32 $0x80;
	[sflag:s23] =	ssyncadd.s32 $0xFFFFC000  }
0x6b: {  	[spmem:s3] =	stream.indirect.scatter.add.f32 [tilespmem:s21], [sflag:$0x3], $0x80, s29, s18, $0xb8;
	[tilespmem:$0x1E400] =	vst v63  }
0x6c: {  	_ =	swait.ge [sflag:s16], $0x4000  }
0x6d: {  	[sflag:s16] =	ssyncset.done $0x0  }
0x6e: {  	s30 =	simm.s32 $0x1580;
	s29 =	simm.s32 $0x400;
	[sflag:s16] =	ssyncadd.s32 $0xFFFFC000  }
.LBB2_4:
0x6f: {  	[tilespmem:s21], [sflag:$0x2] =	stream.indirect.gather [hbm4b:s1+s18], $0x80, s30, s18, $0xb8;
	[tilespmem:$0x1E400] =	vst v63  }
0x70: {  	s30 =	smov.u32 s29  }
0x71: {  	p1 =	sne.s32 s29, $0x4800;
	s29 =	sadd.s32 $0x400, s29;
	_ =	swait.ge [sflag:s22], $0x4000  }
0x72: {  	[sflag:s22] =	ssyncset.done $0x0  }
0x73: {  	s30 =	sshra.s32 s30, $0x2;
	[sflag:s22] =	ssyncadd.s32 $0xFFFFC000  }
0x74: {  	[spmem:s3] =	stream.indirect.scatter.add.f32 [tilespmem:s19], [sflag:$0x3], $0x80, s30, s18, $0xb8;
	[tilespmem:$0x1E400] =	vst v63  }
0x75: {  	_ =	swait.ge [sflag:s16], $0x4000  }
0x76: {  	[sflag:s16] =	ssyncset.done $0x0  }
0x77: {  	s31 =	sadd.s32 $0x1500, s30;
	[sflag:s16] =	ssyncadd.s32 $0xFFFFC000  }
0x78: {  	[tilespmem:s19], [sflag:$0x1] =	stream.indirect.gather [hbm4b:s1+s18], $0x80, s31, s18, $0xb8;
	[tilespmem:$0x1E400] =	vst v63  }
0x79: {  	_ =	swait.ge [sflag:s23], $0x4000  }
0x7a: {  	[sflag:s23] =	ssyncset.done $0x0  }
.Ltmp1:
0x7b: {  	s31 =	sadd.s32 $0x80, s30;
	[sflag:s23] =	ssyncadd.s32 $0xFFFFC000;
	(pc) =	sbr.rel @p1 .LBB2_4-.Ltmp1, $4  }
0x7c: {  	[spmem:s3] =	stream.indirect.scatter.add.f32 [tilespmem:s21], [sflag:$0x3], $0x80, s31, s18, $0xb8;
	[tilespmem:$0x1E400] =	vst v63  }
0x7d: {  	_ =	swait.ge [sflag:s16], $0x4000  }
0x7e: {  	[sflag:s16] =	ssyncset.done $0x0  }
0x7f: {  	s30 =	sadd.s32 $0x1580, s30;
	[sflag:s16] =	ssyncadd.s32 $0xFFFFC000  }
0x80: {  	[tilespmem:s21], [sflag:$0x2] =	stream.indirect.gather [hbm4b:s1+s18], $0x80, s30, s18, $0xb8;
	[tilespmem:$0x1E400] =	vst v63  }
0x81: {  	_ =	swait.ge [sflag:s22], $0x4000  }
0x82: {  	[sflag:s22] =	ssyncset.done $0x0  }
0x83: {  	[sflag:s22] =	ssyncadd.s32 $0xFFFFC000  }
0x84: {  	[spmem:s3] =	stream.indirect.scatter.add.f32 [tilespmem:s19], [sflag:$0x3], $0x80, s24, s18, $0xb8;
	[tilespmem:$0x1E400] =	vst v63  }
0x85: {  	_ =	swait.ge [sflag:s16], $0x4000  }
0x86: {  	[sflag:s16] =	ssyncset.done $0x0  }
0x87: {  	[sflag:s16] =	ssyncadd.s32 $0xFFFFC000  }
0x88: {  	_ =	swait.ge [sflag:s23], $0x4000  }
0x89: {  	[sflag:s23] =	ssyncset.done $0x0  }
0x8a: {  	[sflag:s23] =	ssyncadd.s32 $0xFFFFC000  }
0x8b: {  	[spmem:s3] =	stream.indirect.scatter.add.f32 [tilespmem:s21], [sflag:$0x3], $0x80, s26, s18, $0xb8;
	[tilespmem:$0x1E400] =	vst v63  }
0x8c: {  	_ =	swait.ge [sflag:s16], $0x4000  }
0x8d: {  	[sflag:s16] =	ssyncset.done $0x0  }
0x8e: {  	[sflag:s16] =	ssyncadd.s32 $0xFFFFC000  }
0x8f: {  	s29 =	simm.s32 @p0 $0x3;
	[bflag:$0x0] =	sbarrier.arrive $0xFFFF  }
0x90: {  	[hbm:s13], [sflag:s7] =	dma.local @p0 [spmem:s25], $0x2080  }
0x91: {  	_ =	swait.ge @p0 [sflag:s29], $0x2080  }
0x92: {  	s28 =	sadd.s32 $0x1, s28;
	[sflag:s29] =	ssyncset.done @p0 $0x0  }
0x93: {  	p1 =	sne.s32 s28, s14;
	[sflag:s29] =	ssyncadd.s32 @p0 $0xFFFFDF80;
	s29 =	sshrl.u32 @!p0 s5, $0x3  }
0x94: {  	[hbm:s12], [sflag:s7] =	dma.local @!p0 [spmem:s29], $0x2780  }
.Ltmp2:
0x95: {  	_ = 	snop;
	(pc) =	sbr.rel @p1 .LBB2_1-.Ltmp2, $4  }
0x96: {  	s29 =	simm.s32 @!p0 $0x3  }
0x97: {  	_ =	swait.ge @!p0 [sflag:s29], $0x2780  }
0x98: {  	[sflag:s29] =	ssyncset.done @!p0 $0x0  }
0x99: {  	[sflag:s29] =	ssyncadd.s32 @!p0 $0xFFFFD880  }
0x9a: {  	_ =	sfence.sel $0x180000  }
0x9b: {  	[bflag:$0x0] =	sbarrier.arrive $0xFFFF  }
0x9c: {  	p0 =	sne.s32 s2, $0x0;
	_ =	strace $0x90000047  }
0x9d: {  	s0 =	sadd.s32 @!p0 $0x100000, s0;
	[bflag:$0x2] =	sbarrier.arrive $0xFFFF  }
0x9e: {  	[sflag:s0] =	ssyncadd.tile.s32 @!p0 $0x1;
	_ =	shalt  }
.Lfunc_end2:
_tile_overlayer_lowered:
.L_overlay_start_2:
0x9f: {  	(tag) =	ssettag $0x2  }
0xa0: {  	s0 =	rddreg [dreg:$0x0];
	s2 =	stileid.u32  }
0xa1: {  	s1 =	rddreg [dreg:$0x1];
	p0 =	sne.s32 s2, $0x0  }
0xa2: {  	s3 =	rddreg [dreg:$0x2];
	[bflag:$0x3] =	sbarrier.arrive $0xFFFF;
	s2 =	simm.s32 @!p0 $0x1C03  }
0xa3: {  	[timem:s3], [sflag:s2] =	dma.local @!p0 [hbm:s0], s1  }
0xa4: {  	s0 =	simm.s32 @!p0 $0x3  }
0xa5: {  	_ =	swait.ge @!p0 [sflag:s0], s1  }
0xa6: {  	s1 =	ssub.s32 @!p0 $0x0, s1;
	[sflag:s0] =	ssyncset.done @!p0 $0x0  }
0xa7: {  	[sflag:s0] =	ssyncadd.s32 @!p0 s1  }
0xa8: {  	[bflag:$0x3] =	sbarrier.arrive $0xFFFF  }
0xa9: {  	_ =	shalt  }

// kernel: kernel.20.cloned.1.call-start
scs
__scs_entry_jumppad:
0x0: {  	(pc) =	sbr.rel $0x88, $3  }
0x1: {  	(tag) =	ssettag $0x0;
	lr =	simm.s32 $0x1  }
0x2: {  	[smem:$0x3F95] =	sst lr;
	_ =	strace $0xD0000000  }
0x3: {  	_ = 	snop  }
0x4: {  	_ = 	snop  }
0x5: {  	_ = 	snop  }
0x6: {  	_ = 	snop  }
0x7: {  	_ = 	snop  }
__scs_overlays_trampoline_lowered:
0x8: {  	[smem:$0x3FA4] =	sst s0  }
0x9: {  	[smem:$0x3FA5] =	sst s1  }
0xa: {  	[smem:$0x3FA6] =	sst s2  }
0xb: {  	[smem:$0x3FA7] =	sst s3  }
0xc: {  	[smem:$0x3FA8] =	sst s4  }
0xd: {  	[smem:$0x3FA9] =	sst s5  }
0xe: {  	[smem:$0x3FAA] =	sst s6  }
0xf: {  	[smem:$0x3FAB] =	sst s7  }
0x10: {  	[smem:$0x3FAC] =	sst s8  }
0x11: {  	[smem:$0x3FAD] =	sst s9;
	s0 =	simm.s32 @!p0 $0x0  }
0x12: {  	s1 =	sld [smem:$0x3F93];
	s0 =	simm.s32 @p0 $0x1  }
0x13: {  	[smem:$0x3FAE] =	sst s0;
	s0 =	simm.s32 @!p1 $0x0  }
0x14: {  	s2 =	sld [smem:$0x3F92];
	s0 =	simm.s32 @p1 $0x1  }
0x15: {  	[smem:$0x3FAF] =	sst s0;
	s0 =	simm.s32 @!p2 $0x0  }
0x16: {  	s3 =	sld [smem:$0x3FDB];
	s0 =	simm.s32 @p2 $0x1  }
0x17: {  	s4 =	simm.s32 $0x1BF5;
	[smem:$0x3FB1] =	sst s0  }
0x18: {  	s0 =	sld [smem:$0x3F94];
	_ =	swait.ge [sflag:s4], $0x0  }
0x19: {  	s7 =	sld [smem:$0x3F95]  }
0x1a: {  	s8 =	sadd.s32 $0xFFFFE003, lr  }
0x1b: {  	s9 =	sadd.s32 $0xFFFFFEF7, lr;
	s5 =	simm.s32 $0xFFFFFFFF;
	p2 =	slt.u32 s8, $0xFFFFF086  }
0x1c: {  	p1 =	slt.u32 s9, $0xF7A;
	s5 =	simm.s32 @!p2 $0x0  }
0x1d: {  	s5 =	simm.s32 @p1 $0x1;
	p0 =	seq.s32 s7, s2  }
0x1e: {  	s7 =	smul.u32 @!p0 $0xF7A, s2;
	p2 =	seq.s32 @!p0 s5, $0x0  }
0x1f: {  	s9 =	smul.u32 $0xF7A, s1;
	s8 =	simm.s32 @!p0 $0x1BF5;
	p2 =	por !p2, p0  }
0x20: {  	[sflag:s8] =	ssyncset.s32 @!p0 $0xFFFFF086;
	s6 =	sadd.s32 @!p0 s3, s7;
	s7 =	simm.s32 @!p0 $0x108  }
0x21: {  	s3 =	sadd.s32 s3, s9;
	s6 =	sadd.s32 @!p0 $0x88, s6;
	s7 =	simm.s32 @p2 $0x1082  }
0x22: {  	[simem:s7], [sflag:s8] =	dma.local @!p0 [hbm:s6], $0xF7A  }
0x23: {  	s9 =	sor.u32 $0xD0000000, s2;
	s6 =	simm.s32 $0x108;
	_ =	swait.ge @!p0 [sflag:s8], $0x0  }
0x24: {  	s3 =	sadd.s32 $0x88, s3;
	s6 =	simm.s32 @!p1 $0x1082;
	[sflag:s4] =	ssyncset.s32 $0xFFFFF086  }
0x25: {  	[simem:s6], [sflag:s4] =	dma.local [hbm:s3], $0xF7A  }
0x26: {  	[smem:$0x3F95] =	sst s1;
	(tag) =	ssettag s2;
	_ =	strace s9  }
0x27: {  	s1 =	sld [smem:$0x3FA5]  }
0x28: {  	s2 =	sld [smem:$0x3FA6]  }
0x29: {  	s4 =	sld [smem:$0x3FA8]  }
0x2a: {  	p0 =	seq.s32 s5, $0x0;
	s5 =	sld [smem:$0x3FA9]  }
0x2b: {  	s6 =	sld [smem:$0x3FAA]  }
0x2c: {  	s7 =	sld [smem:$0x3FAB]  }
0x2d: {  	s3 =	simm.s32 $0x108;
	s8 =	sld [smem:$0x3FAC]  }
0x2e: {  	s3 =	simm.s32 @!p0 $0x1082;
	s9 =	sld [smem:$0x3FAD]  }
0x2f: {  	lr =	sadd.s32 s0, s3;
	s0 =	sld [smem:$0x3FA4]  }
0x30: {  	s3 =	sld [smem:$0x3FA7]  }
0x31: {  	[smem:$0x3FB0] =	sst s10  }
0x32: {  	s10 =	sld [smem:$0x3FAE];
	_ =	sdelay $0x3  }
0x33: {  	p0 =	seq.s32 s10, $0x1;
	s10 =	sld [smem:$0x3FB0];
	_ =	sdelay $0x3  }
0x34: {  	[smem:$0x3FB0] =	sst s10  }
0x35: {  	s10 =	sld [smem:$0x3FAF];
	_ =	sdelay $0x3  }
0x36: {  	p1 =	seq.s32 s10, $0x1;
	s10 =	sld [smem:$0x3FB0];
	_ =	sdelay $0x3  }
0x37: {  	[smem:$0x3FB0] =	sst s10  }
0x38: {  	s10 =	sld [smem:$0x3FB1]  }
0x39: {  	_ = 	snop;
	(pc) =	sbr.ind lr, $3  }
0x3a: {  	_ = 	snop  }
0x3b: {  	_ = 	snop  }
0x3c: {  	p2 =	seq.s32 s10, $0x1;
	s10 =	sld [smem:$0x3FB0]  }
0x3d: {  	_ =	shalt  }
0x3e: {  	_ =	shalt  }
0x3f: {  	_ =	shalt  }
0x40: {  	_ =	shalt  }
0x41: {  	_ =	shalt  }
0x42: {  	_ =	shalt  }
0x43: {  	_ =	shalt  }
0x44: {  	_ =	shalt  }
0x45: {  	_ =	shalt  }
0x46: {  	_ =	shalt  }
0x47: {  	_ =	shalt  }
0x48: {  	_ =	shalt  }
0x49: {  	_ =	shalt  }
0x4a: {  	_ =	shalt  }
0x4b: {  	_ =	shalt  }
0x4c: {  	_ =	shalt  }
0x4d: {  	_ =	shalt  }
0x4e: {  	_ =	shalt  }
0x4f: {  	_ =	shalt  }
0x50: {  	_ =	shalt  }
0x51: {  	_ =	shalt  }
0x52: {  	_ =	shalt  }
0x53: {  	_ =	shalt  }
0x54: {  	_ =	shalt  }
0x55: {  	_ =	shalt  }
0x56: {  	_ =	shalt  }
0x57: {  	_ =	shalt  }
0x58: {  	_ =	shalt  }
0x59: {  	_ =	shalt  }
0x5a: {  	_ =	shalt  }
0x5b: {  	_ =	shalt  }
0x5c: {  	_ =	shalt  }
0x5d: {  	_ =	shalt  }
0x5e: {  	_ =	shalt  }
0x5f: {  	_ =	shalt  }
0x60: {  	_ =	shalt  }
0x61: {  	_ =	shalt  }
0x62: {  	_ =	shalt  }
0x63: {  	_ =	shalt  }
0x64: {  	_ =	shalt  }
0x65: {  	_ =	shalt  }
0x66: {  	_ =	shalt  }
0x67: {  	_ =	shalt  }
0x68: {  	_ =	shalt  }
0x69: {  	_ =	shalt  }
0x6a: {  	_ =	shalt  }
0x6b: {  	_ =	shalt  }
0x6c: {  	_ =	shalt  }
0x6d: {  	_ =	shalt  }
0x6e: {  	_ =	shalt  }
0x6f: {  	_ =	shalt  }
0x70: {  	_ =	shalt  }
0x71: {  	_ =	shalt  }
0x72: {  	_ =	shalt  }
0x73: {  	_ =	shalt  }
0x74: {  	_ =	shalt  }
0x75: {  	_ =	shalt  }
0x76: {  	_ =	shalt  }
0x77: {  	_ =	shalt  }
0x78: {  	_ =	shalt  }
0x79: {  	_ =	shalt  }
0x7a: {  	_ =	shalt  }
0x7b: {  	_ =	shalt  }
0x7c: {  	_ =	shalt  }
0x7d: {  	_ =	shalt  }
0x7e: {  	_ =	shalt  }
0x7f: {  	_ =	shalt  }
0x80: {  	_ =	shalt  }
0x81: {  	_ =	shalt  }
0x82: {  	_ =	shalt  }
0x83: {  	_ =	shalt  }
0x84: {  	_ =	shalt  }
0x85: {  	_ =	shalt  }
0x86: {  	_ =	shalt  }
0x87: {  	_ =	shalt  }
.Lfunc_end0:
.L_simem_size_0:
called_computation.1_lowered:
.L_overlay_start_0:
0x88: {  	s2 =	sld [smem:$0x3FD9]  }
0x89: {  	s3 =	sld [smem:$0x3FFE];
	_ =	sdelay $0x1  }
0x8a: {  	s1 =	srdreg.scid  }
0x8b: {  	s0 =	sand.u32 $0x1, s1  }
0x8c: {  	s16 =	sshll.u32 s0, $0xA;
	s2 =	sadd.s32 s3, s2  }
0x8d: {  	s2 =	sadd.s32 s2, s16  }
0x8e: {  	[smem:$0x3FBC] =	sst s2  }
0x8f: {  	_ = 	snop  }
0x90: {  	(tm) =	ssettm $0x1  }
0x91: {  	s17 =	sld [smem:$0x3FFB];
	_ =	sdelay $0x3  }
0x92: {  	_ =	strace s17  }
0x93: {  	s2 =	sld [smem:$0x3FFC];
	_ =	sdelay $0x3  }
0x94: {  	_ =	strace s2  }
0x95: {  	s2 =	sld [smem:$0x3FFD];
	_ =	sdelay $0x3  }
0x96: {  	_ =	strace s2  }
0x97: {  	_ =	strace $0x8FFFFFFF  }
0x98: {  	s18 =	sld [smem:$0x3FDB];
	_ =	sdelay $0x1  }
0x99: {  	s19 =	simm.s32 $_scs_section_size  }
0x9a: {  	s4 =	simm.s32 $_size__tile_overlayer_lowered;
	s5 =	simm.s32 $_tile_overlayer_lowered  }
0x9b: {  	s22 =	simm.s32 $0x1BFF;
	s21 =	sshll.u32 s5, $0x1;
	s2 =	sadd.s32 s19, s18  }
0x9c: {  	s6 =	simm.s32 $0x0;
	s20 =	sshll.u32 s4, $0x1;
	s4 =	sadd.s32 s21, s2  }
0x9d: {  	[timem:s6], [sflag:s22] =	dma.local [hbm:s4], s20  }
0x9e: {  	_ =	swait.ge [sflag:s22], s20  }
0x9f: {  	s3 =	ssub.s32 $0x0, s20;
	[sflag:s22] =	ssyncset.done $0x0  }
0xa0: {  	[sflag:s22] =	ssyncadd.s32 s3;
	_ =	sdelay $0x1  }
0xa1: {  	s23 =	simm.s32 $0x1B8B  }
0xa2: {  	_ =	swait.ge [sflag:s23], $0x1  }
0xa3: {  	[sflag:s23] =	ssyncset.done $0x0  }
0xa4: {  	s25 =	simm.s32 $0x1B8E;
	s24 =	sld [smem:$0x3FFE];
	[sflag:s23] =	ssyncadd.s32 $0xFFFFFFFF  }
0xa5: {  	s26 =	simm.s32 $execute0_lowered;
	[smem:$0x3FD2] =	sst s25  }
0xa6: {  	s4 =	sshll.u32 s26, $0x1;
	_ =	strace $0x80000049;
	[dreg:$0x1] =	wrdreg $0xFFFFFFFF  }
0xa7: {  	s28 =	simm.s32 $_size_execute0_lowered;
	s2 =	sadd.s32 s2, s4;
	[dreg:$0x0] =	wrdreg $0x0  }
0xa8: {  	s4 =	sshll.u32 s28, $0x1;
	[dreg:$0x2] =	wrdreg s2  }
0xa9: {  	[dreg:$0x3] =	wrdreg s4  }
0xaa: {  	[dreg:$0x4] =	wrdreg $0xC0  }
0xab: {  	_ =	task [dreg:s6], $0x5FFFF  }
0xac: {  	[dreg:$0x1] =	wrdreg $0xFFFFFFFF  }
0xad: {  	[dreg:$0x0] =	wrdreg $0x60  }
0xae: {  	[dreg:$0x2] =	wrdreg s24  }
0xaf: {  	[dreg:$0x3] =	wrdreg $0xA8000  }
0xb0: {  	[dreg:$0x4] =	wrdreg $0x9  }
0xb1: {  	_ =	task.clear_ibuf [dreg:s6], $0x5FFFF;
	_ =	strace $0x90000049  }
0xb2: {  	s29 =	simm.s32 $0x9;
	_ =	strace $0x8000004B  }
0xb3: {  	_ =	swait.ge [sflag:s29], $0x1  }
0xb4: {  	[sflag:s29] =	ssyncadd.s32 $0xFFFFFFFF  }
0xb5: {  	_ =	strace $0x9000004B  }
0xb6: {  	_ =	sfence  }
0xb7: {  	s30 =	sld [smem:$0x0];
	_ =	sdelay $0x2  }
0xb8: {  	s31 =	sshll.u32 s1, $0xD;
	s1 =	sshrl.u32 s1, $0x2  }
0xb9: {  	s3 =	sand.u32 $0x4000, s31;
	s1 =	sadd.s32 s1, s30  }
0xba: {  	s0 =	sor.u32 s3, s0;
	s1 =	sshll.u32 s1, $0x11  }
0xbb: {  	s0 =	sor.u32 s1, s0  }
0xbc: {  	s0 =	sadd.s32 $0x8F2B, s0  }
0xbd: {  	[sflag:s0] =	ssyncadd.remote.s32 $0x1  }
0xbe: {  	_ =	sfence.sel $0xFFFF  }
0xbf: {  	[dreg:$0x0] =	wrdreg $0xFFFFFFFF;
	(pc) =	sbr.abs _section_cstart, $3  }
0xc0: {  	[dreg:$0x1] =	wrdreg $0xFFFFFFFF  }
0xc1: {  	_ =	task.clear_ibuf [dreg:s6], $0x2FFFF;
	_ =	strace $0x9FFFFFFF  }
0xc2: {  	(tm) =	ssettm $0x7FFFFFFF  }
0xc3: {  	_ =	shalt  }
tec
execute0_lowered:
.L_overlay_start_1:
0x0: {  	(tag) =	ssettag $0x1  }
0x1: {  	s5 =	rddreg [dreg:$0x0]  }
0x2: {  	s2 =	rddreg [dreg:$0x1]  }
0x3: {  	s0 =	rddreg [dreg:$0x2]  }
0x4: {  	s3 =	simm.s32 $0x0;
	s1 =	stileid.u32;
	s7 =	srdreg.scid  }
0x5: {  	s18 =	simm.s32 $0x80;
	s19 =	simm.s32 $0x2800;
	s20 =	simm.s32 $0x1480  }
0x6: {  	s21 =	simm.s32 $0x6800;
	s22 =	simm.s32 $0x1;
	s23 =	simm.s32 $0x2  }
0x7: {  	s28 =	simm.s32 $0x0;
	[smem:$0x7FF] =	sst s3;
	s11 =	smul.u32 $0x13C00, s1  }
0x8: {  	s4 =	sadd.s32 $0x41200, s5;
	s10 =	sadd.s32 $0x5A00, s5;
	s12 =	sadd.s32 $0xFA00, s5  }
0x9: {  	s8 =	sand.u32 $0x1, s7;
	s9 =	smul.u32 $0x4F000, s1;
	s14 =	sadd.s32 $0x8FC00, s5  }
0xa: {  	s29 =	sshll.u32 s1, $0x6;
	p0 =	seq.s32 s1, $0xF;
	_ =	strace $0x8000004A  }
0xb: {  	s7 =	ssub.s32 $0x2, s8;
	s13 =	sshll.u32 s8, $0x4;
	s16 =	smul.u32 $0x138800, s8  }
0xc: {  	s6 =	sshrl.u32 s11, $0x3;
	s24 =	sshrl.u32 s7, $0x1;
	s13 =	sor.u32 s1, s13  }
0xd: {  	s25 =	sshrl.u32 s9, $0x2;
	s6 =	sadd.s32 s6, s5;
	s15 =	ssub.s32 s7, s24  }
0xe: {  	s26 =	smul.u32 $0x2800, s13;
	s5 =	sadd.s32 s25, s2;
	s7 =	sor.u32 $0x1C03, s29  }
0xf: {  	s17 =	sadd.s32 s11, s16;
	s16 =	sshrl.u32 s16, $0x3;
	s25 =	sadd.s32 $0x128400, s2  }
0x10: {  	s24 =	simm.s32 $0x1300;
	s6 =	sadd.s32 $0x19A00, s6;
	s30 =	sshrl.u32 s17, $0x3  }
0x11: {  	s31 =	sadd.s32 s14, s16;
	s16 =	simm.s32 $0x3;
	s17 =	simm.s32 $0x1400  }
0x12: {  	s25 =	sshrl.u32 @p0 s25, $0x3;
	s13 =	sshrl.u32 s26, $0x3;
	s26 =	simm.s32 $0x1380  }
0x13: {  	s8 =	sadd.s32 s10, s13;
	s9 =	sadd.s32 s12, s13;
	s13 =	sadd.s32 $0x280, s13  }
0x14: {  	s10 =	sadd.s32 s10, s13;
	s11 =	sadd.s32 s12, s13;
	s12 =	sadd.s32 s14, s30  }
0x15: {  	s13 =	sadd.s32 $0x25080, s31;
	s14 =	smax.u32 s15, $0x1;
	s15 =	sshrl.u32 s5, $0x3  }
.LBB2_1:
0x16: {  	[spmem:s15], [sflag:s7] =	dma.local [hbm:s6], $0x2780  }
0x17: {  	_ =	swait.ge [sflag:s16], $0x2780  }
0x18: {  	[sflag:s16] =	ssyncset.done $0x0  }
0x19: {  	[sflag:s16] =	ssyncadd.s32 $0xFFFFD880  }
0x1a: {  	[tilespmem:s3], [sflag:$0x3] =	stream.linear.gather [hbm4b:s8+s3], $0x1400, $0x38;
	[tilespmem:$0x1E400] =	vst v63  }
0x1b: {  	_ =	swait.ge [sflag:s16], $0x1400  }
0x1c: {  	[sflag:s16] =	ssyncset.done $0x0  }
0x1d: {  	[sflag:s16] =	ssyncadd.s32 $0xFFFFEC00  }
0x1e: {  	[tilespmem:s17], [sflag:$0x3] =	stream.linear.gather [hbm4b:s9+s3], $0x1400, $0x38;
	[tilespmem:$0x1E400] =	vst v63  }
0x1f: {  	_ =	swait.ge [sflag:s16], $0x1400  }
0x20: {  	[sflag:s16] =	ssyncset.done $0x0  }
0x21: {  	[sflag:s16] =	ssyncadd.s32 $0xFFFFEC00  }
0x22: {  	[tilespmem:s19], [sflag:$0x1] =	stream.indirect.gather [hbm4b:s4+s18], $0x80, s17, s18, $0xb8;
	[tilespmem:$0x1E400] =	vst v63  }
0x23: {  	_ = 	snop  }
0x24: {  	[tilespmem:s21], [sflag:$0x2] =	stream.indirect.gather [hbm4b:s4+s18], $0x80, s20, s18, $0xb8;
	[tilespmem:$0x1E400] =	vst v63  }
0x25: {  	[bflag:$0x0] =	sbarrier.arrive $0xFFFF  }
0x26: {  	_ =	swait.ge [sflag:s22], $0x4000  }
0x27: {  	[sflag:s22] =	ssyncset.done $0x0  }
0x28: {  	s29 =	simm.s32 $0x0;
	[sflag:s22] =	ssyncadd.s32 $0xFFFFC000  }
0x29: {  	[spmem:s2] =	stream.indirect.scatter.add.f32 [tilespmem:s19], [sflag:$0x3], $0x80, s29, s18, $0xb8;
	[tilespmem:$0x1E400] =	vst v63  }
0x2a: {  	_ =	swait.ge [sflag:s16], $0x4000  }
0x2b: {  	[sflag:s16] =	ssyncset.done $0x0  }
0x2c: {  	s29 =	simm.s32 $0x1500;
	[sflag:s16] =	ssyncadd.s32 $0xFFFFC000  }
0x2d: {  	[tilespmem:s19], [sflag:$0x1] =	stream.indirect.gather [hbm4b:s4+s18], $0x80, s29, s18, $0xb8;
	[tilespmem:$0x1E400] =	vst v63  }
0x2e: {  	_ =	swait.ge [sflag:s23], $0x4000  }
0x2f: {  	[sflag:s23] =	ssyncset.done $0x0  }
0x30: {  	s29 =	simm.s32 $0x80;
	[sflag:s23] =	ssyncadd.s32 $0xFFFFC000  }
0x31: {  	[spmem:s2] =	stream.indirect.scatter.add.f32 [tilespmem:s21], [sflag:$0x3], $0x80, s29, s18, $0xb8;
	[tilespmem:$0x1E400] =	vst v63  }
0x32: {  	_ =	swait.ge [sflag:s16], $0x4000  }
0x33: {  	[sflag:s16] =	ssyncset.done $0x0  }
0x34: {  	s30 =	simm.s32 $0x1580;
	s29 =	simm.s32 $0x400;
	[sflag:s16] =	ssyncadd.s32 $0xFFFFC000  }
.LBB2_2:
0x35: {  	[tilespmem:s21], [sflag:$0x2] =	stream.indirect.gather [hbm4b:s4+s18], $0x80, s30, s18, $0xb8;
	[tilespmem:$0x1E400] =	vst v63  }
0x36: {  	s30 =	smov.u32 s29  }
0x37: {  	p1 =	sne.s32 s29, $0x4800;
	s29 =	sadd.s32 $0x400, s29;
	_ =	swait.ge [sflag:s22], $0x4000  }
0x38: {  	[sflag:s22] =	ssyncset.done $0x0  }
0x39: {  	s30 =	sshra.s32 s30, $0x2;
	[sflag:s22] =	ssyncadd.s32 $0xFFFFC000  }
0x3a: {  	[spmem:s2] =	stream.indirect.scatter.add.f32 [tilespmem:s19], [sflag:$0x3], $0x80, s30, s18, $0xb8;
	[tilespmem:$0x1E400] =	vst v63  }
0x3b: {  	_ =	swait.ge [sflag:s16], $0x4000  }
0x3c: {  	[sflag:s16] =	ssyncset.done $0x0  }
0x3d: {  	s31 =	sadd.s32 $0x1500, s30;
	[sflag:s16] =	ssyncadd.s32 $0xFFFFC000  }
0x3e: {  	[tilespmem:s19], [sflag:$0x1] =	stream.indirect.gather [hbm4b:s4+s18], $0x80, s31, s18, $0xb8;
	[tilespmem:$0x1E400] =	vst v63  }
0x3f: {  	_ =	swait.ge [sflag:s23], $0x4000  }
0x40: {  	[sflag:s23] =	ssyncset.done $0x0  }
.Ltmp0:
0x41: {  	s31 =	sadd.s32 $0x80, s30;
	[sflag:s23] =	ssyncadd.s32 $0xFFFFC000;
	(pc) =	sbr.rel @p1 .LBB2_2-.Ltmp0, $4  }
0x42: {  	[spmem:s2] =	stream.indirect.scatter.add.f32 [tilespmem:s21], [sflag:$0x3], $0x80, s31, s18, $0xb8;
	[tilespmem:$0x1E400] =	vst v63  }
0x43: {  	_ =	swait.ge [sflag:s16], $0x4000  }
0x44: {  	[sflag:s16] =	ssyncset.done $0x0  }
0x45: {  	s30 =	sadd.s32 $0x1580, s30;
	[sflag:s16] =	ssyncadd.s32 $0xFFFFC000  }
0x46: {  	[tilespmem:s21], [sflag:$0x2] =	stream.indirect.gather [hbm4b:s4+s18], $0x80, s30, s18, $0xb8;
	[tilespmem:$0x1E400] =	vst v63  }
0x47: {  	_ =	swait.ge [sflag:s22], $0x4000  }
0x48: {  	[sflag:s22] =	ssyncset.done $0x0  }
0x49: {  	[sflag:s22] =	ssyncadd.s32 $0xFFFFC000  }
0x4a: {  	[spmem:s2] =	stream.indirect.scatter.add.f32 [tilespmem:s19], [sflag:$0x3], $0x80, s24, s18, $0xb8;
	[tilespmem:$0x1E400] =	vst v63  }
0x4b: {  	_ =	swait.ge [sflag:s16], $0x4000  }
0x4c: {  	[sflag:s16] =	ssyncset.done $0x0  }
0x4d: {  	[sflag:s16] =	ssyncadd.s32 $0xFFFFC000  }
0x4e: {  	_ =	swait.ge [sflag:s23], $0x4000  }
0x4f: {  	[sflag:s23] =	ssyncset.done $0x0  }
0x50: {  	[sflag:s23] =	ssyncadd.s32 $0xFFFFC000  }
0x51: {  	[spmem:s2] =	stream.indirect.scatter.add.f32 [tilespmem:s21], [sflag:$0x3], $0x80, s26, s18, $0xb8;
	[tilespmem:$0x1E400] =	vst v63  }
0x52: {  	_ =	swait.ge [sflag:s16], $0x4000  }
0x53: {  	[sflag:s16] =	ssyncset.done $0x0  }
0x54: {  	s29 =	simm.s32 $0x0;
	[sflag:s16] =	ssyncadd.s32 $0xFFFFC000  }
0x55: {  	[tilespmem:s29], [sflag:$0x3] =	stream.linear.gather [hbm4b:s10+s29], $0x1400, $0x38;
	[tilespmem:$0x1E400] =	vst v63  }
0x56: {  	_ =	swait.ge [sflag:s16], $0x1400  }
0x57: {  	[sflag:s16] =	ssyncset.done $0x0  }
0x58: {  	[sflag:s16] =	ssyncadd.s32 $0xFFFFEC00  }
0x59: {  	[tilespmem:s17], [sflag:$0x3] =	stream.linear.gather [hbm4b:s11+s29], $0x1400, $0x38;
	[tilespmem:$0x1E400] =	vst v63  }
0x5a: {  	_ =	swait.ge [sflag:s16], $0x1400  }
0x5b: {  	[sflag:s16] =	ssyncset.done $0x0  }
0x5c: {  	[sflag:s16] =	ssyncadd.s32 $0xFFFFEC00  }
0x5d: {  	[tilespmem:s19], [sflag:$0x1] =	stream.indirect.gather [hbm4b:s4+s18], $0x80, s17, s18, $0xb8;
	[tilespmem:$0x1E400] =	vst v63  }
0x5e: {  	_ = 	snop  }
0x5f: {  	[tilespmem:s21], [sflag:$0x2] =	stream.indirect.gather [hbm4b:s4+s18], $0x80, s20, s18, $0xb8;
	[tilespmem:$0x1E400] =	vst v63  }
0x60: {  	_ =	swait.ge [sflag:s22], $0x4000  }
0x61: {  	[sflag:s22] =	ssyncset.done $0x0  }
0x62: {  	s29 =	simm.s32 $0x0;
	[sflag:s22] =	ssyncadd.s32 $0xFFFFC000  }
0x63: {  	[spmem:s2] =	stream.indirect.scatter.add.f32 [tilespmem:s19], [sflag:$0x3], $0x80, s29, s18, $0xb8;
	[tilespmem:$0x1E400] =	vst v63  }
0x64: {  	_ =	swait.ge [sflag:s16], $0x4000  }
0x65: {  	[sflag:s16] =	ssyncset.done $0x0  }
0x66: {  	s29 =	simm.s32 $0x1500;
	[sflag:s16] =	ssyncadd.s32 $0xFFFFC000  }
0x67: {  	[tilespmem:s19], [sflag:$0x1] =	stream.indirect.gather [hbm4b:s4+s18], $0x80, s29, s18, $0xb8;
	[tilespmem:$0x1E400] =	vst v63  }
0x68: {  	_ =	swait.ge [sflag:s23], $0x4000  }
0x69: {  	[sflag:s23] =	ssyncset.done $0x0  }
0x6a: {  	s29 =	simm.s32 $0x80;
	[sflag:s23] =	ssyncadd.s32 $0xFFFFC000  }
0x6b: {  	[spmem:s2] =	stream.indirect.scatter.add.f32 [tilespmem:s21], [sflag:$0x3], $0x80, s29, s18, $0xb8;
	[tilespmem:$0x1E400] =	vst v63  }
0x6c: {  	_ =	swait.ge [sflag:s16], $0x4000  }
0x6d: {  	[sflag:s16] =	ssyncset.done $0x0  }
0x6e: {  	s30 =	simm.s32 $0x1580;
	s29 =	simm.s32 $0x400;
	[sflag:s16] =	ssyncadd.s32 $0xFFFFC000  }
.LBB2_4:
0x6f: {  	[tilespmem:s21], [sflag:$0x2] =	stream.indirect.gather [hbm4b:s4+s18], $0x80, s30, s18, $0xb8;
	[tilespmem:$0x1E400] =	vst v63  }
0x70: {  	s30 =	smov.u32 s29  }
0x71: {  	p1 =	sne.s32 s29, $0x4800;
	s29 =	sadd.s32 $0x400, s29;
	_ =	swait.ge [sflag:s22], $0x4000  }
0x72: {  	[sflag:s22] =	ssyncset.done $0x0  }
0x73: {  	s30 =	sshra.s32 s30, $0x2;
	[sflag:s22] =	ssyncadd.s32 $0xFFFFC000  }
0x74: {  	[spmem:s2] =	stream.indirect.scatter.add.f32 [tilespmem:s19], [sflag:$0x3], $0x80, s30, s18, $0xb8;
	[tilespmem:$0x1E400] =	vst v63  }
0x75: {  	_ =	swait.ge [sflag:s16], $0x4000  }
0x76: {  	[sflag:s16] =	ssyncset.done $0x0  }
0x77: {  	s31 =	sadd.s32 $0x1500, s30;
	[sflag:s16] =	ssyncadd.s32 $0xFFFFC000  }
0x78: {  	[tilespmem:s19], [sflag:$0x1] =	stream.indirect.gather [hbm4b:s4+s18], $0x80, s31, s18, $0xb8;
	[tilespmem:$0x1E400] =	vst v63  }
0x79: {  	_ =	swait.ge [sflag:s23], $0x4000  }
0x7a: {  	[sflag:s23] =	ssyncset.done $0x0  }
.Ltmp1:
0x7b: {  	s31 =	sadd.s32 $0x80, s30;
	[sflag:s23] =	ssyncadd.s32 $0xFFFFC000;
	(pc) =	sbr.rel @p1 .LBB2_4-.Ltmp1, $4  }
0x7c: {  	[spmem:s2] =	stream.indirect.scatter.add.f32 [tilespmem:s21], [sflag:$0x3], $0x80, s31, s18, $0xb8;
	[tilespmem:$0x1E400] =	vst v63  }
0x7d: {  	_ =	swait.ge [sflag:s16], $0x4000  }
0x7e: {  	[sflag:s16] =	ssyncset.done $0x0  }
0x7f: {  	s30 =	sadd.s32 $0x1580, s30;
	[sflag:s16] =	ssyncadd.s32 $0xFFFFC000  }
0x80: {  	[tilespmem:s21], [sflag:$0x2] =	stream.indirect.gather [hbm4b:s4+s18], $0x80, s30, s18, $0xb8;
	[tilespmem:$0x1E400] =	vst v63  }
0x81: {  	_ =	swait.ge [sflag:s22], $0x4000  }
0x82: {  	[sflag:s22] =	ssyncset.done $0x0  }
0x83: {  	[sflag:s22] =	ssyncadd.s32 $0xFFFFC000  }
0x84: {  	[spmem:s2] =	stream.indirect.scatter.add.f32 [tilespmem:s19], [sflag:$0x3], $0x80, s24, s18, $0xb8;
	[tilespmem:$0x1E400] =	vst v63  }
0x85: {  	_ =	swait.ge [sflag:s16], $0x4000  }
0x86: {  	[sflag:s16] =	ssyncset.done $0x0  }
0x87: {  	[sflag:s16] =	ssyncadd.s32 $0xFFFFC000  }
0x88: {  	_ =	swait.ge [sflag:s23], $0x4000  }
0x89: {  	[sflag:s23] =	ssyncset.done $0x0  }
0x8a: {  	[sflag:s23] =	ssyncadd.s32 $0xFFFFC000  }
0x8b: {  	[spmem:s2] =	stream.indirect.scatter.add.f32 [tilespmem:s21], [sflag:$0x3], $0x80, s26, s18, $0xb8;
	[tilespmem:$0x1E400] =	vst v63  }
0x8c: {  	_ =	swait.ge [sflag:s16], $0x4000  }
0x8d: {  	[sflag:s16] =	ssyncset.done $0x0  }
0x8e: {  	[sflag:s16] =	ssyncadd.s32 $0xFFFFC000  }
0x8f: {  	s29 =	simm.s32 @p0 $0x3;
	[bflag:$0x0] =	sbarrier.arrive $0xFFFF  }
0x90: {  	[hbm:s13], [sflag:s7] =	dma.local @p0 [spmem:s25], $0x2080  }
0x91: {  	_ =	swait.ge @p0 [sflag:s29], $0x2080  }
0x92: {  	s28 =	sadd.s32 $0x1, s28;
	[sflag:s29] =	ssyncset.done @p0 $0x0  }
0x93: {  	p1 =	sne.s32 s28, s14;
	[sflag:s29] =	ssyncadd.s32 @p0 $0xFFFFDF80;
	s29 =	sshrl.u32 @!p0 s5, $0x3  }
0x94: {  	[hbm:s12], [sflag:s7] =	dma.local @!p0 [spmem:s29], $0x2780  }
.Ltmp2:
0x95: {  	_ = 	snop;
	(pc) =	sbr.rel @p1 .LBB2_1-.Ltmp2, $4  }
0x96: {  	s29 =	simm.s32 @!p0 $0x3  }
0x97: {  	_ =	swait.ge @!p0 [sflag:s29], $0x2780  }
0x98: {  	[sflag:s29] =	ssyncset.done @!p0 $0x0  }
0x99: {  	[sflag:s29] =	ssyncadd.s32 @!p0 $0xFFFFD880  }
0x9a: {  	_ =	sfence.sel $0x180000  }
0x9b: {  	[bflag:$0x0] =	sbarrier.arrive $0xFFFF  }
0x9c: {  	p0 =	sne.s32 s1, $0x0;
	_ =	strace $0x9000004A  }
0x9d: {  	s0 =	sadd.s32 @!p0 $0x100000, s0;
	[bflag:$0x2] =	sbarrier.arrive $0xFFFF  }
0x9e: {  	[sflag:s0] =	ssyncadd.tile.s32 @!p0 $0x1;
	_ =	shalt  }
.Lfunc_end2:
_tile_overlayer_lowered:
.L_overlay_start_2:
0x9f: {  	(tag) =	ssettag $0x2  }
0xa0: {  	s0 =	rddreg [dreg:$0x0];
	s2 =	stileid.u32  }
0xa1: {  	s1 =	rddreg [dreg:$0x1];
	p0 =	sne.s32 s2, $0x0  }
0xa2: {  	s3 =	rddreg [dreg:$0x2];
	[bflag:$0x3] =	sbarrier.arrive $0xFFFF;
	s2 =	simm.s32 @!p0 $0x1C03  }
0xa3: {  	[timem:s3], [sflag:s2] =	dma.local @!p0 [hbm:s0], s1  }
0xa4: {  	s0 =	simm.s32 @!p0 $0x3  }
0xa5: {  	_ =	swait.ge @!p0 [sflag:s0], s1  }
0xa6: {  	s1 =	ssub.s32 @!p0 $0x0, s1;
	[sflag:s0] =	ssyncset.done @!p0 $0x0  }
0xa7: {  	[sflag:s0] =	ssyncadd.s32 @!p0 s1  }
0xa8: {  	[bflag:$0x3] =	sbarrier.arrive $0xFFFF  }
0xa9: {  	_ =	shalt  }

// kernel: kernel.23.cloned.1.call-start
scs
__scs_entry_jumppad:
0x0: {  	(pc) =	sbr.rel $0x88, $3  }
0x1: {  	(tag) =	ssettag $0x0;
	lr =	simm.s32 $0x1  }
0x2: {  	[smem:$0x3F95] =	sst lr;
	_ =	strace $0xD0000000  }
0x3: {  	_ = 	snop  }
0x4: {  	_ = 	snop  }
0x5: {  	_ = 	snop  }
0x6: {  	_ = 	snop  }
0x7: {  	_ = 	snop  }
__scs_overlays_trampoline_lowered:
0x8: {  	[smem:$0x3FA4] =	sst s0  }
0x9: {  	[smem:$0x3FA5] =	sst s1  }
0xa: {  	[smem:$0x3FA6] =	sst s2  }
0xb: {  	[smem:$0x3FA7] =	sst s3  }
0xc: {  	[smem:$0x3FA8] =	sst s4  }
0xd: {  	[smem:$0x3FA9] =	sst s5  }
0xe: {  	[smem:$0x3FAA] =	sst s6  }
0xf: {  	[smem:$0x3FAB] =	sst s7  }
0x10: {  	[smem:$0x3FAC] =	sst s8  }
0x11: {  	[smem:$0x3FAD] =	sst s9;
	s0 =	simm.s32 @!p0 $0x0  }
0x12: {  	s1 =	sld [smem:$0x3F93];
	s0 =	simm.s32 @p0 $0x1  }
0x13: {  	[smem:$0x3FAE] =	sst s0;
	s0 =	simm.s32 @!p1 $0x0  }
0x14: {  	s2 =	sld [smem:$0x3F92];
	s0 =	simm.s32 @p1 $0x1  }
0x15: {  	[smem:$0x3FAF] =	sst s0;
	s0 =	simm.s32 @!p2 $0x0  }
0x16: {  	s3 =	sld [smem:$0x3FDB];
	s0 =	simm.s32 @p2 $0x1  }
0x17: {  	s4 =	simm.s32 $0x1BF5;
	[smem:$0x3FB1] =	sst s0  }
0x18: {  	s0 =	sld [smem:$0x3F94];
	_ =	swait.ge [sflag:s4], $0x0  }
0x19: {  	s7 =	sld [smem:$0x3F95]  }
0x1a: {  	s8 =	sadd.s32 $0xFFFFE003, lr  }
0x1b: {  	s9 =	sadd.s32 $0xFFFFFEF7, lr;
	s5 =	simm.s32 $0xFFFFFFFF;
	p2 =	slt.u32 s8, $0xFFFFF086  }
0x1c: {  	p1 =	slt.u32 s9, $0xF7A;
	s5 =	simm.s32 @!p2 $0x0  }
0x1d: {  	s5 =	simm.s32 @p1 $0x1;
	p0 =	seq.s32 s7, s2  }
0x1e: {  	s7 =	smul.u32 @!p0 $0xF7A, s2;
	p2 =	seq.s32 @!p0 s5, $0x0  }
0x1f: {  	s9 =	smul.u32 $0xF7A, s1;
	s8 =	simm.s32 @!p0 $0x1BF5;
	p2 =	por !p2, p0  }
0x20: {  	[sflag:s8] =	ssyncset.s32 @!p0 $0xFFFFF086;
	s6 =	sadd.s32 @!p0 s3, s7;
	s7 =	simm.s32 @!p0 $0x108  }
0x21: {  	s3 =	sadd.s32 s3, s9;
	s6 =	sadd.s32 @!p0 $0x88, s6;
	s7 =	simm.s32 @p2 $0x1082  }
0x22: {  	[simem:s7], [sflag:s8] =	dma.local @!p0 [hbm:s6], $0xF7A  }
0x23: {  	s9 =	sor.u32 $0xD0000000, s2;
	s6 =	simm.s32 $0x108;
	_ =	swait.ge @!p0 [sflag:s8], $0x0  }
0x24: {  	s3 =	sadd.s32 $0x88, s3;
	s6 =	simm.s32 @!p1 $0x1082;
	[sflag:s4] =	ssyncset.s32 $0xFFFFF086  }
0x25: {  	[simem:s6], [sflag:s4] =	dma.local [hbm:s3], $0xF7A  }
0x26: {  	[smem:$0x3F95] =	sst s1;
	(tag) =	ssettag s2;
	_ =	strace s9  }
0x27: {  	s1 =	sld [smem:$0x3FA5]  }
0x28: {  	s2 =	sld [smem:$0x3FA6]  }
0x29: {  	s4 =	sld [smem:$0x3FA8]  }
0x2a: {  	p0 =	seq.s32 s5, $0x0;
	s5 =	sld [smem:$0x3FA9]  }
0x2b: {  	s6 =	sld [smem:$0x3FAA]  }
0x2c: {  	s7 =	sld [smem:$0x3FAB]  }
0x2d: {  	s3 =	simm.s32 $0x108;
	s8 =	sld [smem:$0x3FAC]  }
0x2e: {  	s3 =	simm.s32 @!p0 $0x1082;
	s9 =	sld [smem:$0x3FAD]  }
0x2f: {  	lr =	sadd.s32 s0, s3;
	s0 =	sld [smem:$0x3FA4]  }
0x30: {  	s3 =	sld [smem:$0x3FA7]  }
0x31: {  	[smem:$0x3FB0] =	sst s10  }
0x32: {  	s10 =	sld [smem:$0x3FAE];
	_ =	sdelay $0x3  }
0x33: {  	p0 =	seq.s32 s10, $0x1;
	s10 =	sld [smem:$0x3FB0];
	_ =	sdelay $0x3  }
0x34: {  	[smem:$0x3FB0] =	sst s10  }
0x35: {  	s10 =	sld [smem:$0x3FAF];
	_ =	sdelay $0x3  }
0x36: {  	p1 =	seq.s32 s10, $0x1;
	s10 =	sld [smem:$0x3FB0];
	_ =	sdelay $0x3  }
0x37: {  	[smem:$0x3FB0] =	sst s10  }
0x38: {  	s10 =	sld [smem:$0x3FB1]  }
0x39: {  	_ = 	snop;
	(pc) =	sbr.ind lr, $3  }
0x3a: {  	_ = 	snop  }
0x3b: {  	_ = 	snop  }
0x3c: {  	p2 =	seq.s32 s10, $0x1;
	s10 =	sld [smem:$0x3FB0]  }
0x3d: {  	_ =	shalt  }
0x3e: {  	_ =	shalt  }
0x3f: {  	_ =	shalt  }
0x40: {  	_ =	shalt  }
0x41: {  	_ =	shalt  }
0x42: {  	_ =	shalt  }
0x43: {  	_ =	shalt  }
0x44: {  	_ =	shalt  }
0x45: {  	_ =	shalt  }
0x46: {  	_ =	shalt  }
0x47: {  	_ =	shalt  }
0x48: {  	_ =	shalt  }
0x49: {  	_ =	shalt  }
0x4a: {  	_ =	shalt  }
0x4b: {  	_ =	shalt  }
0x4c: {  	_ =	shalt  }
0x4d: {  	_ =	shalt  }
0x4e: {  	_ =	shalt  }
0x4f: {  	_ =	shalt  }
0x50: {  	_ =	shalt  }
0x51: {  	_ =	shalt  }
0x52: {  	_ =	shalt  }
0x53: {  	_ =	shalt  }
0x54: {  	_ =	shalt  }
0x55: {  	_ =	shalt  }
0x56: {  	_ =	shalt  }
0x57: {  	_ =	shalt  }
0x58: {  	_ =	shalt  }
0x59: {  	_ =	shalt  }
0x5a: {  	_ =	shalt  }
0x5b: {  	_ =	shalt  }
0x5c: {  	_ =	shalt  }
0x5d: {  	_ =	shalt  }
0x5e: {  	_ =	shalt  }
0x5f: {  	_ =	shalt  }
0x60: {  	_ =	shalt  }
0x61: {  	_ =	shalt  }
0x62: {  	_ =	shalt  }
0x63: {  	_ =	shalt  }
0x64: {  	_ =	shalt  }
0x65: {  	_ =	shalt  }
0x66: {  	_ =	shalt  }
0x67: {  	_ =	shalt  }
0x68: {  	_ =	shalt  }
0x69: {  	_ =	shalt  }
0x6a: {  	_ =	shalt  }
0x6b: {  	_ =	shalt  }
0x6c: {  	_ =	shalt  }
0x6d: {  	_ =	shalt  }
0x6e: {  	_ =	shalt  }
0x6f: {  	_ =	shalt  }
0x70: {  	_ =	shalt  }
0x71: {  	_ =	shalt  }
0x72: {  	_ =	shalt  }
0x73: {  	_ =	shalt  }
0x74: {  	_ =	shalt  }
0x75: {  	_ =	shalt  }
0x76: {  	_ =	shalt  }
0x77: {  	_ =	shalt  }
0x78: {  	_ =	shalt  }
0x79: {  	_ =	shalt  }
0x7a: {  	_ =	shalt  }
0x7b: {  	_ =	shalt  }
0x7c: {  	_ =	shalt  }
0x7d: {  	_ =	shalt  }
0x7e: {  	_ =	shalt  }
0x7f: {  	_ =	shalt  }
0x80: {  	_ =	shalt  }
0x81: {  	_ =	shalt  }
0x82: {  	_ =	shalt  }
0x83: {  	_ =	shalt  }
0x84: {  	_ =	shalt  }
0x85: {  	_ =	shalt  }
0x86: {  	_ =	shalt  }
0x87: {  	_ =	shalt  }
.Lfunc_end0:
.L_simem_size_0:
called_computation.2_lowered:
.L_overlay_start_0:
0x88: {  	s2 =	sld [smem:$0x3FD9]  }
0x89: {  	s3 =	sld [smem:$0x3FFE];
	_ =	sdelay $0x1  }
0x8a: {  	s1 =	srdreg.scid  }
0x8b: {  	s0 =	sand.u32 $0x1, s1  }
0x8c: {  	s16 =	sshll.u32 s0, $0xA;
	s2 =	sadd.s32 s3, s2  }
0x8d: {  	s2 =	sadd.s32 s2, s16  }
0x8e: {  	[smem:$0x3FBC] =	sst s2  }
0x8f: {  	_ = 	snop  }
0x90: {  	(tm) =	ssettm $0x1  }
0x91: {  	s17 =	sld [smem:$0x3FFB];
	_ =	sdelay $0x3  }
0x92: {  	_ =	strace s17  }
0x93: {  	s2 =	sld [smem:$0x3FFC];
	_ =	sdelay $0x3  }
0x94: {  	_ =	strace s2  }
0x95: {  	s2 =	sld [smem:$0x3FFD];
	_ =	sdelay $0x3  }
0x96: {  	_ =	strace s2  }
0x97: {  	_ =	strace $0x8FFFFFFF  }
0x98: {  	s18 =	sld [smem:$0x3FDB];
	_ =	sdelay $0x1  }
0x99: {  	s19 =	simm.s32 $_scs_section_size  }
0x9a: {  	s4 =	simm.s32 $_size__tile_overlayer_lowered;
	s5 =	simm.s32 $_tile_overlayer_lowered  }
0x9b: {  	s22 =	simm.s32 $0x1BFF;
	s21 =	sshll.u32 s5, $0x1;
	s2 =	sadd.s32 s19, s18  }
0x9c: {  	s6 =	simm.s32 $0x0;
	s20 =	sshll.u32 s4, $0x1;
	s4 =	sadd.s32 s21, s2  }
0x9d: {  	[timem:s6], [sflag:s22] =	dma.local [hbm:s4], s20  }
0x9e: {  	_ =	swait.ge [sflag:s22], s20  }
0x9f: {  	s3 =	ssub.s32 $0x0, s20;
	[sflag:s22] =	ssyncset.done $0x0  }
0xa0: {  	[sflag:s22] =	ssyncadd.s32 s3;
	_ =	sdelay $0x1  }
0xa1: {  	s23 =	simm.s32 $0x1B8B  }
0xa2: {  	_ =	swait.ge [sflag:s23], $0x1  }
0xa3: {  	[sflag:s23] =	ssyncset.done $0x0  }
0xa4: {  	s25 =	simm.s32 $0x1B8E;
	s24 =	sld [smem:$0x3FFE];
	[sflag:s23] =	ssyncadd.s32 $0xFFFFFFFF  }
0xa5: {  	s26 =	simm.s32 $execute0_lowered;
	[smem:$0x3FD2] =	sst s25  }
0xa6: {  	s4 =	sshll.u32 s26, $0x1;
	_ =	strace $0x8000004C;
	[dreg:$0x1] =	wrdreg $0xFFFFFFFF  }
0xa7: {  	s28 =	simm.s32 $_size_execute0_lowered;
	s2 =	sadd.s32 s2, s4;
	[dreg:$0x0] =	wrdreg $0x0  }
0xa8: {  	s4 =	sshll.u32 s28, $0x1;
	[dreg:$0x2] =	wrdreg s2  }
0xa9: {  	[dreg:$0x3] =	wrdreg s4  }
0xaa: {  	[dreg:$0x4] =	wrdreg $0xC0  }
0xab: {  	_ =	task [dreg:s6], $0x5FFFF  }
0xac: {  	[dreg:$0x1] =	wrdreg $0xFFFFFFFF  }
0xad: {  	[dreg:$0x0] =	wrdreg $0x60  }
0xae: {  	[dreg:$0x2] =	wrdreg s24  }
0xaf: {  	[dreg:$0x3] =	wrdreg $0xA8000  }
0xb0: {  	[dreg:$0x4] =	wrdreg $0x9  }
0xb1: {  	_ =	task.clear_ibuf [dreg:s6], $0x5FFFF;
	_ =	strace $0x9000004C  }
0xb2: {  	s29 =	simm.s32 $0x9;
	_ =	strace $0x8000004E  }
0xb3: {  	_ =	swait.ge [sflag:s29], $0x1  }
0xb4: {  	[sflag:s29] =	ssyncadd.s32 $0xFFFFFFFF  }
0xb5: {  	_ =	strace $0x9000004E  }
0xb6: {  	_ =	sfence  }
0xb7: {  	s30 =	sld [smem:$0x0];
	_ =	sdelay $0x2  }
0xb8: {  	s31 =	sshll.u32 s1, $0xD;
	s1 =	sshrl.u32 s1, $0x2  }
0xb9: {  	s3 =	sand.u32 $0x4000, s31;
	s1 =	sadd.s32 s1, s30  }
0xba: {  	s0 =	sor.u32 s3, s0;
	s1 =	sshll.u32 s1, $0x11  }
0xbb: {  	s0 =	sor.u32 s1, s0  }
0xbc: {  	s0 =	sadd.s32 $0x8F2B, s0  }
0xbd: {  	[sflag:s0] =	ssyncadd.remote.s32 $0x1  }
0xbe: {  	_ =	sfence.sel $0xFFFF  }
0xbf: {  	[dreg:$0x0] =	wrdreg $0xFFFFFFFF;
	(pc) =	sbr.abs _section_cstart, $3  }
0xc0: {  	[dreg:$0x1] =	wrdreg $0xFFFFFFFF  }
0xc1: {  	_ =	task.clear_ibuf [dreg:s6], $0x2FFFF;
	_ =	strace $0x9FFFFFFF  }
0xc2: {  	(tm) =	ssettm $0x7FFFFFFF  }
0xc3: {  	_ =	shalt  }
tec
execute0_lowered:
.L_overlay_start_1:
0x0: {  	(tag) =	ssettag $0x1  }
0x1: {  	s5 =	rddreg [dreg:$0x0]  }
0x2: {  	s2 =	rddreg [dreg:$0x1]  }
0x3: {  	s0 =	rddreg [dreg:$0x2]  }
0x4: {  	s3 =	simm.s32 $0x0;
	s1 =	stileid.u32;
	s7 =	srdreg.scid  }
0x5: {  	s18 =	simm.s32 $0x80;
	s19 =	simm.s32 $0x2800;
	s20 =	simm.s32 $0x1480  }
0x6: {  	s21 =	simm.s32 $0x6800;
	s22 =	simm.s32 $0x1;
	s23 =	simm.s32 $0x2  }
0x7: {  	s28 =	simm.s32 $0x0;
	[smem:$0x7FF] =	sst s3;
	s11 =	smul.u32 $0x13C00, s1  }
0x8: {  	s4 =	sadd.s32 $0x41200, s5;
	s10 =	sadd.s32 $0x5A00, s5;
	s12 =	sadd.s32 $0xFA00, s5  }
0x9: {  	s8 =	sand.u32 $0x1, s7;
	s9 =	smul.u32 $0x4F000, s1;
	s14 =	sadd.s32 $0x8FC00, s5  }
0xa: {  	s29 =	sshll.u32 s1, $0x6;
	p0 =	seq.s32 s1, $0xF;
	_ =	strace $0x8000004D  }
0xb: {  	s7 =	ssub.s32 $0x2, s8;
	s13 =	sshll.u32 s8, $0x4;
	s16 =	smul.u32 $0x138800, s8  }
0xc: {  	s6 =	sshrl.u32 s11, $0x3;
	s24 =	sshrl.u32 s7, $0x1;
	s13 =	sor.u32 s1, s13  }
0xd: {  	s25 =	sshrl.u32 s9, $0x2;
	s6 =	sadd.s32 s6, s5;
	s15 =	ssub.s32 s7, s24  }
0xe: {  	s26 =	smul.u32 $0x2800, s13;
	s5 =	sadd.s32 s25, s2;
	s7 =	sor.u32 $0x1C03, s29  }
0xf: {  	s17 =	sadd.s32 s11, s16;
	s16 =	sshrl.u32 s16, $0x3;
	s25 =	sadd.s32 $0x128400, s2  }
0x10: {  	s24 =	simm.s32 $0x1300;
	s6 =	sadd.s32 $0x19A00, s6;
	s30 =	sshrl.u32 s17, $0x3  }
0x11: {  	s31 =	sadd.s32 s14, s16;
	s16 =	simm.s32 $0x3;
	s17 =	simm.s32 $0x1400  }
0x12: {  	s25 =	sshrl.u32 @p0 s25, $0x3;
	s13 =	sshrl.u32 s26, $0x3;
	s26 =	simm.s32 $0x1380  }
0x13: {  	s8 =	sadd.s32 s10, s13;
	s9 =	sadd.s32 s12, s13;
	s13 =	sadd.s32 $0x280, s13  }
0x14: {  	s10 =	sadd.s32 s10, s13;
	s11 =	sadd.s32 s12, s13;
	s12 =	sadd.s32 s14, s30  }
0x15: {  	s13 =	sadd.s32 $0x25080, s31;
	s14 =	smax.u32 s15, $0x1;
	s15 =	sshrl.u32 s5, $0x3  }
.LBB2_1:
0x16: {  	[spmem:s15], [sflag:s7] =	dma.local [hbm:s6], $0x2780  }
0x17: {  	_ =	swait.ge [sflag:s16], $0x2780  }
0x18: {  	[sflag:s16] =	ssyncset.done $0x0  }
0x19: {  	[sflag:s16] =	ssyncadd.s32 $0xFFFFD880  }
0x1a: {  	[tilespmem:s3], [sflag:$0x3] =	stream.linear.gather [hbm4b:s8+s3], $0x1400, $0x38;
	[tilespmem:$0x1E400] =	vst v63  }
0x1b: {  	_ =	swait.ge [sflag:s16], $0x1400  }
0x1c: {  	[sflag:s16] =	ssyncset.done $0x0  }
0x1d: {  	[sflag:s16] =	ssyncadd.s32 $0xFFFFEC00  }
0x1e: {  	[tilespmem:s17], [sflag:$0x3] =	stream.linear.gather [hbm4b:s9+s3], $0x1400, $0x38;
	[tilespmem:$0x1E400] =	vst v63  }
0x1f: {  	_ =	swait.ge [sflag:s16], $0x1400  }
0x20: {  	[sflag:s16] =	ssyncset.done $0x0  }
0x21: {  	[sflag:s16] =	ssyncadd.s32 $0xFFFFEC00  }
0x22: {  	[tilespmem:s19], [sflag:$0x1] =	stream.indirect.gather [hbm4b:s4+s18], $0x80, s17, s18, $0xb8;
	[tilespmem:$0x1E400] =	vst v63  }
0x23: {  	_ = 	snop  }
0x24: {  	[tilespmem:s21], [sflag:$0x2] =	stream.indirect.gather [hbm4b:s4+s18], $0x80, s20, s18, $0xb8;
	[tilespmem:$0x1E400] =	vst v63  }
0x25: {  	[bflag:$0x0] =	sbarrier.arrive $0xFFFF  }
0x26: {  	_ =	swait.ge [sflag:s22], $0x4000  }
0x27: {  	[sflag:s22] =	ssyncset.done $0x0  }
0x28: {  	s29 =	simm.s32 $0x0;
	[sflag:s22] =	ssyncadd.s32 $0xFFFFC000  }
0x29: {  	[spmem:s2] =	stream.indirect.scatter.add.f32 [tilespmem:s19], [sflag:$0x3], $0x80, s29, s18, $0xb8;
	[tilespmem:$0x1E400] =	vst v63  }
0x2a: {  	_ =	swait.ge [sflag:s16], $0x4000  }
0x2b: {  	[sflag:s16] =	ssyncset.done $0x0  }
0x2c: {  	s29 =	simm.s32 $0x1500;
	[sflag:s16] =	ssyncadd.s32 $0xFFFFC000  }
0x2d: {  	[tilespmem:s19], [sflag:$0x1] =	stream.indirect.gather [hbm4b:s4+s18], $0x80, s29, s18, $0xb8;
	[tilespmem:$0x1E400] =	vst v63  }
0x2e: {  	_ =	swait.ge [sflag:s23], $0x4000  }
0x2f: {  	[sflag:s23] =	ssyncset.done $0x0  }
0x30: {  	s29 =	simm.s32 $0x80;
	[sflag:s23] =	ssyncadd.s32 $0xFFFFC000  }
0x31: {  	[spmem:s2] =	stream.indirect.scatter.add.f32 [tilespmem:s21], [sflag:$0x3], $0x80, s29, s18, $0xb8;
	[tilespmem:$0x1E400] =	vst v63  }
0x32: {  	_ =	swait.ge [sflag:s16], $0x4000  }
0x33: {  	[sflag:s16] =	ssyncset.done $0x0  }
0x34: {  	s30 =	simm.s32 $0x1580;
	s29 =	simm.s32 $0x400;
	[sflag:s16] =	ssyncadd.s32 $0xFFFFC000  }
.LBB2_2:
0x35: {  	[tilespmem:s21], [sflag:$0x2] =	stream.indirect.gather [hbm4b:s4+s18], $0x80, s30, s18, $0xb8;
	[tilespmem:$0x1E400] =	vst v63  }
0x36: {  	s30 =	smov.u32 s29  }
0x37: {  	p1 =	sne.s32 s29, $0x4800;
	s29 =	sadd.s32 $0x400, s29;
	_ =	swait.ge [sflag:s22], $0x4000  }
0x38: {  	[sflag:s22] =	ssyncset.done $0x0  }
0x39: {  	s30 =	sshra.s32 s30, $0x2;
	[sflag:s22] =	ssyncadd.s32 $0xFFFFC000  }
0x3a: {  	[spmem:s2] =	stream.indirect.scatter.add.f32 [tilespmem:s19], [sflag:$0x3], $0x80, s30, s18, $0xb8;
	[tilespmem:$0x1E400] =	vst v63  }
0x3b: {  	_ =	swait.ge [sflag:s16], $0x4000  }
0x3c: {  	[sflag:s16] =	ssyncset.done $0x0  }
0x3d: {  	s31 =	sadd.s32 $0x1500, s30;
	[sflag:s16] =	ssyncadd.s32 $0xFFFFC000  }
0x3e: {  	[tilespmem:s19], [sflag:$0x1] =	stream.indirect.gather [hbm4b:s4+s18], $0x80, s31, s18, $0xb8;
	[tilespmem:$0x1E400] =	vst v63  }
0x3f: {  	_ =	swait.ge [sflag:s23], $0x4000  }
0x40: {  	[sflag:s23] =	ssyncset.done $0x0  }
.Ltmp0:
0x41: {  	s31 =	sadd.s32 $0x80, s30;
	[sflag:s23] =	ssyncadd.s32 $0xFFFFC000;
	(pc) =	sbr.rel @p1 .LBB2_2-.Ltmp0, $4  }
0x42: {  	[spmem:s2] =	stream.indirect.scatter.add.f32 [tilespmem:s21], [sflag:$0x3], $0x80, s31, s18, $0xb8;
	[tilespmem:$0x1E400] =	vst v63  }
0x43: {  	_ =	swait.ge [sflag:s16], $0x4000  }
0x44: {  	[sflag:s16] =	ssyncset.done $0x0  }
0x45: {  	s30 =	sadd.s32 $0x1580, s30;
	[sflag:s16] =	ssyncadd.s32 $0xFFFFC000  }
0x46: {  	[tilespmem:s21], [sflag:$0x2] =	stream.indirect.gather [hbm4b:s4+s18], $0x80, s30, s18, $0xb8;
	[tilespmem:$0x1E400] =	vst v63  }
0x47: {  	_ =	swait.ge [sflag:s22], $0x4000  }
0x48: {  	[sflag:s22] =	ssyncset.done $0x0  }
0x49: {  	[sflag:s22] =	ssyncadd.s32 $0xFFFFC000  }
0x4a: {  	[spmem:s2] =	stream.indirect.scatter.add.f32 [tilespmem:s19], [sflag:$0x3], $0x80, s24, s18, $0xb8;
	[tilespmem:$0x1E400] =	vst v63  }
0x4b: {  	_ =	swait.ge [sflag:s16], $0x4000  }
0x4c: {  	[sflag:s16] =	ssyncset.done $0x0  }
0x4d: {  	[sflag:s16] =	ssyncadd.s32 $0xFFFFC000  }
0x4e: {  	_ =	swait.ge [sflag:s23], $0x4000  }
0x4f: {  	[sflag:s23] =	ssyncset.done $0x0  }
0x50: {  	[sflag:s23] =	ssyncadd.s32 $0xFFFFC000  }
0x51: {  	[spmem:s2] =	stream.indirect.scatter.add.f32 [tilespmem:s21], [sflag:$0x3], $0x80, s26, s18, $0xb8;
	[tilespmem:$0x1E400] =	vst v63  }
0x52: {  	_ =	swait.ge [sflag:s16], $0x4000  }
0x53: {  	[sflag:s16] =	ssyncset.done $0x0  }
0x54: {  	s29 =	simm.s32 $0x0;
	[sflag:s16] =	ssyncadd.s32 $0xFFFFC000  }
0x55: {  	[tilespmem:s29], [sflag:$0x3] =	stream.linear.gather [hbm4b:s10+s29], $0x1400, $0x38;
	[tilespmem:$0x1E400] =	vst v63  }
0x56: {  	_ =	swait.ge [sflag:s16], $0x1400  }
0x57: {  	[sflag:s16] =	ssyncset.done $0x0  }
0x58: {  	[sflag:s16] =	ssyncadd.s32 $0xFFFFEC00  }
0x59: {  	[tilespmem:s17], [sflag:$0x3] =	stream.linear.gather [hbm4b:s11+s29], $0x1400, $0x38;
	[tilespmem:$0x1E400] =	vst v63  }
0x5a: {  	_ =	swait.ge [sflag:s16], $0x1400  }
0x5b: {  	[sflag:s16] =	ssyncset.done $0x0  }
0x5c: {  	[sflag:s16] =	ssyncadd.s32 $0xFFFFEC00  }
0x5d: {  	[tilespmem:s19], [sflag:$0x1] =	stream.indirect.gather [hbm4b:s4+s18], $0x80, s17, s18, $0xb8;
	[tilespmem:$0x1E400] =	vst v63  }
0x5e: {  	_ = 	snop  }
0x5f: {  	[tilespmem:s21], [sflag:$0x2] =	stream.indirect.gather [hbm4b:s4+s18], $0x80, s20, s18, $0xb8;
	[tilespmem:$0x1E400] =	vst v63  }
0x60: {  	_ =	swait.ge [sflag:s22], $0x4000  }
0x61: {  	[sflag:s22] =	ssyncset.done $0x0  }
0x62: {  	s29 =	simm.s32 $0x0;
	[sflag:s22] =	ssyncadd.s32 $0xFFFFC000  }
0x63: {  	[spmem:s2] =	stream.indirect.scatter.add.f32 [tilespmem:s19], [sflag:$0x3], $0x80, s29, s18, $0xb8;
	[tilespmem:$0x1E400] =	vst v63  }
0x64: {  	_ =	swait.ge [sflag:s16], $0x4000  }
0x65: {  	[sflag:s16] =	ssyncset.done $0x0  }
0x66: {  	s29 =	simm.s32 $0x1500;
	[sflag:s16] =	ssyncadd.s32 $0xFFFFC000  }
0x67: {  	[tilespmem:s19], [sflag:$0x1] =	stream.indirect.gather [hbm4b:s4+s18], $0x80, s29, s18, $0xb8;
	[tilespmem:$0x1E400] =	vst v63  }
0x68: {  	_ =	swait.ge [sflag:s23], $0x4000  }
0x69: {  	[sflag:s23] =	ssyncset.done $0x0  }
0x6a: {  	s29 =	simm.s32 $0x80;
	[sflag:s23] =	ssyncadd.s32 $0xFFFFC000  }
0x6b: {  	[spmem:s2] =	stream.indirect.scatter.add.f32 [tilespmem:s21], [sflag:$0x3], $0x80, s29, s18, $0xb8;
	[tilespmem:$0x1E400] =	vst v63  }
0x6c: {  	_ =	swait.ge [sflag:s16], $0x4000  }
0x6d: {  	[sflag:s16] =	ssyncset.done $0x0  }
0x6e: {  	s30 =	simm.s32 $0x1580;
	s29 =	simm.s32 $0x400;
	[sflag:s16] =	ssyncadd.s32 $0xFFFFC000  }
.LBB2_4:
0x6f: {  	[tilespmem:s21], [sflag:$0x2] =	stream.indirect.gather [hbm4b:s4+s18], $0x80, s30, s18, $0xb8;
	[tilespmem:$0x1E400] =	vst v63  }
0x70: {  	s30 =	smov.u32 s29  }
0x71: {  	p1 =	sne.s32 s29, $0x4800;
	s29 =	sadd.s32 $0x400, s29;
	_ =	swait.ge [sflag:s22], $0x4000  }
0x72: {  	[sflag:s22] =	ssyncset.done $0x0  }
0x73: {  	s30 =	sshra.s32 s30, $0x2;
	[sflag:s22] =	ssyncadd.s32 $0xFFFFC000  }
0x74: {  	[spmem:s2] =	stream.indirect.scatter.add.f32 [tilespmem:s19], [sflag:$0x3], $0x80, s30, s18, $0xb8;
	[tilespmem:$0x1E400] =	vst v63  }
0x75: {  	_ =	swait.ge [sflag:s16], $0x4000  }
0x76: {  	[sflag:s16] =	ssyncset.done $0x0  }
0x77: {  	s31 =	sadd.s32 $0x1500, s30;
	[sflag:s16] =	ssyncadd.s32 $0xFFFFC000  }
0x78: {  	[tilespmem:s19], [sflag:$0x1] =	stream.indirect.gather [hbm4b:s4+s18], $0x80, s31, s18, $0xb8;
	[tilespmem:$0x1E400] =	vst v63  }
0x79: {  	_ =	swait.ge [sflag:s23], $0x4000  }
0x7a: {  	[sflag:s23] =	ssyncset.done $0x0  }
.Ltmp1:
0x7b: {  	s31 =	sadd.s32 $0x80, s30;
	[sflag:s23] =	ssyncadd.s32 $0xFFFFC000;
	(pc) =	sbr.rel @p1 .LBB2_4-.Ltmp1, $4  }
0x7c: {  	[spmem:s2] =	stream.indirect.scatter.add.f32 [tilespmem:s21], [sflag:$0x3], $0x80, s31, s18, $0xb8;
	[tilespmem:$0x1E400] =	vst v63  }
0x7d: {  	_ =	swait.ge [sflag:s16], $0x4000  }
0x7e: {  	[sflag:s16] =	ssyncset.done $0x0  }
0x7f: {  	s30 =	sadd.s32 $0x1580, s30;
	[sflag:s16] =	ssyncadd.s32 $0xFFFFC000  }
0x80: {  	[tilespmem:s21], [sflag:$0x2] =	stream.indirect.gather [hbm4b:s4+s18], $0x80, s30, s18, $0xb8;
	[tilespmem:$0x1E400] =	vst v63  }
0x81: {  	_ =	swait.ge [sflag:s22], $0x4000  }
0x82: {  	[sflag:s22] =	ssyncset.done $0x0  }
0x83: {  	[sflag:s22] =	ssyncadd.s32 $0xFFFFC000  }
0x84: {  	[spmem:s2] =	stream.indirect.scatter.add.f32 [tilespmem:s19], [sflag:$0x3], $0x80, s24, s18, $0xb8;
	[tilespmem:$0x1E400] =	vst v63  }
0x85: {  	_ =	swait.ge [sflag:s16], $0x4000  }
0x86: {  	[sflag:s16] =	ssyncset.done $0x0  }
0x87: {  	[sflag:s16] =	ssyncadd.s32 $0xFFFFC000  }
0x88: {  	_ =	swait.ge [sflag:s23], $0x4000  }
0x89: {  	[sflag:s23] =	ssyncset.done $0x0  }
0x8a: {  	[sflag:s23] =	ssyncadd.s32 $0xFFFFC000  }
0x8b: {  	[spmem:s2] =	stream.indirect.scatter.add.f32 [tilespmem:s21], [sflag:$0x3], $0x80, s26, s18, $0xb8;
	[tilespmem:$0x1E400] =	vst v63  }
0x8c: {  	_ =	swait.ge [sflag:s16], $0x4000  }
0x8d: {  	[sflag:s16] =	ssyncset.done $0x0  }
0x8e: {  	[sflag:s16] =	ssyncadd.s32 $0xFFFFC000  }
0x8f: {  	s29 =	simm.s32 @p0 $0x3;
	[bflag:$0x0] =	sbarrier.arrive $0xFFFF  }
0x90: {  	[hbm:s13], [sflag:s7] =	dma.local @p0 [spmem:s25], $0x2080  }
0x91: {  	_ =	swait.ge @p0 [sflag:s29], $0x2080  }
0x92: {  	s28 =	sadd.s32 $0x1, s28;
	[sflag:s29] =	ssyncset.done @p0 $0x0  }
0x93: {  	p1 =	sne.s32 s28, s14;
	[sflag:s29] =	ssyncadd.s32 @p0 $0xFFFFDF80;
	s29 =	sshrl.u32 @!p0 s5, $0x3  }
0x94: {  	[hbm:s12], [sflag:s7] =	dma.local @!p0 [spmem:s29], $0x2780  }
.Ltmp2:
0x95: {  	_ = 	snop;
	(pc) =	sbr.rel @p1 .LBB2_1-.Ltmp2, $4  }
0x96: {  	s29 =	simm.s32 @!p0 $0x3  }
0x97: {  	_ =	swait.ge @!p0 [sflag:s29], $0x2780  }
0x98: {  	[sflag:s29] =	ssyncset.done @!p0 $0x0  }
0x99: {  	[sflag:s29] =	ssyncadd.s32 @!p0 $0xFFFFD880  }
0x9a: {  	_ =	sfence.sel $0x180000  }
0x9b: {  	[bflag:$0x0] =	sbarrier.arrive $0xFFFF  }
0x9c: {  	p0 =	sne.s32 s1, $0x0;
	_ =	strace $0x9000004D  }
0x9d: {  	s0 =	sadd.s32 @!p0 $0x100000, s0;
	[bflag:$0x2] =	sbarrier.arrive $0xFFFF  }
0x9e: {  	[sflag:s0] =	ssyncadd.tile.s32 @!p0 $0x1;
	_ =	shalt  }
.Lfunc_end2:
_tile_overlayer_lowered:
.L_overlay_start_2:
0x9f: {  	(tag) =	ssettag $0x2  }
0xa0: {  	s0 =	rddreg [dreg:$0x0];
	s2 =	stileid.u32  }
0xa1: {  	s1 =	rddreg [dreg:$0x1];
	p0 =	sne.s32 s2, $0x0  }
0xa2: {  	s3 =	rddreg [dreg:$0x2];
	[bflag:$0x3] =	sbarrier.arrive $0xFFFF;
	s2 =	simm.s32 @!p0 $0x1C03  }
0xa3: {  	[timem:s3], [sflag:s2] =	dma.local @!p0 [hbm:s0], s1  }
0xa4: {  	s0 =	simm.s32 @!p0 $0x3  }
0xa5: {  	_ =	swait.ge @!p0 [sflag:s0], s1  }
0xa6: {  	s1 =	ssub.s32 @!p0 $0x0, s1;
	[sflag:s0] =	ssyncset.done @!p0 $0x0  }
0xa7: {  	[sflag:s0] =	ssyncadd.s32 @!p0 s1  }
0xa8: {  	[bflag:$0x3] =	sbarrier.arrive $0xFFFF  }
0xa9: {  	_ =	shalt  }

// kernel: kernel.26.cloned.1.call-start
scs
__scs_entry_jumppad:
0x0: {  	(pc) =	sbr.rel $0x88, $3  }
0x1: {  	(tag) =	ssettag $0x0;
	lr =	simm.s32 $0x1  }
0x2: {  	[smem:$0x3F95] =	sst lr;
	_ =	strace $0xD0000000  }
0x3: {  	_ = 	snop  }
0x4: {  	_ = 	snop  }
0x5: {  	_ = 	snop  }
0x6: {  	_ = 	snop  }
0x7: {  	_ = 	snop  }
__scs_overlays_trampoline_lowered:
0x8: {  	[smem:$0x3FA4] =	sst s0  }
0x9: {  	[smem:$0x3FA5] =	sst s1  }
0xa: {  	[smem:$0x3FA6] =	sst s2  }
0xb: {  	[smem:$0x3FA7] =	sst s3  }
0xc: {  	[smem:$0x3FA8] =	sst s4  }
0xd: {  	[smem:$0x3FA9] =	sst s5  }
0xe: {  	[smem:$0x3FAA] =	sst s6  }
0xf: {  	[smem:$0x3FAB] =	sst s7  }
0x10: {  	[smem:$0x3FAC] =	sst s8  }
0x11: {  	[smem:$0x3FAD] =	sst s9;
	s0 =	simm.s32 @!p0 $0x0  }
0x12: {  	s1 =	sld [smem:$0x3F93];
	s0 =	simm.s32 @p0 $0x1  }
0x13: {  	[smem:$0x3FAE] =	sst s0;
	s0 =	simm.s32 @!p1 $0x0  }
0x14: {  	s2 =	sld [smem:$0x3F92];
	s0 =	simm.s32 @p1 $0x1  }
0x15: {  	[smem:$0x3FAF] =	sst s0;
	s0 =	simm.s32 @!p2 $0x0  }
0x16: {  	s3 =	sld [smem:$0x3FDB];
	s0 =	simm.s32 @p2 $0x1  }
0x17: {  	s4 =	simm.s32 $0x1BF5;
	[smem:$0x3FB1] =	sst s0  }
0x18: {  	s0 =	sld [smem:$0x3F94];
	_ =	swait.ge [sflag:s4], $0x0  }
0x19: {  	s7 =	sld [smem:$0x3F95]  }
0x1a: {  	s8 =	sadd.s32 $0xFFFFE003, lr  }
0x1b: {  	s9 =	sadd.s32 $0xFFFFFEF7, lr;
	s5 =	simm.s32 $0xFFFFFFFF;
	p2 =	slt.u32 s8, $0xFFFFF086  }
0x1c: {  	p1 =	slt.u32 s9, $0xF7A;
	s5 =	simm.s32 @!p2 $0x0  }
0x1d: {  	s5 =	simm.s32 @p1 $0x1;
	p0 =	seq.s32 s7, s2  }
0x1e: {  	s7 =	smul.u32 @!p0 $0xF7A, s2;
	p2 =	seq.s32 @!p0 s5, $0x0  }
0x1f: {  	s9 =	smul.u32 $0xF7A, s1;
	s8 =	simm.s32 @!p0 $0x1BF5;
	p2 =	por !p2, p0  }
0x20: {  	[sflag:s8] =	ssyncset.s32 @!p0 $0xFFFFF086;
	s6 =	sadd.s32 @!p0 s3, s7;
	s7 =	simm.s32 @!p0 $0x108  }
0x21: {  	s3 =	sadd.s32 s3, s9;
	s6 =	sadd.s32 @!p0 $0x88, s6;
	s7 =	simm.s32 @p2 $0x1082  }
0x22: {  	[simem:s7], [sflag:s8] =	dma.local @!p0 [hbm:s6], $0xF7A  }
0x23: {  	s9 =	sor.u32 $0xD0000000, s2;
	s6 =	simm.s32 $0x108;
	_ =	swait.ge @!p0 [sflag:s8], $0x0  }
0x24: {  	s3 =	sadd.s32 $0x88, s3;
	s6 =	simm.s32 @!p1 $0x1082;
	[sflag:s4] =	ssyncset.s32 $0xFFFFF086  }
0x25: {  	[simem:s6], [sflag:s4] =	dma.local [hbm:s3], $0xF7A  }
0x26: {  	[smem:$0x3F95] =	sst s1;
	(tag) =	ssettag s2;
	_ =	strace s9  }
0x27: {  	s1 =	sld [smem:$0x3FA5]  }
0x28: {  	s2 =	sld [smem:$0x3FA6]  }
0x29: {  	s4 =	sld [smem:$0x3FA8]  }
0x2a: {  	p0 =	seq.s32 s5, $0x0;
	s5 =	sld [smem:$0x3FA9]  }
0x2b: {  	s6 =	sld [smem:$0x3FAA]  }
0x2c: {  	s7 =	sld [smem:$0x3FAB]  }
0x2d: {  	s3 =	simm.s32 $0x108;
	s8 =	sld [smem:$0x3FAC]  }
0x2e: {  	s3 =	simm.s32 @!p0 $0x1082;
	s9 =	sld [smem:$0x3FAD]  }
0x2f: {  	lr =	sadd.s32 s0, s3;
	s0 =	sld [smem:$0x3FA4]  }
0x30: {  	s3 =	sld [smem:$0x3FA7]  }
0x31: {  	[smem:$0x3FB0] =	sst s10  }
0x32: {  	s10 =	sld [smem:$0x3FAE];
	_ =	sdelay $0x3  }
0x33: {  	p0 =	seq.s32 s10, $0x1;
	s10 =	sld [smem:$0x3FB0];
	_ =	sdelay $0x3  }
0x34: {  	[smem:$0x3FB0] =	sst s10  }
0x35: {  	s10 =	sld [smem:$0x3FAF];
	_ =	sdelay $0x3  }
0x36: {  	p1 =	seq.s32 s10, $0x1;
	s10 =	sld [smem:$0x3FB0];
	_ =	sdelay $0x3  }
0x37: {  	[smem:$0x3FB0] =	sst s10  }
0x38: {  	s10 =	sld [smem:$0x3FB1]  }
0x39: {  	_ = 	snop;
	(pc) =	sbr.ind lr, $3  }
0x3a: {  	_ = 	snop  }
0x3b: {  	_ = 	snop  }
0x3c: {  	p2 =	seq.s32 s10, $0x1;
	s10 =	sld [smem:$0x3FB0]  }
0x3d: {  	_ =	shalt  }
0x3e: {  	_ =	shalt  }
0x3f: {  	_ =	shalt  }
0x40: {  	_ =	shalt  }
0x41: {  	_ =	shalt  }
0x42: {  	_ =	shalt  }
0x43: {  	_ =	shalt  }
0x44: {  	_ =	shalt  }
0x45: {  	_ =	shalt  }
0x46: {  	_ =	shalt  }
0x47: {  	_ =	shalt  }
0x48: {  	_ =	shalt  }
0x49: {  	_ =	shalt  }
0x4a: {  	_ =	shalt  }
0x4b: {  	_ =	shalt  }
0x4c: {  	_ =	shalt  }
0x4d: {  	_ =	shalt  }
0x4e: {  	_ =	shalt  }
0x4f: {  	_ =	shalt  }
0x50: {  	_ =	shalt  }
0x51: {  	_ =	shalt  }
0x52: {  	_ =	shalt  }
0x53: {  	_ =	shalt  }
0x54: {  	_ =	shalt  }
0x55: {  	_ =	shalt  }
0x56: {  	_ =	shalt  }
0x57: {  	_ =	shalt  }
0x58: {  	_ =	shalt  }
0x59: {  	_ =	shalt  }
0x5a: {  	_ =	shalt  }
0x5b: {  	_ =	shalt  }
0x5c: {  	_ =	shalt  }
0x5d: {  	_ =	shalt  }
0x5e: {  	_ =	shalt  }
0x5f: {  	_ =	shalt  }
0x60: {  	_ =	shalt  }
0x61: {  	_ =	shalt  }
0x62: {  	_ =	shalt  }
0x63: {  	_ =	shalt  }
0x64: {  	_ =	shalt  }
0x65: {  	_ =	shalt  }
0x66: {  	_ =	shalt  }
0x67: {  	_ =	shalt  }
0x68: {  	_ =	shalt  }
0x69: {  	_ =	shalt  }
0x6a: {  	_ =	shalt  }
0x6b: {  	_ =	shalt  }
0x6c: {  	_ =	shalt  }
0x6d: {  	_ =	shalt  }
0x6e: {  	_ =	shalt  }
0x6f: {  	_ =	shalt  }
0x70: {  	_ =	shalt  }
0x71: {  	_ =	shalt  }
0x72: {  	_ =	shalt  }
0x73: {  	_ =	shalt  }
0x74: {  	_ =	shalt  }
0x75: {  	_ =	shalt  }
0x76: {  	_ =	shalt  }
0x77: {  	_ =	shalt  }
0x78: {  	_ =	shalt  }
0x79: {  	_ =	shalt  }
0x7a: {  	_ =	shalt  }
0x7b: {  	_ =	shalt  }
0x7c: {  	_ =	shalt  }
0x7d: {  	_ =	shalt  }
0x7e: {  	_ =	shalt  }
0x7f: {  	_ =	shalt  }
0x80: {  	_ =	shalt  }
0x81: {  	_ =	shalt  }
0x82: {  	_ =	shalt  }
0x83: {  	_ =	shalt  }
0x84: {  	_ =	shalt  }
0x85: {  	_ =	shalt  }
0x86: {  	_ =	shalt  }
0x87: {  	_ =	shalt  }
.Lfunc_end0:
.L_simem_size_0:
called_computation.3_lowered:
.L_overlay_start_0:
0x88: {  	s2 =	sld [smem:$0x3FD9]  }
0x89: {  	s3 =	sld [smem:$0x3FFE];
	_ =	sdelay $0x1  }
0x8a: {  	s1 =	srdreg.scid  }
0x8b: {  	s0 =	sand.u32 $0x1, s1  }
0x8c: {  	s16 =	sshll.u32 s0, $0xA;
	s2 =	sadd.s32 s3, s2  }
0x8d: {  	s2 =	sadd.s32 s2, s16  }
0x8e: {  	[smem:$0x3FBC] =	sst s2  }
0x8f: {  	_ = 	snop  }
0x90: {  	(tm) =	ssettm $0x1  }
0x91: {  	s17 =	sld [smem:$0x3FFB];
	_ =	sdelay $0x3  }
0x92: {  	_ =	strace s17  }
0x93: {  	s2 =	sld [smem:$0x3FFC];
	_ =	sdelay $0x3  }
0x94: {  	_ =	strace s2  }
0x95: {  	s2 =	sld [smem:$0x3FFD];
	_ =	sdelay $0x3  }
0x96: {  	_ =	strace s2  }
0x97: {  	_ =	strace $0x8FFFFFFF  }
0x98: {  	s18 =	sld [smem:$0x3FDB];
	_ =	sdelay $0x1  }
0x99: {  	s19 =	simm.s32 $_scs_section_size  }
0x9a: {  	s4 =	simm.s32 $_size__tile_overlayer_lowered;
	s5 =	simm.s32 $_tile_overlayer_lowered  }
0x9b: {  	s22 =	simm.s32 $0x1BFF;
	s21 =	sshll.u32 s5, $0x1;
	s2 =	sadd.s32 s19, s18  }
0x9c: {  	s6 =	simm.s32 $0x0;
	s20 =	sshll.u32 s4, $0x1;
	s4 =	sadd.s32 s21, s2  }
0x9d: {  	[timem:s6], [sflag:s22] =	dma.local [hbm:s4], s20  }
0x9e: {  	_ =	swait.ge [sflag:s22], s20  }
0x9f: {  	s3 =	ssub.s32 $0x0, s20;
	[sflag:s22] =	ssyncset.done $0x0  }
0xa0: {  	[sflag:s22] =	ssyncadd.s32 s3;
	_ =	sdelay $0x1  }
0xa1: {  	s23 =	simm.s32 $0x1B8B  }
0xa2: {  	_ =	swait.ge [sflag:s23], $0x1  }
0xa3: {  	[sflag:s23] =	ssyncset.done $0x0  }
0xa4: {  	s25 =	simm.s32 $0x1B8E;
	s24 =	sld [smem:$0x3FFE];
	[sflag:s23] =	ssyncadd.s32 $0xFFFFFFFF  }
0xa5: {  	s26 =	simm.s32 $execute0_lowered;
	[smem:$0x3FD2] =	sst s25  }
0xa6: {  	s4 =	sshll.u32 s26, $0x1;
	_ =	strace $0x8000004F;
	[dreg:$0x1] =	wrdreg $0xFFFFFFFF  }
0xa7: {  	s28 =	simm.s32 $_size_execute0_lowered;
	s2 =	sadd.s32 s2, s4;
	[dreg:$0x0] =	wrdreg $0x0  }
0xa8: {  	s4 =	sshll.u32 s28, $0x1;
	[dreg:$0x2] =	wrdreg s2  }
0xa9: {  	[dreg:$0x3] =	wrdreg s4  }
0xaa: {  	[dreg:$0x4] =	wrdreg $0xC0  }
0xab: {  	_ =	task [dreg:s6], $0x5FFFF  }
0xac: {  	[dreg:$0x1] =	wrdreg $0xFFFFFFFF  }
0xad: {  	[dreg:$0x0] =	wrdreg $0x60  }
0xae: {  	[dreg:$0x2] =	wrdreg s24  }
0xaf: {  	[dreg:$0x3] =	wrdreg $0xA8000  }
0xb0: {  	[dreg:$0x4] =	wrdreg $0x9  }
0xb1: {  	_ =	task.clear_ibuf [dreg:s6], $0x5FFFF;
	_ =	strace $0x9000004F  }
0xb2: {  	s29 =	simm.s32 $0x9;
	_ =	strace $0x80000051  }
0xb3: {  	_ =	swait.ge [sflag:s29], $0x1  }
0xb4: {  	[sflag:s29] =	ssyncadd.s32 $0xFFFFFFFF  }
0xb5: {  	_ =	strace $0x90000051  }
0xb6: {  	_ =	sfence  }
0xb7: {  	s30 =	sld [smem:$0x0];
	_ =	sdelay $0x2  }
0xb8: {  	s31 =	sshll.u32 s1, $0xD;
	s1 =	sshrl.u32 s1, $0x2  }
0xb9: {  	s3 =	sand.u32 $0x4000, s31;
	s1 =	sadd.s32 s1, s30  }
0xba: {  	s0 =	sor.u32 s3, s0;
	s1 =	sshll.u32 s1, $0x11  }
0xbb: {  	s0 =	sor.u32 s1, s0  }
0xbc: {  	s0 =	sadd.s32 $0x8F2B, s0  }
0xbd: {  	[sflag:s0] =	ssyncadd.remote.s32 $0x1  }
0xbe: {  	_ =	sfence.sel $0xFFFF  }
0xbf: {  	[dreg:$0x0] =	wrdreg $0xFFFFFFFF;
	(pc) =	sbr.abs _section_cstart, $3  }
0xc0: {  	[dreg:$0x1] =	wrdreg $0xFFFFFFFF  }
0xc1: {  	_ =	task.clear_ibuf [dreg:s6], $0x2FFFF;
	_ =	strace $0x9FFFFFFF  }
0xc2: {  	(tm) =	ssettm $0x7FFFFFFF  }
0xc3: {  	_ =	shalt  }
tec
execute0_lowered:
.L_overlay_start_1:
0x0: {  	(tag) =	ssettag $0x1  }
0x1: {  	s5 =	rddreg [dreg:$0x0]  }
0x2: {  	s2 =	rddreg [dreg:$0x1]  }
0x3: {  	s0 =	rddreg [dreg:$0x2]  }
0x4: {  	s3 =	simm.s32 $0x0;
	s1 =	stileid.u32;
	s7 =	srdreg.scid  }
0x5: {  	s18 =	simm.s32 $0x80;
	s19 =	simm.s32 $0x2800;
	s20 =	simm.s32 $0x1480  }
0x6: {  	s21 =	simm.s32 $0x6800;
	s22 =	simm.s32 $0x1;
	s23 =	simm.s32 $0x2  }
0x7: {  	s28 =	simm.s32 $0x0;
	[smem:$0x7FF] =	sst s3;
	s11 =	smul.u32 $0x13C00, s1  }
0x8: {  	s4 =	sadd.s32 $0x41200, s5;
	s10 =	sadd.s32 $0x5A00, s5;
	s12 =	sadd.s32 $0xFA00, s5  }
0x9: {  	s8 =	sand.u32 $0x1, s7;
	s9 =	smul.u32 $0x4F000, s1;
	s14 =	sadd.s32 $0x8FC00, s5  }
0xa: {  	s29 =	sshll.u32 s1, $0x6;
	p0 =	seq.s32 s1, $0xF;
	_ =	strace $0x80000050  }
0xb: {  	s7 =	ssub.s32 $0x2, s8;
	s13 =	sshll.u32 s8, $0x4;
	s16 =	smul.u32 $0x138800, s8  }
0xc: {  	s6 =	sshrl.u32 s11, $0x3;
	s24 =	sshrl.u32 s7, $0x1;
	s13 =	sor.u32 s1, s13  }
0xd: {  	s25 =	sshrl.u32 s9, $0x2;
	s6 =	sadd.s32 s6, s5;
	s15 =	ssub.s32 s7, s24  }
0xe: {  	s26 =	smul.u32 $0x2800, s13;
	s5 =	sadd.s32 s25, s2;
	s7 =	sor.u32 $0x1C03, s29  }
0xf: {  	s17 =	sadd.s32 s11, s16;
	s16 =	sshrl.u32 s16, $0x3;
	s25 =	sadd.s32 $0x128400, s2  }
0x10: {  	s24 =	simm.s32 $0x1300;
	s6 =	sadd.s32 $0x19A00, s6;
	s30 =	sshrl.u32 s17, $0x3  }
0x11: {  	s31 =	sadd.s32 s14, s16;
	s16 =	simm.s32 $0x3;
	s17 =	simm.s32 $0x1400  }
0x12: {  	s25 =	sshrl.u32 @p0 s25, $0x3;
	s13 =	sshrl.u32 s26, $0x3;
	s26 =	simm.s32 $0x1380  }
0x13: {  	s8 =	sadd.s32 s10, s13;
	s9 =	sadd.s32 s12, s13;
	s13 =	sadd.s32 $0x280, s13  }
0x14: {  	s10 =	sadd.s32 s10, s13;
	s11 =	sadd.s32 s12, s13;
	s12 =	sadd.s32 s14, s30  }
0x15: {  	s13 =	sadd.s32 $0x25080, s31;
	s14 =	smax.u32 s15, $0x1;
	s15 =	sshrl.u32 s5, $0x3  }
.LBB2_1:
0x16: {  	[spmem:s15], [sflag:s7] =	dma.local [hbm:s6], $0x2780  }
0x17: {  	_ =	swait.ge [sflag:s16], $0x2780  }
0x18: {  	[sflag:s16] =	ssyncset.done $0x0  }
0x19: {  	[sflag:s16] =	ssyncadd.s32 $0xFFFFD880  }
0x1a: {  	[tilespmem:s3], [sflag:$0x3] =	stream.linear.gather [hbm4b:s8+s3], $0x1400, $0x38;
	[tilespmem:$0x1E400] =	vst v63  }
0x1b: {  	_ =	swait.ge [sflag:s16], $0x1400  }
0x1c: {  	[sflag:s16] =	ssyncset.done $0x0  }
0x1d: {  	[sflag:s16] =	ssyncadd.s32 $0xFFFFEC00  }
0x1e: {  	[tilespmem:s17], [sflag:$0x3] =	stream.linear.gather [hbm4b:s9+s3], $0x1400, $0x38;
	[tilespmem:$0x1E400] =	vst v63  }
0x1f: {  	_ =	swait.ge [sflag:s16], $0x1400  }
0x20: {  	[sflag:s16] =	ssyncset.done $0x0  }
0x21: {  	[sflag:s16] =	ssyncadd.s32 $0xFFFFEC00  }
0x22: {  	[tilespmem:s19], [sflag:$0x1] =	stream.indirect.gather [hbm4b:s4+s18], $0x80, s17, s18, $0xb8;
	[tilespmem:$0x1E400] =	vst v63  }
0x23: {  	_ = 	snop  }
0x24: {  	[tilespmem:s21], [sflag:$0x2] =	stream.indirect.gather [hbm4b:s4+s18], $0x80, s20, s18, $0xb8;
	[tilespmem:$0x1E400] =	vst v63  }
0x25: {  	[bflag:$0x0] =	sbarrier.arrive $0xFFFF  }
0x26: {  	_ =	swait.ge [sflag:s22], $0x4000  }
0x27: {  	[sflag:s22] =	ssyncset.done $0x0  }
0x28: {  	s29 =	simm.s32 $0x0;
	[sflag:s22] =	ssyncadd.s32 $0xFFFFC000  }
0x29: {  	[spmem:s2] =	stream.indirect.scatter.add.f32 [tilespmem:s19], [sflag:$0x3], $0x80, s29, s18, $0xb8;
	[tilespmem:$0x1E400] =	vst v63  }
0x2a: {  	_ =	swait.ge [sflag:s16], $0x4000  }
0x2b: {  	[sflag:s16] =	ssyncset.done $0x0  }
0x2c: {  	s29 =	simm.s32 $0x1500;
	[sflag:s16] =	ssyncadd.s32 $0xFFFFC000  }
0x2d: {  	[tilespmem:s19], [sflag:$0x1] =	stream.indirect.gather [hbm4b:s4+s18], $0x80, s29, s18, $0xb8;
	[tilespmem:$0x1E400] =	vst v63  }
0x2e: {  	_ =	swait.ge [sflag:s23], $0x4000  }
0x2f: {  	[sflag:s23] =	ssyncset.done $0x0  }
0x30: {  	s29 =	simm.s32 $0x80;
	[sflag:s23] =	ssyncadd.s32 $0xFFFFC000  }
0x31: {  	[spmem:s2] =	stream.indirect.scatter.add.f32 [tilespmem:s21], [sflag:$0x3], $0x80, s29, s18, $0xb8;
	[tilespmem:$0x1E400] =	vst v63  }
0x32: {  	_ =	swait.ge [sflag:s16], $0x4000  }
0x33: {  	[sflag:s16] =	ssyncset.done $0x0  }
0x34: {  	s30 =	simm.s32 $0x1580;
	s29 =	simm.s32 $0x400;
	[sflag:s16] =	ssyncadd.s32 $0xFFFFC000  }
.LBB2_2:
0x35: {  	[tilespmem:s21], [sflag:$0x2] =	stream.indirect.gather [hbm4b:s4+s18], $0x80, s30, s18, $0xb8;
	[tilespmem:$0x1E400] =	vst v63  }
0x36: {  	s30 =	smov.u32 s29  }
0x37: {  	p1 =	sne.s32 s29, $0x4800;
	s29 =	sadd.s32 $0x400, s29;
	_ =	swait.ge [sflag:s22], $0x4000  }
0x38: {  	[sflag:s22] =	ssyncset.done $0x0  }
0x39: {  	s30 =	sshra.s32 s30, $0x2;
	[sflag:s22] =	ssyncadd.s32 $0xFFFFC000  }
0x3a: {  	[spmem:s2] =	stream.indirect.scatter.add.f32 [tilespmem:s19], [sflag:$0x3], $0x80, s30, s18, $0xb8;
	[tilespmem:$0x1E400] =	vst v63  }
0x3b: {  	_ =	swait.ge [sflag:s16], $0x4000  }
0x3c: {  	[sflag:s16] =	ssyncset.done $0x0  }
0x3d: {  	s31 =	sadd.s32 $0x1500, s30;
	[sflag:s16] =	ssyncadd.s32 $0xFFFFC000  }
0x3e: {  	[tilespmem:s19], [sflag:$0x1] =	stream.indirect.gather [hbm4b:s4+s18], $0x80, s31, s18, $0xb8;
	[tilespmem:$0x1E400] =	vst v63  }
0x3f: {  	_ =	swait.ge [sflag:s23], $0x4000  }
0x40: {  	[sflag:s23] =	ssyncset.done $0x0  }
.Ltmp0:
0x41: {  	s31 =	sadd.s32 $0x80, s30;
	[sflag:s23] =	ssyncadd.s32 $0xFFFFC000;
	(pc) =	sbr.rel @p1 .LBB2_2-.Ltmp0, $4  }
0x42: {  	[spmem:s2] =	stream.indirect.scatter.add.f32 [tilespmem:s21], [sflag:$0x3], $0x80, s31, s18, $0xb8;
	[tilespmem:$0x1E400] =	vst v63  }
0x43: {  	_ =	swait.ge [sflag:s16], $0x4000  }
0x44: {  	[sflag:s16] =	ssyncset.done $0x0  }
0x45: {  	s30 =	sadd.s32 $0x1580, s30;
	[sflag:s16] =	ssyncadd.s32 $0xFFFFC000  }
0x46: {  	[tilespmem:s21], [sflag:$0x2] =	stream.indirect.gather [hbm4b:s4+s18], $0x80, s30, s18, $0xb8;
	[tilespmem:$0x1E400] =	vst v63  }
0x47: {  	_ =	swait.ge [sflag:s22], $0x4000  }
0x48: {  	[sflag:s22] =	ssyncset.done $0x0  }
0x49: {  	[sflag:s22] =	ssyncadd.s32 $0xFFFFC000  }
0x4a: {  	[spmem:s2] =	stream.indirect.scatter.add.f32 [tilespmem:s19], [sflag:$0x3], $0x80, s24, s18, $0xb8;
	[tilespmem:$0x1E400] =	vst v63  }
0x4b: {  	_ =	swait.ge [sflag:s16], $0x4000  }
0x4c: {  	[sflag:s16] =	ssyncset.done $0x0  }
0x4d: {  	[sflag:s16] =	ssyncadd.s32 $0xFFFFC000  }
0x4e: {  	_ =	swait.ge [sflag:s23], $0x4000  }
0x4f: {  	[sflag:s23] =	ssyncset.done $0x0  }
0x50: {  	[sflag:s23] =	ssyncadd.s32 $0xFFFFC000  }
0x51: {  	[spmem:s2] =	stream.indirect.scatter.add.f32 [tilespmem:s21], [sflag:$0x3], $0x80, s26, s18, $0xb8;
	[tilespmem:$0x1E400] =	vst v63  }
0x52: {  	_ =	swait.ge [sflag:s16], $0x4000  }
0x53: {  	[sflag:s16] =	ssyncset.done $0x0  }
0x54: {  	s29 =	simm.s32 $0x0;
	[sflag:s16] =	ssyncadd.s32 $0xFFFFC000  }
0x55: {  	[tilespmem:s29], [sflag:$0x3] =	stream.linear.gather [hbm4b:s10+s29], $0x1400, $0x38;
	[tilespmem:$0x1E400] =	vst v63  }
0x56: {  	_ =	swait.ge [sflag:s16], $0x1400  }
0x57: {  	[sflag:s16] =	ssyncset.done $0x0  }
0x58: {  	[sflag:s16] =	ssyncadd.s32 $0xFFFFEC00  }
0x59: {  	[tilespmem:s17], [sflag:$0x3] =	stream.linear.gather [hbm4b:s11+s29], $0x1400, $0x38;
	[tilespmem:$0x1E400] =	vst v63  }
0x5a: {  	_ =	swait.ge [sflag:s16], $0x1400  }
0x5b: {  	[sflag:s16] =	ssyncset.done $0x0  }
0x5c: {  	[sflag:s16] =	ssyncadd.s32 $0xFFFFEC00  }
0x5d: {  	[tilespmem:s19], [sflag:$0x1] =	stream.indirect.gather [hbm4b:s4+s18], $0x80, s17, s18, $0xb8;
	[tilespmem:$0x1E400] =	vst v63  }
0x5e: {  	_ = 	snop  }
0x5f: {  	[tilespmem:s21], [sflag:$0x2] =	stream.indirect.gather [hbm4b:s4+s18], $0x80, s20, s18, $0xb8;
	[tilespmem:$0x1E400] =	vst v63  }
0x60: {  	_ =	swait.ge [sflag:s22], $0x4000  }
0x61: {  	[sflag:s22] =	ssyncset.done $0x0  }
0x62: {  	s29 =	simm.s32 $0x0;
	[sflag:s22] =	ssyncadd.s32 $0xFFFFC000  }
0x63: {  	[spmem:s2] =	stream.indirect.scatter.add.f32 [tilespmem:s19], [sflag:$0x3], $0x80, s29, s18, $0xb8;
	[tilespmem:$0x1E400] =	vst v63  }
0x64: {  	_ =	swait.ge [sflag:s16], $0x4000  }
0x65: {  	[sflag:s16] =	ssyncset.done $0x0  }
0x66: {  	s29 =	simm.s32 $0x1500;
	[sflag:s16] =	ssyncadd.s32 $0xFFFFC000  }
0x67: {  	[tilespmem:s19], [sflag:$0x1] =	stream.indirect.gather [hbm4b:s4+s18], $0x80, s29, s18, $0xb8;
	[tilespmem:$0x1E400] =	vst v63  }
0x68: {  	_ =	swait.ge [sflag:s23], $0x4000  }
0x69: {  	[sflag:s23] =	ssyncset.done $0x0  }
0x6a: {  	s29 =	simm.s32 $0x80;
	[sflag:s23] =	ssyncadd.s32 $0xFFFFC000  }
0x6b: {  	[spmem:s2] =	stream.indirect.scatter.add.f32 [tilespmem:s21], [sflag:$0x3], $0x80, s29, s18, $0xb8;
	[tilespmem:$0x1E400] =	vst v63  }
0x6c: {  	_ =	swait.ge [sflag:s16], $0x4000  }
0x6d: {  	[sflag:s16] =	ssyncset.done $0x0  }
0x6e: {  	s30 =	simm.s32 $0x1580;
	s29 =	simm.s32 $0x400;
	[sflag:s16] =	ssyncadd.s32 $0xFFFFC000  }
.LBB2_4:
0x6f: {  	[tilespmem:s21], [sflag:$0x2] =	stream.indirect.gather [hbm4b:s4+s18], $0x80, s30, s18, $0xb8;
	[tilespmem:$0x1E400] =	vst v63  }
0x70: {  	s30 =	smov.u32 s29  }
0x71: {  	p1 =	sne.s32 s29, $0x4800;
	s29 =	sadd.s32 $0x400, s29;
	_ =	swait.ge [sflag:s22], $0x4000  }
0x72: {  	[sflag:s22] =	ssyncset.done $0x0  }
0x73: {  	s30 =	sshra.s32 s30, $0x2;
	[sflag:s22] =	ssyncadd.s32 $0xFFFFC000  }
0x74: {  	[spmem:s2] =	stream.indirect.scatter.add.f32 [tilespmem:s19], [sflag:$0x3], $0x80, s30, s18, $0xb8;
	[tilespmem:$0x1E400] =	vst v63  }
0x75: {  	_ =	swait.ge [sflag:s16], $0x4000  }
0x76: {  	[sflag:s16] =	ssyncset.done $0x0  }
0x77: {  	s31 =	sadd.s32 $0x1500, s30;
	[sflag:s16] =	ssyncadd.s32 $0xFFFFC000  }
0x78: {  	[tilespmem:s19], [sflag:$0x1] =	stream.indirect.gather [hbm4b:s4+s18], $0x80, s31, s18, $0xb8;
	[tilespmem:$0x1E400] =	vst v63  }
0x79: {  	_ =	swait.ge [sflag:s23], $0x4000  }
0x7a: {  	[sflag:s23] =	ssyncset.done $0x0  }
.Ltmp1:
0x7b: {  	s31 =	sadd.s32 $0x80, s30;
	[sflag:s23] =	ssyncadd.s32 $0xFFFFC000;
	(pc) =	sbr.rel @p1 .LBB2_4-.Ltmp1, $4  }
0x7c: {  	[spmem:s2] =	stream.indirect.scatter.add.f32 [tilespmem:s21], [sflag:$0x3], $0x80, s31, s18, $0xb8;
	[tilespmem:$0x1E400] =	vst v63  }
0x7d: {  	_ =	swait.ge [sflag:s16], $0x4000  }
0x7e: {  	[sflag:s16] =	ssyncset.done $0x0  }
0x7f: {  	s30 =	sadd.s32 $0x1580, s30;
	[sflag:s16] =	ssyncadd.s32 $0xFFFFC000  }
0x80: {  	[tilespmem:s21], [sflag:$0x2] =	stream.indirect.gather [hbm4b:s4+s18], $0x80, s30, s18, $0xb8;
	[tilespmem:$0x1E400] =	vst v63  }
0x81: {  	_ =	swait.ge [sflag:s22], $0x4000  }
0x82: {  	[sflag:s22] =	ssyncset.done $0x0  }
0x83: {  	[sflag:s22] =	ssyncadd.s32 $0xFFFFC000  }
0x84: {  	[spmem:s2] =	stream.indirect.scatter.add.f32 [tilespmem:s19], [sflag:$0x3], $0x80, s24, s18, $0xb8;
	[tilespmem:$0x1E400] =	vst v63  }
0x85: {  	_ =	swait.ge [sflag:s16], $0x4000  }
0x86: {  	[sflag:s16] =	ssyncset.done $0x0  }
0x87: {  	[sflag:s16] =	ssyncadd.s32 $0xFFFFC000  }
0x88: {  	_ =	swait.ge [sflag:s23], $0x4000  }
0x89: {  	[sflag:s23] =	ssyncset.done $0x0  }
0x8a: {  	[sflag:s23] =	ssyncadd.s32 $0xFFFFC000  }
0x8b: {  	[spmem:s2] =	stream.indirect.scatter.add.f32 [tilespmem:s21], [sflag:$0x3], $0x80, s26, s18, $0xb8;
	[tilespmem:$0x1E400] =	vst v63  }
0x8c: {  	_ =	swait.ge [sflag:s16], $0x4000  }
0x8d: {  	[sflag:s16] =	ssyncset.done $0x0  }
0x8e: {  	[sflag:s16] =	ssyncadd.s32 $0xFFFFC000  }
0x8f: {  	s29 =	simm.s32 @p0 $0x3;
	[bflag:$0x0] =	sbarrier.arrive $0xFFFF  }
0x90: {  	[hbm:s13], [sflag:s7] =	dma.local @p0 [spmem:s25], $0x2080  }
0x91: {  	_ =	swait.ge @p0 [sflag:s29], $0x2080  }
0x92: {  	s28 =	sadd.s32 $0x1, s28;
	[sflag:s29] =	ssyncset.done @p0 $0x0  }
0x93: {  	p1 =	sne.s32 s28, s14;
	[sflag:s29] =	ssyncadd.s32 @p0 $0xFFFFDF80;
	s29 =	sshrl.u32 @!p0 s5, $0x3  }
0x94: {  	[hbm:s12], [sflag:s7] =	dma.local @!p0 [spmem:s29], $0x2780  }
.Ltmp2:
0x95: {  	_ = 	snop;
	(pc) =	sbr.rel @p1 .LBB2_1-.Ltmp2, $4  }
0x96: {  	s29 =	simm.s32 @!p0 $0x3  }
0x97: {  	_ =	swait.ge @!p0 [sflag:s29], $0x2780  }
0x98: {  	[sflag:s29] =	ssyncset.done @!p0 $0x0  }
0x99: {  	[sflag:s29] =	ssyncadd.s32 @!p0 $0xFFFFD880  }
0x9a: {  	_ =	sfence.sel $0x180000  }
0x9b: {  	[bflag:$0x0] =	sbarrier.arrive $0xFFFF  }
0x9c: {  	p0 =	sne.s32 s1, $0x0;
	_ =	strace $0x90000050  }
0x9d: {  	s0 =	sadd.s32 @!p0 $0x100000, s0;
	[bflag:$0x2] =	sbarrier.arrive $0xFFFF  }
0x9e: {  	[sflag:s0] =	ssyncadd.tile.s32 @!p0 $0x1;
	_ =	shalt  }
.Lfunc_end2:
_tile_overlayer_lowered:
.L_overlay_start_2:
0x9f: {  	(tag) =	ssettag $0x2  }
0xa0: {  	s0 =	rddreg [dreg:$0x0];
	s2 =	stileid.u32  }
0xa1: {  	s1 =	rddreg [dreg:$0x1];
	p0 =	sne.s32 s2, $0x0  }
0xa2: {  	s3 =	rddreg [dreg:$0x2];
	[bflag:$0x3] =	sbarrier.arrive $0xFFFF;
	s2 =	simm.s32 @!p0 $0x1C03  }
0xa3: {  	[timem:s3], [sflag:s2] =	dma.local @!p0 [hbm:s0], s1  }
0xa4: {  	s0 =	simm.s32 @!p0 $0x3  }
0xa5: {  	_ =	swait.ge @!p0 [sflag:s0], s1  }
0xa6: {  	s1 =	ssub.s32 @!p0 $0x0, s1;
	[sflag:s0] =	ssyncset.done @!p0 $0x0  }
0xa7: {  	[sflag:s0] =	ssyncadd.s32 @!p0 s1  }
0xa8: {  	[bflag:$0x3] =	sbarrier.arrive $0xFFFF  }
0xa9: {  	_ =	shalt  }

// kernel: kernel.29.cloned.1.call-start
scs
__scs_entry_jumppad:
0x0: {  	(pc) =	sbr.rel $0x88, $3  }
0x1: {  	(tag) =	ssettag $0x0;
	lr =	simm.s32 $0x1  }
0x2: {  	[smem:$0x3F95] =	sst lr;
	_ =	strace $0xD0000000  }
0x3: {  	_ = 	snop  }
0x4: {  	_ = 	snop  }
0x5: {  	_ = 	snop  }
0x6: {  	_ = 	snop  }
0x7: {  	_ = 	snop  }
__scs_overlays_trampoline_lowered:
0x8: {  	[smem:$0x3FA4] =	sst s0  }
0x9: {  	[smem:$0x3FA5] =	sst s1  }
0xa: {  	[smem:$0x3FA6] =	sst s2  }
0xb: {  	[smem:$0x3FA7] =	sst s3  }
0xc: {  	[smem:$0x3FA8] =	sst s4  }
0xd: {  	[smem:$0x3FA9] =	sst s5  }
0xe: {  	[smem:$0x3FAA] =	sst s6  }
0xf: {  	[smem:$0x3FAB] =	sst s7  }
0x10: {  	[smem:$0x3FAC] =	sst s8  }
0x11: {  	[smem:$0x3FAD] =	sst s9;
	s0 =	simm.s32 @!p0 $0x0  }
0x12: {  	s1 =	sld [smem:$0x3F93];
	s0 =	simm.s32 @p0 $0x1  }
0x13: {  	[smem:$0x3FAE] =	sst s0;
	s0 =	simm.s32 @!p1 $0x0  }
0x14: {  	s2 =	sld [smem:$0x3F92];
	s0 =	simm.s32 @p1 $0x1  }
0x15: {  	[smem:$0x3FAF] =	sst s0;
	s0 =	simm.s32 @!p2 $0x0  }
0x16: {  	s3 =	sld [smem:$0x3FDB];
	s0 =	simm.s32 @p2 $0x1  }
0x17: {  	s4 =	simm.s32 $0x1BF5;
	[smem:$0x3FB1] =	sst s0  }
0x18: {  	s0 =	sld [smem:$0x3F94];
	_ =	swait.ge [sflag:s4], $0x0  }
0x19: {  	s7 =	sld [smem:$0x3F95]  }
0x1a: {  	s8 =	sadd.s32 $0xFFFFE003, lr  }
0x1b: {  	s9 =	sadd.s32 $0xFFFFFEF7, lr;
	s5 =	simm.s32 $0xFFFFFFFF;
	p2 =	slt.u32 s8, $0xFFFFF086  }
0x1c: {  	p1 =	slt.u32 s9, $0xF7A;
	s5 =	simm.s32 @!p2 $0x0  }
0x1d: {  	s5 =	simm.s32 @p1 $0x1;
	p0 =	seq.s32 s7, s2  }
0x1e: {  	s7 =	smul.u32 @!p0 $0xF7A, s2;
	p2 =	seq.s32 @!p0 s5, $0x0  }
0x1f: {  	s9 =	smul.u32 $0xF7A, s1;
	s8 =	simm.s32 @!p0 $0x1BF5;
	p2 =	por !p2, p0  }
0x20: {  	[sflag:s8] =	ssyncset.s32 @!p0 $0xFFFFF086;
	s6 =	sadd.s32 @!p0 s3, s7;
	s7 =	simm.s32 @!p0 $0x108  }
0x21: {  	s3 =	sadd.s32 s3, s9;
	s6 =	sadd.s32 @!p0 $0x88, s6;
	s7 =	simm.s32 @p2 $0x1082  }
0x22: {  	[simem:s7], [sflag:s8] =	dma.local @!p0 [hbm:s6], $0xF7A  }
0x23: {  	s9 =	sor.u32 $0xD0000000, s2;
	s6 =	simm.s32 $0x108;
	_ =	swait.ge @!p0 [sflag:s8], $0x0  }
0x24: {  	s3 =	sadd.s32 $0x88, s3;
	s6 =	simm.s32 @!p1 $0x1082;
	[sflag:s4] =	ssyncset.s32 $0xFFFFF086  }
0x25: {  	[simem:s6], [sflag:s4] =	dma.local [hbm:s3], $0xF7A  }
0x26: {  	[smem:$0x3F95] =	sst s1;
	(tag) =	ssettag s2;
	_ =	strace s9  }
0x27: {  	s1 =	sld [smem:$0x3FA5]  }
0x28: {  	s2 =	sld [smem:$0x3FA6]  }
0x29: {  	s4 =	sld [smem:$0x3FA8]  }
0x2a: {  	p0 =	seq.s32 s5, $0x0;
	s5 =	sld [smem:$0x3FA9]  }
0x2b: {  	s6 =	sld [smem:$0x3FAA]  }
0x2c: {  	s7 =	sld [smem:$0x3FAB]  }
0x2d: {  	s3 =	simm.s32 $0x108;
	s8 =	sld [smem:$0x3FAC]  }
0x2e: {  	s3 =	simm.s32 @!p0 $0x1082;
	s9 =	sld [smem:$0x3FAD]  }
0x2f: {  	lr =	sadd.s32 s0, s3;
	s0 =	sld [smem:$0x3FA4]  }
0x30: {  	s3 =	sld [smem:$0x3FA7]  }
0x31: {  	[smem:$0x3FB0] =	sst s10  }
0x32: {  	s10 =	sld [smem:$0x3FAE];
	_ =	sdelay $0x3  }
0x33: {  	p0 =	seq.s32 s10, $0x1;
	s10 =	sld [smem:$0x3FB0];
	_ =	sdelay $0x3  }
0x34: {  	[smem:$0x3FB0] =	sst s10  }
0x35: {  	s10 =	sld [smem:$0x3FAF];
	_ =	sdelay $0x3  }
0x36: {  	p1 =	seq.s32 s10, $0x1;
	s10 =	sld [smem:$0x3FB0];
	_ =	sdelay $0x3  }
0x37: {  	[smem:$0x3FB0] =	sst s10  }
0x38: {  	s10 =	sld [smem:$0x3FB1]  }
0x39: {  	_ = 	snop;
	(pc) =	sbr.ind lr, $3  }
0x3a: {  	_ = 	snop  }
0x3b: {  	_ = 	snop  }
0x3c: {  	p2 =	seq.s32 s10, $0x1;
	s10 =	sld [smem:$0x3FB0]  }
0x3d: {  	_ =	shalt  }
0x3e: {  	_ =	shalt  }
0x3f: {  	_ =	shalt  }
0x40: {  	_ =	shalt  }
0x41: {  	_ =	shalt  }
0x42: {  	_ =	shalt  }
0x43: {  	_ =	shalt  }
0x44: {  	_ =	shalt  }
0x45: {  	_ =	shalt  }
0x46: {  	_ =	shalt  }
0x47: {  	_ =	shalt  }
0x48: {  	_ =	shalt  }
0x49: {  	_ =	shalt  }
0x4a: {  	_ =	shalt  }
0x4b: {  	_ =	shalt  }
0x4c: {  	_ =	shalt  }
0x4d: {  	_ =	shalt  }
0x4e: {  	_ =	shalt  }
0x4f: {  	_ =	shalt  }
0x50: {  	_ =	shalt  }
0x51: {  	_ =	shalt  }
0x52: {  	_ =	shalt  }
0x53: {  	_ =	shalt  }
0x54: {  	_ =	shalt  }
0x55: {  	_ =	shalt  }
0x56: {  	_ =	shalt  }
0x57: {  	_ =	shalt  }
0x58: {  	_ =	shalt  }
0x59: {  	_ =	shalt  }
0x5a: {  	_ =	shalt  }
0x5b: {  	_ =	shalt  }
0x5c: {  	_ =	shalt  }
0x5d: {  	_ =	shalt  }
0x5e: {  	_ =	shalt  }
0x5f: {  	_ =	shalt  }
0x60: {  	_ =	shalt  }
0x61: {  	_ =	shalt  }
0x62: {  	_ =	shalt  }
0x63: {  	_ =	shalt  }
0x64: {  	_ =	shalt  }
0x65: {  	_ =	shalt  }
0x66: {  	_ =	shalt  }
0x67: {  	_ =	shalt  }
0x68: {  	_ =	shalt  }
0x69: {  	_ =	shalt  }
0x6a: {  	_ =	shalt  }
0x6b: {  	_ =	shalt  }
0x6c: {  	_ =	shalt  }
0x6d: {  	_ =	shalt  }
0x6e: {  	_ =	shalt  }
0x6f: {  	_ =	shalt  }
0x70: {  	_ =	shalt  }
0x71: {  	_ =	shalt  }
0x72: {  	_ =	shalt  }
0x73: {  	_ =	shalt  }
0x74: {  	_ =	shalt  }
0x75: {  	_ =	shalt  }
0x76: {  	_ =	shalt  }
0x77: {  	_ =	shalt  }
0x78: {  	_ =	shalt  }
0x79: {  	_ =	shalt  }
0x7a: {  	_ =	shalt  }
0x7b: {  	_ =	shalt  }
0x7c: {  	_ =	shalt  }
0x7d: {  	_ =	shalt  }
0x7e: {  	_ =	shalt  }
0x7f: {  	_ =	shalt  }
0x80: {  	_ =	shalt  }
0x81: {  	_ =	shalt  }
0x82: {  	_ =	shalt  }
0x83: {  	_ =	shalt  }
0x84: {  	_ =	shalt  }
0x85: {  	_ =	shalt  }
0x86: {  	_ =	shalt  }
0x87: {  	_ =	shalt  }
.Lfunc_end0:
.L_simem_size_0:
called_computation.4_lowered:
.L_overlay_start_0:
0x88: {  	s2 =	sld [smem:$0x3FD9]  }
0x89: {  	s3 =	sld [smem:$0x3FFE];
	_ =	sdelay $0x1  }
0x8a: {  	s1 =	srdreg.scid  }
0x8b: {  	s0 =	sand.u32 $0x1, s1  }
0x8c: {  	s16 =	sshll.u32 s0, $0xA;
	s2 =	sadd.s32 s3, s2  }
0x8d: {  	s2 =	sadd.s32 s2, s16  }
0x8e: {  	[smem:$0x3FBC] =	sst s2  }
0x8f: {  	_ = 	snop  }
0x90: {  	(tm) =	ssettm $0x1  }
0x91: {  	s17 =	sld [smem:$0x3FFB];
	_ =	sdelay $0x3  }
0x92: {  	_ =	strace s17  }
0x93: {  	s2 =	sld [smem:$0x3FFC];
	_ =	sdelay $0x3  }
0x94: {  	_ =	strace s2  }
0x95: {  	s2 =	sld [smem:$0x3FFD];
	_ =	sdelay $0x3  }
0x96: {  	_ =	strace s2  }
0x97: {  	_ =	strace $0x8FFFFFFF  }
0x98: {  	s18 =	sld [smem:$0x3FDB];
	_ =	sdelay $0x1  }
0x99: {  	s19 =	simm.s32 $_scs_section_size  }
0x9a: {  	s4 =	simm.s32 $_size__tile_overlayer_lowered;
	s5 =	simm.s32 $_tile_overlayer_lowered  }
0x9b: {  	s22 =	simm.s32 $0x1BFF;
	s21 =	sshll.u32 s5, $0x1;
	s2 =	sadd.s32 s19, s18  }
0x9c: {  	s6 =	simm.s32 $0x0;
	s20 =	sshll.u32 s4, $0x1;
	s4 =	sadd.s32 s21, s2  }
0x9d: {  	[timem:s6], [sflag:s22] =	dma.local [hbm:s4], s20  }
0x9e: {  	_ =	swait.ge [sflag:s22], s20  }
0x9f: {  	s3 =	ssub.s32 $0x0, s20;
	[sflag:s22] =	ssyncset.done $0x0  }
0xa0: {  	[sflag:s22] =	ssyncadd.s32 s3;
	_ =	sdelay $0x1  }
0xa1: {  	s23 =	simm.s32 $0x1B8B  }
0xa2: {  	_ =	swait.ge [sflag:s23], $0x1  }
0xa3: {  	[sflag:s23] =	ssyncset.done $0x0  }
0xa4: {  	s25 =	simm.s32 $0x1B8E;
	s24 =	sld [smem:$0x3FFE];
	[sflag:s23] =	ssyncadd.s32 $0xFFFFFFFF  }
0xa5: {  	s26 =	simm.s32 $execute0_lowered;
	[smem:$0x3FD2] =	sst s25  }
0xa6: {  	s4 =	sshll.u32 s26, $0x1;
	_ =	strace $0x80000052;
	[dreg:$0x1] =	wrdreg $0xFFFFFFFF  }
0xa7: {  	s28 =	simm.s32 $_size_execute0_lowered;
	s2 =	sadd.s32 s2, s4;
	[dreg:$0x0] =	wrdreg $0x0  }
0xa8: {  	s4 =	sshll.u32 s28, $0x1;
	[dreg:$0x2] =	wrdreg s2  }
0xa9: {  	[dreg:$0x3] =	wrdreg s4  }
0xaa: {  	[dreg:$0x4] =	wrdreg $0xC0  }
0xab: {  	_ =	task [dreg:s6], $0x5FFFF  }
0xac: {  	[dreg:$0x1] =	wrdreg $0xFFFFFFFF  }
0xad: {  	[dreg:$0x0] =	wrdreg $0x60  }
0xae: {  	[dreg:$0x2] =	wrdreg s24  }
0xaf: {  	[dreg:$0x3] =	wrdreg $0xA8000  }
0xb0: {  	[dreg:$0x4] =	wrdreg $0x9  }
0xb1: {  	_ =	task.clear_ibuf [dreg:s6], $0x5FFFF;
	_ =	strace $0x90000052  }
0xb2: {  	s29 =	simm.s32 $0x9;
	_ =	strace $0x80000054  }
0xb3: {  	_ =	swait.ge [sflag:s29], $0x1  }
0xb4: {  	[sflag:s29] =	ssyncadd.s32 $0xFFFFFFFF  }
0xb5: {  	_ =	strace $0x90000054  }
0xb6: {  	_ =	sfence  }
0xb7: {  	s30 =	sld [smem:$0x0];
	_ =	sdelay $0x2  }
0xb8: {  	s31 =	sshll.u32 s1, $0xD;
	s1 =	sshrl.u32 s1, $0x2  }
0xb9: {  	s3 =	sand.u32 $0x4000, s31;
	s1 =	sadd.s32 s1, s30  }
0xba: {  	s0 =	sor.u32 s3, s0;
	s1 =	sshll.u32 s1, $0x11  }
0xbb: {  	s0 =	sor.u32 s1, s0  }
0xbc: {  	s0 =	sadd.s32 $0x8F2B, s0  }
0xbd: {  	[sflag:s0] =	ssyncadd.remote.s32 $0x1  }
0xbe: {  	_ =	sfence.sel $0xFFFF  }
0xbf: {  	[dreg:$0x0] =	wrdreg $0xFFFFFFFF;
	(pc) =	sbr.abs _section_cstart, $3  }
0xc0: {  	[dreg:$0x1] =	wrdreg $0xFFFFFFFF  }
0xc1: {  	_ =	task.clear_ibuf [dreg:s6], $0x2FFFF;
	_ =	strace $0x9FFFFFFF  }
0xc2: {  	(tm) =	ssettm $0x7FFFFFFF  }
0xc3: {  	_ =	shalt  }
tec
execute0_lowered:
.L_overlay_start_1:
0x0: {  	(tag) =	ssettag $0x1  }
0x1: {  	s5 =	rddreg [dreg:$0x0]  }
0x2: {  	s2 =	rddreg [dreg:$0x1]  }
0x3: {  	s0 =	rddreg [dreg:$0x2]  }
0x4: {  	s3 =	simm.s32 $0x0;
	s1 =	stileid.u32;
	s7 =	srdreg.scid  }
0x5: {  	s18 =	simm.s32 $0x80;
	s19 =	simm.s32 $0x2800;
	s20 =	simm.s32 $0x1480  }
0x6: {  	s21 =	simm.s32 $0x6800;
	s22 =	simm.s32 $0x1;
	s23 =	simm.s32 $0x2  }
0x7: {  	s28 =	simm.s32 $0x0;
	[smem:$0x7FF] =	sst s3;
	s11 =	smul.u32 $0x13C00, s1  }
0x8: {  	s4 =	sadd.s32 $0x41200, s5;
	s10 =	sadd.s32 $0x5A00, s5;
	s12 =	sadd.s32 $0xFA00, s5  }
0x9: {  	s8 =	sand.u32 $0x1, s7;
	s9 =	smul.u32 $0x4F000, s1;
	s14 =	sadd.s32 $0x8FC00, s5  }
0xa: {  	s29 =	sshll.u32 s1, $0x6;
	p0 =	seq.s32 s1, $0xF;
	_ =	strace $0x80000053  }
0xb: {  	s7 =	ssub.s32 $0x2, s8;
	s13 =	sshll.u32 s8, $0x4;
	s16 =	smul.u32 $0x138800, s8  }
0xc: {  	s6 =	sshrl.u32 s11, $0x3;
	s24 =	sshrl.u32 s7, $0x1;
	s13 =	sor.u32 s1, s13  }
0xd: {  	s25 =	sshrl.u32 s9, $0x2;
	s6 =	sadd.s32 s6, s5;
	s15 =	ssub.s32 s7, s24  }
0xe: {  	s26 =	smul.u32 $0x2800, s13;
	s5 =	sadd.s32 s25, s2;
	s7 =	sor.u32 $0x1C03, s29  }
0xf: {  	s17 =	sadd.s32 s11, s16;
	s16 =	sshrl.u32 s16, $0x3;
	s25 =	sadd.s32 $0x128400, s2  }
0x10: {  	s24 =	simm.s32 $0x1300;
	s6 =	sadd.s32 $0x19A00, s6;
	s30 =	sshrl.u32 s17, $0x3  }
0x11: {  	s31 =	sadd.s32 s14, s16;
	s16 =	simm.s32 $0x3;
	s17 =	simm.s32 $0x1400  }
0x12: {  	s25 =	sshrl.u32 @p0 s25, $0x3;
	s13 =	sshrl.u32 s26, $0x3;
	s26 =	simm.s32 $0x1380  }
0x13: {  	s8 =	sadd.s32 s10, s13;
	s9 =	sadd.s32 s12, s13;
	s13 =	sadd.s32 $0x280, s13  }
0x14: {  	s10 =	sadd.s32 s10, s13;
	s11 =	sadd.s32 s12, s13;
	s12 =	sadd.s32 s14, s30  }
0x15: {  	s13 =	sadd.s32 $0x25080, s31;
	s14 =	smax.u32 s15, $0x1;
	s15 =	sshrl.u32 s5, $0x3  }
.LBB2_1:
0x16: {  	[spmem:s15], [sflag:s7] =	dma.local [hbm:s6], $0x2780  }
0x17: {  	_ =	swait.ge [sflag:s16], $0x2780  }
0x18: {  	[sflag:s16] =	ssyncset.done $0x0  }
0x19: {  	[sflag:s16] =	ssyncadd.s32 $0xFFFFD880  }
0x1a: {  	[tilespmem:s3], [sflag:$0x3] =	stream.linear.gather [hbm4b:s8+s3], $0x1400, $0x38;
	[tilespmem:$0x1E400] =	vst v63  }
0x1b: {  	_ =	swait.ge [sflag:s16], $0x1400  }
0x1c: {  	[sflag:s16] =	ssyncset.done $0x0  }
0x1d: {  	[sflag:s16] =	ssyncadd.s32 $0xFFFFEC00  }
0x1e: {  	[tilespmem:s17], [sflag:$0x3] =	stream.linear.gather [hbm4b:s9+s3], $0x1400, $0x38;
	[tilespmem:$0x1E400] =	vst v63  }
0x1f: {  	_ =	swait.ge [sflag:s16], $0x1400  }
0x20: {  	[sflag:s16] =	ssyncset.done $0x0  }
0x21: {  	[sflag:s16] =	ssyncadd.s32 $0xFFFFEC00  }
0x22: {  	[tilespmem:s19], [sflag:$0x1] =	stream.indirect.gather [hbm4b:s4+s18], $0x80, s17, s18, $0xb8;
	[tilespmem:$0x1E400] =	vst v63  }
0x23: {  	_ = 	snop  }
0x24: {  	[tilespmem:s21], [sflag:$0x2] =	stream.indirect.gather [hbm4b:s4+s18], $0x80, s20, s18, $0xb8;
	[tilespmem:$0x1E400] =	vst v63  }
0x25: {  	[bflag:$0x0] =	sbarrier.arrive $0xFFFF  }
0x26: {  	_ =	swait.ge [sflag:s22], $0x4000  }
0x27: {  	[sflag:s22] =	ssyncset.done $0x0  }
0x28: {  	s29 =	simm.s32 $0x0;
	[sflag:s22] =	ssyncadd.s32 $0xFFFFC000  }
0x29: {  	[spmem:s2] =	stream.indirect.scatter.add.f32 [tilespmem:s19], [sflag:$0x3], $0x80, s29, s18, $0xb8;
	[tilespmem:$0x1E400] =	vst v63  }
0x2a: {  	_ =	swait.ge [sflag:s16], $0x4000  }
0x2b: {  	[sflag:s16] =	ssyncset.done $0x0  }
0x2c: {  	s29 =	simm.s32 $0x1500;
	[sflag:s16] =	ssyncadd.s32 $0xFFFFC000  }
0x2d: {  	[tilespmem:s19], [sflag:$0x1] =	stream.indirect.gather [hbm4b:s4+s18], $0x80, s29, s18, $0xb8;
	[tilespmem:$0x1E400] =	vst v63  }
0x2e: {  	_ =	swait.ge [sflag:s23], $0x4000  }
0x2f: {  	[sflag:s23] =	ssyncset.done $0x0  }
0x30: {  	s29 =	simm.s32 $0x80;
	[sflag:s23] =	ssyncadd.s32 $0xFFFFC000  }
0x31: {  	[spmem:s2] =	stream.indirect.scatter.add.f32 [tilespmem:s21], [sflag:$0x3], $0x80, s29, s18, $0xb8;
	[tilespmem:$0x1E400] =	vst v63  }
0x32: {  	_ =	swait.ge [sflag:s16], $0x4000  }
0x33: {  	[sflag:s16] =	ssyncset.done $0x0  }
0x34: {  	s30 =	simm.s32 $0x1580;
	s29 =	simm.s32 $0x400;
	[sflag:s16] =	ssyncadd.s32 $0xFFFFC000  }
.LBB2_2:
0x35: {  	[tilespmem:s21], [sflag:$0x2] =	stream.indirect.gather [hbm4b:s4+s18], $0x80, s30, s18, $0xb8;
	[tilespmem:$0x1E400] =	vst v63  }
0x36: {  	s30 =	smov.u32 s29  }
0x37: {  	p1 =	sne.s32 s29, $0x4800;
	s29 =	sadd.s32 $0x400, s29;
	_ =	swait.ge [sflag:s22], $0x4000  }
0x38: {  	[sflag:s22] =	ssyncset.done $0x0  }
0x39: {  	s30 =	sshra.s32 s30, $0x2;
	[sflag:s22] =	ssyncadd.s32 $0xFFFFC000  }
0x3a: {  	[spmem:s2] =	stream.indirect.scatter.add.f32 [tilespmem:s19], [sflag:$0x3], $0x80, s30, s18, $0xb8;
	[tilespmem:$0x1E400] =	vst v63  }
0x3b: {  	_ =	swait.ge [sflag:s16], $0x4000  }
0x3c: {  	[sflag:s16] =	ssyncset.done $0x0  }
0x3d: {  	s31 =	sadd.s32 $0x1500, s30;
	[sflag:s16] =	ssyncadd.s32 $0xFFFFC000  }
0x3e: {  	[tilespmem:s19], [sflag:$0x1] =	stream.indirect.gather [hbm4b:s4+s18], $0x80, s31, s18, $0xb8;
	[tilespmem:$0x1E400] =	vst v63  }
0x3f: {  	_ =	swait.ge [sflag:s23], $0x4000  }
0x40: {  	[sflag:s23] =	ssyncset.done $0x0  }
.Ltmp0:
0x41: {  	s31 =	sadd.s32 $0x80, s30;
	[sflag:s23] =	ssyncadd.s32 $0xFFFFC000;
	(pc) =	sbr.rel @p1 .LBB2_2-.Ltmp0, $4  }
0x42: {  	[spmem:s2] =	stream.indirect.scatter.add.f32 [tilespmem:s21], [sflag:$0x3], $0x80, s31, s18, $0xb8;
	[tilespmem:$0x1E400] =	vst v63  }
0x43: {  	_ =	swait.ge [sflag:s16], $0x4000  }
0x44: {  	[sflag:s16] =	ssyncset.done $0x0  }
0x45: {  	s30 =	sadd.s32 $0x1580, s30;
	[sflag:s16] =	ssyncadd.s32 $0xFFFFC000  }
0x46: {  	[tilespmem:s21], [sflag:$0x2] =	stream.indirect.gather [hbm4b:s4+s18], $0x80, s30, s18, $0xb8;
	[tilespmem:$0x1E400] =	vst v63  }
0x47: {  	_ =	swait.ge [sflag:s22], $0x4000  }
0x48: {  	[sflag:s22] =	ssyncset.done $0x0  }
0x49: {  	[sflag:s22] =	ssyncadd.s32 $0xFFFFC000  }
0x4a: {  	[spmem:s2] =	stream.indirect.scatter.add.f32 [tilespmem:s19], [sflag:$0x3], $0x80, s24, s18, $0xb8;
	[tilespmem:$0x1E400] =	vst v63  }
0x4b: {  	_ =	swait.ge [sflag:s16], $0x4000  }
0x4c: {  	[sflag:s16] =	ssyncset.done $0x0  }
0x4d: {  	[sflag:s16] =	ssyncadd.s32 $0xFFFFC000  }
0x4e: {  	_ =	swait.ge [sflag:s23], $0x4000  }
0x4f: {  	[sflag:s23] =	ssyncset.done $0x0  }
0x50: {  	[sflag:s23] =	ssyncadd.s32 $0xFFFFC000  }
0x51: {  	[spmem:s2] =	stream.indirect.scatter.add.f32 [tilespmem:s21], [sflag:$0x3], $0x80, s26, s18, $0xb8;
	[tilespmem:$0x1E400] =	vst v63  }
0x52: {  	_ =	swait.ge [sflag:s16], $0x4000  }
0x53: {  	[sflag:s16] =	ssyncset.done $0x0  }
0x54: {  	s29 =	simm.s32 $0x0;
	[sflag:s16] =	ssyncadd.s32 $0xFFFFC000  }
0x55: {  	[tilespmem:s29], [sflag:$0x3] =	stream.linear.gather [hbm4b:s10+s29], $0x1400, $0x38;
	[tilespmem:$0x1E400] =	vst v63  }
0x56: {  	_ =	swait.ge [sflag:s16], $0x1400  }
0x57: {  	[sflag:s16] =	ssyncset.done $0x0  }
0x58: {  	[sflag:s16] =	ssyncadd.s32 $0xFFFFEC00  }
0x59: {  	[tilespmem:s17], [sflag:$0x3] =	stream.linear.gather [hbm4b:s11+s29], $0x1400, $0x38;
	[tilespmem:$0x1E400] =	vst v63  }
0x5a: {  	_ =	swait.ge [sflag:s16], $0x1400  }
0x5b: {  	[sflag:s16] =	ssyncset.done $0x0  }
0x5c: {  	[sflag:s16] =	ssyncadd.s32 $0xFFFFEC00  }
0x5d: {  	[tilespmem:s19], [sflag:$0x1] =	stream.indirect.gather [hbm4b:s4+s18], $0x80, s17, s18, $0xb8;
	[tilespmem:$0x1E400] =	vst v63  }
0x5e: {  	_ = 	snop  }
0x5f: {  	[tilespmem:s21], [sflag:$0x2] =	stream.indirect.gather [hbm4b:s4+s18], $0x80, s20, s18, $0xb8;
	[tilespmem:$0x1E400] =	vst v63  }
0x60: {  	_ =	swait.ge [sflag:s22], $0x4000  }
0x61: {  	[sflag:s22] =	ssyncset.done $0x0  }
0x62: {  	s29 =	simm.s32 $0x0;
	[sflag:s22] =	ssyncadd.s32 $0xFFFFC000  }
0x63: {  	[spmem:s2] =	stream.indirect.scatter.add.f32 [tilespmem:s19], [sflag:$0x3], $0x80, s29, s18, $0xb8;
	[tilespmem:$0x1E400] =	vst v63  }
0x64: {  	_ =	swait.ge [sflag:s16], $0x4000  }
0x65: {  	[sflag:s16] =	ssyncset.done $0x0  }
0x66: {  	s29 =	simm.s32 $0x1500;
	[sflag:s16] =	ssyncadd.s32 $0xFFFFC000  }
0x67: {  	[tilespmem:s19], [sflag:$0x1] =	stream.indirect.gather [hbm4b:s4+s18], $0x80, s29, s18, $0xb8;
	[tilespmem:$0x1E400] =	vst v63  }
0x68: {  	_ =	swait.ge [sflag:s23], $0x4000  }
0x69: {  	[sflag:s23] =	ssyncset.done $0x0  }
0x6a: {  	s29 =	simm.s32 $0x80;
	[sflag:s23] =	ssyncadd.s32 $0xFFFFC000  }
0x6b: {  	[spmem:s2] =	stream.indirect.scatter.add.f32 [tilespmem:s21], [sflag:$0x3], $0x80, s29, s18, $0xb8;
	[tilespmem:$0x1E400] =	vst v63  }
0x6c: {  	_ =	swait.ge [sflag:s16], $0x4000  }
0x6d: {  	[sflag:s16] =	ssyncset.done $0x0  }
0x6e: {  	s30 =	simm.s32 $0x1580;
	s29 =	simm.s32 $0x400;
	[sflag:s16] =	ssyncadd.s32 $0xFFFFC000  }
.LBB2_4:
0x6f: {  	[tilespmem:s21], [sflag:$0x2] =	stream.indirect.gather [hbm4b:s4+s18], $0x80, s30, s18, $0xb8;
	[tilespmem:$0x1E400] =	vst v63  }
0x70: {  	s30 =	smov.u32 s29  }
0x71: {  	p1 =	sne.s32 s29, $0x4800;
	s29 =	sadd.s32 $0x400, s29;
	_ =	swait.ge [sflag:s22], $0x4000  }
0x72: {  	[sflag:s22] =	ssyncset.done $0x0  }
0x73: {  	s30 =	sshra.s32 s30, $0x2;
	[sflag:s22] =	ssyncadd.s32 $0xFFFFC000  }
0x74: {  	[spmem:s2] =	stream.indirect.scatter.add.f32 [tilespmem:s19], [sflag:$0x3], $0x80, s30, s18, $0xb8;
	[tilespmem:$0x1E400] =	vst v63  }
0x75: {  	_ =	swait.ge [sflag:s16], $0x4000  }
0x76: {  	[sflag:s16] =	ssyncset.done $0x0  }
0x77: {  	s31 =	sadd.s32 $0x1500, s30;
	[sflag:s16] =	ssyncadd.s32 $0xFFFFC000  }
0x78: {  	[tilespmem:s19], [sflag:$0x1] =	stream.indirect.gather [hbm4b:s4+s18], $0x80, s31, s18, $0xb8;
	[tilespmem:$0x1E400] =	vst v63  }
0x79: {  	_ =	swait.ge [sflag:s23], $0x4000  }
0x7a: {  	[sflag:s23] =	ssyncset.done $0x0  }
.Ltmp1:
0x7b: {  	s31 =	sadd.s32 $0x80, s30;
	[sflag:s23] =	ssyncadd.s32 $0xFFFFC000;
	(pc) =	sbr.rel @p1 .LBB2_4-.Ltmp1, $4  }
0x7c: {  	[spmem:s2] =	stream.indirect.scatter.add.f32 [tilespmem:s21], [sflag:$0x3], $0x80, s31, s18, $0xb8;
	[tilespmem:$0x1E400] =	vst v63  }
0x7d: {  	_ =	swait.ge [sflag:s16], $0x4000  }
0x7e: {  	[sflag:s16] =	ssyncset.done $0x0  }
0x7f: {  	s30 =	sadd.s32 $0x1580, s30;
	[sflag:s16] =	ssyncadd.s32 $0xFFFFC000  }
0x80: {  	[tilespmem:s21], [sflag:$0x2] =	stream.indirect.gather [hbm4b:s4+s18], $0x80, s30, s18, $0xb8;
	[tilespmem:$0x1E400] =	vst v63  }
0x81: {  	_ =	swait.ge [sflag:s22], $0x4000  }
0x82: {  	[sflag:s22] =	ssyncset.done $0x0  }
0x83: {  	[sflag:s22] =	ssyncadd.s32 $0xFFFFC000  }
0x84: {  	[spmem:s2] =	stream.indirect.scatter.add.f32 [tilespmem:s19], [sflag:$0x3], $0x80, s24, s18, $0xb8;
	[tilespmem:$0x1E400] =	vst v63  }
0x85: {  	_ =	swait.ge [sflag:s16], $0x4000  }
0x86: {  	[sflag:s16] =	ssyncset.done $0x0  }
0x87: {  	[sflag:s16] =	ssyncadd.s32 $0xFFFFC000  }
0x88: {  	_ =	swait.ge [sflag:s23], $0x4000  }
0x89: {  	[sflag:s23] =	ssyncset.done $0x0  }
0x8a: {  	[sflag:s23] =	ssyncadd.s32 $0xFFFFC000  }
0x8b: {  	[spmem:s2] =	stream.indirect.scatter.add.f32 [tilespmem:s21], [sflag:$0x3], $0x80, s26, s18, $0xb8;
	[tilespmem:$0x1E400] =	vst v63  }
0x8c: {  	_ =	swait.ge [sflag:s16], $0x4000  }
0x8d: {  	[sflag:s16] =	ssyncset.done $0x0  }
0x8e: {  	[sflag:s16] =	ssyncadd.s32 $0xFFFFC000  }
0x8f: {  	s29 =	simm.s32 @p0 $0x3;
	[bflag:$0x0] =	sbarrier.arrive $0xFFFF  }
0x90: {  	[hbm:s13], [sflag:s7] =	dma.local @p0 [spmem:s25], $0x2080  }
0x91: {  	_ =	swait.ge @p0 [sflag:s29], $0x2080  }
0x92: {  	s28 =	sadd.s32 $0x1, s28;
	[sflag:s29] =	ssyncset.done @p0 $0x0  }
0x93: {  	p1 =	sne.s32 s28, s14;
	[sflag:s29] =	ssyncadd.s32 @p0 $0xFFFFDF80;
	s29 =	sshrl.u32 @!p0 s5, $0x3  }
0x94: {  	[hbm:s12], [sflag:s7] =	dma.local @!p0 [spmem:s29], $0x2780  }
.Ltmp2:
0x95: {  	_ = 	snop;
	(pc) =	sbr.rel @p1 .LBB2_1-.Ltmp2, $4  }
0x96: {  	s29 =	simm.s32 @!p0 $0x3  }
0x97: {  	_ =	swait.ge @!p0 [sflag:s29], $0x2780  }
0x98: {  	[sflag:s29] =	ssyncset.done @!p0 $0x0  }
0x99: {  	[sflag:s29] =	ssyncadd.s32 @!p0 $0xFFFFD880  }
0x9a: {  	_ =	sfence.sel $0x180000  }
0x9b: {  	[bflag:$0x0] =	sbarrier.arrive $0xFFFF  }
0x9c: {  	p0 =	sne.s32 s1, $0x0;
	_ =	strace $0x90000053  }
0x9d: {  	s0 =	sadd.s32 @!p0 $0x100000, s0;
	[bflag:$0x2] =	sbarrier.arrive $0xFFFF  }
0x9e: {  	[sflag:s0] =	ssyncadd.tile.s32 @!p0 $0x1;
	_ =	shalt  }
.Lfunc_end2:
_tile_overlayer_lowered:
.L_overlay_start_2:
0x9f: {  	(tag) =	ssettag $0x2  }
0xa0: {  	s0 =	rddreg [dreg:$0x0];
	s2 =	stileid.u32  }
0xa1: {  	s1 =	rddreg [dreg:$0x1];
	p0 =	sne.s32 s2, $0x0  }
0xa2: {  	s3 =	rddreg [dreg:$0x2];
	[bflag:$0x3] =	sbarrier.arrive $0xFFFF;
	s2 =	simm.s32 @!p0 $0x1C03  }
0xa3: {  	[timem:s3], [sflag:s2] =	dma.local @!p0 [hbm:s0], s1  }
0xa4: {  	s0 =	simm.s32 @!p0 $0x3  }
0xa5: {  	_ =	swait.ge @!p0 [sflag:s0], s1  }
0xa6: {  	s1 =	ssub.s32 @!p0 $0x0, s1;
	[sflag:s0] =	ssyncset.done @!p0 $0x0  }
0xa7: {  	[sflag:s0] =	ssyncadd.s32 @!p0 s1  }
0xa8: {  	[bflag:$0x3] =	sbarrier.arrive $0xFFFF  }
0xa9: {  	_ =	shalt  }

</sc_bundles>
